<compile_context>
chip_gen: v7x
topology: tpu7x:2x2x1
jax: 0.10.2.dev20260603
libtpu: 0.0.44.dev20260713+nightly
codegen_flags: <defaults>
</compile_context>

<pallas_src>
import functools

import jax
import jax.numpy as jnp
from jax import lax
from jax.experimental import pallas as pl
from jax.experimental.pallas import tpu as pltpu
from jax.experimental.pallas import tpu_sc as plsc

_N_WORKERS = 32
_SPLITS = (104, 96)
_W = 128


def _sc_embed(inputs_flat, token_table, pos_table, *, s, d):
    n = inputs_flat.shape[0]
    n_per_w = n // _N_WORKERS
    chunk = s
    nchunks = n_per_w // chunk
    nbuf = 4
    lag = 2

    mesh = plsc.VectorSubcoreMesh(core_axis_name="c", subcore_axis_name="s")

    @functools.partial(
        pl.kernel,
        mesh=mesh,
        compiler_params=pltpu.CompilerParams(use_tc_tiling_on_sc=False),
        out_type=jax.ShapeDtypeStruct((n, _W), jnp.float32),
        scratch_types=[
            pltpu.VMEM((s, d), jnp.float32),
            pltpu.VMEM((n_per_w,), jnp.int32),
            pltpu.VMEM((nbuf, chunk, d), jnp.float32),
            pltpu.SemaphoreType.DMA,
            pltpu.SemaphoreType.DMA,
            pltpu.SemaphoreType.DMA,
            pltpu.SemaphoreType.DMA,
            pltpu.SemaphoreType.DMA,
            pltpu.SemaphoreType.DMA,
            pltpu.SemaphoreType.DMA,
            pltpu.SemaphoreType.DMA,
            pltpu.SemaphoreType.DMA,
        ],
    )
    def k(idx_hbm, tok_hbm, pos_hbm, out_hbm, pos_v, idx_v, rows_v,
          ssem, gsem0, gsem1, gsem2, gsem3, wsem0, wsem1, wsem2, wsem3):
        wid = lax.axis_index("s") * 2 + lax.axis_index("c")
        base = wid * n_per_w
        gsems = (gsem0, gsem1, gsem2, gsem3)
        wsems = (wsem0, wsem1, wsem2, wsem3)

        pltpu.async_copy(pos_hbm, pos_v, ssem).wait()
        pltpu.async_copy(idx_hbm.at[pl.ds(base, n_per_w)], idx_v, ssem).wait()

        def gather_parts(g, b):
            off = g * chunk
            parts = []
            lo = 0
            for w in _SPLITS:
                parts.append((
                    tok_hbm.at[idx_v.at[pl.ds(off + lo, w)]],
                    rows_v.at[b].at[pl.ds(lo, w)],
                ))
                lo += w
            return parts

        def fire_gather(g, b):
            for src, dst in gather_parts(g, b):
                pltpu.async_copy(src, dst, gsems[b])

        def wait_gather(g, b):
            for src, dst in gather_parts(g, b):
                pltpu.make_async_copy(src, dst, gsems[b]).wait()

        def add_pos(b):
            @pl.loop(0, chunk, step=8)
            def _(r0):
                for dr in range(8):
                    for c in range(0, d, 16):
                        slc = (pl.ds(r0 + dr, 1), pl.ds(c, 16))
                        plsc.addupdate(
                            rows_v.at[b].at[*slc], pos_v.at[*slc][...]
                        )

        def fire_write(g, b):
            pltpu.async_copy(
                rows_v.at[b],
                out_hbm.at[pl.ds(base + g * chunk, chunk), pl.ds(0, d)],
                wsems[b])

        def wait_write(g, b):
            pltpu.make_async_copy(
                rows_v.at[b],
                out_hbm.at[pl.ds(base + g * chunk, chunk), pl.ds(0, d)],
                wsems[b]).wait()

        fire_gather(0, 0)
        fire_gather(1, 1)
        for g in range(lag):
            wait_gather(g, g)
            add_pos(g)
            fire_write(g, g)
            fire_gather(g + lag, g + lag)
        for g in range(lag, nbuf):
            wait_gather(g, g)
            add_pos(g)
            fire_write(g, g)
            wait_write(g - lag, (g + lag) % nbuf)
            fire_gather(g + lag, (g + lag) % nbuf)

        @pl.loop(nbuf, nchunks - nbuf, step=nbuf)
        def _(g0):
            for b in range(nbuf):
                g = g0 + b
                wait_gather(g, b)
                add_pos(b)
                fire_write(g, b)
                wait_write(g - lag, (b + lag) % nbuf)
                fire_gather(g + lag, (b + lag) % nbuf)

        for b in range(nbuf):
            g = nchunks - nbuf + b
            wait_gather(g, b)
            add_pos(b)
            fire_write(g, b)
            if g + lag < nchunks:
                wait_write(g - lag, (b + lag) % nbuf)
                fire_gather(g + lag, (b + lag) % nbuf)
        for b in range(nbuf):
            wait_write(nchunks - nbuf + b, b)

    return k(inputs_flat, token_table, pos_table)


@jax.jit
def kernel(inputs, token_table, pos_table):
    b, s = inputs.shape
    d = token_table.shape[1]
    idx = inputs.reshape(b * s).astype(jnp.int32)
    out = _sc_embed(idx, token_table, pos_table, s=s, d=d)
    return out[:, :d].reshape(b, s, d)

# --- scband reference (transcript-rebuilt; emitter-appended) ---
"""Pipeline reference for scband-token-and-position-embedding-63788854280380 (READ-ONLY COPY).

The authoritative reference and input builder live on the scoring server;
editing this copy changes nothing except your own understanding.
"""

import jax, jax.numpy as jnp
import numpy as np

VOCAB = 1000000
SEQ_LEN = 200
EMBED_DIM = 32
BATCH = 4096


def setup_inputs(seed: int = 0) -> dict:
    key = jax.random.key(seed)
    k_idx, k_tok, k_pos = jax.random.split(key, 3)
    inputs = jax.random.randint(k_idx, (BATCH, SEQ_LEN), 0, VOCAB, dtype=jnp.int64 if jax.config.jax_enable_x64 else jnp.int32)
    # 'uniform' keras initializer: U(-0.05, 0.05)
    token_table = jax.random.uniform(k_tok, (VOCAB, EMBED_DIM), minval=-0.05, maxval=0.05, dtype=jnp.float32)
    pos_table = jax.random.uniform(k_pos, (SEQ_LEN, EMBED_DIM), minval=-0.05, maxval=0.05, dtype=jnp.float32)
    return {"inputs": inputs, "token_table": token_table, "pos_table": pos_table}


def reference(inputs, token_table, pos_table):
    # token embedding: gather rows
    embedded_tokens = jnp.take(token_table, inputs, axis=0)  # [B, S, D]
    # position embedding with start_index=0: slice of position table,
    # broadcast over batch
    seq_len = inputs.shape[-1]
    embedded_positions = jax.lax.dynamic_slice(pos_table, (0, 0), (seq_len, EMBED_DIM))
    embedded_positions = jnp.broadcast_to(embedded_positions[None, :, :], embedded_tokens.shape)
    return embedded_tokens + embedded_positions

if __name__ == "__main__":
    import jax
    _d = setup_inputs()
    print(jax.jit(kernel)(*tuple(_d.values())))

</pallas_src>

<mosaic_0001>
#map = affine_map<(d0, d1) -> (0)>
#map1 = affine_map<(d0, d1) -> (0, 0)>
module attributes {stable_mosaic.version = 14 : i64} {
  func.func @k(%arg0: i32, %arg1: i32, %arg2: memref<819200xi32, #tpu.memory_space<hbm>>, %arg3: memref<1000000x32xf32, #tpu.memory_space<hbm>>, %arg4: memref<200x32xf32, #tpu.memory_space<hbm>>, %arg5: memref<819200x128xf32, #tpu.memory_space<hbm>>, %arg6: memref<200x32xf32, #tpu.memory_space<vmem>>, %arg7: memref<25600xi32, #tpu.memory_space<vmem>>, %arg8: memref<4x200x32xf32, #tpu.memory_space<vmem>>, %arg9: memref<!tpu.dma_semaphore, #tpu.memory_space<semaphore_mem>>, %arg10: memref<!tpu.dma_semaphore, #tpu.memory_space<semaphore_mem>>, %arg11: memref<!tpu.dma_semaphore, #tpu.memory_space<semaphore_mem>>, %arg12: memref<!tpu.dma_semaphore, #tpu.memory_space<semaphore_mem>>, %arg13: memref<!tpu.dma_semaphore, #tpu.memory_space<semaphore_mem>>, %arg14: memref<!tpu.dma_semaphore, #tpu.memory_space<semaphore_mem>>, %arg15: memref<!tpu.dma_semaphore, #tpu.memory_space<semaphore_mem>>, %arg16: memref<!tpu.dma_semaphore, #tpu.memory_space<semaphore_mem>>, %arg17: memref<!tpu.dma_semaphore, #tpu.memory_space<semaphore_mem>>) attributes {dimension_semantics = [#tpu.dimension_semantics<core_parallel>, #tpu.dimension_semantics<subcore_parallel>], iteration_bounds = array<i64: 2, 16>, scalar_prefetch = 0 : i64, scratch_operands = 12 : i64, tpu.core_type = #tpu.core_type<sc_vector_subcore>, window_params = [{transform_indices = #map}, {transform_indices = #map1}, {transform_indices = #map1}, {transform_indices = #map1}]} {
    %mul3A = arith.constant 2 : i32
    %mul3A_0 = arith.muli %arg1, %mul3A : i32
    %add3A = arith.addi %mul3A_0, %arg0 : i32
    %mul3A_1 = arith.constant 25600 : i32
    %mul3A_2 = arith.muli %add3A, %mul3A_1 : i32
    tpu.enqueue_dma source(%arg4 : memref<200x32xf32, #tpu.memory_space<hbm>>) target(%arg6 : memref<200x32xf32, #tpu.memory_space<vmem>>) target_semaphore(%arg9 : memref<!tpu.dma_semaphore, #tpu.memory_space<semaphore_mem>>)
    tpu.wait_dma2 semaphore(%arg9 : memref<!tpu.dma_semaphore, #tpu.memory_space<semaphore_mem>>) src(%arg4 : memref<200x32xf32, #tpu.memory_space<hbm>>) dst(%arg6 : memref<200x32xf32, #tpu.memory_space<vmem>>)
    %dma_start3A = tpu.memref_slice %arg2[%mul3A_2] : memref<819200xi32, #tpu.memory_space<hbm>> -> memref<25600xi32, #tpu.memory_space<hbm>>
    %dma_start3A_3 = tpu.memref_slice %arg2[%mul3A_2] : memref<819200xi32, #tpu.memory_space<hbm>> -> memref<25600xi32, #tpu.memory_space<hbm>>
    tpu.enqueue_dma source(%dma_start3A_3 : memref<25600xi32, #tpu.memory_space<hbm>>) target(%arg7 : memref<25600xi32, #tpu.memory_space<vmem>>) target_semaphore(%arg9 : memref<!tpu.dma_semaphore, #tpu.memory_space<semaphore_mem>>)
    %dma_wait3A = tpu.memref_slice %arg2[%mul3A_2] : memref<819200xi32, #tpu.memory_space<hbm>> -> memref<25600xi32, #tpu.memory_space<hbm>>
    %dma_wait3A_4 = tpu.memref_slice %arg2[%mul3A_2] : memref<819200xi32, #tpu.memory_space<hbm>> -> memref<25600xi32, #tpu.memory_space<hbm>>
    tpu.wait_dma2 semaphore(%arg9 : memref<!tpu.dma_semaphore, #tpu.memory_space<semaphore_mem>>) src(%dma_wait3A_4 : memref<25600xi32, #tpu.memory_space<hbm>>) dst(%arg7 : memref<25600xi32, #tpu.memory_space<vmem>>)
    %dma_start3A_5 = arith.constant 0 : i32
    %dma_start3A_6 = arith.constant 0 : i32
    %dma_start3A_7 = arith.constant 0 : i32
    %dma_start3A_8 = tpu.memref_slice %arg8[%dma_start3A_5, %dma_start3A_6, %dma_start3A_7] : memref<4x200x32xf32, #tpu.memory_space<vmem>> -> memref<1x200x32xf32, #tpu.memory_space<vmem>>
    %dma_start3A_9 = tpu.memref_squeeze %dma_start3A_8 : memref<1x200x32xf32, #tpu.memory_space<vmem>> -> memref<200x32xf32, #tpu.memory_space<vmem>>
    %dma_start3A_10 = arith.constant 0 : i32
    %dma_start3A_11 = arith.constant 0 : i32
    %dma_start3A_12 = tpu.memref_slice %dma_start3A_9[%dma_start3A_10, %dma_start3A_11] : memref<200x32xf32, #tpu.memory_space<vmem>> -> memref<104x32xf32, #tpu.memory_space<vmem>>
    %dma_start3A_13 = arith.constant 0 : i32
    %dma_start3A_14 = tpu.memref_slice %arg7[%dma_start3A_13] : memref<25600xi32, #tpu.memory_space<vmem>> -> memref<104xi32, #tpu.memory_space<vmem>>
    %dma_start3A_15 = arith.constant 0 : i32
    %dma_start3A_16 = arith.constant 0 : i32
    %dma_start3A_17 = tpu.memref_slice %arg3[%dma_start3A_15, %dma_start3A_16] : memref<1000000x32xf32, #tpu.memory_space<hbm>> -> memref<1000000x32xf32, #tpu.memory_space<hbm>>
    tpu.enqueue_indirect_dma source(%dma_start3A_17 : memref<1000000x32xf32, #tpu.memory_space<hbm>>) target(%dma_start3A_12 : memref<104x32xf32, #tpu.memory_space<vmem>>) offsets(%dma_start3A_14 : memref<104xi32, #tpu.memory_space<vmem>>) semaphore(%arg10 : memref<!tpu.dma_semaphore, #tpu.memory_space<semaphore_mem>>)
    %dma_start3A_18 = arith.constant 0 : i32
    %dma_start3A_19 = arith.constant 0 : i32
    %dma_start3A_20 = arith.constant 0 : i32
    %dma_start3A_21 = tpu.memref_slice %arg8[%dma_start3A_18, %dma_start3A_19, %dma_start3A_20] : memref<4x200x32xf32, #tpu.memory_space<vmem>> -> memref<1x200x32xf32, #tpu.memory_space<vmem>>
    %dma_start3A_22 = tpu.memref_squeeze %dma_start3A_21 : memref<1x200x32xf32, #tpu.memory_space<vmem>> -> memref<200x32xf32, #tpu.memory_space<vmem>>
    %dma_start3A_23 = arith.constant 104 : i32
    %dma_start3A_24 = arith.constant 0 : i32
    %dma_start3A_25 = tpu.memref_slice %dma_start3A_22[%dma_start3A_23, %dma_start3A_24] : memref<200x32xf32, #tpu.memory_space<vmem>> -> memref<96x32xf32, #tpu.memory_space<vmem>>
    %dma_start3A_26 = arith.constant 104 : i32
    %dma_start3A_27 = tpu.memref_slice %arg7[%dma_start3A_26] : memref<25600xi32, #tpu.memory_space<vmem>> -> memref<96xi32, #tpu.memory_space<vmem>>
    %dma_start3A_28 = arith.constant 0 : i32
    %dma_start3A_29 = arith.constant 0 : i32
    %dma_start3A_30 = tpu.memref_slice %arg3[%dma_start3A_28, %dma_start3A_29] : memref<1000000x32xf32, #tpu.memory_space<hbm>> -> memref<1000000x32xf32, #tpu.memory_space<hbm>>
    tpu.enqueue_indirect_dma source(%dma_start3A_30 : memref<1000000x32xf32, #tpu.memory_space<hbm>>) target(%dma_start3A_25 : memref<96x32xf32, #tpu.memory_space<vmem>>) offsets(%dma_start3A_27 : memref<96xi32, #tpu.memory_space<vmem>>) semaphore(%arg10 : memref<!tpu.dma_semaphore, #tpu.memory_space<semaphore_mem>>)
    %dma_start3A_31 = arith.constant 1 : i32
    %dma_start3A_32 = arith.constant 0 : i32
    %dma_start3A_33 = arith.constant 0 : i32
    %dma_start3A_34 = tpu.memref_slice %arg8[%dma_start3A_31, %dma_start3A_32, %dma_start3A_33] : memref<4x200x32xf32, #tpu.memory_space<vmem>> -> memref<1x200x32xf32, #tpu.memory_space<vmem>>
    %dma_start3A_35 = tpu.memref_squeeze %dma_start3A_34 : memref<1x200x32xf32, #tpu.memory_space<vmem>> -> memref<200x32xf32, #tpu.memory_space<vmem>>
    %dma_start3A_36 = arith.constant 0 : i32
    %dma_start3A_37 = arith.constant 0 : i32
    %dma_start3A_38 = tpu.memref_slice %dma_start3A_35[%dma_start3A_36, %dma_start3A_37] : memref<200x32xf32, #tpu.memory_space<vmem>> -> memref<104x32xf32, #tpu.memory_space<vmem>>
    %dma_start3A_39 = arith.constant 200 : i32
    %dma_start3A_40 = tpu.memref_slice %arg7[%dma_start3A_39] : memref<25600xi32, #tpu.memory_space<vmem>> -> memref<104xi32, #tpu.memory_space<vmem>>
    %dma_start3A_41 = arith.constant 0 : i32
    %dma_start3A_42 = arith.constant 0 : i32
    %dma_start3A_43 = tpu.memref_slice %arg3[%dma_start3A_41, %dma_start3A_42] : memref<1000000x32xf32, #tpu.memory_space<hbm>> -> memref<1000000x32xf32, #tpu.memory_space<hbm>>
    tpu.enqueue_indirect_dma source(%dma_start3A_43 : memref<1000000x32xf32, #tpu.memory_space<hbm>>) target(%dma_start3A_38 : memref<104x32xf32, #tpu.memory_space<vmem>>) offsets(%dma_start3A_40 : memref<104xi32, #tpu.memory_space<vmem>>) semaphore(%arg11 : memref<!tpu.dma_semaphore, #tpu.memory_space<semaphore_mem>>)
    %dma_start3A_44 = arith.constant 1 : i32
    %dma_start3A_45 = arith.constant 0 : i32
    %dma_start3A_46 = arith.constant 0 : i32
    %dma_start3A_47 = tpu.memref_slice %arg8[%dma_start3A_44, %dma_start3A_45, %dma_start3A_46] : memref<4x200x32xf32, #tpu.memory_space<vmem>> -> memref<1x200x32xf32, #tpu.memory_space<vmem>>
    %dma_start3A_48 = tpu.memref_squeeze %dma_start3A_47 : memref<1x200x32xf32, #tpu.memory_space<vmem>> -> memref<200x32xf32, #tpu.memory_space<vmem>>
    %dma_start3A_49 = arith.constant 104 : i32
    %dma_start3A_50 = arith.constant 0 : i32
    %dma_start3A_51 = tpu.memref_slice %dma_start3A_48[%dma_start3A_49, %dma_start3A_50] : memref<200x32xf32, #tpu.memory_space<vmem>> -> memref<96x32xf32, #tpu.memory_space<vmem>>
    %dma_start3A_52 = arith.constant 304 : i32
    %dma_start3A_53 = tpu.memref_slice %arg7[%dma_start3A_52] : memref<25600xi32, #tpu.memory_space<vmem>> -> memref<96xi32, #tpu.memory_space<vmem>>
    %dma_start3A_54 = arith.constant 0 : i32
    %dma_start3A_55 = arith.constant 0 : i32
    %dma_start3A_56 = tpu.memref_slice %arg3[%dma_start3A_54, %dma_start3A_55] : memref<1000000x32xf32, #tpu.memory_space<hbm>> -> memref<1000000x32xf32, #tpu.memory_space<hbm>>
    tpu.enqueue_indirect_dma source(%dma_start3A_56 : memref<1000000x32xf32, #tpu.memory_space<hbm>>) target(%dma_start3A_51 : memref<96x32xf32, #tpu.memory_space<vmem>>) offsets(%dma_start3A_53 : memref<96xi32, #tpu.memory_space<vmem>>) semaphore(%arg11 : memref<!tpu.dma_semaphore, #tpu.memory_space<semaphore_mem>>)
    %dma_wait3A_57 = arith.constant 0 : i32
    %dma_wait3A_58 = arith.constant 0 : i32
    %dma_wait3A_59 = arith.constant 0 : i32
    %dma_wait3A_60 = tpu.memref_slice %arg8[%dma_wait3A_57, %dma_wait3A_58, %dma_wait3A_59] : memref<4x200x32xf32, #tpu.memory_space<vmem>> -> memref<1x200x32xf32, #tpu.memory_space<vmem>>
    %dma_wait3A_61 = tpu.memref_squeeze %dma_wait3A_60 : memref<1x200x32xf32, #tpu.memory_space<vmem>> -> memref<200x32xf32, #tpu.memory_space<vmem>>
    %dma_wait3A_62 = arith.constant 0 : i32
    %dma_wait3A_63 = arith.constant 0 : i32
    %dma_wait3A_64 = tpu.memref_slice %dma_wait3A_61[%dma_wait3A_62, %dma_wait3A_63] : memref<200x32xf32, #tpu.memory_space<vmem>> -> memref<104x32xf32, #tpu.memory_space<vmem>>
    %dma_wait3A_65 = arith.constant 0 : i32
    %dma_wait3A_66 = tpu.memref_slice %arg7[%dma_wait3A_65] : memref<25600xi32, #tpu.memory_space<vmem>> -> memref<104xi32, #tpu.memory_space<vmem>>
    %dma_wait3A_67 = arith.constant 0 : i32
    %dma_wait3A_68 = arith.constant 0 : i32
    %dma_wait3A_69 = tpu.memref_slice %arg3[%dma_wait3A_67, %dma_wait3A_68] : memref<1000000x32xf32, #tpu.memory_space<hbm>> -> memref<1000000x32xf32, #tpu.memory_space<hbm>>
    tpu.wait_indirect_dma semaphore(%arg10 : memref<!tpu.dma_semaphore, #tpu.memory_space<semaphore_mem>>) src(%dma_wait3A_69 : memref<1000000x32xf32, #tpu.memory_space<hbm>>) dst(%dma_wait3A_64 : memref<104x32xf32, #tpu.memory_space<vmem>>)
    %dma_wait3A_70 = arith.constant 0 : i32
    %dma_wait3A_71 = arith.constant 0 : i32
    %dma_wait3A_72 = arith.constant 0 : i32
    %dma_wait3A_73 = tpu.memref_slice %arg8[%dma_wait3A_70, %dma_wait3A_71, %dma_wait3A_72] : memref<4x200x32xf32, #tpu.memory_space<vmem>> -> memref<1x200x32xf32, #tpu.memory_space<vmem>>
    %dma_wait3A_74 = tpu.memref_squeeze %dma_wait3A_73 : memref<1x200x32xf32, #tpu.memory_space<vmem>> -> memref<200x32xf32, #tpu.memory_space<vmem>>
    %dma_wait3A_75 = arith.constant 104 : i32
    %dma_wait3A_76 = arith.constant 0 : i32
    %dma_wait3A_77 = tpu.memref_slice %dma_wait3A_74[%dma_wait3A_75, %dma_wait3A_76] : memref<200x32xf32, #tpu.memory_space<vmem>> -> memref<96x32xf32, #tpu.memory_space<vmem>>
    %dma_wait3A_78 = arith.constant 104 : i32
    %dma_wait3A_79 = tpu.memref_slice %arg7[%dma_wait3A_78] : memref<25600xi32, #tpu.memory_space<vmem>> -> memref<96xi32, #tpu.memory_space<vmem>>
    %dma_wait3A_80 = arith.constant 0 : i32
    %dma_wait3A_81 = arith.constant 0 : i32
    %dma_wait3A_82 = tpu.memref_slice %arg3[%dma_wait3A_80, %dma_wait3A_81] : memref<1000000x32xf32, #tpu.memory_space<hbm>> -> memref<1000000x32xf32, #tpu.memory_space<hbm>>
    tpu.wait_indirect_dma semaphore(%arg10 : memref<!tpu.dma_semaphore, #tpu.memory_space<semaphore_mem>>) src(%dma_wait3A_82 : memref<1000000x32xf32, #tpu.memory_space<hbm>>) dst(%dma_wait3A_77 : memref<96x32xf32, #tpu.memory_space<vmem>>)
    %scan3A = arith.constant 0 : i32
    %scan3A_83 = arith.constant 25 : i32
    %scan3A_84 = arith.addi %scan3A, %scan3A_83 : i32
    %scan3A_85 = arith.constant 1 : i32
    scf.for %scan3A_705 = %scan3A to %scan3A_84 step %scan3A_85  : i32 {
      %mul3A_706 = arith.constant 8 : i32
      %mul3A_707 = arith.muli %scan3A_705, %mul3A_706 : i32
      %add3A_708 = arith.constant 0 : i32
      %add3A_709 = arith.addi %add3A_708, %mul3A_707 : i32
      %add3A_710 = arith.constant 0 : i32
      %add3A_711 = arith.addi %add3A_709, %add3A_710 : i32
      %get3A = arith.index_cast %add3A_711 : i32 to index
      %get3A_712 = arith.constant 0 : index
      %get3A_713 = tpu.vector_load %arg6[%get3A, %get3A_712] {strides = array<i32>} : memref<200x32xf32, #tpu.memory_space<vmem>>, vector<1x16xf32>,
      %get3A_714 = vector.shape_cast %get3A_713 : vector<1x16xf32> to vector<1x16xf32>
      %swap3A = arith.constant 0 : i32
      %swap3A_715 = arith.constant 0 : i32
      %swap3A_716 = arith.constant 0 : i32
      %swap3A_717 = tpu.memref_slice %arg8[%swap3A, %swap3A_715, %swap3A_716] : memref<4x200x32xf32, #tpu.memory_space<vmem>> -> memref<1x200x32xf32, #tpu.memory_space<vmem>>
      %swap3A_718 = tpu.memref_squeeze %swap3A_717 : memref<1x200x32xf32, #tpu.memory_space<vmem>> -> memref<200x32xf32, #tpu.memory_space<vmem>>
      %swap3A_719 = arith.index_cast %add3A_711 : i32 to index
      %swap3A_720 = arith.constant 0 : index
      %swap3A_721 = tpu.vector_load %swap3A_718[%swap3A_719, %swap3A_720] {strides = array<i32>} : memref<200x32xf32, #tpu.memory_space<vmem>>, vector<1x16xf32>,
      %swap3A_722 = vector.shape_cast %swap3A_721 : vector<1x16xf32> to vector<1x16xf32>
      %swap3A_723 = vector.shape_cast %get3A_714 : vector<1x16xf32> to vector<1x16xf32>
      tpu.vector_store %swap3A_718[%swap3A_719, %swap3A_720], %swap3A_723 {add = true, strides = array<i32>} : memref<200x32xf32, #tpu.memory_space<vmem>>, vector<1x16xf32>,
      %add3A_724 = arith.constant 0 : i32
      %add3A_725 = arith.addi %add3A_709, %add3A_724 : i32
      %get3A_726 = arith.index_cast %add3A_725 : i32 to index
      %get3A_727 = arith.constant 16 : index
      %get3A_728 = tpu.vector_load %arg6[%get3A_726, %get3A_727] {strides = array<i32>} : memref<200x32xf32, #tpu.memory_space<vmem>>, vector<1x16xf32>,
      %get3A_729 = vector.shape_cast %get3A_728 : vector<1x16xf32> to vector<1x16xf32>
      %swap3A_730 = arith.constant 0 : i32
      %swap3A_731 = arith.constant 0 : i32
      %swap3A_732 = arith.constant 0 : i32
      %swap3A_733 = tpu.memref_slice %arg8[%swap3A_730, %swap3A_731, %swap3A_732] : memref<4x200x32xf32, #tpu.memory_space<vmem>> -> memref<1x200x32xf32, #tpu.memory_space<vmem>>
      %swap3A_734 = tpu.memref_squeeze %swap3A_733 : memref<1x200x32xf32, #tpu.memory_space<vmem>> -> memref<200x32xf32, #tpu.memory_space<vmem>>
      %swap3A_735 = arith.index_cast %add3A_725 : i32 to index
      %swap3A_736 = arith.constant 16 : index
      %swap3A_737 = tpu.vector_load %swap3A_734[%swap3A_735, %swap3A_736] {strides = array<i32>} : memref<200x32xf32, #tpu.memory_space<vmem>>, vector<1x16xf32>,
      %swap3A_738 = vector.shape_cast %swap3A_737 : vector<1x16xf32> to vector<1x16xf32>
      %swap3A_739 = vector.shape_cast %get3A_729 : vector<1x16xf32> to vector<1x16xf32>
      tpu.vector_store %swap3A_734[%swap3A_735, %swap3A_736], %swap3A_739 {add = true, strides = array<i32>} : memref<200x32xf32, #tpu.memory_space<vmem>>, vector<1x16xf32>,
      %add3A_740 = arith.constant 1 : i32
      %add3A_741 = arith.addi %add3A_709, %add3A_740 : i32
      %get3A_742 = arith.index_cast %add3A_741 : i32 to index
      %get3A_743 = arith.constant 0 : index
      %get3A_744 = tpu.vector_load %arg6[%get3A_742, %get3A_743] {strides = array<i32>} : memref<200x32xf32, #tpu.memory_space<vmem>>, vector<1x16xf32>,
      %get3A_745 = vector.shape_cast %get3A_744 : vector<1x16xf32> to vector<1x16xf32>
      %swap3A_746 = arith.constant 0 : i32
      %swap3A_747 = arith.constant 0 : i32
      %swap3A_748 = arith.constant 0 : i32
      %swap3A_749 = tpu.memref_slice %arg8[%swap3A_746, %swap3A_747, %swap3A_748] : memref<4x200x32xf32, #tpu.memory_space<vmem>> -> memref<1x200x32xf32, #tpu.memory_space<vmem>>
      %swap3A_750 = tpu.memref_squeeze %swap3A_749 : memref<1x200x32xf32, #tpu.memory_space<vmem>> -> memref<200x32xf32, #tpu.memory_space<vmem>>
      %swap3A_751 = arith.index_cast %add3A_741 : i32 to index
      %swap3A_752 = arith.constant 0 : index
      %swap3A_753 = tpu.vector_load %swap3A_750[%swap3A_751, %swap3A_752] {strides = array<i32>} : memref<200x32xf32, #tpu.memory_space<vmem>>, vector<1x16xf32>,
      %swap3A_754 = vector.shape_cast %swap3A_753 : vector<1x16xf32> to vector<1x16xf32>
      %swap3A_755 = vector.shape_cast %get3A_745 : vector<1x16xf32> to vector<1x16xf32>
      tpu.vector_store %swap3A_750[%swap3A_751, %swap3A_752], %swap3A_755 {add = true, strides = array<i32>} : memref<200x32xf32, #tpu.memory_space<vmem>>, vector<1x16xf32>,
      %add3A_756 = arith.constant 1 : i32
      %add3A_757 = arith.addi %add3A_709, %add3A_756 : i32
      %get3A_758 = arith.index_cast %add3A_757 : i32 to index
      %get3A_759 = arith.constant 16 : index
      %get3A_760 = tpu.vector_load %arg6[%get3A_758, %get3A_759] {strides = array<i32>} : memref<200x32xf32, #tpu.memory_space<vmem>>, vector<1x16xf32>,
      %get3A_761 = vector.shape_cast %get3A_760 : vector<1x16xf32> to vector<1x16xf32>
      %swap3A_762 = arith.constant 0 : i32
      %swap3A_763 = arith.constant 0 : i32
      %swap3A_764 = arith.constant 0 : i32
      %swap3A_765 = tpu.memref_slice %arg8[%swap3A_762, %swap3A_763, %swap3A_764] : memref<4x200x32xf32, #tpu.memory_space<vmem>> -> memref<1x200x32xf32, #tpu.memory_space<vmem>>
      %swap3A_766 = tpu.memref_squeeze %swap3A_765 : memref<1x200x32xf32, #tpu.memory_space<vmem>> -> memref<200x32xf32, #tpu.memory_space<vmem>>
      %swap3A_767 = arith.index_cast %add3A_757 : i32 to index
      %swap3A_768 = arith.constant 16 : index
      %swap3A_769 = tpu.vector_load %swap3A_766[%swap3A_767, %swap3A_768] {strides = array<i32>} : memref<200x32xf32, #tpu.memory_space<vmem>>, vector<1x16xf32>,
      %swap3A_770 = vector.shape_cast %swap3A_769 : vector<1x16xf32> to vector<1x16xf32>
      %swap3A_771 = vector.shape_cast %get3A_761 : vector<1x16xf32> to vector<1x16xf32>
      tpu.vector_store %swap3A_766[%swap3A_767, %swap3A_768], %swap3A_771 {add = true, strides = array<i32>} : memref<200x32xf32, #tpu.memory_space<vmem>>, vector<1x16xf32>,
      %add3A_772 = arith.constant 2 : i32
      %add3A_773 = arith.addi %add3A_709, %add3A_772 : i32
      %get3A_774 = arith.index_cast %add3A_773 : i32 to index
      %get3A_775 = arith.constant 0 : index
      %get3A_776 = tpu.vector_load %arg6[%get3A_774, %get3A_775] {strides = array<i32>} : memref<200x32xf32, #tpu.memory_space<vmem>>, vector<1x16xf32>,
      %get3A_777 = vector.shape_cast %get3A_776 : vector<1x16xf32> to vector<1x16xf32>
      %swap3A_778 = arith.constant 0 : i32
      %swap3A_779 = arith.constant 0 : i32
      %swap3A_780 = arith.constant 0 : i32
      %swap3A_781 = tpu.memref_slice %arg8[%swap3A_778, %swap3A_779, %swap3A_780] : memref<4x200x32xf32, #tpu.memory_space<vmem>> -> memref<1x200x32xf32, #tpu.memory_space<vmem>>
      %swap3A_782 = tpu.memref_squeeze %swap3A_781 : memref<1x200x32xf32, #tpu.memory_space<vmem>> -> memref<200x32xf32, #tpu.memory_space<vmem>>
      %swap3A_783 = arith.index_cast %add3A_773 : i32 to index
      %swap3A_784 = arith.constant 0 : index
      %swap3A_785 = tpu.vector_load %swap3A_782[%swap3A_783, %swap3A_784] {strides = array<i32>} : memref<200x32xf32, #tpu.memory_space<vmem>>, vector<1x16xf32>,
      %swap3A_786 = vector.shape_cast %swap3A_785 : vector<1x16xf32> to vector<1x16xf32>
      %swap3A_787 = vector.shape_cast %get3A_777 : vector<1x16xf32> to vector<1x16xf32>
      tpu.vector_store %swap3A_782[%swap3A_783, %swap3A_784], %swap3A_787 {add = true, strides = array<i32>} : memref<200x32xf32, #tpu.memory_space<vmem>>, vector<1x16xf32>,
      %add3A_788 = arith.constant 2 : i32
      %add3A_789 = arith.addi %add3A_709, %add3A_788 : i32
      %get3A_790 = arith.index_cast %add3A_789 : i32 to index
      %get3A_791 = arith.constant 16 : index
      %get3A_792 = tpu.vector_load %arg6[%get3A_790, %get3A_791] {strides = array<i32>} : memref<200x32xf32, #tpu.memory_space<vmem>>, vector<1x16xf32>,
      %get3A_793 = vector.shape_cast %get3A_792 : vector<1x16xf32> to vector<1x16xf32>
      %swap3A_794 = arith.constant 0 : i32
      %swap3A_795 = arith.constant 0 : i32
      %swap3A_796 = arith.constant 0 : i32
      %swap3A_797 = tpu.memref_slice %arg8[%swap3A_794, %swap3A_795, %swap3A_796] : memref<4x200x32xf32, #tpu.memory_space<vmem>> -> memref<1x200x32xf32, #tpu.memory_space<vmem>>
      %swap3A_798 = tpu.memref_squeeze %swap3A_797 : memref<1x200x32xf32, #tpu.memory_space<vmem>> -> memref<200x32xf32, #tpu.memory_space<vmem>>
      %swap3A_799 = arith.index_cast %add3A_789 : i32 to index
      %swap3A_800 = arith.constant 16 : index
      %swap3A_801 = tpu.vector_load %swap3A_798[%swap3A_799, %swap3A_800] {strides = array<i32>} : memref<200x32xf32, #tpu.memory_space<vmem>>, vector<1x16xf32>,
      %swap3A_802 = vector.shape_cast %swap3A_801 : vector<1x16xf32> to vector<1x16xf32>
      %swap3A_803 = vector.shape_cast %get3A_793 : vector<1x16xf32> to vector<1x16xf32>
      tpu.vector_store %swap3A_798[%swap3A_799, %swap3A_800], %swap3A_803 {add = true, strides = array<i32>} : memref<200x32xf32, #tpu.memory_space<vmem>>, vector<1x16xf32>,
      %add3A_804 = arith.constant 3 : i32
      %add3A_805 = arith.addi %add3A_709, %add3A_804 : i32
      %get3A_806 = arith.index_cast %add3A_805 : i32 to index
      %get3A_807 = arith.constant 0 : index
      %get3A_808 = tpu.vector_load %arg6[%get3A_806, %get3A_807] {strides = array<i32>} : memref<200x32xf32, #tpu.memory_space<vmem>>, vector<1x16xf32>,
      %get3A_809 = vector.shape_cast %get3A_808 : vector<1x16xf32> to vector<1x16xf32>
      %swap3A_810 = arith.constant 0 : i32
      %swap3A_811 = arith.constant 0 : i32
      %swap3A_812 = arith.constant 0 : i32
      %swap3A_813 = tpu.memref_slice %arg8[%swap3A_810, %swap3A_811, %swap3A_812] : memref<4x200x32xf32, #tpu.memory_space<vmem>> -> memref<1x200x32xf32, #tpu.memory_space<vmem>>
      %swap3A_814 = tpu.memref_squeeze %swap3A_813 : memref<1x200x32xf32, #tpu.memory_space<vmem>> -> memref<200x32xf32, #tpu.memory_space<vmem>>
      %swap3A_815 = arith.index_cast %add3A_805 : i32 to index
      %swap3A_816 = arith.constant 0 : index
      %swap3A_817 = tpu.vector_load %swap3A_814[%swap3A_815, %swap3A_816] {strides = array<i32>} : memref<200x32xf32, #tpu.memory_space<vmem>>, vector<1x16xf32>,
      %swap3A_818 = vector.shape_cast %swap3A_817 : vector<1x16xf32> to vector<1x16xf32>
      %swap3A_819 = vector.shape_cast %get3A_809 : vector<1x16xf32> to vector<1x16xf32>
      tpu.vector_store %swap3A_814[%swap3A_815, %swap3A_816], %swap3A_819 {add = true, strides = array<i32>} : memref<200x32xf32, #tpu.memory_space<vmem>>, vector<1x16xf32>,
      %add3A_820 = arith.constant 3 : i32
      %add3A_821 = arith.addi %add3A_709, %add3A_820 : i32
      %get3A_822 = arith.index_cast %add3A_821 : i32 to index
      %get3A_823 = arith.constant 16 : index
      %get3A_824 = tpu.vector_load %arg6[%get3A_822, %get3A_823] {strides = array<i32>} : memref<200x32xf32, #tpu.memory_space<vmem>>, vector<1x16xf32>,
      %get3A_825 = vector.shape_cast %get3A_824 : vector<1x16xf32> to vector<1x16xf32>
      %swap3A_826 = arith.constant 0 : i32
      %swap3A_827 = arith.constant 0 : i32
      %swap3A_828 = arith.constant 0 : i32
      %swap3A_829 = tpu.memref_slice %arg8[%swap3A_826, %swap3A_827, %swap3A_828] : memref<4x200x32xf32, #tpu.memory_space<vmem>> -> memref<1x200x32xf32, #tpu.memory_space<vmem>>
      %swap3A_830 = tpu.memref_squeeze %swap3A_829 : memref<1x200x32xf32, #tpu.memory_space<vmem>> -> memref<200x32xf32, #tpu.memory_space<vmem>>
      %swap3A_831 = arith.index_cast %add3A_821 : i32 to index
      %swap3A_832 = arith.constant 16 : index
      %swap3A_833 = tpu.vector_load %swap3A_830[%swap3A_831, %swap3A_832] {strides = array<i32>} : memref<200x32xf32, #tpu.memory_space<vmem>>, vector<1x16xf32>,
      %swap3A_834 = vector.shape_cast %swap3A_833 : vector<1x16xf32> to vector<1x16xf32>
      %swap3A_835 = vector.shape_cast %get3A_825 : vector<1x16xf32> to vector<1x16xf32>
      tpu.vector_store %swap3A_830[%swap3A_831, %swap3A_832], %swap3A_835 {add = true, strides = array<i32>} : memref<200x32xf32, #tpu.memory_space<vmem>>, vector<1x16xf32>,
      %add3A_836 = arith.constant 4 : i32
      %add3A_837 = arith.addi %add3A_709, %add3A_836 : i32
      %get3A_838 = arith.index_cast %add3A_837 : i32 to index
      %get3A_839 = arith.constant 0 : index
      %get3A_840 = tpu.vector_load %arg6[%get3A_838, %get3A_839] {strides = array<i32>} : memref<200x32xf32, #tpu.memory_space<vmem>>, vector<1x16xf32>,
      %get3A_841 = vector.shape_cast %get3A_840 : vector<1x16xf32> to vector<1x16xf32>
      %swap3A_842 = arith.constant 0 : i32
      %swap3A_843 = arith.constant 0 : i32
      %swap3A_844 = arith.constant 0 : i32
      %swap3A_845 = tpu.memref_slice %arg8[%swap3A_842, %swap3A_843, %swap3A_844] : memref<4x200x32xf32, #tpu.memory_space<vmem>> -> memref<1x200x32xf32, #tpu.memory_space<vmem>>
      %swap3A_846 = tpu.memref_squeeze %swap3A_845 : memref<1x200x32xf32, #tpu.memory_space<vmem>> -> memref<200x32xf32, #tpu.memory_space<vmem>>
      %swap3A_847 = arith.index_cast %add3A_837 : i32 to index
      %swap3A_848 = arith.constant 0 : index
      %swap3A_849 = tpu.vector_load %swap3A_846[%swap3A_847, %swap3A_848] {strides = array<i32>} : memref<200x32xf32, #tpu.memory_space<vmem>>, vector<1x16xf32>,
      %swap3A_850 = vector.shape_cast %swap3A_849 : vector<1x16xf32> to vector<1x16xf32>
      %swap3A_851 = vector.shape_cast %get3A_841 : vector<1x16xf32> to vector<1x16xf32>
      tpu.vector_store %swap3A_846[%swap3A_847, %swap3A_848], %swap3A_851 {add = true, strides = array<i32>} : memref<200x32xf32, #tpu.memory_space<vmem>>, vector<1x16xf32>,
      %add3A_852 = arith.constant 4 : i32
      %add3A_853 = arith.addi %add3A_709, %add3A_852 : i32
      %get3A_854 = arith.index_cast %add3A_853 : i32 to index
      %get3A_855 = arith.constant 16 : index
      %get3A_856 = tpu.vector_load %arg6[%get3A_854, %get3A_855] {strides = array<i32>} : memref<200x32xf32, #tpu.memory_space<vmem>>, vector<1x16xf32>,
      %get3A_857 = vector.shape_cast %get3A_856 : vector<1x16xf32> to vector<1x16xf32>
      %swap3A_858 = arith.constant 0 : i32
      %swap3A_859 = arith.constant 0 : i32
      %swap3A_860 = arith.constant 0 : i32
      %swap3A_861 = tpu.memref_slice %arg8[%swap3A_858, %swap3A_859, %swap3A_860] : memref<4x200x32xf32, #tpu.memory_space<vmem>> -> memref<1x200x32xf32, #tpu.memory_space<vmem>>
      %swap3A_862 = tpu.memref_squeeze %swap3A_861 : memref<1x200x32xf32, #tpu.memory_space<vmem>> -> memref<200x32xf32, #tpu.memory_space<vmem>>
      %swap3A_863 = arith.index_cast %add3A_853 : i32 to index
      %swap3A_864 = arith.constant 16 : index
      %swap3A_865 = tpu.vector_load %swap3A_862[%swap3A_863, %swap3A_864] {strides = array<i32>} : memref<200x32xf32, #tpu.memory_space<vmem>>, vector<1x16xf32>,
      %swap3A_866 = vector.shape_cast %swap3A_865 : vector<1x16xf32> to vector<1x16xf32>
      %swap3A_867 = vector.shape_cast %get3A_857 : vector<1x16xf32> to vector<1x16xf32>
      tpu.vector_store %swap3A_862[%swap3A_863, %swap3A_864], %swap3A_867 {add = true, strides = array<i32>} : memref<200x32xf32, #tpu.memory_space<vmem>>, vector<1x16xf32>,
      %add3A_868 = arith.constant 5 : i32
      %add3A_869 = arith.addi %add3A_709, %add3A_868 : i32
      %get3A_870 = arith.index_cast %add3A_869 : i32 to index
      %get3A_871 = arith.constant 0 : index
      %get3A_872 = tpu.vector_load %arg6[%get3A_870, %get3A_871] {strides = array<i32>} : memref<200x32xf32, #tpu.memory_space<vmem>>, vector<1x16xf32>,
      %get3A_873 = vector.shape_cast %get3A_872 : vector<1x16xf32> to vector<1x16xf32>
      %swap3A_874 = arith.constant 0 : i32
      %swap3A_875 = arith.constant 0 : i32
      %swap3A_876 = arith.constant 0 : i32
      %swap3A_877 = tpu.memref_slice %arg8[%swap3A_874, %swap3A_875, %swap3A_876] : memref<4x200x32xf32, #tpu.memory_space<vmem>> -> memref<1x200x32xf32, #tpu.memory_space<vmem>>
      %swap3A_878 = tpu.memref_squeeze %swap3A_877 : memref<1x200x32xf32, #tpu.memory_space<vmem>> -> memref<200x32xf32, #tpu.memory_space<vmem>>
      %swap3A_879 = arith.index_cast %add3A_869 : i32 to index
      %swap3A_880 = arith.constant 0 : index
      %swap3A_881 = tpu.vector_load %swap3A_878[%swap3A_879, %swap3A_880] {strides = array<i32>} : memref<200x32xf32, #tpu.memory_space<vmem>>, vector<1x16xf32>,
      %swap3A_882 = vector.shape_cast %swap3A_881 : vector<1x16xf32> to vector<1x16xf32>
      %swap3A_883 = vector.shape_cast %get3A_873 : vector<1x16xf32> to vector<1x16xf32>
      tpu.vector_store %swap3A_878[%swap3A_879, %swap3A_880], %swap3A_883 {add = true, strides = array<i32>} : memref<200x32xf32, #tpu.memory_space<vmem>>, vector<1x16xf32>,
      %add3A_884 = arith.constant 5 : i32
      %add3A_885 = arith.addi %add3A_709, %add3A_884 : i32
      %get3A_886 = arith.index_cast %add3A_885 : i32 to index
      %get3A_887 = arith.constant 16 : index
      %get3A_888 = tpu.vector_load %arg6[%get3A_886, %get3A_887] {strides = array<i32>} : memref<200x32xf32, #tpu.memory_space<vmem>>, vector<1x16xf32>,
      %get3A_889 = vector.shape_cast %get3A_888 : vector<1x16xf32> to vector<1x16xf32>
      %swap3A_890 = arith.constant 0 : i32
      %swap3A_891 = arith.constant 0 : i32
      %swap3A_892 = arith.constant 0 : i32
      %swap3A_893 = tpu.memref_slice %arg8[%swap3A_890, %swap3A_891, %swap3A_892] : memref<4x200x32xf32, #tpu.memory_space<vmem>> -> memref<1x200x32xf32, #tpu.memory_space<vmem>>
      %swap3A_894 = tpu.memref_squeeze %swap3A_893 : memref<1x200x32xf32, #tpu.memory_space<vmem>> -> memref<200x32xf32, #tpu.memory_space<vmem>>
      %swap3A_895 = arith.index_cast %add3A_885 : i32 to index
      %swap3A_896 = arith.constant 16 : index
      %swap3A_897 = tpu.vector_load %swap3A_894[%swap3A_895, %swap3A_896] {strides = array<i32>} : memref<200x32xf32, #tpu.memory_space<vmem>>, vector<1x16xf32>,
      %swap3A_898 = vector.shape_cast %swap3A_897 : vector<1x16xf32> to vector<1x16xf32>
      %swap3A_899 = vector.shape_cast %get3A_889 : vector<1x16xf32> to vector<1x16xf32>
      tpu.vector_store %swap3A_894[%swap3A_895, %swap3A_896], %swap3A_899 {add = true, strides = array<i32>} : memref<200x32xf32, #tpu.memory_space<vmem>>, vector<1x16xf32>,
      %add3A_900 = arith.constant 6 : i32
      %add3A_901 = arith.addi %add3A_709, %add3A_900 : i32
      %get3A_902 = arith.index_cast %add3A_901 : i32 to index
      %get3A_903 = arith.constant 0 : index
      %get3A_904 = tpu.vector_load %arg6[%get3A_902, %get3A_903] {strides = array<i32>} : memref<200x32xf32, #tpu.memory_space<vmem>>, vector<1x16xf32>,
      %get3A_905 = vector.shape_cast %get3A_904 : vector<1x16xf32> to vector<1x16xf32>
      %swap3A_906 = arith.constant 0 : i32
      %swap3A_907 = arith.constant 0 : i32
      %swap3A_908 = arith.constant 0 : i32
      %swap3A_909 = tpu.memref_slice %arg8[%swap3A_906, %swap3A_907, %swap3A_908] : memref<4x200x32xf32, #tpu.memory_space<vmem>> -> memref<1x200x32xf32, #tpu.memory_space<vmem>>
      %swap3A_910 = tpu.memref_squeeze %swap3A_909 : memref<1x200x32xf32, #tpu.memory_space<vmem>> -> memref<200x32xf32, #tpu.memory_space<vmem>>
      %swap3A_911 = arith.index_cast %add3A_901 : i32 to index
      %swap3A_912 = arith.constant 0 : index
      %swap3A_913 = tpu.vector_load %swap3A_910[%swap3A_911, %swap3A_912] {strides = array<i32>} : memref<200x32xf32, #tpu.memory_space<vmem>>, vector<1x16xf32>,
      %swap3A_914 = vector.shape_cast %swap3A_913 : vector<1x16xf32> to vector<1x16xf32>
      %swap3A_915 = vector.shape_cast %get3A_905 : vector<1x16xf32> to vector<1x16xf32>
      tpu.vector_store %swap3A_910[%swap3A_911, %swap3A_912], %swap3A_915 {add = true, strides = array<i32>} : memref<200x32xf32, #tpu.memory_space<vmem>>, vector<1x16xf32>,
      %add3A_916 = arith.constant 6 : i32
      %add3A_917 = arith.addi %add3A_709, %add3A_916 : i32
      %get3A_918 = arith.index_cast %add3A_917 : i32 to index
      %get3A_919 = arith.constant 16 : index
      %get3A_920 = tpu.vector_load %arg6[%get3A_918, %get3A_919] {strides = array<i32>} : memref<200x32xf32, #tpu.memory_space<vmem>>, vector<1x16xf32>,
      %get3A_921 = vector.shape_cast %get3A_920 : vector<1x16xf32> to vector<1x16xf32>
      %swap3A_922 = arith.constant 0 : i32
      %swap3A_923 = arith.constant 0 : i32
      %swap3A_924 = arith.constant 0 : i32
      %swap3A_925 = tpu.memref_slice %arg8[%swap3A_922, %swap3A_923, %swap3A_924] : memref<4x200x32xf32, #tpu.memory_space<vmem>> -> memref<1x200x32xf32, #tpu.memory_space<vmem>>
      %swap3A_926 = tpu.memref_squeeze %swap3A_925 : memref<1x200x32xf32, #tpu.memory_space<vmem>> -> memref<200x32xf32, #tpu.memory_space<vmem>>
      %swap3A_927 = arith.index_cast %add3A_917 : i32 to index
      %swap3A_928 = arith.constant 16 : index
      %swap3A_929 = tpu.vector_load %swap3A_926[%swap3A_927, %swap3A_928] {strides = array<i32>} : memref<200x32xf32, #tpu.memory_space<vmem>>, vector<1x16xf32>,
      %swap3A_930 = vector.shape_cast %swap3A_929 : vector<1x16xf32> to vector<1x16xf32>
      %swap3A_931 = vector.shape_cast %get3A_921 : vector<1x16xf32> to vector<1x16xf32>
      tpu.vector_store %swap3A_926[%swap3A_927, %swap3A_928], %swap3A_931 {add = true, strides = array<i32>} : memref<200x32xf32, #tpu.memory_space<vmem>>, vector<1x16xf32>,
      %add3A_932 = arith.constant 7 : i32
      %add3A_933 = arith.addi %add3A_709, %add3A_932 : i32
      %get3A_934 = arith.index_cast %add3A_933 : i32 to index
      %get3A_935 = arith.constant 0 : index
      %get3A_936 = tpu.vector_load %arg6[%get3A_934, %get3A_935] {strides = array<i32>} : memref<200x32xf32, #tpu.memory_space<vmem>>, vector<1x16xf32>,
      %get3A_937 = vector.shape_cast %get3A_936 : vector<1x16xf32> to vector<1x16xf32>
      %swap3A_938 = arith.constant 0 : i32
      %swap3A_939 = arith.constant 0 : i32
      %swap3A_940 = arith.constant 0 : i32
      %swap3A_941 = tpu.memref_slice %arg8[%swap3A_938, %swap3A_939, %swap3A_940] : memref<4x200x32xf32, #tpu.memory_space<vmem>> -> memref<1x200x32xf32, #tpu.memory_space<vmem>>
      %swap3A_942 = tpu.memref_squeeze %swap3A_941 : memref<1x200x32xf32, #tpu.memory_space<vmem>> -> memref<200x32xf32, #tpu.memory_space<vmem>>
      %swap3A_943 = arith.index_cast %add3A_933 : i32 to index
      %swap3A_944 = arith.constant 0 : index
      %swap3A_945 = tpu.vector_load %swap3A_942[%swap3A_943, %swap3A_944] {strides = array<i32>} : memref<200x32xf32, #tpu.memory_space<vmem>>, vector<1x16xf32>,
      %swap3A_946 = vector.shape_cast %swap3A_945 : vector<1x16xf32> to vector<1x16xf32>
      %swap3A_947 = vector.shape_cast %get3A_937 : vector<1x16xf32> to vector<1x16xf32>
      tpu.vector_store %swap3A_942[%swap3A_943, %swap3A_944], %swap3A_947 {add = true, strides = array<i32>} : memref<200x32xf32, #tpu.memory_space<vmem>>, vector<1x16xf32>,
      %add3A_948 = arith.constant 7 : i32
      %add3A_949 = arith.addi %add3A_709, %add3A_948 : i32
      %get3A_950 = arith.index_cast %add3A_949 : i32 to index
      %get3A_951 = arith.constant 16 : index
      %get3A_952 = tpu.vector_load %arg6[%get3A_950, %get3A_951] {strides = array<i32>} : memref<200x32xf32, #tpu.memory_space<vmem>>, vector<1x16xf32>,
      %get3A_953 = vector.shape_cast %get3A_952 : vector<1x16xf32> to vector<1x16xf32>
      %swap3A_954 = arith.constant 0 : i32
      %swap3A_955 = arith.constant 0 : i32
      %swap3A_956 = arith.constant 0 : i32
      %swap3A_957 = tpu.memref_slice %arg8[%swap3A_954, %swap3A_955, %swap3A_956] : memref<4x200x32xf32, #tpu.memory_space<vmem>> -> memref<1x200x32xf32, #tpu.memory_space<vmem>>
      %swap3A_958 = tpu.memref_squeeze %swap3A_957 : memref<1x200x32xf32, #tpu.memory_space<vmem>> -> memref<200x32xf32, #tpu.memory_space<vmem>>
      %swap3A_959 = arith.index_cast %add3A_949 : i32 to index
      %swap3A_960 = arith.constant 16 : index
      %swap3A_961 = tpu.vector_load %swap3A_958[%swap3A_959, %swap3A_960] {strides = array<i32>} : memref<200x32xf32, #tpu.memory_space<vmem>>, vector<1x16xf32>,
      %swap3A_962 = vector.shape_cast %swap3A_961 : vector<1x16xf32> to vector<1x16xf32>
      %swap3A_963 = vector.shape_cast %get3A_953 : vector<1x16xf32> to vector<1x16xf32>
      tpu.vector_store %swap3A_958[%swap3A_959, %swap3A_960], %swap3A_963 {add = true, strides = array<i32>} : memref<200x32xf32, #tpu.memory_space<vmem>>, vector<1x16xf32>,
    }
    %scan3A_86 = arith.constant 25 : i32
    %add3A_87 = arith.constant 0 : i32
    %add3A_88 = arith.addi %mul3A_2, %add3A_87 : i32
    %dma_start3A_89 = arith.constant 0 : i32
    %dma_start3A_90 = arith.constant 0 : i32
    %dma_start3A_91 = arith.constant 0 : i32
    %dma_start3A_92 = tpu.memref_slice %arg8[%dma_start3A_89, %dma_start3A_90, %dma_start3A_91] : memref<4x200x32xf32, #tpu.memory_space<vmem>> -> memref<1x200x32xf32, #tpu.memory_space<vmem>>
    %dma_start3A_93 = tpu.memref_squeeze %dma_start3A_92 : memref<1x200x32xf32, #tpu.memory_space<vmem>> -> memref<200x32xf32, #tpu.memory_space<vmem>>
    %dma_start3A_94 = arith.constant 0 : i32
    %dma_start3A_95 = tpu.memref_slice %arg5[%add3A_88, %dma_start3A_94] : memref<819200x128xf32, #tpu.memory_space<hbm>> -> memref<200x32xf32, #tpu.memory_space<hbm>>
    %dma_start3A_96 = arith.constant 0 : i32
    %dma_start3A_97 = tpu.memref_slice %arg5[%add3A_88, %dma_start3A_96] : memref<819200x128xf32, #tpu.memory_space<hbm>> -> memref<200x32xf32, #tpu.memory_space<hbm>>
    %dma_start3A_98 = arith.constant 0 : i32
    %dma_start3A_99 = arith.constant 0 : i32
    %dma_start3A_100 = tpu.memref_slice %arg8[%dma_start3A_89, %dma_start3A_98, %dma_start3A_99] : memref<4x200x32xf32, #tpu.memory_space<vmem>> -> memref<1x200x32xf32, #tpu.memory_space<vmem>>
    %dma_start3A_101 = tpu.memref_squeeze %dma_start3A_100 : memref<1x200x32xf32, #tpu.memory_space<vmem>> -> memref<200x32xf32, #tpu.memory_space<vmem>>
    tpu.enqueue_dma source(%dma_start3A_101 : memref<200x32xf32, #tpu.memory_space<vmem>>) target(%dma_start3A_97 : memref<200x32xf32, #tpu.memory_space<hbm>>) target_semaphore(%arg14 : memref<!tpu.dma_semaphore, #tpu.memory_space<semaphore_mem>>)
    %dma_start3A_102 = arith.constant 2 : i32
    %dma_start3A_103 = arith.constant 0 : i32
    %dma_start3A_104 = arith.constant 0 : i32
    %dma_start3A_105 = tpu.memref_slice %arg8[%dma_start3A_102, %dma_start3A_103, %dma_start3A_104] : memref<4x200x32xf32, #tpu.memory_space<vmem>> -> memref<1x200x32xf32, #tpu.memory_space<vmem>>
    %dma_start3A_106 = tpu.memref_squeeze %dma_start3A_105 : memref<1x200x32xf32, #tpu.memory_space<vmem>> -> memref<200x32xf32, #tpu.memory_space<vmem>>
    %dma_start3A_107 = arith.constant 0 : i32
    %dma_start3A_108 = arith.constant 0 : i32
    %dma_start3A_109 = tpu.memref_slice %dma_start3A_106[%dma_start3A_107, %dma_start3A_108] : memref<200x32xf32, #tpu.memory_space<vmem>> -> memref<104x32xf32, #tpu.memory_space<vmem>>
    %dma_start3A_110 = arith.constant 400 : i32
    %dma_start3A_111 = tpu.memref_slice %arg7[%dma_start3A_110] : memref<25600xi32, #tpu.memory_space<vmem>> -> memref<104xi32, #tpu.memory_space<vmem>>
    %dma_start3A_112 = arith.constant 0 : i32
    %dma_start3A_113 = arith.constant 0 : i32
    %dma_start3A_114 = tpu.memref_slice %arg3[%dma_start3A_112, %dma_start3A_113] : memref<1000000x32xf32, #tpu.memory_space<hbm>> -> memref<1000000x32xf32, #tpu.memory_space<hbm>>
    tpu.enqueue_indirect_dma source(%dma_start3A_114 : memref<1000000x32xf32, #tpu.memory_space<hbm>>) target(%dma_start3A_109 : memref<104x32xf32, #tpu.memory_space<vmem>>) offsets(%dma_start3A_111 : memref<104xi32, #tpu.memory_space<vmem>>) semaphore(%arg12 : memref<!tpu.dma_semaphore, #tpu.memory_space<semaphore_mem>>)
    %dma_start3A_115 = arith.constant 2 : i32
    %dma_start3A_116 = arith.constant 0 : i32
    %dma_start3A_117 = arith.constant 0 : i32
    %dma_start3A_118 = tpu.memref_slice %arg8[%dma_start3A_115, %dma_start3A_116, %dma_start3A_117] : memref<4x200x32xf32, #tpu.memory_space<vmem>> -> memref<1x200x32xf32, #tpu.memory_space<vmem>>
    %dma_start3A_119 = tpu.memref_squeeze %dma_start3A_118 : memref<1x200x32xf32, #tpu.memory_space<vmem>> -> memref<200x32xf32, #tpu.memory_space<vmem>>
    %dma_start3A_120 = arith.constant 104 : i32
    %dma_start3A_121 = arith.constant 0 : i32
    %dma_start3A_122 = tpu.memref_slice %dma_start3A_119[%dma_start3A_120, %dma_start3A_121] : memref<200x32xf32, #tpu.memory_space<vmem>> -> memref<96x32xf32, #tpu.memory_space<vmem>>
    %dma_start3A_123 = arith.constant 504 : i32
    %dma_start3A_124 = tpu.memref_slice %arg7[%dma_start3A_123] : memref<25600xi32, #tpu.memory_space<vmem>> -> memref<96xi32, #tpu.memory_space<vmem>>
    %dma_start3A_125 = arith.constant 0 : i32
    %dma_start3A_126 = arith.constant 0 : i32
    %dma_start3A_127 = tpu.memref_slice %arg3[%dma_start3A_125, %dma_start3A_126] : memref<1000000x32xf32, #tpu.memory_space<hbm>> -> memref<1000000x32xf32, #tpu.memory_space<hbm>>
    tpu.enqueue_indirect_dma source(%dma_start3A_127 : memref<1000000x32xf32, #tpu.memory_space<hbm>>) target(%dma_start3A_122 : memref<96x32xf32, #tpu.memory_space<vmem>>) offsets(%dma_start3A_124 : memref<96xi32, #tpu.memory_space<vmem>>) semaphore(%arg12 : memref<!tpu.dma_semaphore, #tpu.memory_space<semaphore_mem>>)
    %dma_wait3A_128 = arith.constant 1 : i32
    %dma_wait3A_129 = arith.constant 0 : i32
    %dma_wait3A_130 = arith.constant 0 : i32
    %dma_wait3A_131 = tpu.memref_slice %arg8[%dma_wait3A_128, %dma_wait3A_129, %dma_wait3A_130] : memref<4x200x32xf32, #tpu.memory_space<vmem>> -> memref<1x200x32xf32, #tpu.memory_space<vmem>>
    %dma_wait3A_132 = tpu.memref_squeeze %dma_wait3A_131 : memref<1x200x32xf32, #tpu.memory_space<vmem>> -> memref<200x32xf32, #tpu.memory_space<vmem>>
    %dma_wait3A_133 = arith.constant 0 : i32
    %dma_wait3A_134 = arith.constant 0 : i32
    %dma_wait3A_135 = tpu.memref_slice %dma_wait3A_132[%dma_wait3A_133, %dma_wait3A_134] : memref<200x32xf32, #tpu.memory_space<vmem>> -> memref<104x32xf32, #tpu.memory_space<vmem>>
    %dma_wait3A_136 = arith.constant 200 : i32
    %dma_wait3A_137 = tpu.memref_slice %arg7[%dma_wait3A_136] : memref<25600xi32, #tpu.memory_space<vmem>> -> memref<104xi32, #tpu.memory_space<vmem>>
    %dma_wait3A_138 = arith.constant 0 : i32
    %dma_wait3A_139 = arith.constant 0 : i32
    %dma_wait3A_140 = tpu.memref_slice %arg3[%dma_wait3A_138, %dma_wait3A_139] : memref<1000000x32xf32, #tpu.memory_space<hbm>> -> memref<1000000x32xf32, #tpu.memory_space<hbm>>
    tpu.wait_indirect_dma semaphore(%arg11 : memref<!tpu.dma_semaphore, #tpu.memory_space<semaphore_mem>>) src(%dma_wait3A_140 : memref<1000000x32xf32, #tpu.memory_space<hbm>>) dst(%dma_wait3A_135 : memref<104x32xf32, #tpu.memory_space<vmem>>)
    %dma_wait3A_141 = arith.constant 1 : i32
    %dma_wait3A_142 = arith.constant 0 : i32
    %dma_wait3A_143 = arith.constant 0 : i32
    %dma_wait3A_144 = tpu.memref_slice %arg8[%dma_wait3A_141, %dma_wait3A_142, %dma_wait3A_143] : memref<4x200x32xf32, #tpu.memory_space<vmem>> -> memref<1x200x32xf32, #tpu.memory_space<vmem>>
    %dma_wait3A_145 = tpu.memref_squeeze %dma_wait3A_144 : memref<1x200x32xf32, #tpu.memory_space<vmem>> -> memref<200x32xf32, #tpu.memory_space<vmem>>
    %dma_wait3A_146 = arith.constant 104 : i32
    %dma_wait3A_147 = arith.constant 0 : i32
    %dma_wait3A_148 = tpu.memref_slice %dma_wait3A_145[%dma_wait3A_146, %dma_wait3A_147] : memref<200x32xf32, #tpu.memory_space<vmem>> -> memref<96x32xf32, #tpu.memory_space<vmem>>
    %dma_wait3A_149 = arith.constant 304 : i32
    %dma_wait3A_150 = tpu.memref_slice %arg7[%dma_wait3A_149] : memref<25600xi32, #tpu.memory_space<vmem>> -> memref<96xi32, #tpu.memory_space<vmem>>
    %dma_wait3A_151 = arith.constant 0 : i32
    %dma_wait3A_152 = arith.constant 0 : i32
    %dma_wait3A_153 = tpu.memref_slice %arg3[%dma_wait3A_151, %dma_wait3A_152] : memref<1000000x32xf32, #tpu.memory_space<hbm>> -> memref<1000000x32xf32, #tpu.memory_space<hbm>>
    tpu.wait_indirect_dma semaphore(%arg11 : memref<!tpu.dma_semaphore, #tpu.memory_space<semaphore_mem>>) src(%dma_wait3A_153 : memref<1000000x32xf32, #tpu.memory_space<hbm>>) dst(%dma_wait3A_148 : memref<96x32xf32, #tpu.memory_space<vmem>>)
    %scan3A_154 = arith.constant 0 : i32
    %scan3A_155 = arith.constant 25 : i32
    %scan3A_156 = arith.addi %scan3A_154, %scan3A_155 : i32
    %scan3A_157 = arith.constant 1 : i32
    scf.for %scan3A_705 = %scan3A_154 to %scan3A_156 step %scan3A_157  : i32 {
      %mul3A_706 = arith.constant 8 : i32
      %mul3A_707 = arith.muli %scan3A_705, %mul3A_706 : i32
      %add3A_708 = arith.constant 0 : i32
      %add3A_709 = arith.addi %add3A_708, %mul3A_707 : i32
      %add3A_710 = arith.constant 0 : i32
      %add3A_711 = arith.addi %add3A_709, %add3A_710 : i32
      %get3A = arith.index_cast %add3A_711 : i32 to index
      %get3A_712 = arith.constant 0 : index
      %get3A_713 = tpu.vector_load %arg6[%get3A, %get3A_712] {strides = array<i32>} : memref<200x32xf32, #tpu.memory_space<vmem>>, vector<1x16xf32>,
      %get3A_714 = vector.shape_cast %get3A_713 : vector<1x16xf32> to vector<1x16xf32>
      %swap3A = arith.constant 1 : i32
      %swap3A_715 = arith.constant 0 : i32
      %swap3A_716 = arith.constant 0 : i32
      %swap3A_717 = tpu.memref_slice %arg8[%swap3A, %swap3A_715, %swap3A_716] : memref<4x200x32xf32, #tpu.memory_space<vmem>> -> memref<1x200x32xf32, #tpu.memory_space<vmem>>
      %swap3A_718 = tpu.memref_squeeze %swap3A_717 : memref<1x200x32xf32, #tpu.memory_space<vmem>> -> memref<200x32xf32, #tpu.memory_space<vmem>>
      %swap3A_719 = arith.index_cast %add3A_711 : i32 to index
      %swap3A_720 = arith.constant 0 : index
      %swap3A_721 = tpu.vector_load %swap3A_718[%swap3A_719, %swap3A_720] {strides = array<i32>} : memref<200x32xf32, #tpu.memory_space<vmem>>, vector<1x16xf32>,
      %swap3A_722 = vector.shape_cast %swap3A_721 : vector<1x16xf32> to vector<1x16xf32>
      %swap3A_723 = vector.shape_cast %get3A_714 : vector<1x16xf32> to vector<1x16xf32>
      tpu.vector_store %swap3A_718[%swap3A_719, %swap3A_720], %swap3A_723 {add = true, strides = array<i32>} : memref<200x32xf32, #tpu.memory_space<vmem>>, vector<1x16xf32>,
      %add3A_724 = arith.constant 0 : i32
      %add3A_725 = arith.addi %add3A_709, %add3A_724 : i32
      %get3A_726 = arith.index_cast %add3A_725 : i32 to index
      %get3A_727 = arith.constant 16 : index
      %get3A_728 = tpu.vector_load %arg6[%get3A_726, %get3A_727] {strides = array<i32>} : memref<200x32xf32, #tpu.memory_space<vmem>>, vector<1x16xf32>,
      %get3A_729 = vector.shape_cast %get3A_728 : vector<1x16xf32> to vector<1x16xf32>
      %swap3A_730 = arith.constant 1 : i32
      %swap3A_731 = arith.constant 0 : i32
      %swap3A_732 = arith.constant 0 : i32
      %swap3A_733 = tpu.memref_slice %arg8[%swap3A_730, %swap3A_731, %swap3A_732] : memref<4x200x32xf32, #tpu.memory_space<vmem>> -> memref<1x200x32xf32, #tpu.memory_space<vmem>>
      %swap3A_734 = tpu.memref_squeeze %swap3A_733 : memref<1x200x32xf32, #tpu.memory_space<vmem>> -> memref<200x32xf32, #tpu.memory_space<vmem>>
      %swap3A_735 = arith.index_cast %add3A_725 : i32 to index
      %swap3A_736 = arith.constant 16 : index
      %swap3A_737 = tpu.vector_load %swap3A_734[%swap3A_735, %swap3A_736] {strides = array<i32>} : memref<200x32xf32, #tpu.memory_space<vmem>>, vector<1x16xf32>,
      %swap3A_738 = vector.shape_cast %swap3A_737 : vector<1x16xf32> to vector<1x16xf32>
      %swap3A_739 = vector.shape_cast %get3A_729 : vector<1x16xf32> to vector<1x16xf32>
      tpu.vector_store %swap3A_734[%swap3A_735, %swap3A_736], %swap3A_739 {add = true, strides = array<i32>} : memref<200x32xf32, #tpu.memory_space<vmem>>, vector<1x16xf32>,
      %add3A_740 = arith.constant 1 : i32
      %add3A_741 = arith.addi %add3A_709, %add3A_740 : i32
      %get3A_742 = arith.index_cast %add3A_741 : i32 to index
      %get3A_743 = arith.constant 0 : index
      %get3A_744 = tpu.vector_load %arg6[%get3A_742, %get3A_743] {strides = array<i32>} : memref<200x32xf32, #tpu.memory_space<vmem>>, vector<1x16xf32>,
      %get3A_745 = vector.shape_cast %get3A_744 : vector<1x16xf32> to vector<1x16xf32>
      %swap3A_746 = arith.constant 1 : i32
      %swap3A_747 = arith.constant 0 : i32
      %swap3A_748 = arith.constant 0 : i32
      %swap3A_749 = tpu.memref_slice %arg8[%swap3A_746, %swap3A_747, %swap3A_748] : memref<4x200x32xf32, #tpu.memory_space<vmem>> -> memref<1x200x32xf32, #tpu.memory_space<vmem>>
      %swap3A_750 = tpu.memref_squeeze %swap3A_749 : memref<1x200x32xf32, #tpu.memory_space<vmem>> -> memref<200x32xf32, #tpu.memory_space<vmem>>
      %swap3A_751 = arith.index_cast %add3A_741 : i32 to index
      %swap3A_752 = arith.constant 0 : index
      %swap3A_753 = tpu.vector_load %swap3A_750[%swap3A_751, %swap3A_752] {strides = array<i32>} : memref<200x32xf32, #tpu.memory_space<vmem>>, vector<1x16xf32>,
      %swap3A_754 = vector.shape_cast %swap3A_753 : vector<1x16xf32> to vector<1x16xf32>
      %swap3A_755 = vector.shape_cast %get3A_745 : vector<1x16xf32> to vector<1x16xf32>
      tpu.vector_store %swap3A_750[%swap3A_751, %swap3A_752], %swap3A_755 {add = true, strides = array<i32>} : memref<200x32xf32, #tpu.memory_space<vmem>>, vector<1x16xf32>,
      %add3A_756 = arith.constant 1 : i32
      %add3A_757 = arith.addi %add3A_709, %add3A_756 : i32
      %get3A_758 = arith.index_cast %add3A_757 : i32 to index
      %get3A_759 = arith.constant 16 : index
      %get3A_760 = tpu.vector_load %arg6[%get3A_758, %get3A_759] {strides = array<i32>} : memref<200x32xf32, #tpu.memory_space<vmem>>, vector<1x16xf32>,
      %get3A_761 = vector.shape_cast %get3A_760 : vector<1x16xf32> to vector<1x16xf32>
      %swap3A_762 = arith.constant 1 : i32
      %swap3A_763 = arith.constant 0 : i32
      %swap3A_764 = arith.constant 0 : i32
      %swap3A_765 = tpu.memref_slice %arg8[%swap3A_762, %swap3A_763, %swap3A_764] : memref<4x200x32xf32, #tpu.memory_space<vmem>> -> memref<1x200x32xf32, #tpu.memory_space<vmem>>
      %swap3A_766 = tpu.memref_squeeze %swap3A_765 : memref<1x200x32xf32, #tpu.memory_space<vmem>> -> memref<200x32xf32, #tpu.memory_space<vmem>>
      %swap3A_767 = arith.index_cast %add3A_757 : i32 to index
      %swap3A_768 = arith.constant 16 : index
      %swap3A_769 = tpu.vector_load %swap3A_766[%swap3A_767, %swap3A_768] {strides = array<i32>} : memref<200x32xf32, #tpu.memory_space<vmem>>, vector<1x16xf32>,
      %swap3A_770 = vector.shape_cast %swap3A_769 : vector<1x16xf32> to vector<1x16xf32>
      %swap3A_771 = vector.shape_cast %get3A_761 : vector<1x16xf32> to vector<1x16xf32>
      tpu.vector_store %swap3A_766[%swap3A_767, %swap3A_768], %swap3A_771 {add = true, strides = array<i32>} : memref<200x32xf32, #tpu.memory_space<vmem>>, vector<1x16xf32>,
      %add3A_772 = arith.constant 2 : i32
      %add3A_773 = arith.addi %add3A_709, %add3A_772 : i32
      %get3A_774 = arith.index_cast %add3A_773 : i32 to index
      %get3A_775 = arith.constant 0 : index
      %get3A_776 = tpu.vector_load %arg6[%get3A_774, %get3A_775] {strides = array<i32>} : memref<200x32xf32, #tpu.memory_space<vmem>>, vector<1x16xf32>,
      %get3A_777 = vector.shape_cast %get3A_776 : vector<1x16xf32> to vector<1x16xf32>
      %swap3A_778 = arith.constant 1 : i32
      %swap3A_779 = arith.constant 0 : i32
      %swap3A_780 = arith.constant 0 : i32
      %swap3A_781 = tpu.memref_slice %arg8[%swap3A_778, %swap3A_779, %swap3A_780] : memref<4x200x32xf32, #tpu.memory_space<vmem>> -> memref<1x200x32xf32, #tpu.memory_space<vmem>>
      %swap3A_782 = tpu.memref_squeeze %swap3A_781 : memref<1x200x32xf32, #tpu.memory_space<vmem>> -> memref<200x32xf32, #tpu.memory_space<vmem>>
      %swap3A_783 = arith.index_cast %add3A_773 : i32 to index
      %swap3A_784 = arith.constant 0 : index
      %swap3A_785 = tpu.vector_load %swap3A_782[%swap3A_783, %swap3A_784] {strides = array<i32>} : memref<200x32xf32, #tpu.memory_space<vmem>>, vector<1x16xf32>,
      %swap3A_786 = vector.shape_cast %swap3A_785 : vector<1x16xf32> to vector<1x16xf32>
      %swap3A_787 = vector.shape_cast %get3A_777 : vector<1x16xf32> to vector<1x16xf32>
      tpu.vector_store %swap3A_782[%swap3A_783, %swap3A_784], %swap3A_787 {add = true, strides = array<i32>} : memref<200x32xf32, #tpu.memory_space<vmem>>, vector<1x16xf32>,
      %add3A_788 = arith.constant 2 : i32
      %add3A_789 = arith.addi %add3A_709, %add3A_788 : i32
      %get3A_790 = arith.index_cast %add3A_789 : i32 to index
      %get3A_791 = arith.constant 16 : index
      %get3A_792 = tpu.vector_load %arg6[%get3A_790, %get3A_791] {strides = array<i32>} : memref<200x32xf32, #tpu.memory_space<vmem>>, vector<1x16xf32>,
      %get3A_793 = vector.shape_cast %get3A_792 : vector<1x16xf32> to vector<1x16xf32>
      %swap3A_794 = arith.constant 1 : i32
      %swap3A_795 = arith.constant 0 : i32
      %swap3A_796 = arith.constant 0 : i32
      %swap3A_797 = tpu.memref_slice %arg8[%swap3A_794, %swap3A_795, %swap3A_796] : memref<4x200x32xf32, #tpu.memory_space<vmem>> -> memref<1x200x32xf32, #tpu.memory_space<vmem>>
      %swap3A_798 = tpu.memref_squeeze %swap3A_797 : memref<1x200x32xf32, #tpu.memory_space<vmem>> -> memref<200x32xf32, #tpu.memory_space<vmem>>
      %swap3A_799 = arith.index_cast %add3A_789 : i32 to index
      %swap3A_800 = arith.constant 16 : index
      %swap3A_801 = tpu.vector_load %swap3A_798[%swap3A_799, %swap3A_800] {strides = array<i32>} : memref<200x32xf32, #tpu.memory_space<vmem>>, vector<1x16xf32>,
      %swap3A_802 = vector.shape_cast %swap3A_801 : vector<1x16xf32> to vector<1x16xf32>
      %swap3A_803 = vector.shape_cast %get3A_793 : vector<1x16xf32> to vector<1x16xf32>
      tpu.vector_store %swap3A_798[%swap3A_799, %swap3A_800], %swap3A_803 {add = true, strides = array<i32>} : memref<200x32xf32, #tpu.memory_space<vmem>>, vector<1x16xf32>,
      %add3A_804 = arith.constant 3 : i32
      %add3A_805 = arith.addi %add3A_709, %add3A_804 : i32
      %get3A_806 = arith.index_cast %add3A_805 : i32 to index
      %get3A_807 = arith.constant 0 : index
      %get3A_808 = tpu.vector_load %arg6[%get3A_806, %get3A_807] {strides = array<i32>} : memref<200x32xf32, #tpu.memory_space<vmem>>, vector<1x16xf32>,
      %get3A_809 = vector.shape_cast %get3A_808 : vector<1x16xf32> to vector<1x16xf32>
      %swap3A_810 = arith.constant 1 : i32
      %swap3A_811 = arith.constant 0 : i32
      %swap3A_812 = arith.constant 0 : i32
      %swap3A_813 = tpu.memref_slice %arg8[%swap3A_810, %swap3A_811, %swap3A_812] : memref<4x200x32xf32, #tpu.memory_space<vmem>> -> memref<1x200x32xf32, #tpu.memory_space<vmem>>
      %swap3A_814 = tpu.memref_squeeze %swap3A_813 : memref<1x200x32xf32, #tpu.memory_space<vmem>> -> memref<200x32xf32, #tpu.memory_space<vmem>>
      %swap3A_815 = arith.index_cast %add3A_805 : i32 to index
      %swap3A_816 = arith.constant 0 : index
      %swap3A_817 = tpu.vector_load %swap3A_814[%swap3A_815, %swap3A_816] {strides = array<i32>} : memref<200x32xf32, #tpu.memory_space<vmem>>, vector<1x16xf32>,
      %swap3A_818 = vector.shape_cast %swap3A_817 : vector<1x16xf32> to vector<1x16xf32>
      %swap3A_819 = vector.shape_cast %get3A_809 : vector<1x16xf32> to vector<1x16xf32>
      tpu.vector_store %swap3A_814[%swap3A_815, %swap3A_816], %swap3A_819 {add = true, strides = array<i32>} : memref<200x32xf32, #tpu.memory_space<vmem>>, vector<1x16xf32>,
      %add3A_820 = arith.constant 3 : i32
      %add3A_821 = arith.addi %add3A_709, %add3A_820 : i32
      %get3A_822 = arith.index_cast %add3A_821 : i32 to index
      %get3A_823 = arith.constant 16 : index
      %get3A_824 = tpu.vector_load %arg6[%get3A_822, %get3A_823] {strides = array<i32>} : memref<200x32xf32, #tpu.memory_space<vmem>>, vector<1x16xf32>,
      %get3A_825 = vector.shape_cast %get3A_824 : vector<1x16xf32> to vector<1x16xf32>
      %swap3A_826 = arith.constant 1 : i32
      %swap3A_827 = arith.constant 0 : i32
      %swap3A_828 = arith.constant 0 : i32
      %swap3A_829 = tpu.memref_slice %arg8[%swap3A_826, %swap3A_827, %swap3A_828] : memref<4x200x32xf32, #tpu.memory_space<vmem>> -> memref<1x200x32xf32, #tpu.memory_space<vmem>>
      %swap3A_830 = tpu.memref_squeeze %swap3A_829 : memref<1x200x32xf32, #tpu.memory_space<vmem>> -> memref<200x32xf32, #tpu.memory_space<vmem>>
      %swap3A_831 = arith.index_cast %add3A_821 : i32 to index
      %swap3A_832 = arith.constant 16 : index
      %swap3A_833 = tpu.vector_load %swap3A_830[%swap3A_831, %swap3A_832] {strides = array<i32>} : memref<200x32xf32, #tpu.memory_space<vmem>>, vector<1x16xf32>,
      %swap3A_834 = vector.shape_cast %swap3A_833 : vector<1x16xf32> to vector<1x16xf32>
      %swap3A_835 = vector.shape_cast %get3A_825 : vector<1x16xf32> to vector<1x16xf32>
      tpu.vector_store %swap3A_830[%swap3A_831, %swap3A_832], %swap3A_835 {add = true, strides = array<i32>} : memref<200x32xf32, #tpu.memory_space<vmem>>, vector<1x16xf32>,
      %add3A_836 = arith.constant 4 : i32
      %add3A_837 = arith.addi %add3A_709, %add3A_836 : i32
      %get3A_838 = arith.index_cast %add3A_837 : i32 to index
      %get3A_839 = arith.constant 0 : index
      %get3A_840 = tpu.vector_load %arg6[%get3A_838, %get3A_839] {strides = array<i32>} : memref<200x32xf32, #tpu.memory_space<vmem>>, vector<1x16xf32>,
      %get3A_841 = vector.shape_cast %get3A_840 : vector<1x16xf32> to vector<1x16xf32>
      %swap3A_842 = arith.constant 1 : i32
      %swap3A_843 = arith.constant 0 : i32
      %swap3A_844 = arith.constant 0 : i32
      %swap3A_845 = tpu.memref_slice %arg8[%swap3A_842, %swap3A_843, %swap3A_844] : memref<4x200x32xf32, #tpu.memory_space<vmem>> -> memref<1x200x32xf32, #tpu.memory_space<vmem>>
      %swap3A_846 = tpu.memref_squeeze %swap3A_845 : memref<1x200x32xf32, #tpu.memory_space<vmem>> -> memref<200x32xf32, #tpu.memory_space<vmem>>
      %swap3A_847 = arith.index_cast %add3A_837 : i32 to index
      %swap3A_848 = arith.constant 0 : index
      %swap3A_849 = tpu.vector_load %swap3A_846[%swap3A_847, %swap3A_848] {strides = array<i32>} : memref<200x32xf32, #tpu.memory_space<vmem>>, vector<1x16xf32>,
      %swap3A_850 = vector.shape_cast %swap3A_849 : vector<1x16xf32> to vector<1x16xf32>
      %swap3A_851 = vector.shape_cast %get3A_841 : vector<1x16xf32> to vector<1x16xf32>
      tpu.vector_store %swap3A_846[%swap3A_847, %swap3A_848], %swap3A_851 {add = true, strides = array<i32>} : memref<200x32xf32, #tpu.memory_space<vmem>>, vector<1x16xf32>,
      %add3A_852 = arith.constant 4 : i32
      %add3A_853 = arith.addi %add3A_709, %add3A_852 : i32
      %get3A_854 = arith.index_cast %add3A_853 : i32 to index
      %get3A_855 = arith.constant 16 : index
      %get3A_856 = tpu.vector_load %arg6[%get3A_854, %get3A_855] {strides = array<i32>} : memref<200x32xf32, #tpu.memory_space<vmem>>, vector<1x16xf32>,
      %get3A_857 = vector.shape_cast %get3A_856 : vector<1x16xf32> to vector<1x16xf32>
      %swap3A_858 = arith.constant 1 : i32
      %swap3A_859 = arith.constant 0 : i32
      %swap3A_860 = arith.constant 0 : i32
      %swap3A_861 = tpu.memref_slice %arg8[%swap3A_858, %swap3A_859, %swap3A_860] : memref<4x200x32xf32, #tpu.memory_space<vmem>> -> memref<1x200x32xf32, #tpu.memory_space<vmem>>
      %swap3A_862 = tpu.memref_squeeze %swap3A_861 : memref<1x200x32xf32, #tpu.memory_space<vmem>> -> memref<200x32xf32, #tpu.memory_space<vmem>>
      %swap3A_863 = arith.index_cast %add3A_853 : i32 to index
      %swap3A_864 = arith.constant 16 : index
      %swap3A_865 = tpu.vector_load %swap3A_862[%swap3A_863, %swap3A_864] {strides = array<i32>} : memref<200x32xf32, #tpu.memory_space<vmem>>, vector<1x16xf32>,
      %swap3A_866 = vector.shape_cast %swap3A_865 : vector<1x16xf32> to vector<1x16xf32>
      %swap3A_867 = vector.shape_cast %get3A_857 : vector<1x16xf32> to vector<1x16xf32>
      tpu.vector_store %swap3A_862[%swap3A_863, %swap3A_864], %swap3A_867 {add = true, strides = array<i32>} : memref<200x32xf32, #tpu.memory_space<vmem>>, vector<1x16xf32>,
      %add3A_868 = arith.constant 5 : i32
      %add3A_869 = arith.addi %add3A_709, %add3A_868 : i32
      %get3A_870 = arith.index_cast %add3A_869 : i32 to index
      %get3A_871 = arith.constant 0 : index
      %get3A_872 = tpu.vector_load %arg6[%get3A_870, %get3A_871] {strides = array<i32>} : memref<200x32xf32, #tpu.memory_space<vmem>>, vector<1x16xf32>,
      %get3A_873 = vector.shape_cast %get3A_872 : vector<1x16xf32> to vector<1x16xf32>
      %swap3A_874 = arith.constant 1 : i32
      %swap3A_875 = arith.constant 0 : i32
      %swap3A_876 = arith.constant 0 : i32
      %swap3A_877 = tpu.memref_slice %arg8[%swap3A_874, %swap3A_875, %swap3A_876] : memref<4x200x32xf32, #tpu.memory_space<vmem>> -> memref<1x200x32xf32, #tpu.memory_space<vmem>>
      %swap3A_878 = tpu.memref_squeeze %swap3A_877 : memref<1x200x32xf32, #tpu.memory_space<vmem>> -> memref<200x32xf32, #tpu.memory_space<vmem>>
      %swap3A_879 = arith.index_cast %add3A_869 : i32 to index
      %swap3A_880 = arith.constant 0 : index
      %swap3A_881 = tpu.vector_load %swap3A_878[%swap3A_879, %swap3A_880] {strides = array<i32>} : memref<200x32xf32, #tpu.memory_space<vmem>>, vector<1x16xf32>,
      %swap3A_882 = vector.shape_cast %swap3A_881 : vector<1x16xf32> to vector<1x16xf32>
      %swap3A_883 = vector.shape_cast %get3A_873 : vector<1x16xf32> to vector<1x16xf32>
      tpu.vector_store %swap3A_878[%swap3A_879, %swap3A_880], %swap3A_883 {add = true, strides = array<i32>} : memref<200x32xf32, #tpu.memory_space<vmem>>, vector<1x16xf32>,
      %add3A_884 = arith.constant 5 : i32
      %add3A_885 = arith.addi %add3A_709, %add3A_884 : i32
      %get3A_886 = arith.index_cast %add3A_885 : i32 to index
      %get3A_887 = arith.constant 16 : index
      %get3A_888 = tpu.vector_load %arg6[%get3A_886, %get3A_887] {strides = array<i32>} : memref<200x32xf32, #tpu.memory_space<vmem>>, vector<1x16xf32>,
      %get3A_889 = vector.shape_cast %get3A_888 : vector<1x16xf32> to vector<1x16xf32>
      %swap3A_890 = arith.constant 1 : i32
      %swap3A_891 = arith.constant 0 : i32
      %swap3A_892 = arith.constant 0 : i32
      %swap3A_893 = tpu.memref_slice %arg8[%swap3A_890, %swap3A_891, %swap3A_892] : memref<4x200x32xf32, #tpu.memory_space<vmem>> -> memref<1x200x32xf32, #tpu.memory_space<vmem>>
      %swap3A_894 = tpu.memref_squeeze %swap3A_893 : memref<1x200x32xf32, #tpu.memory_space<vmem>> -> memref<200x32xf32, #tpu.memory_space<vmem>>
      %swap3A_895 = arith.index_cast %add3A_885 : i32 to index
      %swap3A_896 = arith.constant 16 : index
      %swap3A_897 = tpu.vector_load %swap3A_894[%swap3A_895, %swap3A_896] {strides = array<i32>} : memref<200x32xf32, #tpu.memory_space<vmem>>, vector<1x16xf32>,
      %swap3A_898 = vector.shape_cast %swap3A_897 : vector<1x16xf32> to vector<1x16xf32>
      %swap3A_899 = vector.shape_cast %get3A_889 : vector<1x16xf32> to vector<1x16xf32>
      tpu.vector_store %swap3A_894[%swap3A_895, %swap3A_896], %swap3A_899 {add = true, strides = array<i32>} : memref<200x32xf32, #tpu.memory_space<vmem>>, vector<1x16xf32>,
      %add3A_900 = arith.constant 6 : i32
      %add3A_901 = arith.addi %add3A_709, %add3A_900 : i32
      %get3A_902 = arith.index_cast %add3A_901 : i32 to index
      %get3A_903 = arith.constant 0 : index
      %get3A_904 = tpu.vector_load %arg6[%get3A_902, %get3A_903] {strides = array<i32>} : memref<200x32xf32, #tpu.memory_space<vmem>>, vector<1x16xf32>,
      %get3A_905 = vector.shape_cast %get3A_904 : vector<1x16xf32> to vector<1x16xf32>
      %swap3A_906 = arith.constant 1 : i32
      %swap3A_907 = arith.constant 0 : i32
      %swap3A_908 = arith.constant 0 : i32
      %swap3A_909 = tpu.memref_slice %arg8[%swap3A_906, %swap3A_907, %swap3A_908] : memref<4x200x32xf32, #tpu.memory_space<vmem>> -> memref<1x200x32xf32, #tpu.memory_space<vmem>>
      %swap3A_910 = tpu.memref_squeeze %swap3A_909 : memref<1x200x32xf32, #tpu.memory_space<vmem>> -> memref<200x32xf32, #tpu.memory_space<vmem>>
      %swap3A_911 = arith.index_cast %add3A_901 : i32 to index
      %swap3A_912 = arith.constant 0 : index
      %swap3A_913 = tpu.vector_load %swap3A_910[%swap3A_911, %swap3A_912] {strides = array<i32>} : memref<200x32xf32, #tpu.memory_space<vmem>>, vector<1x16xf32>,
      %swap3A_914 = vector.shape_cast %swap3A_913 : vector<1x16xf32> to vector<1x16xf32>
      %swap3A_915 = vector.shape_cast %get3A_905 : vector<1x16xf32> to vector<1x16xf32>
      tpu.vector_store %swap3A_910[%swap3A_911, %swap3A_912], %swap3A_915 {add = true, strides = array<i32>} : memref<200x32xf32, #tpu.memory_space<vmem>>, vector<1x16xf32>,
      %add3A_916 = arith.constant 6 : i32
      %add3A_917 = arith.addi %add3A_709, %add3A_916 : i32
      %get3A_918 = arith.index_cast %add3A_917 : i32 to index
      %get3A_919 = arith.constant 16 : index
      %get3A_920 = tpu.vector_load %arg6[%get3A_918, %get3A_919] {strides = array<i32>} : memref<200x32xf32, #tpu.memory_space<vmem>>, vector<1x16xf32>,
      %get3A_921 = vector.shape_cast %get3A_920 : vector<1x16xf32> to vector<1x16xf32>
      %swap3A_922 = arith.constant 1 : i32
      %swap3A_923 = arith.constant 0 : i32
      %swap3A_924 = arith.constant 0 : i32
      %swap3A_925 = tpu.memref_slice %arg8[%swap3A_922, %swap3A_923, %swap3A_924] : memref<4x200x32xf32, #tpu.memory_space<vmem>> -> memref<1x200x32xf32, #tpu.memory_space<vmem>>
      %swap3A_926 = tpu.memref_squeeze %swap3A_925 : memref<1x200x32xf32, #tpu.memory_space<vmem>> -> memref<200x32xf32, #tpu.memory_space<vmem>>
      %swap3A_927 = arith.index_cast %add3A_917 : i32 to index
      %swap3A_928 = arith.constant 16 : index
      %swap3A_929 = tpu.vector_load %swap3A_926[%swap3A_927, %swap3A_928] {strides = array<i32>} : memref<200x32xf32, #tpu.memory_space<vmem>>, vector<1x16xf32>,
      %swap3A_930 = vector.shape_cast %swap3A_929 : vector<1x16xf32> to vector<1x16xf32>
      %swap3A_931 = vector.shape_cast %get3A_921 : vector<1x16xf32> to vector<1x16xf32>
      tpu.vector_store %swap3A_926[%swap3A_927, %swap3A_928], %swap3A_931 {add = true, strides = array<i32>} : memref<200x32xf32, #tpu.memory_space<vmem>>, vector<1x16xf32>,
      %add3A_932 = arith.constant 7 : i32
      %add3A_933 = arith.addi %add3A_709, %add3A_932 : i32
      %get3A_934 = arith.index_cast %add3A_933 : i32 to index
      %get3A_935 = arith.constant 0 : index
      %get3A_936 = tpu.vector_load %arg6[%get3A_934, %get3A_935] {strides = array<i32>} : memref<200x32xf32, #tpu.memory_space<vmem>>, vector<1x16xf32>,
      %get3A_937 = vector.shape_cast %get3A_936 : vector<1x16xf32> to vector<1x16xf32>
      %swap3A_938 = arith.constant 1 : i32
      %swap3A_939 = arith.constant 0 : i32
      %swap3A_940 = arith.constant 0 : i32
      %swap3A_941 = tpu.memref_slice %arg8[%swap3A_938, %swap3A_939, %swap3A_940] : memref<4x200x32xf32, #tpu.memory_space<vmem>> -> memref<1x200x32xf32, #tpu.memory_space<vmem>>
      %swap3A_942 = tpu.memref_squeeze %swap3A_941 : memref<1x200x32xf32, #tpu.memory_space<vmem>> -> memref<200x32xf32, #tpu.memory_space<vmem>>
      %swap3A_943 = arith.index_cast %add3A_933 : i32 to index
      %swap3A_944 = arith.constant 0 : index
      %swap3A_945 = tpu.vector_load %swap3A_942[%swap3A_943, %swap3A_944] {strides = array<i32>} : memref<200x32xf32, #tpu.memory_space<vmem>>, vector<1x16xf32>,
      %swap3A_946 = vector.shape_cast %swap3A_945 : vector<1x16xf32> to vector<1x16xf32>
      %swap3A_947 = vector.shape_cast %get3A_937 : vector<1x16xf32> to vector<1x16xf32>
      tpu.vector_store %swap3A_942[%swap3A_943, %swap3A_944], %swap3A_947 {add = true, strides = array<i32>} : memref<200x32xf32, #tpu.memory_space<vmem>>, vector<1x16xf32>,
      %add3A_948 = arith.constant 7 : i32
      %add3A_949 = arith.addi %add3A_709, %add3A_948 : i32
      %get3A_950 = arith.index_cast %add3A_949 : i32 to index
      %get3A_951 = arith.constant 16 : index
      %get3A_952 = tpu.vector_load %arg6[%get3A_950, %get3A_951] {strides = array<i32>} : memref<200x32xf32, #tpu.memory_space<vmem>>, vector<1x16xf32>,
      %get3A_953 = vector.shape_cast %get3A_952 : vector<1x16xf32> to vector<1x16xf32>
      %swap3A_954 = arith.constant 1 : i32
      %swap3A_955 = arith.constant 0 : i32
      %swap3A_956 = arith.constant 0 : i32
      %swap3A_957 = tpu.memref_slice %arg8[%swap3A_954, %swap3A_955, %swap3A_956] : memref<4x200x32xf32, #tpu.memory_space<vmem>> -> memref<1x200x32xf32, #tpu.memory_space<vmem>>
      %swap3A_958 = tpu.memref_squeeze %swap3A_957 : memref<1x200x32xf32, #tpu.memory_space<vmem>> -> memref<200x32xf32, #tpu.memory_space<vmem>>
      %swap3A_959 = arith.index_cast %add3A_949 : i32 to index
      %swap3A_960 = arith.constant 16 : index
      %swap3A_961 = tpu.vector_load %swap3A_958[%swap3A_959, %swap3A_960] {strides = array<i32>} : memref<200x32xf32, #tpu.memory_space<vmem>>, vector<1x16xf32>,
      %swap3A_962 = vector.shape_cast %swap3A_961 : vector<1x16xf32> to vector<1x16xf32>
      %swap3A_963 = vector.shape_cast %get3A_953 : vector<1x16xf32> to vector<1x16xf32>
      tpu.vector_store %swap3A_958[%swap3A_959, %swap3A_960], %swap3A_963 {add = true, strides = array<i32>} : memref<200x32xf32, #tpu.memory_space<vmem>>, vector<1x16xf32>,
    }
    %scan3A_158 = arith.constant 25 : i32
    %add3A_159 = arith.constant 200 : i32
    %add3A_160 = arith.addi %mul3A_2, %add3A_159 : i32
    %dma_start3A_161 = arith.constant 1 : i32
    %dma_start3A_162 = arith.constant 0 : i32
    %dma_start3A_163 = arith.constant 0 : i32
    %dma_start3A_164 = tpu.memref_slice %arg8[%dma_start3A_161, %dma_start3A_162, %dma_start3A_163] : memref<4x200x32xf32, #tpu.memory_space<vmem>> -> memref<1x200x32xf32, #tpu.memory_space<vmem>>
    %dma_start3A_165 = tpu.memref_squeeze %dma_start3A_164 : memref<1x200x32xf32, #tpu.memory_space<vmem>> -> memref<200x32xf32, #tpu.memory_space<vmem>>
    %dma_start3A_166 = arith.constant 0 : i32
    %dma_start3A_167 = tpu.memref_slice %arg5[%add3A_160, %dma_start3A_166] : memref<819200x128xf32, #tpu.memory_space<hbm>> -> memref<200x32xf32, #tpu.memory_space<hbm>>
    %dma_start3A_168 = arith.constant 0 : i32
    %dma_start3A_169 = tpu.memref_slice %arg5[%add3A_160, %dma_start3A_168] : memref<819200x128xf32, #tpu.memory_space<hbm>> -> memref<200x32xf32, #tpu.memory_space<hbm>>
    %dma_start3A_170 = arith.constant 0 : i32
    %dma_start3A_171 = arith.constant 0 : i32
    %dma_start3A_172 = tpu.memref_slice %arg8[%dma_start3A_161, %dma_start3A_170, %dma_start3A_171] : memref<4x200x32xf32, #tpu.memory_space<vmem>> -> memref<1x200x32xf32, #tpu.memory_space<vmem>>
    %dma_start3A_173 = tpu.memref_squeeze %dma_start3A_172 : memref<1x200x32xf32, #tpu.memory_space<vmem>> -> memref<200x32xf32, #tpu.memory_space<vmem>>
    tpu.enqueue_dma source(%dma_start3A_173 : memref<200x32xf32, #tpu.memory_space<vmem>>) target(%dma_start3A_169 : memref<200x32xf32, #tpu.memory_space<hbm>>) target_semaphore(%arg15 : memref<!tpu.dma_semaphore, #tpu.memory_space<semaphore_mem>>)
    %dma_start3A_174 = arith.constant 3 : i32
    %dma_start3A_175 = arith.constant 0 : i32
    %dma_start3A_176 = arith.constant 0 : i32
    %dma_start3A_177 = tpu.memref_slice %arg8[%dma_start3A_174, %dma_start3A_175, %dma_start3A_176] : memref<4x200x32xf32, #tpu.memory_space<vmem>> -> memref<1x200x32xf32, #tpu.memory_space<vmem>>
    %dma_start3A_178 = tpu.memref_squeeze %dma_start3A_177 : memref<1x200x32xf32, #tpu.memory_space<vmem>> -> memref<200x32xf32, #tpu.memory_space<vmem>>
    %dma_start3A_179 = arith.constant 0 : i32
    %dma_start3A_180 = arith.constant 0 : i32
    %dma_start3A_181 = tpu.memref_slice %dma_start3A_178[%dma_start3A_179, %dma_start3A_180] : memref<200x32xf32, #tpu.memory_space<vmem>> -> memref<104x32xf32, #tpu.memory_space<vmem>>
    %dma_start3A_182 = arith.constant 600 : i32
    %dma_start3A_183 = tpu.memref_slice %arg7[%dma_start3A_182] : memref<25600xi32, #tpu.memory_space<vmem>> -> memref<104xi32, #tpu.memory_space<vmem>>
    %dma_start3A_184 = arith.constant 0 : i32
    %dma_start3A_185 = arith.constant 0 : i32
    %dma_start3A_186 = tpu.memref_slice %arg3[%dma_start3A_184, %dma_start3A_185] : memref<1000000x32xf32, #tpu.memory_space<hbm>> -> memref<1000000x32xf32, #tpu.memory_space<hbm>>
    tpu.enqueue_indirect_dma source(%dma_start3A_186 : memref<1000000x32xf32, #tpu.memory_space<hbm>>) target(%dma_start3A_181 : memref<104x32xf32, #tpu.memory_space<vmem>>) offsets(%dma_start3A_183 : memref<104xi32, #tpu.memory_space<vmem>>) semaphore(%arg13 : memref<!tpu.dma_semaphore, #tpu.memory_space<semaphore_mem>>)
    %dma_start3A_187 = arith.constant 3 : i32
    %dma_start3A_188 = arith.constant 0 : i32
    %dma_start3A_189 = arith.constant 0 : i32
    %dma_start3A_190 = tpu.memref_slice %arg8[%dma_start3A_187, %dma_start3A_188, %dma_start3A_189] : memref<4x200x32xf32, #tpu.memory_space<vmem>> -> memref<1x200x32xf32, #tpu.memory_space<vmem>>
    %dma_start3A_191 = tpu.memref_squeeze %dma_start3A_190 : memref<1x200x32xf32, #tpu.memory_space<vmem>> -> memref<200x32xf32, #tpu.memory_space<vmem>>
    %dma_start3A_192 = arith.constant 104 : i32
    %dma_start3A_193 = arith.constant 0 : i32
    %dma_start3A_194 = tpu.memref_slice %dma_start3A_191[%dma_start3A_192, %dma_start3A_193] : memref<200x32xf32, #tpu.memory_space<vmem>> -> memref<96x32xf32, #tpu.memory_space<vmem>>
    %dma_start3A_195 = arith.constant 704 : i32
    %dma_start3A_196 = tpu.memref_slice %arg7[%dma_start3A_195] : memref<25600xi32, #tpu.memory_space<vmem>> -> memref<96xi32, #tpu.memory_space<vmem>>
    %dma_start3A_197 = arith.constant 0 : i32
    %dma_start3A_198 = arith.constant 0 : i32
    %dma_start3A_199 = tpu.memref_slice %arg3[%dma_start3A_197, %dma_start3A_198] : memref<1000000x32xf32, #tpu.memory_space<hbm>> -> memref<1000000x32xf32, #tpu.memory_space<hbm>>
    tpu.enqueue_indirect_dma source(%dma_start3A_199 : memref<1000000x32xf32, #tpu.memory_space<hbm>>) target(%dma_start3A_194 : memref<96x32xf32, #tpu.memory_space<vmem>>) offsets(%dma_start3A_196 : memref<96xi32, #tpu.memory_space<vmem>>) semaphore(%arg13 : memref<!tpu.dma_semaphore, #tpu.memory_space<semaphore_mem>>)
    %dma_wait3A_200 = arith.constant 2 : i32
    %dma_wait3A_201 = arith.constant 0 : i32
    %dma_wait3A_202 = arith.constant 0 : i32
    %dma_wait3A_203 = tpu.memref_slice %arg8[%dma_wait3A_200, %dma_wait3A_201, %dma_wait3A_202] : memref<4x200x32xf32, #tpu.memory_space<vmem>> -> memref<1x200x32xf32, #tpu.memory_space<vmem>>
    %dma_wait3A_204 = tpu.memref_squeeze %dma_wait3A_203 : memref<1x200x32xf32, #tpu.memory_space<vmem>> -> memref<200x32xf32, #tpu.memory_space<vmem>>
    %dma_wait3A_205 = arith.constant 0 : i32
    %dma_wait3A_206 = arith.constant 0 : i32
    %dma_wait3A_207 = tpu.memref_slice %dma_wait3A_204[%dma_wait3A_205, %dma_wait3A_206] : memref<200x32xf32, #tpu.memory_space<vmem>> -> memref<104x32xf32, #tpu.memory_space<vmem>>
    %dma_wait3A_208 = arith.constant 400 : i32
    %dma_wait3A_209 = tpu.memref_slice %arg7[%dma_wait3A_208] : memref<25600xi32, #tpu.memory_space<vmem>> -> memref<104xi32, #tpu.memory_space<vmem>>
    %dma_wait3A_210 = arith.constant 0 : i32
    %dma_wait3A_211 = arith.constant 0 : i32
    %dma_wait3A_212 = tpu.memref_slice %arg3[%dma_wait3A_210, %dma_wait3A_211] : memref<1000000x32xf32, #tpu.memory_space<hbm>> -> memref<1000000x32xf32, #tpu.memory_space<hbm>>
    tpu.wait_indirect_dma semaphore(%arg12 : memref<!tpu.dma_semaphore, #tpu.memory_space<semaphore_mem>>) src(%dma_wait3A_212 : memref<1000000x32xf32, #tpu.memory_space<hbm>>) dst(%dma_wait3A_207 : memref<104x32xf32, #tpu.memory_space<vmem>>)
    %dma_wait3A_213 = arith.constant 2 : i32
    %dma_wait3A_214 = arith.constant 0 : i32
    %dma_wait3A_215 = arith.constant 0 : i32
    %dma_wait3A_216 = tpu.memref_slice %arg8[%dma_wait3A_213, %dma_wait3A_214, %dma_wait3A_215] : memref<4x200x32xf32, #tpu.memory_space<vmem>> -> memref<1x200x32xf32, #tpu.memory_space<vmem>>
    %dma_wait3A_217 = tpu.memref_squeeze %dma_wait3A_216 : memref<1x200x32xf32, #tpu.memory_space<vmem>> -> memref<200x32xf32, #tpu.memory_space<vmem>>
    %dma_wait3A_218 = arith.constant 104 : i32
    %dma_wait3A_219 = arith.constant 0 : i32
    %dma_wait3A_220 = tpu.memref_slice %dma_wait3A_217[%dma_wait3A_218, %dma_wait3A_219] : memref<200x32xf32, #tpu.memory_space<vmem>> -> memref<96x32xf32, #tpu.memory_space<vmem>>
    %dma_wait3A_221 = arith.constant 504 : i32
    %dma_wait3A_222 = tpu.memref_slice %arg7[%dma_wait3A_221] : memref<25600xi32, #tpu.memory_space<vmem>> -> memref<96xi32, #tpu.memory_space<vmem>>
    %dma_wait3A_223 = arith.constant 0 : i32
    %dma_wait3A_224 = arith.constant 0 : i32
    %dma_wait3A_225 = tpu.memref_slice %arg3[%dma_wait3A_223, %dma_wait3A_224] : memref<1000000x32xf32, #tpu.memory_space<hbm>> -> memref<1000000x32xf32, #tpu.memory_space<hbm>>
    tpu.wait_indirect_dma semaphore(%arg12 : memref<!tpu.dma_semaphore, #tpu.memory_space<semaphore_mem>>) src(%dma_wait3A_225 : memref<1000000x32xf32, #tpu.memory_space<hbm>>) dst(%dma_wait3A_220 : memref<96x32xf32, #tpu.memory_space<vmem>>)
    %scan3A_226 = arith.constant 0 : i32
    %scan3A_227 = arith.constant 25 : i32
    %scan3A_228 = arith.addi %scan3A_226, %scan3A_227 : i32
    %scan3A_229 = arith.constant 1 : i32
    scf.for %scan3A_705 = %scan3A_226 to %scan3A_228 step %scan3A_229  : i32 {
      %mul3A_706 = arith.constant 8 : i32
      %mul3A_707 = arith.muli %scan3A_705, %mul3A_706 : i32
      %add3A_708 = arith.constant 0 : i32
      %add3A_709 = arith.addi %add3A_708, %mul3A_707 : i32
      %add3A_710 = arith.constant 0 : i32
      %add3A_711 = arith.addi %add3A_709, %add3A_710 : i32
      %get3A = arith.index_cast %add3A_711 : i32 to index
      %get3A_712 = arith.constant 0 : index
      %get3A_713 = tpu.vector_load %arg6[%get3A, %get3A_712] {strides = array<i32>} : memref<200x32xf32, #tpu.memory_space<vmem>>, vector<1x16xf32>,
      %get3A_714 = vector.shape_cast %get3A_713 : vector<1x16xf32> to vector<1x16xf32>
      %swap3A = arith.constant 2 : i32
      %swap3A_715 = arith.constant 0 : i32
      %swap3A_716 = arith.constant 0 : i32
      %swap3A_717 = tpu.memref_slice %arg8[%swap3A, %swap3A_715, %swap3A_716] : memref<4x200x32xf32, #tpu.memory_space<vmem>> -> memref<1x200x32xf32, #tpu.memory_space<vmem>>
      %swap3A_718 = tpu.memref_squeeze %swap3A_717 : memref<1x200x32xf32, #tpu.memory_space<vmem>> -> memref<200x32xf32, #tpu.memory_space<vmem>>
      %swap3A_719 = arith.index_cast %add3A_711 : i32 to index
      %swap3A_720 = arith.constant 0 : index
      %swap3A_721 = tpu.vector_load %swap3A_718[%swap3A_719, %swap3A_720] {strides = array<i32>} : memref<200x32xf32, #tpu.memory_space<vmem>>, vector<1x16xf32>,
      %swap3A_722 = vector.shape_cast %swap3A_721 : vector<1x16xf32> to vector<1x16xf32>
      %swap3A_723 = vector.shape_cast %get3A_714 : vector<1x16xf32> to vector<1x16xf32>
      tpu.vector_store %swap3A_718[%swap3A_719, %swap3A_720], %swap3A_723 {add = true, strides = array<i32>} : memref<200x32xf32, #tpu.memory_space<vmem>>, vector<1x16xf32>,
      %add3A_724 = arith.constant 0 : i32
      %add3A_725 = arith.addi %add3A_709, %add3A_724 : i32
      %get3A_726 = arith.index_cast %add3A_725 : i32 to index
      %get3A_727 = arith.constant 16 : index
      %get3A_728 = tpu.vector_load %arg6[%get3A_726, %get3A_727] {strides = array<i32>} : memref<200x32xf32, #tpu.memory_space<vmem>>, vector<1x16xf32>,
      %get3A_729 = vector.shape_cast %get3A_728 : vector<1x16xf32> to vector<1x16xf32>
      %swap3A_730 = arith.constant 2 : i32
      %swap3A_731 = arith.constant 0 : i32
      %swap3A_732 = arith.constant 0 : i32
      %swap3A_733 = tpu.memref_slice %arg8[%swap3A_730, %swap3A_731, %swap3A_732] : memref<4x200x32xf32, #tpu.memory_space<vmem>> -> memref<1x200x32xf32, #tpu.memory_space<vmem>>
      %swap3A_734 = tpu.memref_squeeze %swap3A_733 : memref<1x200x32xf32, #tpu.memory_space<vmem>> -> memref<200x32xf32, #tpu.memory_space<vmem>>
      %swap3A_735 = arith.index_cast %add3A_725 : i32 to index
      %swap3A_736 = arith.constant 16 : index
      %swap3A_737 = tpu.vector_load %swap3A_734[%swap3A_735, %swap3A_736] {strides = array<i32>} : memref<200x32xf32, #tpu.memory_space<vmem>>, vector<1x16xf32>,
      %swap3A_738 = vector.shape_cast %swap3A_737 : vector<1x16xf32> to vector<1x16xf32>
      %swap3A_739 = vector.shape_cast %get3A_729 : vector<1x16xf32> to vector<1x16xf32>
      tpu.vector_store %swap3A_734[%swap3A_735, %swap3A_736], %swap3A_739 {add = true, strides = array<i32>} : memref<200x32xf32, #tpu.memory_space<vmem>>, vector<1x16xf32>,
      %add3A_740 = arith.constant 1 : i32
      %add3A_741 = arith.addi %add3A_709, %add3A_740 : i32
      %get3A_742 = arith.index_cast %add3A_741 : i32 to index
      %get3A_743 = arith.constant 0 : index
      %get3A_744 = tpu.vector_load %arg6[%get3A_742, %get3A_743] {strides = array<i32>} : memref<200x32xf32, #tpu.memory_space<vmem>>, vector<1x16xf32>,
      %get3A_745 = vector.shape_cast %get3A_744 : vector<1x16xf32> to vector<1x16xf32>
      %swap3A_746 = arith.constant 2 : i32
      %swap3A_747 = arith.constant 0 : i32
      %swap3A_748 = arith.constant 0 : i32
      %swap3A_749 = tpu.memref_slice %arg8[%swap3A_746, %swap3A_747, %swap3A_748] : memref<4x200x32xf32, #tpu.memory_space<vmem>> -> memref<1x200x32xf32, #tpu.memory_space<vmem>>
      %swap3A_750 = tpu.memref_squeeze %swap3A_749 : memref<1x200x32xf32, #tpu.memory_space<vmem>> -> memref<200x32xf32, #tpu.memory_space<vmem>>
      %swap3A_751 = arith.index_cast %add3A_741 : i32 to index
      %swap3A_752 = arith.constant 0 : index
      %swap3A_753 = tpu.vector_load %swap3A_750[%swap3A_751, %swap3A_752] {strides = array<i32>} : memref<200x32xf32, #tpu.memory_space<vmem>>, vector<1x16xf32>,
      %swap3A_754 = vector.shape_cast %swap3A_753 : vector<1x16xf32> to vector<1x16xf32>
      %swap3A_755 = vector.shape_cast %get3A_745 : vector<1x16xf32> to vector<1x16xf32>
      tpu.vector_store %swap3A_750[%swap3A_751, %swap3A_752], %swap3A_755 {add = true, strides = array<i32>} : memref<200x32xf32, #tpu.memory_space<vmem>>, vector<1x16xf32>,
      %add3A_756 = arith.constant 1 : i32
      %add3A_757 = arith.addi %add3A_709, %add3A_756 : i32
      %get3A_758 = arith.index_cast %add3A_757 : i32 to index
      %get3A_759 = arith.constant 16 : index
      %get3A_760 = tpu.vector_load %arg6[%get3A_758, %get3A_759] {strides = array<i32>} : memref<200x32xf32, #tpu.memory_space<vmem>>, vector<1x16xf32>,
      %get3A_761 = vector.shape_cast %get3A_760 : vector<1x16xf32> to vector<1x16xf32>
      %swap3A_762 = arith.constant 2 : i32
      %swap3A_763 = arith.constant 0 : i32
      %swap3A_764 = arith.constant 0 : i32
      %swap3A_765 = tpu.memref_slice %arg8[%swap3A_762, %swap3A_763, %swap3A_764] : memref<4x200x32xf32, #tpu.memory_space<vmem>> -> memref<1x200x32xf32, #tpu.memory_space<vmem>>
      %swap3A_766 = tpu.memref_squeeze %swap3A_765 : memref<1x200x32xf32, #tpu.memory_space<vmem>> -> memref<200x32xf32, #tpu.memory_space<vmem>>
      %swap3A_767 = arith.index_cast %add3A_757 : i32 to index
      %swap3A_768 = arith.constant 16 : index
      %swap3A_769 = tpu.vector_load %swap3A_766[%swap3A_767, %swap3A_768] {strides = array<i32>} : memref<200x32xf32, #tpu.memory_space<vmem>>, vector<1x16xf32>,
      %swap3A_770 = vector.shape_cast %swap3A_769 : vector<1x16xf32> to vector<1x16xf32>
      %swap3A_771 = vector.shape_cast %get3A_761 : vector<1x16xf32> to vector<1x16xf32>
      tpu.vector_store %swap3A_766[%swap3A_767, %swap3A_768], %swap3A_771 {add = true, strides = array<i32>} : memref<200x32xf32, #tpu.memory_space<vmem>>, vector<1x16xf32>,
      %add3A_772 = arith.constant 2 : i32
      %add3A_773 = arith.addi %add3A_709, %add3A_772 : i32
      %get3A_774 = arith.index_cast %add3A_773 : i32 to index
      %get3A_775 = arith.constant 0 : index
      %get3A_776 = tpu.vector_load %arg6[%get3A_774, %get3A_775] {strides = array<i32>} : memref<200x32xf32, #tpu.memory_space<vmem>>, vector<1x16xf32>,
      %get3A_777 = vector.shape_cast %get3A_776 : vector<1x16xf32> to vector<1x16xf32>
      %swap3A_778 = arith.constant 2 : i32
      %swap3A_779 = arith.constant 0 : i32
      %swap3A_780 = arith.constant 0 : i32
      %swap3A_781 = tpu.memref_slice %arg8[%swap3A_778, %swap3A_779, %swap3A_780] : memref<4x200x32xf32, #tpu.memory_space<vmem>> -> memref<1x200x32xf32, #tpu.memory_space<vmem>>
      %swap3A_782 = tpu.memref_squeeze %swap3A_781 : memref<1x200x32xf32, #tpu.memory_space<vmem>> -> memref<200x32xf32, #tpu.memory_space<vmem>>
      %swap3A_783 = arith.index_cast %add3A_773 : i32 to index
      %swap3A_784 = arith.constant 0 : index
      %swap3A_785 = tpu.vector_load %swap3A_782[%swap3A_783, %swap3A_784] {strides = array<i32>} : memref<200x32xf32, #tpu.memory_space<vmem>>, vector<1x16xf32>,
      %swap3A_786 = vector.shape_cast %swap3A_785 : vector<1x16xf32> to vector<1x16xf32>
      %swap3A_787 = vector.shape_cast %get3A_777 : vector<1x16xf32> to vector<1x16xf32>
      tpu.vector_store %swap3A_782[%swap3A_783, %swap3A_784], %swap3A_787 {add = true, strides = array<i32>} : memref<200x32xf32, #tpu.memory_space<vmem>>, vector<1x16xf32>,
      %add3A_788 = arith.constant 2 : i32
      %add3A_789 = arith.addi %add3A_709, %add3A_788 : i32
      %get3A_790 = arith.index_cast %add3A_789 : i32 to index
      %get3A_791 = arith.constant 16 : index
      %get3A_792 = tpu.vector_load %arg6[%get3A_790, %get3A_791] {strides = array<i32>} : memref<200x32xf32, #tpu.memory_space<vmem>>, vector<1x16xf32>,
      %get3A_793 = vector.shape_cast %get3A_792 : vector<1x16xf32> to vector<1x16xf32>
      %swap3A_794 = arith.constant 2 : i32
      %swap3A_795 = arith.constant 0 : i32
      %swap3A_796 = arith.constant 0 : i32
      %swap3A_797 = tpu.memref_slice %arg8[%swap3A_794, %swap3A_795, %swap3A_796] : memref<4x200x32xf32, #tpu.memory_space<vmem>> -> memref<1x200x32xf32, #tpu.memory_space<vmem>>
      %swap3A_798 = tpu.memref_squeeze %swap3A_797 : memref<1x200x32xf32, #tpu.memory_space<vmem>> -> memref<200x32xf32, #tpu.memory_space<vmem>>
      %swap3A_799 = arith.index_cast %add3A_789 : i32 to index
      %swap3A_800 = arith.constant 16 : index
      %swap3A_801 = tpu.vector_load %swap3A_798[%swap3A_799, %swap3A_800] {strides = array<i32>} : memref<200x32xf32, #tpu.memory_space<vmem>>, vector<1x16xf32>,
      %swap3A_802 = vector.shape_cast %swap3A_801 : vector<1x16xf32> to vector<1x16xf32>
      %swap3A_803 = vector.shape_cast %get3A_793 : vector<1x16xf32> to vector<1x16xf32>
      tpu.vector_store %swap3A_798[%swap3A_799, %swap3A_800], %swap3A_803 {add = true, strides = array<i32>} : memref<200x32xf32, #tpu.memory_space<vmem>>, vector<1x16xf32>,
      %add3A_804 = arith.constant 3 : i32
      %add3A_805 = arith.addi %add3A_709, %add3A_804 : i32
      %get3A_806 = arith.index_cast %add3A_805 : i32 to index
      %get3A_807 = arith.constant 0 : index
      %get3A_808 = tpu.vector_load %arg6[%get3A_806, %get3A_807] {strides = array<i32>} : memref<200x32xf32, #tpu.memory_space<vmem>>, vector<1x16xf32>,
      %get3A_809 = vector.shape_cast %get3A_808 : vector<1x16xf32> to vector<1x16xf32>
      %swap3A_810 = arith.constant 2 : i32
      %swap3A_811 = arith.constant 0 : i32
      %swap3A_812 = arith.constant 0 : i32
      %swap3A_813 = tpu.memref_slice %arg8[%swap3A_810, %swap3A_811, %swap3A_812] : memref<4x200x32xf32, #tpu.memory_space<vmem>> -> memref<1x200x32xf32, #tpu.memory_space<vmem>>
      %swap3A_814 = tpu.memref_squeeze %swap3A_813 : memref<1x200x32xf32, #tpu.memory_space<vmem>> -> memref<200x32xf32, #tpu.memory_space<vmem>>
      %swap3A_815 = arith.index_cast %add3A_805 : i32 to index
      %swap3A_816 = arith.constant 0 : index
      %swap3A_817 = tpu.vector_load %swap3A_814[%swap3A_815, %swap3A_816] {strides = array<i32>} : memref<200x32xf32, #tpu.memory_space<vmem>>, vector<1x16xf32>,
      %swap3A_818 = vector.shape_cast %swap3A_817 : vector<1x16xf32> to vector<1x16xf32>
      %swap3A_819 = vector.shape_cast %get3A_809 : vector<1x16xf32> to vector<1x16xf32>
      tpu.vector_store %swap3A_814[%swap3A_815, %swap3A_816], %swap3A_819 {add = true, strides = array<i32>} : memref<200x32xf32, #tpu.memory_space<vmem>>, vector<1x16xf32>,
      %add3A_820 = arith.constant 3 : i32
      %add3A_821 = arith.addi %add3A_709, %add3A_820 : i32
      %get3A_822 = arith.index_cast %add3A_821 : i32 to index
      %get3A_823 = arith.constant 16 : index
      %get3A_824 = tpu.vector_load %arg6[%get3A_822, %get3A_823] {strides = array<i32>} : memref<200x32xf32, #tpu.memory_space<vmem>>, vector<1x16xf32>,
      %get3A_825 = vector.shape_cast %get3A_824 : vector<1x16xf32> to vector<1x16xf32>
      %swap3A_826 = arith.constant 2 : i32
      %swap3A_827 = arith.constant 0 : i32
      %swap3A_828 = arith.constant 0 : i32
      %swap3A_829 = tpu.memref_slice %arg8[%swap3A_826, %swap3A_827, %swap3A_828] : memref<4x200x32xf32, #tpu.memory_space<vmem>> -> memref<1x200x32xf32, #tpu.memory_space<vmem>>
      %swap3A_830 = tpu.memref_squeeze %swap3A_829 : memref<1x200x32xf32, #tpu.memory_space<vmem>> -> memref<200x32xf32, #tpu.memory_space<vmem>>
      %swap3A_831 = arith.index_cast %add3A_821 : i32 to index
      %swap3A_832 = arith.constant 16 : index
      %swap3A_833 = tpu.vector_load %swap3A_830[%swap3A_831, %swap3A_832] {strides = array<i32>} : memref<200x32xf32, #tpu.memory_space<vmem>>, vector<1x16xf32>,
      %swap3A_834 = vector.shape_cast %swap3A_833 : vector<1x16xf32> to vector<1x16xf32>
      %swap3A_835 = vector.shape_cast %get3A_825 : vector<1x16xf32> to vector<1x16xf32>
      tpu.vector_store %swap3A_830[%swap3A_831, %swap3A_832], %swap3A_835 {add = true, strides = array<i32>} : memref<200x32xf32, #tpu.memory_space<vmem>>, vector<1x16xf32>,
      %add3A_836 = arith.constant 4 : i32
      %add3A_837 = arith.addi %add3A_709, %add3A_836 : i32
      %get3A_838 = arith.index_cast %add3A_837 : i32 to index
      %get3A_839 = arith.constant 0 : index
      %get3A_840 = tpu.vector_load %arg6[%get3A_838, %get3A_839] {strides = array<i32>} : memref<200x32xf32, #tpu.memory_space<vmem>>, vector<1x16xf32>,
      %get3A_841 = vector.shape_cast %get3A_840 : vector<1x16xf32> to vector<1x16xf32>
      %swap3A_842 = arith.constant 2 : i32
      %swap3A_843 = arith.constant 0 : i32
      %swap3A_844 = arith.constant 0 : i32
      %swap3A_845 = tpu.memref_slice %arg8[%swap3A_842, %swap3A_843, %swap3A_844] : memref<4x200x32xf32, #tpu.memory_space<vmem>> -> memref<1x200x32xf32, #tpu.memory_space<vmem>>
      %swap3A_846 = tpu.memref_squeeze %swap3A_845 : memref<1x200x32xf32, #tpu.memory_space<vmem>> -> memref<200x32xf32, #tpu.memory_space<vmem>>
      %swap3A_847 = arith.index_cast %add3A_837 : i32 to index
      %swap3A_848 = arith.constant 0 : index
      %swap3A_849 = tpu.vector_load %swap3A_846[%swap3A_847, %swap3A_848] {strides = array<i32>} : memref<200x32xf32, #tpu.memory_space<vmem>>, vector<1x16xf32>,
      %swap3A_850 = vector.shape_cast %swap3A_849 : vector<1x16xf32> to vector<1x16xf32>
      %swap3A_851 = vector.shape_cast %get3A_841 : vector<1x16xf32> to vector<1x16xf32>
      tpu.vector_store %swap3A_846[%swap3A_847, %swap3A_848], %swap3A_851 {add = true, strides = array<i32>} : memref<200x32xf32, #tpu.memory_space<vmem>>, vector<1x16xf32>,
      %add3A_852 = arith.constant 4 : i32
      %add3A_853 = arith.addi %add3A_709, %add3A_852 : i32
      %get3A_854 = arith.index_cast %add3A_853 : i32 to index
      %get3A_855 = arith.constant 16 : index
      %get3A_856 = tpu.vector_load %arg6[%get3A_854, %get3A_855] {strides = array<i32>} : memref<200x32xf32, #tpu.memory_space<vmem>>, vector<1x16xf32>,
      %get3A_857 = vector.shape_cast %get3A_856 : vector<1x16xf32> to vector<1x16xf32>
      %swap3A_858 = arith.constant 2 : i32
      %swap3A_859 = arith.constant 0 : i32
      %swap3A_860 = arith.constant 0 : i32
      %swap3A_861 = tpu.memref_slice %arg8[%swap3A_858, %swap3A_859, %swap3A_860] : memref<4x200x32xf32, #tpu.memory_space<vmem>> -> memref<1x200x32xf32, #tpu.memory_space<vmem>>
      %swap3A_862 = tpu.memref_squeeze %swap3A_861 : memref<1x200x32xf32, #tpu.memory_space<vmem>> -> memref<200x32xf32, #tpu.memory_space<vmem>>
      %swap3A_863 = arith.index_cast %add3A_853 : i32 to index
      %swap3A_864 = arith.constant 16 : index
      %swap3A_865 = tpu.vector_load %swap3A_862[%swap3A_863, %swap3A_864] {strides = array<i32>} : memref<200x32xf32, #tpu.memory_space<vmem>>, vector<1x16xf32>,
      %swap3A_866 = vector.shape_cast %swap3A_865 : vector<1x16xf32> to vector<1x16xf32>
      %swap3A_867 = vector.shape_cast %get3A_857 : vector<1x16xf32> to vector<1x16xf32>
      tpu.vector_store %swap3A_862[%swap3A_863, %swap3A_864], %swap3A_867 {add = true, strides = array<i32>} : memref<200x32xf32, #tpu.memory_space<vmem>>, vector<1x16xf32>,
      %add3A_868 = arith.constant 5 : i32
      %add3A_869 = arith.addi %add3A_709, %add3A_868 : i32
      %get3A_870 = arith.index_cast %add3A_869 : i32 to index
      %get3A_871 = arith.constant 0 : index
      %get3A_872 = tpu.vector_load %arg6[%get3A_870, %get3A_871] {strides = array<i32>} : memref<200x32xf32, #tpu.memory_space<vmem>>, vector<1x16xf32>,
      %get3A_873 = vector.shape_cast %get3A_872 : vector<1x16xf32> to vector<1x16xf32>
      %swap3A_874 = arith.constant 2 : i32
      %swap3A_875 = arith.constant 0 : i32
      %swap3A_876 = arith.constant 0 : i32
      %swap3A_877 = tpu.memref_slice %arg8[%swap3A_874, %swap3A_875, %swap3A_876] : memref<4x200x32xf32, #tpu.memory_space<vmem>> -> memref<1x200x32xf32, #tpu.memory_space<vmem>>
      %swap3A_878 = tpu.memref_squeeze %swap3A_877 : memref<1x200x32xf32, #tpu.memory_space<vmem>> -> memref<200x32xf32, #tpu.memory_space<vmem>>
      %swap3A_879 = arith.index_cast %add3A_869 : i32 to index
      %swap3A_880 = arith.constant 0 : index
      %swap3A_881 = tpu.vector_load %swap3A_878[%swap3A_879, %swap3A_880] {strides = array<i32>} : memref<200x32xf32, #tpu.memory_space<vmem>>, vector<1x16xf32>,
      %swap3A_882 = vector.shape_cast %swap3A_881 : vector<1x16xf32> to vector<1x16xf32>
      %swap3A_883 = vector.shape_cast %get3A_873 : vector<1x16xf32> to vector<1x16xf32>
      tpu.vector_store %swap3A_878[%swap3A_879, %swap3A_880], %swap3A_883 {add = true, strides = array<i32>} : memref<200x32xf32, #tpu.memory_space<vmem>>, vector<1x16xf32>,
      %add3A_884 = arith.constant 5 : i32
      %add3A_885 = arith.addi %add3A_709, %add3A_884 : i32
      %get3A_886 = arith.index_cast %add3A_885 : i32 to index
      %get3A_887 = arith.constant 16 : index
      %get3A_888 = tpu.vector_load %arg6[%get3A_886, %get3A_887] {strides = array<i32>} : memref<200x32xf32, #tpu.memory_space<vmem>>, vector<1x16xf32>,
      %get3A_889 = vector.shape_cast %get3A_888 : vector<1x16xf32> to vector<1x16xf32>
      %swap3A_890 = arith.constant 2 : i32
      %swap3A_891 = arith.constant 0 : i32
      %swap3A_892 = arith.constant 0 : i32
      %swap3A_893 = tpu.memref_slice %arg8[%swap3A_890, %swap3A_891, %swap3A_892] : memref<4x200x32xf32, #tpu.memory_space<vmem>> -> memref<1x200x32xf32, #tpu.memory_space<vmem>>
      %swap3A_894 = tpu.memref_squeeze %swap3A_893 : memref<1x200x32xf32, #tpu.memory_space<vmem>> -> memref<200x32xf32, #tpu.memory_space<vmem>>
      %swap3A_895 = arith.index_cast %add3A_885 : i32 to index
      %swap3A_896 = arith.constant 16 : index
      %swap3A_897 = tpu.vector_load %swap3A_894[%swap3A_895, %swap3A_896] {strides = array<i32>} : memref<200x32xf32, #tpu.memory_space<vmem>>, vector<1x16xf32>,
      %swap3A_898 = vector.shape_cast %swap3A_897 : vector<1x16xf32> to vector<1x16xf32>
      %swap3A_899 = vector.shape_cast %get3A_889 : vector<1x16xf32> to vector<1x16xf32>
      tpu.vector_store %swap3A_894[%swap3A_895, %swap3A_896], %swap3A_899 {add = true, strides = array<i32>} : memref<200x32xf32, #tpu.memory_space<vmem>>, vector<1x16xf32>,
      %add3A_900 = arith.constant 6 : i32
      %add3A_901 = arith.addi %add3A_709, %add3A_900 : i32
      %get3A_902 = arith.index_cast %add3A_901 : i32 to index
      %get3A_903 = arith.constant 0 : index
      %get3A_904 = tpu.vector_load %arg6[%get3A_902, %get3A_903] {strides = array<i32>} : memref<200x32xf32, #tpu.memory_space<vmem>>, vector<1x16xf32>,
      %get3A_905 = vector.shape_cast %get3A_904 : vector<1x16xf32> to vector<1x16xf32>
      %swap3A_906 = arith.constant 2 : i32
      %swap3A_907 = arith.constant 0 : i32
      %swap3A_908 = arith.constant 0 : i32
      %swap3A_909 = tpu.memref_slice %arg8[%swap3A_906, %swap3A_907, %swap3A_908] : memref<4x200x32xf32, #tpu.memory_space<vmem>> -> memref<1x200x32xf32, #tpu.memory_space<vmem>>
      %swap3A_910 = tpu.memref_squeeze %swap3A_909 : memref<1x200x32xf32, #tpu.memory_space<vmem>> -> memref<200x32xf32, #tpu.memory_space<vmem>>
      %swap3A_911 = arith.index_cast %add3A_901 : i32 to index
      %swap3A_912 = arith.constant 0 : index
      %swap3A_913 = tpu.vector_load %swap3A_910[%swap3A_911, %swap3A_912] {strides = array<i32>} : memref<200x32xf32, #tpu.memory_space<vmem>>, vector<1x16xf32>,
      %swap3A_914 = vector.shape_cast %swap3A_913 : vector<1x16xf32> to vector<1x16xf32>
      %swap3A_915 = vector.shape_cast %get3A_905 : vector<1x16xf32> to vector<1x16xf32>
      tpu.vector_store %swap3A_910[%swap3A_911, %swap3A_912], %swap3A_915 {add = true, strides = array<i32>} : memref<200x32xf32, #tpu.memory_space<vmem>>, vector<1x16xf32>,
      %add3A_916 = arith.constant 6 : i32
      %add3A_917 = arith.addi %add3A_709, %add3A_916 : i32
      %get3A_918 = arith.index_cast %add3A_917 : i32 to index
      %get3A_919 = arith.constant 16 : index
      %get3A_920 = tpu.vector_load %arg6[%get3A_918, %get3A_919] {strides = array<i32>} : memref<200x32xf32, #tpu.memory_space<vmem>>, vector<1x16xf32>,
      %get3A_921 = vector.shape_cast %get3A_920 : vector<1x16xf32> to vector<1x16xf32>
      %swap3A_922 = arith.constant 2 : i32
      %swap3A_923 = arith.constant 0 : i32
      %swap3A_924 = arith.constant 0 : i32
      %swap3A_925 = tpu.memref_slice %arg8[%swap3A_922, %swap3A_923, %swap3A_924] : memref<4x200x32xf32, #tpu.memory_space<vmem>> -> memref<1x200x32xf32, #tpu.memory_space<vmem>>
      %swap3A_926 = tpu.memref_squeeze %swap3A_925 : memref<1x200x32xf32, #tpu.memory_space<vmem>> -> memref<200x32xf32, #tpu.memory_space<vmem>>
      %swap3A_927 = arith.index_cast %add3A_917 : i32 to index
      %swap3A_928 = arith.constant 16 : index
      %swap3A_929 = tpu.vector_load %swap3A_926[%swap3A_927, %swap3A_928] {strides = array<i32>} : memref<200x32xf32, #tpu.memory_space<vmem>>, vector<1x16xf32>,
      %swap3A_930 = vector.shape_cast %swap3A_929 : vector<1x16xf32> to vector<1x16xf32>
      %swap3A_931 = vector.shape_cast %get3A_921 : vector<1x16xf32> to vector<1x16xf32>
      tpu.vector_store %swap3A_926[%swap3A_927, %swap3A_928], %swap3A_931 {add = true, strides = array<i32>} : memref<200x32xf32, #tpu.memory_space<vmem>>, vector<1x16xf32>,
      %add3A_932 = arith.constant 7 : i32
      %add3A_933 = arith.addi %add3A_709, %add3A_932 : i32
      %get3A_934 = arith.index_cast %add3A_933 : i32 to index
      %get3A_935 = arith.constant 0 : index
      %get3A_936 = tpu.vector_load %arg6[%get3A_934, %get3A_935] {strides = array<i32>} : memref<200x32xf32, #tpu.memory_space<vmem>>, vector<1x16xf32>,
      %get3A_937 = vector.shape_cast %get3A_936 : vector<1x16xf32> to vector<1x16xf32>
      %swap3A_938 = arith.constant 2 : i32
      %swap3A_939 = arith.constant 0 : i32
      %swap3A_940 = arith.constant 0 : i32
      %swap3A_941 = tpu.memref_slice %arg8[%swap3A_938, %swap3A_939, %swap3A_940] : memref<4x200x32xf32, #tpu.memory_space<vmem>> -> memref<1x200x32xf32, #tpu.memory_space<vmem>>
      %swap3A_942 = tpu.memref_squeeze %swap3A_941 : memref<1x200x32xf32, #tpu.memory_space<vmem>> -> memref<200x32xf32, #tpu.memory_space<vmem>>
      %swap3A_943 = arith.index_cast %add3A_933 : i32 to index
      %swap3A_944 = arith.constant 0 : index
      %swap3A_945 = tpu.vector_load %swap3A_942[%swap3A_943, %swap3A_944] {strides = array<i32>} : memref<200x32xf32, #tpu.memory_space<vmem>>, vector<1x16xf32>,
      %swap3A_946 = vector.shape_cast %swap3A_945 : vector<1x16xf32> to vector<1x16xf32>
      %swap3A_947 = vector.shape_cast %get3A_937 : vector<1x16xf32> to vector<1x16xf32>
      tpu.vector_store %swap3A_942[%swap3A_943, %swap3A_944], %swap3A_947 {add = true, strides = array<i32>} : memref<200x32xf32, #tpu.memory_space<vmem>>, vector<1x16xf32>,
      %add3A_948 = arith.constant 7 : i32
      %add3A_949 = arith.addi %add3A_709, %add3A_948 : i32
      %get3A_950 = arith.index_cast %add3A_949 : i32 to index
      %get3A_951 = arith.constant 16 : index
      %get3A_952 = tpu.vector_load %arg6[%get3A_950, %get3A_951] {strides = array<i32>} : memref<200x32xf32, #tpu.memory_space<vmem>>, vector<1x16xf32>,
      %get3A_953 = vector.shape_cast %get3A_952 : vector<1x16xf32> to vector<1x16xf32>
      %swap3A_954 = arith.constant 2 : i32
      %swap3A_955 = arith.constant 0 : i32
      %swap3A_956 = arith.constant 0 : i32
      %swap3A_957 = tpu.memref_slice %arg8[%swap3A_954, %swap3A_955, %swap3A_956] : memref<4x200x32xf32, #tpu.memory_space<vmem>> -> memref<1x200x32xf32, #tpu.memory_space<vmem>>
      %swap3A_958 = tpu.memref_squeeze %swap3A_957 : memref<1x200x32xf32, #tpu.memory_space<vmem>> -> memref<200x32xf32, #tpu.memory_space<vmem>>
      %swap3A_959 = arith.index_cast %add3A_949 : i32 to index
      %swap3A_960 = arith.constant 16 : index
      %swap3A_961 = tpu.vector_load %swap3A_958[%swap3A_959, %swap3A_960] {strides = array<i32>} : memref<200x32xf32, #tpu.memory_space<vmem>>, vector<1x16xf32>,
      %swap3A_962 = vector.shape_cast %swap3A_961 : vector<1x16xf32> to vector<1x16xf32>
      %swap3A_963 = vector.shape_cast %get3A_953 : vector<1x16xf32> to vector<1x16xf32>
      tpu.vector_store %swap3A_958[%swap3A_959, %swap3A_960], %swap3A_963 {add = true, strides = array<i32>} : memref<200x32xf32, #tpu.memory_space<vmem>>, vector<1x16xf32>,
    }
    %scan3A_230 = arith.constant 25 : i32
    %add3A_231 = arith.constant 400 : i32
    %add3A_232 = arith.addi %mul3A_2, %add3A_231 : i32
    %dma_start3A_233 = arith.constant 2 : i32
    %dma_start3A_234 = arith.constant 0 : i32
    %dma_start3A_235 = arith.constant 0 : i32
    %dma_start3A_236 = tpu.memref_slice %arg8[%dma_start3A_233, %dma_start3A_234, %dma_start3A_235] : memref<4x200x32xf32, #tpu.memory_space<vmem>> -> memref<1x200x32xf32, #tpu.memory_space<vmem>>
    %dma_start3A_237 = tpu.memref_squeeze %dma_start3A_236 : memref<1x200x32xf32, #tpu.memory_space<vmem>> -> memref<200x32xf32, #tpu.memory_space<vmem>>
    %dma_start3A_238 = arith.constant 0 : i32
    %dma_start3A_239 = tpu.memref_slice %arg5[%add3A_232, %dma_start3A_238] : memref<819200x128xf32, #tpu.memory_space<hbm>> -> memref<200x32xf32, #tpu.memory_space<hbm>>
    %dma_start3A_240 = arith.constant 0 : i32
    %dma_start3A_241 = tpu.memref_slice %arg5[%add3A_232, %dma_start3A_240] : memref<819200x128xf32, #tpu.memory_space<hbm>> -> memref<200x32xf32, #tpu.memory_space<hbm>>
    %dma_start3A_242 = arith.constant 0 : i32
    %dma_start3A_243 = arith.constant 0 : i32
    %dma_start3A_244 = tpu.memref_slice %arg8[%dma_start3A_233, %dma_start3A_242, %dma_start3A_243] : memref<4x200x32xf32, #tpu.memory_space<vmem>> -> memref<1x200x32xf32, #tpu.memory_space<vmem>>
    %dma_start3A_245 = tpu.memref_squeeze %dma_start3A_244 : memref<1x200x32xf32, #tpu.memory_space<vmem>> -> memref<200x32xf32, #tpu.memory_space<vmem>>
    tpu.enqueue_dma source(%dma_start3A_245 : memref<200x32xf32, #tpu.memory_space<vmem>>) target(%dma_start3A_241 : memref<200x32xf32, #tpu.memory_space<hbm>>) target_semaphore(%arg16 : memref<!tpu.dma_semaphore, #tpu.memory_space<semaphore_mem>>)
    %add3A_246 = arith.constant 0 : i32
    %add3A_247 = arith.addi %mul3A_2, %add3A_246 : i32
    %dma_wait3A_248 = arith.constant 0 : i32
    %dma_wait3A_249 = arith.constant 0 : i32
    %dma_wait3A_250 = arith.constant 0 : i32
    %dma_wait3A_251 = tpu.memref_slice %arg8[%dma_wait3A_248, %dma_wait3A_249, %dma_wait3A_250] : memref<4x200x32xf32, #tpu.memory_space<vmem>> -> memref<1x200x32xf32, #tpu.memory_space<vmem>>
    %dma_wait3A_252 = tpu.memref_squeeze %dma_wait3A_251 : memref<1x200x32xf32, #tpu.memory_space<vmem>> -> memref<200x32xf32, #tpu.memory_space<vmem>>
    %dma_wait3A_253 = arith.constant 0 : i32
    %dma_wait3A_254 = tpu.memref_slice %arg5[%add3A_247, %dma_wait3A_253] : memref<819200x128xf32, #tpu.memory_space<hbm>> -> memref<200x32xf32, #tpu.memory_space<hbm>>
    %dma_wait3A_255 = arith.constant 0 : i32
    %dma_wait3A_256 = tpu.memref_slice %arg5[%add3A_247, %dma_wait3A_255] : memref<819200x128xf32, #tpu.memory_space<hbm>> -> memref<200x32xf32, #tpu.memory_space<hbm>>
    %dma_wait3A_257 = arith.constant 0 : i32
    %dma_wait3A_258 = arith.constant 0 : i32
    %dma_wait3A_259 = tpu.memref_slice %arg8[%dma_wait3A_248, %dma_wait3A_257, %dma_wait3A_258] : memref<4x200x32xf32, #tpu.memory_space<vmem>> -> memref<1x200x32xf32, #tpu.memory_space<vmem>>
    %dma_wait3A_260 = tpu.memref_squeeze %dma_wait3A_259 : memref<1x200x32xf32, #tpu.memory_space<vmem>> -> memref<200x32xf32, #tpu.memory_space<vmem>>
    tpu.wait_dma2 semaphore(%arg14 : memref<!tpu.dma_semaphore, #tpu.memory_space<semaphore_mem>>) src(%dma_wait3A_260 : memref<200x32xf32, #tpu.memory_space<vmem>>) dst(%dma_wait3A_256 : memref<200x32xf32, #tpu.memory_space<hbm>>)
    %dma_start3A_261 = arith.constant 0 : i32
    %dma_start3A_262 = arith.constant 0 : i32
    %dma_start3A_263 = arith.constant 0 : i32
    %dma_start3A_264 = tpu.memref_slice %arg8[%dma_start3A_261, %dma_start3A_262, %dma_start3A_263] : memref<4x200x32xf32, #tpu.memory_space<vmem>> -> memref<1x200x32xf32, #tpu.memory_space<vmem>>
    %dma_start3A_265 = tpu.memref_squeeze %dma_start3A_264 : memref<1x200x32xf32, #tpu.memory_space<vmem>> -> memref<200x32xf32, #tpu.memory_space<vmem>>
    %dma_start3A_266 = arith.constant 0 : i32
    %dma_start3A_267 = arith.constant 0 : i32
    %dma_start3A_268 = tpu.memref_slice %dma_start3A_265[%dma_start3A_266, %dma_start3A_267] : memref<200x32xf32, #tpu.memory_space<vmem>> -> memref<104x32xf32, #tpu.memory_space<vmem>>
    %dma_start3A_269 = arith.constant 800 : i32
    %dma_start3A_270 = tpu.memref_slice %arg7[%dma_start3A_269] : memref<25600xi32, #tpu.memory_space<vmem>> -> memref<104xi32, #tpu.memory_space<vmem>>
    %dma_start3A_271 = arith.constant 0 : i32
    %dma_start3A_272 = arith.constant 0 : i32
    %dma_start3A_273 = tpu.memref_slice %arg3[%dma_start3A_271, %dma_start3A_272] : memref<1000000x32xf32, #tpu.memory_space<hbm>> -> memref<1000000x32xf32, #tpu.memory_space<hbm>>
    tpu.enqueue_indirect_dma source(%dma_start3A_273 : memref<1000000x32xf32, #tpu.memory_space<hbm>>) target(%dma_start3A_268 : memref<104x32xf32, #tpu.memory_space<vmem>>) offsets(%dma_start3A_270 : memref<104xi32, #tpu.memory_space<vmem>>) semaphore(%arg10 : memref<!tpu.dma_semaphore, #tpu.memory_space<semaphore_mem>>)
    %dma_start3A_274 = arith.constant 0 : i32
    %dma_start3A_275 = arith.constant 0 : i32
    %dma_start3A_276 = arith.constant 0 : i32
    %dma_start3A_277 = tpu.memref_slice %arg8[%dma_start3A_274, %dma_start3A_275, %dma_start3A_276] : memref<4x200x32xf32, #tpu.memory_space<vmem>> -> memref<1x200x32xf32, #tpu.memory_space<vmem>>
    %dma_start3A_278 = tpu.memref_squeeze %dma_start3A_277 : memref<1x200x32xf32, #tpu.memory_space<vmem>> -> memref<200x32xf32, #tpu.memory_space<vmem>>
    %dma_start3A_279 = arith.constant 104 : i32
    %dma_start3A_280 = arith.constant 0 : i32
    %dma_start3A_281 = tpu.memref_slice %dma_start3A_278[%dma_start3A_279, %dma_start3A_280] : memref<200x32xf32, #tpu.memory_space<vmem>> -> memref<96x32xf32, #tpu.memory_space<vmem>>
    %dma_start3A_282 = arith.constant 904 : i32
    %dma_start3A_283 = tpu.memref_slice %arg7[%dma_start3A_282] : memref<25600xi32, #tpu.memory_space<vmem>> -> memref<96xi32, #tpu.memory_space<vmem>>
    %dma_start3A_284 = arith.constant 0 : i32
    %dma_start3A_285 = arith.constant 0 : i32
    %dma_start3A_286 = tpu.memref_slice %arg3[%dma_start3A_284, %dma_start3A_285] : memref<1000000x32xf32, #tpu.memory_space<hbm>> -> memref<1000000x32xf32, #tpu.memory_space<hbm>>
    tpu.enqueue_indirect_dma source(%dma_start3A_286 : memref<1000000x32xf32, #tpu.memory_space<hbm>>) target(%dma_start3A_281 : memref<96x32xf32, #tpu.memory_space<vmem>>) offsets(%dma_start3A_283 : memref<96xi32, #tpu.memory_space<vmem>>) semaphore(%arg10 : memref<!tpu.dma_semaphore, #tpu.memory_space<semaphore_mem>>)
    %dma_wait3A_287 = arith.constant 3 : i32
    %dma_wait3A_288 = arith.constant 0 : i32
    %dma_wait3A_289 = arith.constant 0 : i32
    %dma_wait3A_290 = tpu.memref_slice %arg8[%dma_wait3A_287, %dma_wait3A_288, %dma_wait3A_289] : memref<4x200x32xf32, #tpu.memory_space<vmem>> -> memref<1x200x32xf32, #tpu.memory_space<vmem>>
    %dma_wait3A_291 = tpu.memref_squeeze %dma_wait3A_290 : memref<1x200x32xf32, #tpu.memory_space<vmem>> -> memref<200x32xf32, #tpu.memory_space<vmem>>
    %dma_wait3A_292 = arith.constant 0 : i32
    %dma_wait3A_293 = arith.constant 0 : i32
    %dma_wait3A_294 = tpu.memref_slice %dma_wait3A_291[%dma_wait3A_292, %dma_wait3A_293] : memref<200x32xf32, #tpu.memory_space<vmem>> -> memref<104x32xf32, #tpu.memory_space<vmem>>
    %dma_wait3A_295 = arith.constant 600 : i32
    %dma_wait3A_296 = tpu.memref_slice %arg7[%dma_wait3A_295] : memref<25600xi32, #tpu.memory_space<vmem>> -> memref<104xi32, #tpu.memory_space<vmem>>
    %dma_wait3A_297 = arith.constant 0 : i32
    %dma_wait3A_298 = arith.constant 0 : i32
    %dma_wait3A_299 = tpu.memref_slice %arg3[%dma_wait3A_297, %dma_wait3A_298] : memref<1000000x32xf32, #tpu.memory_space<hbm>> -> memref<1000000x32xf32, #tpu.memory_space<hbm>>
    tpu.wait_indirect_dma semaphore(%arg13 : memref<!tpu.dma_semaphore, #tpu.memory_space<semaphore_mem>>) src(%dma_wait3A_299 : memref<1000000x32xf32, #tpu.memory_space<hbm>>) dst(%dma_wait3A_294 : memref<104x32xf32, #tpu.memory_space<vmem>>)
    %dma_wait3A_300 = arith.constant 3 : i32
    %dma_wait3A_301 = arith.constant 0 : i32
    %dma_wait3A_302 = arith.constant 0 : i32
    %dma_wait3A_303 = tpu.memref_slice %arg8[%dma_wait3A_300, %dma_wait3A_301, %dma_wait3A_302] : memref<4x200x32xf32, #tpu.memory_space<vmem>> -> memref<1x200x32xf32, #tpu.memory_space<vmem>>
    %dma_wait3A_304 = tpu.memref_squeeze %dma_wait3A_303 : memref<1x200x32xf32, #tpu.memory_space<vmem>> -> memref<200x32xf32, #tpu.memory_space<vmem>>
    %dma_wait3A_305 = arith.constant 104 : i32
    %dma_wait3A_306 = arith.constant 0 : i32
    %dma_wait3A_307 = tpu.memref_slice %dma_wait3A_304[%dma_wait3A_305, %dma_wait3A_306] : memref<200x32xf32, #tpu.memory_space<vmem>> -> memref<96x32xf32, #tpu.memory_space<vmem>>
    %dma_wait3A_308 = arith.constant 704 : i32
    %dma_wait3A_309 = tpu.memref_slice %arg7[%dma_wait3A_308] : memref<25600xi32, #tpu.memory_space<vmem>> -> memref<96xi32, #tpu.memory_space<vmem>>
    %dma_wait3A_310 = arith.constant 0 : i32
    %dma_wait3A_311 = arith.constant 0 : i32
    %dma_wait3A_312 = tpu.memref_slice %arg3[%dma_wait3A_310, %dma_wait3A_311] : memref<1000000x32xf32, #tpu.memory_space<hbm>> -> memref<1000000x32xf32, #tpu.memory_space<hbm>>
    tpu.wait_indirect_dma semaphore(%arg13 : memref<!tpu.dma_semaphore, #tpu.memory_space<semaphore_mem>>) src(%dma_wait3A_312 : memref<1000000x32xf32, #tpu.memory_space<hbm>>) dst(%dma_wait3A_307 : memref<96x32xf32, #tpu.memory_space<vmem>>)
    %scan3A_313 = arith.constant 0 : i32
    %scan3A_314 = arith.constant 25 : i32
    %scan3A_315 = arith.addi %scan3A_313, %scan3A_314 : i32
    %scan3A_316 = arith.constant 1 : i32
    scf.for %scan3A_705 = %scan3A_313 to %scan3A_315 step %scan3A_316  : i32 {
      %mul3A_706 = arith.constant 8 : i32
      %mul3A_707 = arith.muli %scan3A_705, %mul3A_706 : i32
      %add3A_708 = arith.constant 0 : i32
      %add3A_709 = arith.addi %add3A_708, %mul3A_707 : i32
      %add3A_710 = arith.constant 0 : i32
      %add3A_711 = arith.addi %add3A_709, %add3A_710 : i32
      %get3A = arith.index_cast %add3A_711 : i32 to index
      %get3A_712 = arith.constant 0 : index
      %get3A_713 = tpu.vector_load %arg6[%get3A, %get3A_712] {strides = array<i32>} : memref<200x32xf32, #tpu.memory_space<vmem>>, vector<1x16xf32>,
      %get3A_714 = vector.shape_cast %get3A_713 : vector<1x16xf32> to vector<1x16xf32>
      %swap3A = arith.constant 3 : i32
      %swap3A_715 = arith.constant 0 : i32
      %swap3A_716 = arith.constant 0 : i32
      %swap3A_717 = tpu.memref_slice %arg8[%swap3A, %swap3A_715, %swap3A_716] : memref<4x200x32xf32, #tpu.memory_space<vmem>> -> memref<1x200x32xf32, #tpu.memory_space<vmem>>
      %swap3A_718 = tpu.memref_squeeze %swap3A_717 : memref<1x200x32xf32, #tpu.memory_space<vmem>> -> memref<200x32xf32, #tpu.memory_space<vmem>>
      %swap3A_719 = arith.index_cast %add3A_711 : i32 to index
      %swap3A_720 = arith.constant 0 : index
      %swap3A_721 = tpu.vector_load %swap3A_718[%swap3A_719, %swap3A_720] {strides = array<i32>} : memref<200x32xf32, #tpu.memory_space<vmem>>, vector<1x16xf32>,
      %swap3A_722 = vector.shape_cast %swap3A_721 : vector<1x16xf32> to vector<1x16xf32>
      %swap3A_723 = vector.shape_cast %get3A_714 : vector<1x16xf32> to vector<1x16xf32>
      tpu.vector_store %swap3A_718[%swap3A_719, %swap3A_720], %swap3A_723 {add = true, strides = array<i32>} : memref<200x32xf32, #tpu.memory_space<vmem>>, vector<1x16xf32>,
      %add3A_724 = arith.constant 0 : i32
      %add3A_725 = arith.addi %add3A_709, %add3A_724 : i32
      %get3A_726 = arith.index_cast %add3A_725 : i32 to index
      %get3A_727 = arith.constant 16 : index
      %get3A_728 = tpu.vector_load %arg6[%get3A_726, %get3A_727] {strides = array<i32>} : memref<200x32xf32, #tpu.memory_space<vmem>>, vector<1x16xf32>,
      %get3A_729 = vector.shape_cast %get3A_728 : vector<1x16xf32> to vector<1x16xf32>
      %swap3A_730 = arith.constant 3 : i32
      %swap3A_731 = arith.constant 0 : i32
      %swap3A_732 = arith.constant 0 : i32
      %swap3A_733 = tpu.memref_slice %arg8[%swap3A_730, %swap3A_731, %swap3A_732] : memref<4x200x32xf32, #tpu.memory_space<vmem>> -> memref<1x200x32xf32, #tpu.memory_space<vmem>>
      %swap3A_734 = tpu.memref_squeeze %swap3A_733 : memref<1x200x32xf32, #tpu.memory_space<vmem>> -> memref<200x32xf32, #tpu.memory_space<vmem>>
      %swap3A_735 = arith.index_cast %add3A_725 : i32 to index
      %swap3A_736 = arith.constant 16 : index
      %swap3A_737 = tpu.vector_load %swap3A_734[%swap3A_735, %swap3A_736] {strides = array<i32>} : memref<200x32xf32, #tpu.memory_space<vmem>>, vector<1x16xf32>,
      %swap3A_738 = vector.shape_cast %swap3A_737 : vector<1x16xf32> to vector<1x16xf32>
      %swap3A_739 = vector.shape_cast %get3A_729 : vector<1x16xf32> to vector<1x16xf32>
      tpu.vector_store %swap3A_734[%swap3A_735, %swap3A_736], %swap3A_739 {add = true, strides = array<i32>} : memref<200x32xf32, #tpu.memory_space<vmem>>, vector<1x16xf32>,
      %add3A_740 = arith.constant 1 : i32
      %add3A_741 = arith.addi %add3A_709, %add3A_740 : i32
      %get3A_742 = arith.index_cast %add3A_741 : i32 to index
      %get3A_743 = arith.constant 0 : index
      %get3A_744 = tpu.vector_load %arg6[%get3A_742, %get3A_743] {strides = array<i32>} : memref<200x32xf32, #tpu.memory_space<vmem>>, vector<1x16xf32>,
      %get3A_745 = vector.shape_cast %get3A_744 : vector<1x16xf32> to vector<1x16xf32>
      %swap3A_746 = arith.constant 3 : i32
      %swap3A_747 = arith.constant 0 : i32
      %swap3A_748 = arith.constant 0 : i32
      %swap3A_749 = tpu.memref_slice %arg8[%swap3A_746, %swap3A_747, %swap3A_748] : memref<4x200x32xf32, #tpu.memory_space<vmem>> -> memref<1x200x32xf32, #tpu.memory_space<vmem>>
      %swap3A_750 = tpu.memref_squeeze %swap3A_749 : memref<1x200x32xf32, #tpu.memory_space<vmem>> -> memref<200x32xf32, #tpu.memory_space<vmem>>
      %swap3A_751 = arith.index_cast %add3A_741 : i32 to index
      %swap3A_752 = arith.constant 0 : index
      %swap3A_753 = tpu.vector_load %swap3A_750[%swap3A_751, %swap3A_752] {strides = array<i32>} : memref<200x32xf32, #tpu.memory_space<vmem>>, vector<1x16xf32>,
      %swap3A_754 = vector.shape_cast %swap3A_753 : vector<1x16xf32> to vector<1x16xf32>
      %swap3A_755 = vector.shape_cast %get3A_745 : vector<1x16xf32> to vector<1x16xf32>
      tpu.vector_store %swap3A_750[%swap3A_751, %swap3A_752], %swap3A_755 {add = true, strides = array<i32>} : memref<200x32xf32, #tpu.memory_space<vmem>>, vector<1x16xf32>,
      %add3A_756 = arith.constant 1 : i32
      %add3A_757 = arith.addi %add3A_709, %add3A_756 : i32
      %get3A_758 = arith.index_cast %add3A_757 : i32 to index
      %get3A_759 = arith.constant 16 : index
      %get3A_760 = tpu.vector_load %arg6[%get3A_758, %get3A_759] {strides = array<i32>} : memref<200x32xf32, #tpu.memory_space<vmem>>, vector<1x16xf32>,
      %get3A_761 = vector.shape_cast %get3A_760 : vector<1x16xf32> to vector<1x16xf32>
      %swap3A_762 = arith.constant 3 : i32
      %swap3A_763 = arith.constant 0 : i32
      %swap3A_764 = arith.constant 0 : i32
      %swap3A_765 = tpu.memref_slice %arg8[%swap3A_762, %swap3A_763, %swap3A_764] : memref<4x200x32xf32, #tpu.memory_space<vmem>> -> memref<1x200x32xf32, #tpu.memory_space<vmem>>
      %swap3A_766 = tpu.memref_squeeze %swap3A_765 : memref<1x200x32xf32, #tpu.memory_space<vmem>> -> memref<200x32xf32, #tpu.memory_space<vmem>>
      %swap3A_767 = arith.index_cast %add3A_757 : i32 to index
      %swap3A_768 = arith.constant 16 : index
      %swap3A_769 = tpu.vector_load %swap3A_766[%swap3A_767, %swap3A_768] {strides = array<i32>} : memref<200x32xf32, #tpu.memory_space<vmem>>, vector<1x16xf32>,
      %swap3A_770 = vector.shape_cast %swap3A_769 : vector<1x16xf32> to vector<1x16xf32>
      %swap3A_771 = vector.shape_cast %get3A_761 : vector<1x16xf32> to vector<1x16xf32>
      tpu.vector_store %swap3A_766[%swap3A_767, %swap3A_768], %swap3A_771 {add = true, strides = array<i32>} : memref<200x32xf32, #tpu.memory_space<vmem>>, vector<1x16xf32>,
      %add3A_772 = arith.constant 2 : i32
      %add3A_773 = arith.addi %add3A_709, %add3A_772 : i32
      %get3A_774 = arith.index_cast %add3A_773 : i32 to index
      %get3A_775 = arith.constant 0 : index
      %get3A_776 = tpu.vector_load %arg6[%get3A_774, %get3A_775] {strides = array<i32>} : memref<200x32xf32, #tpu.memory_space<vmem>>, vector<1x16xf32>,
      %get3A_777 = vector.shape_cast %get3A_776 : vector<1x16xf32> to vector<1x16xf32>
      %swap3A_778 = arith.constant 3 : i32
      %swap3A_779 = arith.constant 0 : i32
      %swap3A_780 = arith.constant 0 : i32
      %swap3A_781 = tpu.memref_slice %arg8[%swap3A_778, %swap3A_779, %swap3A_780] : memref<4x200x32xf32, #tpu.memory_space<vmem>> -> memref<1x200x32xf32, #tpu.memory_space<vmem>>
      %swap3A_782 = tpu.memref_squeeze %swap3A_781 : memref<1x200x32xf32, #tpu.memory_space<vmem>> -> memref<200x32xf32, #tpu.memory_space<vmem>>
      %swap3A_783 = arith.index_cast %add3A_773 : i32 to index
      %swap3A_784 = arith.constant 0 : index
      %swap3A_785 = tpu.vector_load %swap3A_782[%swap3A_783, %swap3A_784] {strides = array<i32>} : memref<200x32xf32, #tpu.memory_space<vmem>>, vector<1x16xf32>,
      %swap3A_786 = vector.shape_cast %swap3A_785 : vector<1x16xf32> to vector<1x16xf32>
      %swap3A_787 = vector.shape_cast %get3A_777 : vector<1x16xf32> to vector<1x16xf32>
      tpu.vector_store %swap3A_782[%swap3A_783, %swap3A_784], %swap3A_787 {add = true, strides = array<i32>} : memref<200x32xf32, #tpu.memory_space<vmem>>, vector<1x16xf32>,
      %add3A_788 = arith.constant 2 : i32
      %add3A_789 = arith.addi %add3A_709, %add3A_788 : i32
      %get3A_790 = arith.index_cast %add3A_789 : i32 to index
      %get3A_791 = arith.constant 16 : index
      %get3A_792 = tpu.vector_load %arg6[%get3A_790, %get3A_791] {strides = array<i32>} : memref<200x32xf32, #tpu.memory_space<vmem>>, vector<1x16xf32>,
      %get3A_793 = vector.shape_cast %get3A_792 : vector<1x16xf32> to vector<1x16xf32>
      %swap3A_794 = arith.constant 3 : i32
      %swap3A_795 = arith.constant 0 : i32
      %swap3A_796 = arith.constant 0 : i32
      %swap3A_797 = tpu.memref_slice %arg8[%swap3A_794, %swap3A_795, %swap3A_796] : memref<4x200x32xf32, #tpu.memory_space<vmem>> -> memref<1x200x32xf32, #tpu.memory_space<vmem>>
      %swap3A_798 = tpu.memref_squeeze %swap3A_797 : memref<1x200x32xf32, #tpu.memory_space<vmem>> -> memref<200x32xf32, #tpu.memory_space<vmem>>
      %swap3A_799 = arith.index_cast %add3A_789 : i32 to index
      %swap3A_800 = arith.constant 16 : index
      %swap3A_801 = tpu.vector_load %swap3A_798[%swap3A_799, %swap3A_800] {strides = array<i32>} : memref<200x32xf32, #tpu.memory_space<vmem>>, vector<1x16xf32>,
      %swap3A_802 = vector.shape_cast %swap3A_801 : vector<1x16xf32> to vector<1x16xf32>
      %swap3A_803 = vector.shape_cast %get3A_793 : vector<1x16xf32> to vector<1x16xf32>
      tpu.vector_store %swap3A_798[%swap3A_799, %swap3A_800], %swap3A_803 {add = true, strides = array<i32>} : memref<200x32xf32, #tpu.memory_space<vmem>>, vector<1x16xf32>,
      %add3A_804 = arith.constant 3 : i32
      %add3A_805 = arith.addi %add3A_709, %add3A_804 : i32
      %get3A_806 = arith.index_cast %add3A_805 : i32 to index
      %get3A_807 = arith.constant 0 : index
      %get3A_808 = tpu.vector_load %arg6[%get3A_806, %get3A_807] {strides = array<i32>} : memref<200x32xf32, #tpu.memory_space<vmem>>, vector<1x16xf32>,
      %get3A_809 = vector.shape_cast %get3A_808 : vector<1x16xf32> to vector<1x16xf32>
      %swap3A_810 = arith.constant 3 : i32
      %swap3A_811 = arith.constant 0 : i32
      %swap3A_812 = arith.constant 0 : i32
      %swap3A_813 = tpu.memref_slice %arg8[%swap3A_810, %swap3A_811, %swap3A_812] : memref<4x200x32xf32, #tpu.memory_space<vmem>> -> memref<1x200x32xf32, #tpu.memory_space<vmem>>
      %swap3A_814 = tpu.memref_squeeze %swap3A_813 : memref<1x200x32xf32, #tpu.memory_space<vmem>> -> memref<200x32xf32, #tpu.memory_space<vmem>>
      %swap3A_815 = arith.index_cast %add3A_805 : i32 to index
      %swap3A_816 = arith.constant 0 : index
      %swap3A_817 = tpu.vector_load %swap3A_814[%swap3A_815, %swap3A_816] {strides = array<i32>} : memref<200x32xf32, #tpu.memory_space<vmem>>, vector<1x16xf32>,
      %swap3A_818 = vector.shape_cast %swap3A_817 : vector<1x16xf32> to vector<1x16xf32>
      %swap3A_819 = vector.shape_cast %get3A_809 : vector<1x16xf32> to vector<1x16xf32>
      tpu.vector_store %swap3A_814[%swap3A_815, %swap3A_816], %swap3A_819 {add = true, strides = array<i32>} : memref<200x32xf32, #tpu.memory_space<vmem>>, vector<1x16xf32>,
      %add3A_820 = arith.constant 3 : i32
      %add3A_821 = arith.addi %add3A_709, %add3A_820 : i32
      %get3A_822 = arith.index_cast %add3A_821 : i32 to index
      %get3A_823 = arith.constant 16 : index
      %get3A_824 = tpu.vector_load %arg6[%get3A_822, %get3A_823] {strides = array<i32>} : memref<200x32xf32, #tpu.memory_space<vmem>>, vector<1x16xf32>,
      %get3A_825 = vector.shape_cast %get3A_824 : vector<1x16xf32> to vector<1x16xf32>
      %swap3A_826 = arith.constant 3 : i32
      %swap3A_827 = arith.constant 0 : i32
      %swap3A_828 = arith.constant 0 : i32
      %swap3A_829 = tpu.memref_slice %arg8[%swap3A_826, %swap3A_827, %swap3A_828] : memref<4x200x32xf32, #tpu.memory_space<vmem>> -> memref<1x200x32xf32, #tpu.memory_space<vmem>>
      %swap3A_830 = tpu.memref_squeeze %swap3A_829 : memref<1x200x32xf32, #tpu.memory_space<vmem>> -> memref<200x32xf32, #tpu.memory_space<vmem>>
      %swap3A_831 = arith.index_cast %add3A_821 : i32 to index
      %swap3A_832 = arith.constant 16 : index
      %swap3A_833 = tpu.vector_load %swap3A_830[%swap3A_831, %swap3A_832] {strides = array<i32>} : memref<200x32xf32, #tpu.memory_space<vmem>>, vector<1x16xf32>,
      %swap3A_834 = vector.shape_cast %swap3A_833 : vector<1x16xf32> to vector<1x16xf32>
      %swap3A_835 = vector.shape_cast %get3A_825 : vector<1x16xf32> to vector<1x16xf32>
      tpu.vector_store %swap3A_830[%swap3A_831, %swap3A_832], %swap3A_835 {add = true, strides = array<i32>} : memref<200x32xf32, #tpu.memory_space<vmem>>, vector<1x16xf32>,
      %add3A_836 = arith.constant 4 : i32
      %add3A_837 = arith.addi %add3A_709, %add3A_836 : i32
      %get3A_838 = arith.index_cast %add3A_837 : i32 to index
      %get3A_839 = arith.constant 0 : index
      %get3A_840 = tpu.vector_load %arg6[%get3A_838, %get3A_839] {strides = array<i32>} : memref<200x32xf32, #tpu.memory_space<vmem>>, vector<1x16xf32>,
      %get3A_841 = vector.shape_cast %get3A_840 : vector<1x16xf32> to vector<1x16xf32>
      %swap3A_842 = arith.constant 3 : i32
      %swap3A_843 = arith.constant 0 : i32
      %swap3A_844 = arith.constant 0 : i32
      %swap3A_845 = tpu.memref_slice %arg8[%swap3A_842, %swap3A_843, %swap3A_844] : memref<4x200x32xf32, #tpu.memory_space<vmem>> -> memref<1x200x32xf32, #tpu.memory_space<vmem>>
      %swap3A_846 = tpu.memref_squeeze %swap3A_845 : memref<1x200x32xf32, #tpu.memory_space<vmem>> -> memref<200x32xf32, #tpu.memory_space<vmem>>
      %swap3A_847 = arith.index_cast %add3A_837 : i32 to index
      %swap3A_848 = arith.constant 0 : index
      %swap3A_849 = tpu.vector_load %swap3A_846[%swap3A_847, %swap3A_848] {strides = array<i32>} : memref<200x32xf32, #tpu.memory_space<vmem>>, vector<1x16xf32>,
      %swap3A_850 = vector.shape_cast %swap3A_849 : vector<1x16xf32> to vector<1x16xf32>
      %swap3A_851 = vector.shape_cast %get3A_841 : vector<1x16xf32> to vector<1x16xf32>
      tpu.vector_store %swap3A_846[%swap3A_847, %swap3A_848], %swap3A_851 {add = true, strides = array<i32>} : memref<200x32xf32, #tpu.memory_space<vmem>>, vector<1x16xf32>,
      %add3A_852 = arith.constant 4 : i32
      %add3A_853 = arith.addi %add3A_709, %add3A_852 : i32
      %get3A_854 = arith.index_cast %add3A_853 : i32 to index
      %get3A_855 = arith.constant 16 : index
      %get3A_856 = tpu.vector_load %arg6[%get3A_854, %get3A_855] {strides = array<i32>} : memref<200x32xf32, #tpu.memory_space<vmem>>, vector<1x16xf32>,
      %get3A_857 = vector.shape_cast %get3A_856 : vector<1x16xf32> to vector<1x16xf32>
      %swap3A_858 = arith.constant 3 : i32
      %swap3A_859 = arith.constant 0 : i32
      %swap3A_860 = arith.constant 0 : i32
      %swap3A_861 = tpu.memref_slice %arg8[%swap3A_858, %swap3A_859, %swap3A_860] : memref<4x200x32xf32, #tpu.memory_space<vmem>> -> memref<1x200x32xf32, #tpu.memory_space<vmem>>
      %swap3A_862 = tpu.memref_squeeze %swap3A_861 : memref<1x200x32xf32, #tpu.memory_space<vmem>> -> memref<200x32xf32, #tpu.memory_space<vmem>>
      %swap3A_863 = arith.index_cast %add3A_853 : i32 to index
      %swap3A_864 = arith.constant 16 : index
      %swap3A_865 = tpu.vector_load %swap3A_862[%swap3A_863, %swap3A_864] {strides = array<i32>} : memref<200x32xf32, #tpu.memory_space<vmem>>, vector<1x16xf32>,
      %swap3A_866 = vector.shape_cast %swap3A_865 : vector<1x16xf32> to vector<1x16xf32>
      %swap3A_867 = vector.shape_cast %get3A_857 : vector<1x16xf32> to vector<1x16xf32>
      tpu.vector_store %swap3A_862[%swap3A_863, %swap3A_864], %swap3A_867 {add = true, strides = array<i32>} : memref<200x32xf32, #tpu.memory_space<vmem>>, vector<1x16xf32>,
      %add3A_868 = arith.constant 5 : i32
      %add3A_869 = arith.addi %add3A_709, %add3A_868 : i32
      %get3A_870 = arith.index_cast %add3A_869 : i32 to index
      %get3A_871 = arith.constant 0 : index
      %get3A_872 = tpu.vector_load %arg6[%get3A_870, %get3A_871] {strides = array<i32>} : memref<200x32xf32, #tpu.memory_space<vmem>>, vector<1x16xf32>,
      %get3A_873 = vector.shape_cast %get3A_872 : vector<1x16xf32> to vector<1x16xf32>
      %swap3A_874 = arith.constant 3 : i32
      %swap3A_875 = arith.constant 0 : i32
      %swap3A_876 = arith.constant 0 : i32
      %swap3A_877 = tpu.memref_slice %arg8[%swap3A_874, %swap3A_875, %swap3A_876] : memref<4x200x32xf32, #tpu.memory_space<vmem>> -> memref<1x200x32xf32, #tpu.memory_space<vmem>>
      %swap3A_878 = tpu.memref_squeeze %swap3A_877 : memref<1x200x32xf32, #tpu.memory_space<vmem>> -> memref<200x32xf32, #tpu.memory_space<vmem>>
      %swap3A_879 = arith.index_cast %add3A_869 : i32 to index
      %swap3A_880 = arith.constant 0 : index
      %swap3A_881 = tpu.vector_load %swap3A_878[%swap3A_879, %swap3A_880] {strides = array<i32>} : memref<200x32xf32, #tpu.memory_space<vmem>>, vector<1x16xf32>,
      %swap3A_882 = vector.shape_cast %swap3A_881 : vector<1x16xf32> to vector<1x16xf32>
      %swap3A_883 = vector.shape_cast %get3A_873 : vector<1x16xf32> to vector<1x16xf32>
      tpu.vector_store %swap3A_878[%swap3A_879, %swap3A_880], %swap3A_883 {add = true, strides = array<i32>} : memref<200x32xf32, #tpu.memory_space<vmem>>, vector<1x16xf32>,
      %add3A_884 = arith.constant 5 : i32
      %add3A_885 = arith.addi %add3A_709, %add3A_884 : i32
      %get3A_886 = arith.index_cast %add3A_885 : i32 to index
      %get3A_887 = arith.constant 16 : index
      %get3A_888 = tpu.vector_load %arg6[%get3A_886, %get3A_887] {strides = array<i32>} : memref<200x32xf32, #tpu.memory_space<vmem>>, vector<1x16xf32>,
      %get3A_889 = vector.shape_cast %get3A_888 : vector<1x16xf32> to vector<1x16xf32>
      %swap3A_890 = arith.constant 3 : i32
      %swap3A_891 = arith.constant 0 : i32
      %swap3A_892 = arith.constant 0 : i32
      %swap3A_893 = tpu.memref_slice %arg8[%swap3A_890, %swap3A_891, %swap3A_892] : memref<4x200x32xf32, #tpu.memory_space<vmem>> -> memref<1x200x32xf32, #tpu.memory_space<vmem>>
      %swap3A_894 = tpu.memref_squeeze %swap3A_893 : memref<1x200x32xf32, #tpu.memory_space<vmem>> -> memref<200x32xf32, #tpu.memory_space<vmem>>
      %swap3A_895 = arith.index_cast %add3A_885 : i32 to index
      %swap3A_896 = arith.constant 16 : index
      %swap3A_897 = tpu.vector_load %swap3A_894[%swap3A_895, %swap3A_896] {strides = array<i32>} : memref<200x32xf32, #tpu.memory_space<vmem>>, vector<1x16xf32>,
      %swap3A_898 = vector.shape_cast %swap3A_897 : vector<1x16xf32> to vector<1x16xf32>
      %swap3A_899 = vector.shape_cast %get3A_889 : vector<1x16xf32> to vector<1x16xf32>
      tpu.vector_store %swap3A_894[%swap3A_895, %swap3A_896], %swap3A_899 {add = true, strides = array<i32>} : memref<200x32xf32, #tpu.memory_space<vmem>>, vector<1x16xf32>,
      %add3A_900 = arith.constant 6 : i32
      %add3A_901 = arith.addi %add3A_709, %add3A_900 : i32
      %get3A_902 = arith.index_cast %add3A_901 : i32 to index
      %get3A_903 = arith.constant 0 : index
      %get3A_904 = tpu.vector_load %arg6[%get3A_902, %get3A_903] {strides = array<i32>} : memref<200x32xf32, #tpu.memory_space<vmem>>, vector<1x16xf32>,
      %get3A_905 = vector.shape_cast %get3A_904 : vector<1x16xf32> to vector<1x16xf32>
      %swap3A_906 = arith.constant 3 : i32
      %swap3A_907 = arith.constant 0 : i32
      %swap3A_908 = arith.constant 0 : i32
      %swap3A_909 = tpu.memref_slice %arg8[%swap3A_906, %swap3A_907, %swap3A_908] : memref<4x200x32xf32, #tpu.memory_space<vmem>> -> memref<1x200x32xf32, #tpu.memory_space<vmem>>
      %swap3A_910 = tpu.memref_squeeze %swap3A_909 : memref<1x200x32xf32, #tpu.memory_space<vmem>> -> memref<200x32xf32, #tpu.memory_space<vmem>>
      %swap3A_911 = arith.index_cast %add3A_901 : i32 to index
      %swap3A_912 = arith.constant 0 : index
      %swap3A_913 = tpu.vector_load %swap3A_910[%swap3A_911, %swap3A_912] {strides = array<i32>} : memref<200x32xf32, #tpu.memory_space<vmem>>, vector<1x16xf32>,
      %swap3A_914 = vector.shape_cast %swap3A_913 : vector<1x16xf32> to vector<1x16xf32>
      %swap3A_915 = vector.shape_cast %get3A_905 : vector<1x16xf32> to vector<1x16xf32>
      tpu.vector_store %swap3A_910[%swap3A_911, %swap3A_912], %swap3A_915 {add = true, strides = array<i32>} : memref<200x32xf32, #tpu.memory_space<vmem>>, vector<1x16xf32>,
      %add3A_916 = arith.constant 6 : i32
      %add3A_917 = arith.addi %add3A_709, %add3A_916 : i32
      %get3A_918 = arith.index_cast %add3A_917 : i32 to index
      %get3A_919 = arith.constant 16 : index
      %get3A_920 = tpu.vector_load %arg6[%get3A_918, %get3A_919] {strides = array<i32>} : memref<200x32xf32, #tpu.memory_space<vmem>>, vector<1x16xf32>,
      %get3A_921 = vector.shape_cast %get3A_920 : vector<1x16xf32> to vector<1x16xf32>
      %swap3A_922 = arith.constant 3 : i32
      %swap3A_923 = arith.constant 0 : i32
      %swap3A_924 = arith.constant 0 : i32
      %swap3A_925 = tpu.memref_slice %arg8[%swap3A_922, %swap3A_923, %swap3A_924] : memref<4x200x32xf32, #tpu.memory_space<vmem>> -> memref<1x200x32xf32, #tpu.memory_space<vmem>>
      %swap3A_926 = tpu.memref_squeeze %swap3A_925 : memref<1x200x32xf32, #tpu.memory_space<vmem>> -> memref<200x32xf32, #tpu.memory_space<vmem>>
      %swap3A_927 = arith.index_cast %add3A_917 : i32 to index
      %swap3A_928 = arith.constant 16 : index
      %swap3A_929 = tpu.vector_load %swap3A_926[%swap3A_927, %swap3A_928] {strides = array<i32>} : memref<200x32xf32, #tpu.memory_space<vmem>>, vector<1x16xf32>,
      %swap3A_930 = vector.shape_cast %swap3A_929 : vector<1x16xf32> to vector<1x16xf32>
      %swap3A_931 = vector.shape_cast %get3A_921 : vector<1x16xf32> to vector<1x16xf32>
      tpu.vector_store %swap3A_926[%swap3A_927, %swap3A_928], %swap3A_931 {add = true, strides = array<i32>} : memref<200x32xf32, #tpu.memory_space<vmem>>, vector<1x16xf32>,
      %add3A_932 = arith.constant 7 : i32
      %add3A_933 = arith.addi %add3A_709, %add3A_932 : i32
      %get3A_934 = arith.index_cast %add3A_933 : i32 to index
      %get3A_935 = arith.constant 0 : index
      %get3A_936 = tpu.vector_load %arg6[%get3A_934, %get3A_935] {strides = array<i32>} : memref<200x32xf32, #tpu.memory_space<vmem>>, vector<1x16xf32>,
      %get3A_937 = vector.shape_cast %get3A_936 : vector<1x16xf32> to vector<1x16xf32>
      %swap3A_938 = arith.constant 3 : i32
      %swap3A_939 = arith.constant 0 : i32
      %swap3A_940 = arith.constant 0 : i32
      %swap3A_941 = tpu.memref_slice %arg8[%swap3A_938, %swap3A_939, %swap3A_940] : memref<4x200x32xf32, #tpu.memory_space<vmem>> -> memref<1x200x32xf32, #tpu.memory_space<vmem>>
      %swap3A_942 = tpu.memref_squeeze %swap3A_941 : memref<1x200x32xf32, #tpu.memory_space<vmem>> -> memref<200x32xf32, #tpu.memory_space<vmem>>
      %swap3A_943 = arith.index_cast %add3A_933 : i32 to index
      %swap3A_944 = arith.constant 0 : index
      %swap3A_945 = tpu.vector_load %swap3A_942[%swap3A_943, %swap3A_944] {strides = array<i32>} : memref<200x32xf32, #tpu.memory_space<vmem>>, vector<1x16xf32>,
      %swap3A_946 = vector.shape_cast %swap3A_945 : vector<1x16xf32> to vector<1x16xf32>
      %swap3A_947 = vector.shape_cast %get3A_937 : vector<1x16xf32> to vector<1x16xf32>
      tpu.vector_store %swap3A_942[%swap3A_943, %swap3A_944], %swap3A_947 {add = true, strides = array<i32>} : memref<200x32xf32, #tpu.memory_space<vmem>>, vector<1x16xf32>,
      %add3A_948 = arith.constant 7 : i32
      %add3A_949 = arith.addi %add3A_709, %add3A_948 : i32
      %get3A_950 = arith.index_cast %add3A_949 : i32 to index
      %get3A_951 = arith.constant 16 : index
      %get3A_952 = tpu.vector_load %arg6[%get3A_950, %get3A_951] {strides = array<i32>} : memref<200x32xf32, #tpu.memory_space<vmem>>, vector<1x16xf32>,
      %get3A_953 = vector.shape_cast %get3A_952 : vector<1x16xf32> to vector<1x16xf32>
      %swap3A_954 = arith.constant 3 : i32
      %swap3A_955 = arith.constant 0 : i32
      %swap3A_956 = arith.constant 0 : i32
      %swap3A_957 = tpu.memref_slice %arg8[%swap3A_954, %swap3A_955, %swap3A_956] : memref<4x200x32xf32, #tpu.memory_space<vmem>> -> memref<1x200x32xf32, #tpu.memory_space<vmem>>
      %swap3A_958 = tpu.memref_squeeze %swap3A_957 : memref<1x200x32xf32, #tpu.memory_space<vmem>> -> memref<200x32xf32, #tpu.memory_space<vmem>>
      %swap3A_959 = arith.index_cast %add3A_949 : i32 to index
      %swap3A_960 = arith.constant 16 : index
      %swap3A_961 = tpu.vector_load %swap3A_958[%swap3A_959, %swap3A_960] {strides = array<i32>} : memref<200x32xf32, #tpu.memory_space<vmem>>, vector<1x16xf32>,
      %swap3A_962 = vector.shape_cast %swap3A_961 : vector<1x16xf32> to vector<1x16xf32>
      %swap3A_963 = vector.shape_cast %get3A_953 : vector<1x16xf32> to vector<1x16xf32>
      tpu.vector_store %swap3A_958[%swap3A_959, %swap3A_960], %swap3A_963 {add = true, strides = array<i32>} : memref<200x32xf32, #tpu.memory_space<vmem>>, vector<1x16xf32>,
    }
    %scan3A_317 = arith.constant 25 : i32
    %add3A_318 = arith.constant 600 : i32
    %add3A_319 = arith.addi %mul3A_2, %add3A_318 : i32
    %dma_start3A_320 = arith.constant 3 : i32
    %dma_start3A_321 = arith.constant 0 : i32
    %dma_start3A_322 = arith.constant 0 : i32
    %dma_start3A_323 = tpu.memref_slice %arg8[%dma_start3A_320, %dma_start3A_321, %dma_start3A_322] : memref<4x200x32xf32, #tpu.memory_space<vmem>> -> memref<1x200x32xf32, #tpu.memory_space<vmem>>
    %dma_start3A_324 = tpu.memref_squeeze %dma_start3A_323 : memref<1x200x32xf32, #tpu.memory_space<vmem>> -> memref<200x32xf32, #tpu.memory_space<vmem>>
    %dma_start3A_325 = arith.constant 0 : i32
    %dma_start3A_326 = tpu.memref_slice %arg5[%add3A_319, %dma_start3A_325] : memref<819200x128xf32, #tpu.memory_space<hbm>> -> memref<200x32xf32, #tpu.memory_space<hbm>>
    %dma_start3A_327 = arith.constant 0 : i32
    %dma_start3A_328 = tpu.memref_slice %arg5[%add3A_319, %dma_start3A_327] : memref<819200x128xf32, #tpu.memory_space<hbm>> -> memref<200x32xf32, #tpu.memory_space<hbm>>
    %dma_start3A_329 = arith.constant 0 : i32
    %dma_start3A_330 = arith.constant 0 : i32
    %dma_start3A_331 = tpu.memref_slice %arg8[%dma_start3A_320, %dma_start3A_329, %dma_start3A_330] : memref<4x200x32xf32, #tpu.memory_space<vmem>> -> memref<1x200x32xf32, #tpu.memory_space<vmem>>
    %dma_start3A_332 = tpu.memref_squeeze %dma_start3A_331 : memref<1x200x32xf32, #tpu.memory_space<vmem>> -> memref<200x32xf32, #tpu.memory_space<vmem>>
    tpu.enqueue_dma source(%dma_start3A_332 : memref<200x32xf32, #tpu.memory_space<vmem>>) target(%dma_start3A_328 : memref<200x32xf32, #tpu.memory_space<hbm>>) target_semaphore(%arg17 : memref<!tpu.dma_semaphore, #tpu.memory_space<semaphore_mem>>)
    %add3A_333 = arith.constant 200 : i32
    %add3A_334 = arith.addi %mul3A_2, %add3A_333 : i32
    %dma_wait3A_335 = arith.constant 1 : i32
    %dma_wait3A_336 = arith.constant 0 : i32
    %dma_wait3A_337 = arith.constant 0 : i32
    %dma_wait3A_338 = tpu.memref_slice %arg8[%dma_wait3A_335, %dma_wait3A_336, %dma_wait3A_337] : memref<4x200x32xf32, #tpu.memory_space<vmem>> -> memref<1x200x32xf32, #tpu.memory_space<vmem>>
    %dma_wait3A_339 = tpu.memref_squeeze %dma_wait3A_338 : memref<1x200x32xf32, #tpu.memory_space<vmem>> -> memref<200x32xf32, #tpu.memory_space<vmem>>
    %dma_wait3A_340 = arith.constant 0 : i32
    %dma_wait3A_341 = tpu.memref_slice %arg5[%add3A_334, %dma_wait3A_340] : memref<819200x128xf32, #tpu.memory_space<hbm>> -> memref<200x32xf32, #tpu.memory_space<hbm>>
    %dma_wait3A_342 = arith.constant 0 : i32
    %dma_wait3A_343 = tpu.memref_slice %arg5[%add3A_334, %dma_wait3A_342] : memref<819200x128xf32, #tpu.memory_space<hbm>> -> memref<200x32xf32, #tpu.memory_space<hbm>>
    %dma_wait3A_344 = arith.constant 0 : i32
    %dma_wait3A_345 = arith.constant 0 : i32
    %dma_wait3A_346 = tpu.memref_slice %arg8[%dma_wait3A_335, %dma_wait3A_344, %dma_wait3A_345] : memref<4x200x32xf32, #tpu.memory_space<vmem>> -> memref<1x200x32xf32, #tpu.memory_space<vmem>>
    %dma_wait3A_347 = tpu.memref_squeeze %dma_wait3A_346 : memref<1x200x32xf32, #tpu.memory_space<vmem>> -> memref<200x32xf32, #tpu.memory_space<vmem>>
    tpu.wait_dma2 semaphore(%arg15 : memref<!tpu.dma_semaphore, #tpu.memory_space<semaphore_mem>>) src(%dma_wait3A_347 : memref<200x32xf32, #tpu.memory_space<vmem>>) dst(%dma_wait3A_343 : memref<200x32xf32, #tpu.memory_space<hbm>>)
    %dma_start3A_348 = arith.constant 1 : i32
    %dma_start3A_349 = arith.constant 0 : i32
    %dma_start3A_350 = arith.constant 0 : i32
    %dma_start3A_351 = tpu.memref_slice %arg8[%dma_start3A_348, %dma_start3A_349, %dma_start3A_350] : memref<4x200x32xf32, #tpu.memory_space<vmem>> -> memref<1x200x32xf32, #tpu.memory_space<vmem>>
    %dma_start3A_352 = tpu.memref_squeeze %dma_start3A_351 : memref<1x200x32xf32, #tpu.memory_space<vmem>> -> memref<200x32xf32, #tpu.memory_space<vmem>>
    %dma_start3A_353 = arith.constant 0 : i32
    %dma_start3A_354 = arith.constant 0 : i32
    %dma_start3A_355 = tpu.memref_slice %dma_start3A_352[%dma_start3A_353, %dma_start3A_354] : memref<200x32xf32, #tpu.memory_space<vmem>> -> memref<104x32xf32, #tpu.memory_space<vmem>>
    %dma_start3A_356 = arith.constant 1000 : i32
    %dma_start3A_357 = tpu.memref_slice %arg7[%dma_start3A_356] : memref<25600xi32, #tpu.memory_space<vmem>> -> memref<104xi32, #tpu.memory_space<vmem>>
    %dma_start3A_358 = arith.constant 0 : i32
    %dma_start3A_359 = arith.constant 0 : i32
    %dma_start3A_360 = tpu.memref_slice %arg3[%dma_start3A_358, %dma_start3A_359] : memref<1000000x32xf32, #tpu.memory_space<hbm>> -> memref<1000000x32xf32, #tpu.memory_space<hbm>>
    tpu.enqueue_indirect_dma source(%dma_start3A_360 : memref<1000000x32xf32, #tpu.memory_space<hbm>>) target(%dma_start3A_355 : memref<104x32xf32, #tpu.memory_space<vmem>>) offsets(%dma_start3A_357 : memref<104xi32, #tpu.memory_space<vmem>>) semaphore(%arg11 : memref<!tpu.dma_semaphore, #tpu.memory_space<semaphore_mem>>)
    %dma_start3A_361 = arith.constant 1 : i32
    %dma_start3A_362 = arith.constant 0 : i32
    %dma_start3A_363 = arith.constant 0 : i32
    %dma_start3A_364 = tpu.memref_slice %arg8[%dma_start3A_361, %dma_start3A_362, %dma_start3A_363] : memref<4x200x32xf32, #tpu.memory_space<vmem>> -> memref<1x200x32xf32, #tpu.memory_space<vmem>>
    %dma_start3A_365 = tpu.memref_squeeze %dma_start3A_364 : memref<1x200x32xf32, #tpu.memory_space<vmem>> -> memref<200x32xf32, #tpu.memory_space<vmem>>
    %dma_start3A_366 = arith.constant 104 : i32
    %dma_start3A_367 = arith.constant 0 : i32
    %dma_start3A_368 = tpu.memref_slice %dma_start3A_365[%dma_start3A_366, %dma_start3A_367] : memref<200x32xf32, #tpu.memory_space<vmem>> -> memref<96x32xf32, #tpu.memory_space<vmem>>
    %dma_start3A_369 = arith.constant 1104 : i32
    %dma_start3A_370 = tpu.memref_slice %arg7[%dma_start3A_369] : memref<25600xi32, #tpu.memory_space<vmem>> -> memref<96xi32, #tpu.memory_space<vmem>>
    %dma_start3A_371 = arith.constant 0 : i32
    %dma_start3A_372 = arith.constant 0 : i32
    %dma_start3A_373 = tpu.memref_slice %arg3[%dma_start3A_371, %dma_start3A_372] : memref<1000000x32xf32, #tpu.memory_space<hbm>> -> memref<1000000x32xf32, #tpu.memory_space<hbm>>
    tpu.enqueue_indirect_dma source(%dma_start3A_373 : memref<1000000x32xf32, #tpu.memory_space<hbm>>) target(%dma_start3A_368 : memref<96x32xf32, #tpu.memory_space<vmem>>) offsets(%dma_start3A_370 : memref<96xi32, #tpu.memory_space<vmem>>) semaphore(%arg11 : memref<!tpu.dma_semaphore, #tpu.memory_space<semaphore_mem>>)
    %scan3A_374 = arith.constant 0 : i32
    %scan3A_375 = arith.constant 30 : i32
    %scan3A_376 = arith.addi %scan3A_374, %scan3A_375 : i32
    %scan3A_377 = arith.constant 1 : i32
    scf.for %scan3A_705 = %scan3A_374 to %scan3A_376 step %scan3A_377  : i32 {
      %mul3A_706 = arith.constant 4 : i32
      %mul3A_707 = arith.muli %scan3A_705, %mul3A_706 : i32
      %add3A_708 = arith.constant 4 : i32
      %add3A_709 = arith.addi %add3A_708, %mul3A_707 : i32
      %add3A_710 = arith.constant 0 : i32
      %add3A_711 = arith.addi %add3A_709, %add3A_710 : i32
      %mul3A_712 = arith.constant 200 : i32
      %mul3A_713 = arith.muli %add3A_711, %mul3A_712 : i32
      %add3A_714 = arith.constant 0 : i32
      %add3A_715 = arith.addi %mul3A_713, %add3A_714 : i32
      %add3A_716 = arith.constant 104 : i32
      %add3A_717 = arith.addi %mul3A_713, %add3A_716 : i32
      %dma_wait3A_718 = arith.constant 0 : i32
      %dma_wait3A_719 = arith.constant 0 : i32
      %dma_wait3A_720 = arith.constant 0 : i32
      %dma_wait3A_721 = tpu.memref_slice %arg8[%dma_wait3A_718, %dma_wait3A_719, %dma_wait3A_720] : memref<4x200x32xf32, #tpu.memory_space<vmem>> -> memref<1x200x32xf32, #tpu.memory_space<vmem>>
      %dma_wait3A_722 = tpu.memref_squeeze %dma_wait3A_721 : memref<1x200x32xf32, #tpu.memory_space<vmem>> -> memref<200x32xf32, #tpu.memory_space<vmem>>
      %dma_wait3A_723 = arith.constant 0 : i32
      %dma_wait3A_724 = arith.constant 0 : i32
      %dma_wait3A_725 = tpu.memref_slice %dma_wait3A_722[%dma_wait3A_723, %dma_wait3A_724] : memref<200x32xf32, #tpu.memory_space<vmem>> -> memref<104x32xf32, #tpu.memory_space<vmem>>
      %dma_wait3A_726 = tpu.memref_slice %arg7[%add3A_715] : memref<25600xi32, #tpu.memory_space<vmem>> -> memref<104xi32, #tpu.memory_space<vmem>>
      %dma_wait3A_727 = arith.constant 0 : i32
      %dma_wait3A_728 = arith.constant 0 : i32
      %dma_wait3A_729 = tpu.memref_slice %arg3[%dma_wait3A_727, %dma_wait3A_728] : memref<1000000x32xf32, #tpu.memory_space<hbm>> -> memref<1000000x32xf32, #tpu.memory_space<hbm>>
      tpu.wait_indirect_dma semaphore(%arg10 : memref<!tpu.dma_semaphore, #tpu.memory_space<semaphore_mem>>) src(%dma_wait3A_729 : memref<1000000x32xf32, #tpu.memory_space<hbm>>) dst(%dma_wait3A_725 : memref<104x32xf32, #tpu.memory_space<vmem>>)
      %dma_wait3A_730 = arith.constant 0 : i32
      %dma_wait3A_731 = arith.constant 0 : i32
      %dma_wait3A_732 = arith.constant 0 : i32
      %dma_wait3A_733 = tpu.memref_slice %arg8[%dma_wait3A_730, %dma_wait3A_731, %dma_wait3A_732] : memref<4x200x32xf32, #tpu.memory_space<vmem>> -> memref<1x200x32xf32, #tpu.memory_space<vmem>>
      %dma_wait3A_734 = tpu.memref_squeeze %dma_wait3A_733 : memref<1x200x32xf32, #tpu.memory_space<vmem>> -> memref<200x32xf32, #tpu.memory_space<vmem>>
      %dma_wait3A_735 = arith.constant 104 : i32
      %dma_wait3A_736 = arith.constant 0 : i32
      %dma_wait3A_737 = tpu.memref_slice %dma_wait3A_734[%dma_wait3A_735, %dma_wait3A_736] : memref<200x32xf32, #tpu.memory_space<vmem>> -> memref<96x32xf32, #tpu.memory_space<vmem>>
      %dma_wait3A_738 = tpu.memref_slice %arg7[%add3A_717] : memref<25600xi32, #tpu.memory_space<vmem>> -> memref<96xi32, #tpu.memory_space<vmem>>
      %dma_wait3A_739 = arith.constant 0 : i32
      %dma_wait3A_740 = arith.constant 0 : i32
      %dma_wait3A_741 = tpu.memref_slice %arg3[%dma_wait3A_739, %dma_wait3A_740] : memref<1000000x32xf32, #tpu.memory_space<hbm>> -> memref<1000000x32xf32, #tpu.memory_space<hbm>>
      tpu.wait_indirect_dma semaphore(%arg10 : memref<!tpu.dma_semaphore, #tpu.memory_space<semaphore_mem>>) src(%dma_wait3A_741 : memref<1000000x32xf32, #tpu.memory_space<hbm>>) dst(%dma_wait3A_737 : memref<96x32xf32, #tpu.memory_space<vmem>>)
      %scan3A_742 = arith.constant 0 : i32
      %scan3A_743 = arith.constant 25 : i32
      %scan3A_744 = arith.addi %scan3A_742, %scan3A_743 : i32
      %scan3A_745 = arith.constant 1 : i32
      scf.for %scan3A_1121 = %scan3A_742 to %scan3A_744 step %scan3A_745  : i32 {
        %mul3A_1122 = arith.constant 8 : i32
        %mul3A_1123 = arith.muli %scan3A_1121, %mul3A_1122 : i32
        %add3A_1124 = arith.constant 0 : i32
        %add3A_1125 = arith.addi %add3A_1124, %mul3A_1123 : i32
        %add3A_1126 = arith.constant 0 : i32
        %add3A_1127 = arith.addi %add3A_1125, %add3A_1126 : i32
        %get3A = arith.index_cast %add3A_1127 : i32 to index
        %get3A_1128 = arith.constant 0 : index
        %get3A_1129 = tpu.vector_load %arg6[%get3A, %get3A_1128] {strides = array<i32>} : memref<200x32xf32, #tpu.memory_space<vmem>>, vector<1x16xf32>,
        %get3A_1130 = vector.shape_cast %get3A_1129 : vector<1x16xf32> to vector<1x16xf32>
        %swap3A = arith.constant 0 : i32
        %swap3A_1131 = arith.constant 0 : i32
        %swap3A_1132 = arith.constant 0 : i32
        %swap3A_1133 = tpu.memref_slice %arg8[%swap3A, %swap3A_1131, %swap3A_1132] : memref<4x200x32xf32, #tpu.memory_space<vmem>> -> memref<1x200x32xf32, #tpu.memory_space<vmem>>
        %swap3A_1134 = tpu.memref_squeeze %swap3A_1133 : memref<1x200x32xf32, #tpu.memory_space<vmem>> -> memref<200x32xf32, #tpu.memory_space<vmem>>
        %swap3A_1135 = arith.index_cast %add3A_1127 : i32 to index
        %swap3A_1136 = arith.constant 0 : index
        %swap3A_1137 = tpu.vector_load %swap3A_1134[%swap3A_1135, %swap3A_1136] {strides = array<i32>} : memref<200x32xf32, #tpu.memory_space<vmem>>, vector<1x16xf32>,
        %swap3A_1138 = vector.shape_cast %swap3A_1137 : vector<1x16xf32> to vector<1x16xf32>
        %swap3A_1139 = vector.shape_cast %get3A_1130 : vector<1x16xf32> to vector<1x16xf32>
        tpu.vector_store %swap3A_1134[%swap3A_1135, %swap3A_1136], %swap3A_1139 {add = true, strides = array<i32>} : memref<200x32xf32, #tpu.memory_space<vmem>>, vector<1x16xf32>,
        %add3A_1140 = arith.constant 0 : i32
        %add3A_1141 = arith.addi %add3A_1125, %add3A_1140 : i32
        %get3A_1142 = arith.index_cast %add3A_1141 : i32 to index
        %get3A_1143 = arith.constant 16 : index
        %get3A_1144 = tpu.vector_load %arg6[%get3A_1142, %get3A_1143] {strides = array<i32>} : memref<200x32xf32, #tpu.memory_space<vmem>>, vector<1x16xf32>,
        %get3A_1145 = vector.shape_cast %get3A_1144 : vector<1x16xf32> to vector<1x16xf32>
        %swap3A_1146 = arith.constant 0 : i32
        %swap3A_1147 = arith.constant 0 : i32
        %swap3A_1148 = arith.constant 0 : i32
        %swap3A_1149 = tpu.memref_slice %arg8[%swap3A_1146, %swap3A_1147, %swap3A_1148] : memref<4x200x32xf32, #tpu.memory_space<vmem>> -> memref<1x200x32xf32, #tpu.memory_space<vmem>>
        %swap3A_1150 = tpu.memref_squeeze %swap3A_1149 : memref<1x200x32xf32, #tpu.memory_space<vmem>> -> memref<200x32xf32, #tpu.memory_space<vmem>>
        %swap3A_1151 = arith.index_cast %add3A_1141 : i32 to index
        %swap3A_1152 = arith.constant 16 : index
        %swap3A_1153 = tpu.vector_load %swap3A_1150[%swap3A_1151, %swap3A_1152] {strides = array<i32>} : memref<200x32xf32, #tpu.memory_space<vmem>>, vector<1x16xf32>,
        %swap3A_1154 = vector.shape_cast %swap3A_1153 : vector<1x16xf32> to vector<1x16xf32>
        %swap3A_1155 = vector.shape_cast %get3A_1145 : vector<1x16xf32> to vector<1x16xf32>
        tpu.vector_store %swap3A_1150[%swap3A_1151, %swap3A_1152], %swap3A_1155 {add = true, strides = array<i32>} : memref<200x32xf32, #tpu.memory_space<vmem>>, vector<1x16xf32>,
        %add3A_1156 = arith.constant 1 : i32
        %add3A_1157 = arith.addi %add3A_1125, %add3A_1156 : i32
        %get3A_1158 = arith.index_cast %add3A_1157 : i32 to index
        %get3A_1159 = arith.constant 0 : index
        %get3A_1160 = tpu.vector_load %arg6[%get3A_1158, %get3A_1159] {strides = array<i32>} : memref<200x32xf32, #tpu.memory_space<vmem>>, vector<1x16xf32>,
        %get3A_1161 = vector.shape_cast %get3A_1160 : vector<1x16xf32> to vector<1x16xf32>
        %swap3A_1162 = arith.constant 0 : i32
        %swap3A_1163 = arith.constant 0 : i32
        %swap3A_1164 = arith.constant 0 : i32
        %swap3A_1165 = tpu.memref_slice %arg8[%swap3A_1162, %swap3A_1163, %swap3A_1164] : memref<4x200x32xf32, #tpu.memory_space<vmem>> -> memref<1x200x32xf32, #tpu.memory_space<vmem>>
        %swap3A_1166 = tpu.memref_squeeze %swap3A_1165 : memref<1x200x32xf32, #tpu.memory_space<vmem>> -> memref<200x32xf32, #tpu.memory_space<vmem>>
        %swap3A_1167 = arith.index_cast %add3A_1157 : i32 to index
        %swap3A_1168 = arith.constant 0 : index
        %swap3A_1169 = tpu.vector_load %swap3A_1166[%swap3A_1167, %swap3A_1168] {strides = array<i32>} : memref<200x32xf32, #tpu.memory_space<vmem>>, vector<1x16xf32>,
        %swap3A_1170 = vector.shape_cast %swap3A_1169 : vector<1x16xf32> to vector<1x16xf32>
        %swap3A_1171 = vector.shape_cast %get3A_1161 : vector<1x16xf32> to vector<1x16xf32>
        tpu.vector_store %swap3A_1166[%swap3A_1167, %swap3A_1168], %swap3A_1171 {add = true, strides = array<i32>} : memref<200x32xf32, #tpu.memory_space<vmem>>, vector<1x16xf32>,
        %add3A_1172 = arith.constant 1 : i32
        %add3A_1173 = arith.addi %add3A_1125, %add3A_1172 : i32
        %get3A_1174 = arith.index_cast %add3A_1173 : i32 to index
        %get3A_1175 = arith.constant 16 : index
        %get3A_1176 = tpu.vector_load %arg6[%get3A_1174, %get3A_1175] {strides = array<i32>} : memref<200x32xf32, #tpu.memory_space<vmem>>, vector<1x16xf32>,
        %get3A_1177 = vector.shape_cast %get3A_1176 : vector<1x16xf32> to vector<1x16xf32>
        %swap3A_1178 = arith.constant 0 : i32
        %swap3A_1179 = arith.constant 0 : i32
        %swap3A_1180 = arith.constant 0 : i32
        %swap3A_1181 = tpu.memref_slice %arg8[%swap3A_1178, %swap3A_1179, %swap3A_1180] : memref<4x200x32xf32, #tpu.memory_space<vmem>> -> memref<1x200x32xf32, #tpu.memory_space<vmem>>
        %swap3A_1182 = tpu.memref_squeeze %swap3A_1181 : memref<1x200x32xf32, #tpu.memory_space<vmem>> -> memref<200x32xf32, #tpu.memory_space<vmem>>
        %swap3A_1183 = arith.index_cast %add3A_1173 : i32 to index
        %swap3A_1184 = arith.constant 16 : index
        %swap3A_1185 = tpu.vector_load %swap3A_1182[%swap3A_1183, %swap3A_1184] {strides = array<i32>} : memref<200x32xf32, #tpu.memory_space<vmem>>, vector<1x16xf32>,
        %swap3A_1186 = vector.shape_cast %swap3A_1185 : vector<1x16xf32> to vector<1x16xf32>
        %swap3A_1187 = vector.shape_cast %get3A_1177 : vector<1x16xf32> to vector<1x16xf32>
        tpu.vector_store %swap3A_1182[%swap3A_1183, %swap3A_1184], %swap3A_1187 {add = true, strides = array<i32>} : memref<200x32xf32, #tpu.memory_space<vmem>>, vector<1x16xf32>,
        %add3A_1188 = arith.constant 2 : i32
        %add3A_1189 = arith.addi %add3A_1125, %add3A_1188 : i32
        %get3A_1190 = arith.index_cast %add3A_1189 : i32 to index
        %get3A_1191 = arith.constant 0 : index
        %get3A_1192 = tpu.vector_load %arg6[%get3A_1190, %get3A_1191] {strides = array<i32>} : memref<200x32xf32, #tpu.memory_space<vmem>>, vector<1x16xf32>,
        %get3A_1193 = vector.shape_cast %get3A_1192 : vector<1x16xf32> to vector<1x16xf32>
        %swap3A_1194 = arith.constant 0 : i32
        %swap3A_1195 = arith.constant 0 : i32
        %swap3A_1196 = arith.constant 0 : i32
        %swap3A_1197 = tpu.memref_slice %arg8[%swap3A_1194, %swap3A_1195, %swap3A_1196] : memref<4x200x32xf32, #tpu.memory_space<vmem>> -> memref<1x200x32xf32, #tpu.memory_space<vmem>>
        %swap3A_1198 = tpu.memref_squeeze %swap3A_1197 : memref<1x200x32xf32, #tpu.memory_space<vmem>> -> memref<200x32xf32, #tpu.memory_space<vmem>>
        %swap3A_1199 = arith.index_cast %add3A_1189 : i32 to index
        %swap3A_1200 = arith.constant 0 : index
        %swap3A_1201 = tpu.vector_load %swap3A_1198[%swap3A_1199, %swap3A_1200] {strides = array<i32>} : memref<200x32xf32, #tpu.memory_space<vmem>>, vector<1x16xf32>,
        %swap3A_1202 = vector.shape_cast %swap3A_1201 : vector<1x16xf32> to vector<1x16xf32>
        %swap3A_1203 = vector.shape_cast %get3A_1193 : vector<1x16xf32> to vector<1x16xf32>
        tpu.vector_store %swap3A_1198[%swap3A_1199, %swap3A_1200], %swap3A_1203 {add = true, strides = array<i32>} : memref<200x32xf32, #tpu.memory_space<vmem>>, vector<1x16xf32>,
        %add3A_1204 = arith.constant 2 : i32
        %add3A_1205 = arith.addi %add3A_1125, %add3A_1204 : i32
        %get3A_1206 = arith.index_cast %add3A_1205 : i32 to index
        %get3A_1207 = arith.constant 16 : index
        %get3A_1208 = tpu.vector_load %arg6[%get3A_1206, %get3A_1207] {strides = array<i32>} : memref<200x32xf32, #tpu.memory_space<vmem>>, vector<1x16xf32>,
        %get3A_1209 = vector.shape_cast %get3A_1208 : vector<1x16xf32> to vector<1x16xf32>
        %swap3A_1210 = arith.constant 0 : i32
        %swap3A_1211 = arith.constant 0 : i32
        %swap3A_1212 = arith.constant 0 : i32
        %swap3A_1213 = tpu.memref_slice %arg8[%swap3A_1210, %swap3A_1211, %swap3A_1212] : memref<4x200x32xf32, #tpu.memory_space<vmem>> -> memref<1x200x32xf32, #tpu.memory_space<vmem>>
        %swap3A_1214 = tpu.memref_squeeze %swap3A_1213 : memref<1x200x32xf32, #tpu.memory_space<vmem>> -> memref<200x32xf32, #tpu.memory_space<vmem>>
        %swap3A_1215 = arith.index_cast %add3A_1205 : i32 to index
        %swap3A_1216 = arith.constant 16 : index
        %swap3A_1217 = tpu.vector_load %swap3A_1214[%swap3A_1215, %swap3A_1216] {strides = array<i32>} : memref<200x32xf32, #tpu.memory_space<vmem>>, vector<1x16xf32>,
        %swap3A_1218 = vector.shape_cast %swap3A_1217 : vector<1x16xf32> to vector<1x16xf32>
        %swap3A_1219 = vector.shape_cast %get3A_1209 : vector<1x16xf32> to vector<1x16xf32>
        tpu.vector_store %swap3A_1214[%swap3A_1215, %swap3A_1216], %swap3A_1219 {add = true, strides = array<i32>} : memref<200x32xf32, #tpu.memory_space<vmem>>, vector<1x16xf32>,
        %add3A_1220 = arith.constant 3 : i32
        %add3A_1221 = arith.addi %add3A_1125, %add3A_1220 : i32
        %get3A_1222 = arith.index_cast %add3A_1221 : i32 to index
        %get3A_1223 = arith.constant 0 : index
        %get3A_1224 = tpu.vector_load %arg6[%get3A_1222, %get3A_1223] {strides = array<i32>} : memref<200x32xf32, #tpu.memory_space<vmem>>, vector<1x16xf32>,
        %get3A_1225 = vector.shape_cast %get3A_1224 : vector<1x16xf32> to vector<1x16xf32>
        %swap3A_1226 = arith.constant 0 : i32
        %swap3A_1227 = arith.constant 0 : i32
        %swap3A_1228 = arith.constant 0 : i32
        %swap3A_1229 = tpu.memref_slice %arg8[%swap3A_1226, %swap3A_1227, %swap3A_1228] : memref<4x200x32xf32, #tpu.memory_space<vmem>> -> memref<1x200x32xf32, #tpu.memory_space<vmem>>
        %swap3A_1230 = tpu.memref_squeeze %swap3A_1229 : memref<1x200x32xf32, #tpu.memory_space<vmem>> -> memref<200x32xf32, #tpu.memory_space<vmem>>
        %swap3A_1231 = arith.index_cast %add3A_1221 : i32 to index
        %swap3A_1232 = arith.constant 0 : index
        %swap3A_1233 = tpu.vector_load %swap3A_1230[%swap3A_1231, %swap3A_1232] {strides = array<i32>} : memref<200x32xf32, #tpu.memory_space<vmem>>, vector<1x16xf32>,
        %swap3A_1234 = vector.shape_cast %swap3A_1233 : vector<1x16xf32> to vector<1x16xf32>
        %swap3A_1235 = vector.shape_cast %get3A_1225 : vector<1x16xf32> to vector<1x16xf32>
        tpu.vector_store %swap3A_1230[%swap3A_1231, %swap3A_1232], %swap3A_1235 {add = true, strides = array<i32>} : memref<200x32xf32, #tpu.memory_space<vmem>>, vector<1x16xf32>,
        %add3A_1236 = arith.constant 3 : i32
        %add3A_1237 = arith.addi %add3A_1125, %add3A_1236 : i32
        %get3A_1238 = arith.index_cast %add3A_1237 : i32 to index
        %get3A_1239 = arith.constant 16 : index
        %get3A_1240 = tpu.vector_load %arg6[%get3A_1238, %get3A_1239] {strides = array<i32>} : memref<200x32xf32, #tpu.memory_space<vmem>>, vector<1x16xf32>,
        %get3A_1241 = vector.shape_cast %get3A_1240 : vector<1x16xf32> to vector<1x16xf32>
        %swap3A_1242 = arith.constant 0 : i32
        %swap3A_1243 = arith.constant 0 : i32
        %swap3A_1244 = arith.constant 0 : i32
        %swap3A_1245 = tpu.memref_slice %arg8[%swap3A_1242, %swap3A_1243, %swap3A_1244] : memref<4x200x32xf32, #tpu.memory_space<vmem>> -> memref<1x200x32xf32, #tpu.memory_space<vmem>>
        %swap3A_1246 = tpu.memref_squeeze %swap3A_1245 : memref<1x200x32xf32, #tpu.memory_space<vmem>> -> memref<200x32xf32, #tpu.memory_space<vmem>>
        %swap3A_1247 = arith.index_cast %add3A_1237 : i32 to index
        %swap3A_1248 = arith.constant 16 : index
        %swap3A_1249 = tpu.vector_load %swap3A_1246[%swap3A_1247, %swap3A_1248] {strides = array<i32>} : memref<200x32xf32, #tpu.memory_space<vmem>>, vector<1x16xf32>,
        %swap3A_1250 = vector.shape_cast %swap3A_1249 : vector<1x16xf32> to vector<1x16xf32>
        %swap3A_1251 = vector.shape_cast %get3A_1241 : vector<1x16xf32> to vector<1x16xf32>
        tpu.vector_store %swap3A_1246[%swap3A_1247, %swap3A_1248], %swap3A_1251 {add = true, strides = array<i32>} : memref<200x32xf32, #tpu.memory_space<vmem>>, vector<1x16xf32>,
        %add3A_1252 = arith.constant 4 : i32
        %add3A_1253 = arith.addi %add3A_1125, %add3A_1252 : i32
        %get3A_1254 = arith.index_cast %add3A_1253 : i32 to index
        %get3A_1255 = arith.constant 0 : index
        %get3A_1256 = tpu.vector_load %arg6[%get3A_1254, %get3A_1255] {strides = array<i32>} : memref<200x32xf32, #tpu.memory_space<vmem>>, vector<1x16xf32>,
        %get3A_1257 = vector.shape_cast %get3A_1256 : vector<1x16xf32> to vector<1x16xf32>
        %swap3A_1258 = arith.constant 0 : i32
        %swap3A_1259 = arith.constant 0 : i32
        %swap3A_1260 = arith.constant 0 : i32
        %swap3A_1261 = tpu.memref_slice %arg8[%swap3A_1258, %swap3A_1259, %swap3A_1260] : memref<4x200x32xf32, #tpu.memory_space<vmem>> -> memref<1x200x32xf32, #tpu.memory_space<vmem>>
        %swap3A_1262 = tpu.memref_squeeze %swap3A_1261 : memref<1x200x32xf32, #tpu.memory_space<vmem>> -> memref<200x32xf32, #tpu.memory_space<vmem>>
        %swap3A_1263 = arith.index_cast %add3A_1253 : i32 to index
        %swap3A_1264 = arith.constant 0 : index
        %swap3A_1265 = tpu.vector_load %swap3A_1262[%swap3A_1263, %swap3A_1264] {strides = array<i32>} : memref<200x32xf32, #tpu.memory_space<vmem>>, vector<1x16xf32>,
        %swap3A_1266 = vector.shape_cast %swap3A_1265 : vector<1x16xf32> to vector<1x16xf32>
        %swap3A_1267 = vector.shape_cast %get3A_1257 : vector<1x16xf32> to vector<1x16xf32>
        tpu.vector_store %swap3A_1262[%swap3A_1263, %swap3A_1264], %swap3A_1267 {add = true, strides = array<i32>} : memref<200x32xf32, #tpu.memory_space<vmem>>, vector<1x16xf32>,
        %add3A_1268 = arith.constant 4 : i32
        %add3A_1269 = arith.addi %add3A_1125, %add3A_1268 : i32
        %get3A_1270 = arith.index_cast %add3A_1269 : i32 to index
        %get3A_1271 = arith.constant 16 : index
        %get3A_1272 = tpu.vector_load %arg6[%get3A_1270, %get3A_1271] {strides = array<i32>} : memref<200x32xf32, #tpu.memory_space<vmem>>, vector<1x16xf32>,
        %get3A_1273 = vector.shape_cast %get3A_1272 : vector<1x16xf32> to vector<1x16xf32>
        %swap3A_1274 = arith.constant 0 : i32
        %swap3A_1275 = arith.constant 0 : i32
        %swap3A_1276 = arith.constant 0 : i32
        %swap3A_1277 = tpu.memref_slice %arg8[%swap3A_1274, %swap3A_1275, %swap3A_1276] : memref<4x200x32xf32, #tpu.memory_space<vmem>> -> memref<1x200x32xf32, #tpu.memory_space<vmem>>
        %swap3A_1278 = tpu.memref_squeeze %swap3A_1277 : memref<1x200x32xf32, #tpu.memory_space<vmem>> -> memref<200x32xf32, #tpu.memory_space<vmem>>
        %swap3A_1279 = arith.index_cast %add3A_1269 : i32 to index
        %swap3A_1280 = arith.constant 16 : index
        %swap3A_1281 = tpu.vector_load %swap3A_1278[%swap3A_1279, %swap3A_1280] {strides = array<i32>} : memref<200x32xf32, #tpu.memory_space<vmem>>, vector<1x16xf32>,
        %swap3A_1282 = vector.shape_cast %swap3A_1281 : vector<1x16xf32> to vector<1x16xf32>
        %swap3A_1283 = vector.shape_cast %get3A_1273 : vector<1x16xf32> to vector<1x16xf32>
        tpu.vector_store %swap3A_1278[%swap3A_1279, %swap3A_1280], %swap3A_1283 {add = true, strides = array<i32>} : memref<200x32xf32, #tpu.memory_space<vmem>>, vector<1x16xf32>,
        %add3A_1284 = arith.constant 5 : i32
        %add3A_1285 = arith.addi %add3A_1125, %add3A_1284 : i32
        %get3A_1286 = arith.index_cast %add3A_1285 : i32 to index
        %get3A_1287 = arith.constant 0 : index
        %get3A_1288 = tpu.vector_load %arg6[%get3A_1286, %get3A_1287] {strides = array<i32>} : memref<200x32xf32, #tpu.memory_space<vmem>>, vector<1x16xf32>,
        %get3A_1289 = vector.shape_cast %get3A_1288 : vector<1x16xf32> to vector<1x16xf32>
        %swap3A_1290 = arith.constant 0 : i32
        %swap3A_1291 = arith.constant 0 : i32
        %swap3A_1292 = arith.constant 0 : i32
        %swap3A_1293 = tpu.memref_slice %arg8[%swap3A_1290, %swap3A_1291, %swap3A_1292] : memref<4x200x32xf32, #tpu.memory_space<vmem>> -> memref<1x200x32xf32, #tpu.memory_space<vmem>>
        %swap3A_1294 = tpu.memref_squeeze %swap3A_1293 : memref<1x200x32xf32, #tpu.memory_space<vmem>> -> memref<200x32xf32, #tpu.memory_space<vmem>>
        %swap3A_1295 = arith.index_cast %add3A_1285 : i32 to index
        %swap3A_1296 = arith.constant 0 : index
        %swap3A_1297 = tpu.vector_load %swap3A_1294[%swap3A_1295, %swap3A_1296] {strides = array<i32>} : memref<200x32xf32, #tpu.memory_space<vmem>>, vector<1x16xf32>,
        %swap3A_1298 = vector.shape_cast %swap3A_1297 : vector<1x16xf32> to vector<1x16xf32>
        %swap3A_1299 = vector.shape_cast %get3A_1289 : vector<1x16xf32> to vector<1x16xf32>
        tpu.vector_store %swap3A_1294[%swap3A_1295, %swap3A_1296], %swap3A_1299 {add = true, strides = array<i32>} : memref<200x32xf32, #tpu.memory_space<vmem>>, vector<1x16xf32>,
        %add3A_1300 = arith.constant 5 : i32
        %add3A_1301 = arith.addi %add3A_1125, %add3A_1300 : i32
        %get3A_1302 = arith.index_cast %add3A_1301 : i32 to index
        %get3A_1303 = arith.constant 16 : index
        %get3A_1304 = tpu.vector_load %arg6[%get3A_1302, %get3A_1303] {strides = array<i32>} : memref<200x32xf32, #tpu.memory_space<vmem>>, vector<1x16xf32>,
        %get3A_1305 = vector.shape_cast %get3A_1304 : vector<1x16xf32> to vector<1x16xf32>
        %swap3A_1306 = arith.constant 0 : i32
        %swap3A_1307 = arith.constant 0 : i32
        %swap3A_1308 = arith.constant 0 : i32
        %swap3A_1309 = tpu.memref_slice %arg8[%swap3A_1306, %swap3A_1307, %swap3A_1308] : memref<4x200x32xf32, #tpu.memory_space<vmem>> -> memref<1x200x32xf32, #tpu.memory_space<vmem>>
        %swap3A_1310 = tpu.memref_squeeze %swap3A_1309 : memref<1x200x32xf32, #tpu.memory_space<vmem>> -> memref<200x32xf32, #tpu.memory_space<vmem>>
        %swap3A_1311 = arith.index_cast %add3A_1301 : i32 to index
        %swap3A_1312 = arith.constant 16 : index
        %swap3A_1313 = tpu.vector_load %swap3A_1310[%swap3A_1311, %swap3A_1312] {strides = array<i32>} : memref<200x32xf32, #tpu.memory_space<vmem>>, vector<1x16xf32>,
        %swap3A_1314 = vector.shape_cast %swap3A_1313 : vector<1x16xf32> to vector<1x16xf32>
        %swap3A_1315 = vector.shape_cast %get3A_1305 : vector<1x16xf32> to vector<1x16xf32>
        tpu.vector_store %swap3A_1310[%swap3A_1311, %swap3A_1312], %swap3A_1315 {add = true, strides = array<i32>} : memref<200x32xf32, #tpu.memory_space<vmem>>, vector<1x16xf32>,
        %add3A_1316 = arith.constant 6 : i32
        %add3A_1317 = arith.addi %add3A_1125, %add3A_1316 : i32
        %get3A_1318 = arith.index_cast %add3A_1317 : i32 to index
        %get3A_1319 = arith.constant 0 : index
        %get3A_1320 = tpu.vector_load %arg6[%get3A_1318, %get3A_1319] {strides = array<i32>} : memref<200x32xf32, #tpu.memory_space<vmem>>, vector<1x16xf32>,
        %get3A_1321 = vector.shape_cast %get3A_1320 : vector<1x16xf32> to vector<1x16xf32>
        %swap3A_1322 = arith.constant 0 : i32
        %swap3A_1323 = arith.constant 0 : i32
        %swap3A_1324 = arith.constant 0 : i32
        %swap3A_1325 = tpu.memref_slice %arg8[%swap3A_1322, %swap3A_1323, %swap3A_1324] : memref<4x200x32xf32, #tpu.memory_space<vmem>> -> memref<1x200x32xf32, #tpu.memory_space<vmem>>
        %swap3A_1326 = tpu.memref_squeeze %swap3A_1325 : memref<1x200x32xf32, #tpu.memory_space<vmem>> -> memref<200x32xf32, #tpu.memory_space<vmem>>
        %swap3A_1327 = arith.index_cast %add3A_1317 : i32 to index
        %swap3A_1328 = arith.constant 0 : index
        %swap3A_1329 = tpu.vector_load %swap3A_1326[%swap3A_1327, %swap3A_1328] {strides = array<i32>} : memref<200x32xf32, #tpu.memory_space<vmem>>, vector<1x16xf32>,
        %swap3A_1330 = vector.shape_cast %swap3A_1329 : vector<1x16xf32> to vector<1x16xf32>
        %swap3A_1331 = vector.shape_cast %get3A_1321 : vector<1x16xf32> to vector<1x16xf32>
        tpu.vector_store %swap3A_1326[%swap3A_1327, %swap3A_1328], %swap3A_1331 {add = true, strides = array<i32>} : memref<200x32xf32, #tpu.memory_space<vmem>>, vector<1x16xf32>,
        %add3A_1332 = arith.constant 6 : i32
        %add3A_1333 = arith.addi %add3A_1125, %add3A_1332 : i32
        %get3A_1334 = arith.index_cast %add3A_1333 : i32 to index
        %get3A_1335 = arith.constant 16 : index
        %get3A_1336 = tpu.vector_load %arg6[%get3A_1334, %get3A_1335] {strides = array<i32>} : memref<200x32xf32, #tpu.memory_space<vmem>>, vector<1x16xf32>,
        %get3A_1337 = vector.shape_cast %get3A_1336 : vector<1x16xf32> to vector<1x16xf32>
        %swap3A_1338 = arith.constant 0 : i32
        %swap3A_1339 = arith.constant 0 : i32
        %swap3A_1340 = arith.constant 0 : i32
        %swap3A_1341 = tpu.memref_slice %arg8[%swap3A_1338, %swap3A_1339, %swap3A_1340] : memref<4x200x32xf32, #tpu.memory_space<vmem>> -> memref<1x200x32xf32, #tpu.memory_space<vmem>>
        %swap3A_1342 = tpu.memref_squeeze %swap3A_1341 : memref<1x200x32xf32, #tpu.memory_space<vmem>> -> memref<200x32xf32, #tpu.memory_space<vmem>>
        %swap3A_1343 = arith.index_cast %add3A_1333 : i32 to index
        %swap3A_1344 = arith.constant 16 : index
        %swap3A_1345 = tpu.vector_load %swap3A_1342[%swap3A_1343, %swap3A_1344] {strides = array<i32>} : memref<200x32xf32, #tpu.memory_space<vmem>>, vector<1x16xf32>,
        %swap3A_1346 = vector.shape_cast %swap3A_1345 : vector<1x16xf32> to vector<1x16xf32>
        %swap3A_1347 = vector.shape_cast %get3A_1337 : vector<1x16xf32> to vector<1x16xf32>
        tpu.vector_store %swap3A_1342[%swap3A_1343, %swap3A_1344], %swap3A_1347 {add = true, strides = array<i32>} : memref<200x32xf32, #tpu.memory_space<vmem>>, vector<1x16xf32>,
        %add3A_1348 = arith.constant 7 : i32
        %add3A_1349 = arith.addi %add3A_1125, %add3A_1348 : i32
        %get3A_1350 = arith.index_cast %add3A_1349 : i32 to index
        %get3A_1351 = arith.constant 0 : index
        %get3A_1352 = tpu.vector_load %arg6[%get3A_1350, %get3A_1351] {strides = array<i32>} : memref<200x32xf32, #tpu.memory_space<vmem>>, vector<1x16xf32>,
        %get3A_1353 = vector.shape_cast %get3A_1352 : vector<1x16xf32> to vector<1x16xf32>
        %swap3A_1354 = arith.constant 0 : i32
        %swap3A_1355 = arith.constant 0 : i32
        %swap3A_1356 = arith.constant 0 : i32
        %swap3A_1357 = tpu.memref_slice %arg8[%swap3A_1354, %swap3A_1355, %swap3A_1356] : memref<4x200x32xf32, #tpu.memory_space<vmem>> -> memref<1x200x32xf32, #tpu.memory_space<vmem>>
        %swap3A_1358 = tpu.memref_squeeze %swap3A_1357 : memref<1x200x32xf32, #tpu.memory_space<vmem>> -> memref<200x32xf32, #tpu.memory_space<vmem>>
        %swap3A_1359 = arith.index_cast %add3A_1349 : i32 to index
        %swap3A_1360 = arith.constant 0 : index
        %swap3A_1361 = tpu.vector_load %swap3A_1358[%swap3A_1359, %swap3A_1360] {strides = array<i32>} : memref<200x32xf32, #tpu.memory_space<vmem>>, vector<1x16xf32>,
        %swap3A_1362 = vector.shape_cast %swap3A_1361 : vector<1x16xf32> to vector<1x16xf32>
        %swap3A_1363 = vector.shape_cast %get3A_1353 : vector<1x16xf32> to vector<1x16xf32>
        tpu.vector_store %swap3A_1358[%swap3A_1359, %swap3A_1360], %swap3A_1363 {add = true, strides = array<i32>} : memref<200x32xf32, #tpu.memory_space<vmem>>, vector<1x16xf32>,
        %add3A_1364 = arith.constant 7 : i32
        %add3A_1365 = arith.addi %add3A_1125, %add3A_1364 : i32
        %get3A_1366 = arith.index_cast %add3A_1365 : i32 to index
        %get3A_1367 = arith.constant 16 : index
        %get3A_1368 = tpu.vector_load %arg6[%get3A_1366, %get3A_1367] {strides = array<i32>} : memref<200x32xf32, #tpu.memory_space<vmem>>, vector<1x16xf32>,
        %get3A_1369 = vector.shape_cast %get3A_1368 : vector<1x16xf32> to vector<1x16xf32>
        %swap3A_1370 = arith.constant 0 : i32
        %swap3A_1371 = arith.constant 0 : i32
        %swap3A_1372 = arith.constant 0 : i32
        %swap3A_1373 = tpu.memref_slice %arg8[%swap3A_1370, %swap3A_1371, %swap3A_1372] : memref<4x200x32xf32, #tpu.memory_space<vmem>> -> memref<1x200x32xf32, #tpu.memory_space<vmem>>
        %swap3A_1374 = tpu.memref_squeeze %swap3A_1373 : memref<1x200x32xf32, #tpu.memory_space<vmem>> -> memref<200x32xf32, #tpu.memory_space<vmem>>
        %swap3A_1375 = arith.index_cast %add3A_1365 : i32 to index
        %swap3A_1376 = arith.constant 16 : index
        %swap3A_1377 = tpu.vector_load %swap3A_1374[%swap3A_1375, %swap3A_1376] {strides = array<i32>} : memref<200x32xf32, #tpu.memory_space<vmem>>, vector<1x16xf32>,
        %swap3A_1378 = vector.shape_cast %swap3A_1377 : vector<1x16xf32> to vector<1x16xf32>
        %swap3A_1379 = vector.shape_cast %get3A_1369 : vector<1x16xf32> to vector<1x16xf32>
        tpu.vector_store %swap3A_1374[%swap3A_1375, %swap3A_1376], %swap3A_1379 {add = true, strides = array<i32>} : memref<200x32xf32, #tpu.memory_space<vmem>>, vector<1x16xf32>,
      }
      %scan3A_746 = arith.constant 25 : i32
      %mul3A_747 = arith.constant 200 : i32
      %mul3A_748 = arith.muli %add3A_711, %mul3A_747 : i32
      %add3A_749 = arith.addi %mul3A_2, %mul3A_748 : i32
      %dma_start3A_750 = arith.constant 0 : i32
      %dma_start3A_751 = arith.constant 0 : i32
      %dma_start3A_752 = arith.constant 0 : i32
      %dma_start3A_753 = tpu.memref_slice %arg8[%dma_start3A_750, %dma_start3A_751, %dma_start3A_752] : memref<4x200x32xf32, #tpu.memory_space<vmem>> -> memref<1x200x32xf32, #tpu.memory_space<vmem>>
      %dma_start3A_754 = tpu.memref_squeeze %dma_start3A_753 : memref<1x200x32xf32, #tpu.memory_space<vmem>> -> memref<200x32xf32, #tpu.memory_space<vmem>>
      %dma_start3A_755 = arith.constant 0 : i32
      %dma_start3A_756 = tpu.memref_slice %arg5[%add3A_749, %dma_start3A_755] : memref<819200x128xf32, #tpu.memory_space<hbm>> -> memref<200x32xf32, #tpu.memory_space<hbm>>
      %dma_start3A_757 = arith.constant 0 : i32
      %dma_start3A_758 = tpu.memref_slice %arg5[%add3A_749, %dma_start3A_757] : memref<819200x128xf32, #tpu.memory_space<hbm>> -> memref<200x32xf32, #tpu.memory_space<hbm>>
      %dma_start3A_759 = arith.constant 0 : i32
      %dma_start3A_760 = arith.constant 0 : i32
      %dma_start3A_761 = tpu.memref_slice %arg8[%dma_start3A_750, %dma_start3A_759, %dma_start3A_760] : memref<4x200x32xf32, #tpu.memory_space<vmem>> -> memref<1x200x32xf32, #tpu.memory_space<vmem>>
      %dma_start3A_762 = tpu.memref_squeeze %dma_start3A_761 : memref<1x200x32xf32, #tpu.memory_space<vmem>> -> memref<200x32xf32, #tpu.memory_space<vmem>>
      tpu.enqueue_dma source(%dma_start3A_762 : memref<200x32xf32, #tpu.memory_space<vmem>>) target(%dma_start3A_758 : memref<200x32xf32, #tpu.memory_space<hbm>>) target_semaphore(%arg14 : memref<!tpu.dma_semaphore, #tpu.memory_space<semaphore_mem>>)
      %sub3A = arith.constant 2 : i32
      %sub3A_763 = arith.subi %add3A_711, %sub3A : i32
      %mul3A_764 = arith.constant 200 : i32
      %mul3A_765 = arith.muli %sub3A_763, %mul3A_764 : i32
      %add3A_766 = arith.addi %mul3A_2, %mul3A_765 : i32
      %dma_wait3A_767 = arith.constant 2 : i32
      %dma_wait3A_768 = arith.constant 0 : i32
      %dma_wait3A_769 = arith.constant 0 : i32
      %dma_wait3A_770 = tpu.memref_slice %arg8[%dma_wait3A_767, %dma_wait3A_768, %dma_wait3A_769] : memref<4x200x32xf32, #tpu.memory_space<vmem>> -> memref<1x200x32xf32, #tpu.memory_space<vmem>>
      %dma_wait3A_771 = tpu.memref_squeeze %dma_wait3A_770 : memref<1x200x32xf32, #tpu.memory_space<vmem>> -> memref<200x32xf32, #tpu.memory_space<vmem>>
      %dma_wait3A_772 = arith.constant 0 : i32
      %dma_wait3A_773 = tpu.memref_slice %arg5[%add3A_766, %dma_wait3A_772] : memref<819200x128xf32, #tpu.memory_space<hbm>> -> memref<200x32xf32, #tpu.memory_space<hbm>>
      %dma_wait3A_774 = arith.constant 0 : i32
      %dma_wait3A_775 = tpu.memref_slice %arg5[%add3A_766, %dma_wait3A_774] : memref<819200x128xf32, #tpu.memory_space<hbm>> -> memref<200x32xf32, #tpu.memory_space<hbm>>
      %dma_wait3A_776 = arith.constant 0 : i32
      %dma_wait3A_777 = arith.constant 0 : i32
      %dma_wait3A_778 = tpu.memref_slice %arg8[%dma_wait3A_767, %dma_wait3A_776, %dma_wait3A_777] : memref<4x200x32xf32, #tpu.memory_space<vmem>> -> memref<1x200x32xf32, #tpu.memory_space<vmem>>
      %dma_wait3A_779 = tpu.memref_squeeze %dma_wait3A_778 : memref<1x200x32xf32, #tpu.memory_space<vmem>> -> memref<200x32xf32, #tpu.memory_space<vmem>>
      tpu.wait_dma2 semaphore(%arg16 : memref<!tpu.dma_semaphore, #tpu.memory_space<semaphore_mem>>) src(%dma_wait3A_779 : memref<200x32xf32, #tpu.memory_space<vmem>>) dst(%dma_wait3A_775 : memref<200x32xf32, #tpu.memory_space<hbm>>)
      %add3A_780 = arith.constant 2 : i32
      %add3A_781 = arith.addi %add3A_711, %add3A_780 : i32
      %mul3A_782 = arith.constant 200 : i32
      %mul3A_783 = arith.muli %add3A_781, %mul3A_782 : i32
      %add3A_784 = arith.constant 0 : i32
      %add3A_785 = arith.addi %mul3A_783, %add3A_784 : i32
      %add3A_786 = arith.constant 104 : i32
      %add3A_787 = arith.addi %mul3A_783, %add3A_786 : i32
      %dma_start3A_788 = arith.constant 2 : i32
      %dma_start3A_789 = arith.constant 0 : i32
      %dma_start3A_790 = arith.constant 0 : i32
      %dma_start3A_791 = tpu.memref_slice %arg8[%dma_start3A_788, %dma_start3A_789, %dma_start3A_790] : memref<4x200x32xf32, #tpu.memory_space<vmem>> -> memref<1x200x32xf32, #tpu.memory_space<vmem>>
      %dma_start3A_792 = tpu.memref_squeeze %dma_start3A_791 : memref<1x200x32xf32, #tpu.memory_space<vmem>> -> memref<200x32xf32, #tpu.memory_space<vmem>>
      %dma_start3A_793 = arith.constant 0 : i32
      %dma_start3A_794 = arith.constant 0 : i32
      %dma_start3A_795 = tpu.memref_slice %dma_start3A_792[%dma_start3A_793, %dma_start3A_794] : memref<200x32xf32, #tpu.memory_space<vmem>> -> memref<104x32xf32, #tpu.memory_space<vmem>>
      %dma_start3A_796 = tpu.memref_slice %arg7[%add3A_785] : memref<25600xi32, #tpu.memory_space<vmem>> -> memref<104xi32, #tpu.memory_space<vmem>>
      %dma_start3A_797 = arith.constant 0 : i32
      %dma_start3A_798 = arith.constant 0 : i32
      %dma_start3A_799 = tpu.memref_slice %arg3[%dma_start3A_797, %dma_start3A_798] : memref<1000000x32xf32, #tpu.memory_space<hbm>> -> memref<1000000x32xf32, #tpu.memory_space<hbm>>
      tpu.enqueue_indirect_dma source(%dma_start3A_799 : memref<1000000x32xf32, #tpu.memory_space<hbm>>) target(%dma_start3A_795 : memref<104x32xf32, #tpu.memory_space<vmem>>) offsets(%dma_start3A_796 : memref<104xi32, #tpu.memory_space<vmem>>) semaphore(%arg12 : memref<!tpu.dma_semaphore, #tpu.memory_space<semaphore_mem>>)
      %dma_start3A_800 = arith.constant 2 : i32
      %dma_start3A_801 = arith.constant 0 : i32
      %dma_start3A_802 = arith.constant 0 : i32
      %dma_start3A_803 = tpu.memref_slice %arg8[%dma_start3A_800, %dma_start3A_801, %dma_start3A_802] : memref<4x200x32xf32, #tpu.memory_space<vmem>> -> memref<1x200x32xf32, #tpu.memory_space<vmem>>
      %dma_start3A_804 = tpu.memref_squeeze %dma_start3A_803 : memref<1x200x32xf32, #tpu.memory_space<vmem>> -> memref<200x32xf32, #tpu.memory_space<vmem>>
      %dma_start3A_805 = arith.constant 104 : i32
      %dma_start3A_806 = arith.constant 0 : i32
      %dma_start3A_807 = tpu.memref_slice %dma_start3A_804[%dma_start3A_805, %dma_start3A_806] : memref<200x32xf32, #tpu.memory_space<vmem>> -> memref<96x32xf32, #tpu.memory_space<vmem>>
      %dma_start3A_808 = tpu.memref_slice %arg7[%add3A_787] : memref<25600xi32, #tpu.memory_space<vmem>> -> memref<96xi32, #tpu.memory_space<vmem>>
      %dma_start3A_809 = arith.constant 0 : i32
      %dma_start3A_810 = arith.constant 0 : i32
      %dma_start3A_811 = tpu.memref_slice %arg3[%dma_start3A_809, %dma_start3A_810] : memref<1000000x32xf32, #tpu.memory_space<hbm>> -> memref<1000000x32xf32, #tpu.memory_space<hbm>>
      tpu.enqueue_indirect_dma source(%dma_start3A_811 : memref<1000000x32xf32, #tpu.memory_space<hbm>>) target(%dma_start3A_807 : memref<96x32xf32, #tpu.memory_space<vmem>>) offsets(%dma_start3A_808 : memref<96xi32, #tpu.memory_space<vmem>>) semaphore(%arg12 : memref<!tpu.dma_semaphore, #tpu.memory_space<semaphore_mem>>)
      %add3A_812 = arith.constant 1 : i32
      %add3A_813 = arith.addi %add3A_709, %add3A_812 : i32
      %mul3A_814 = arith.constant 200 : i32
      %mul3A_815 = arith.muli %add3A_813, %mul3A_814 : i32
      %add3A_816 = arith.constant 0 : i32
      %add3A_817 = arith.addi %mul3A_815, %add3A_816 : i32
      %add3A_818 = arith.constant 104 : i32
      %add3A_819 = arith.addi %mul3A_815, %add3A_818 : i32
      %dma_wait3A_820 = arith.constant 1 : i32
      %dma_wait3A_821 = arith.constant 0 : i32
      %dma_wait3A_822 = arith.constant 0 : i32
      %dma_wait3A_823 = tpu.memref_slice %arg8[%dma_wait3A_820, %dma_wait3A_821, %dma_wait3A_822] : memref<4x200x32xf32, #tpu.memory_space<vmem>> -> memref<1x200x32xf32, #tpu.memory_space<vmem>>
      %dma_wait3A_824 = tpu.memref_squeeze %dma_wait3A_823 : memref<1x200x32xf32, #tpu.memory_space<vmem>> -> memref<200x32xf32, #tpu.memory_space<vmem>>
      %dma_wait3A_825 = arith.constant 0 : i32
      %dma_wait3A_826 = arith.constant 0 : i32
      %dma_wait3A_827 = tpu.memref_slice %dma_wait3A_824[%dma_wait3A_825, %dma_wait3A_826] : memref<200x32xf32, #tpu.memory_space<vmem>> -> memref<104x32xf32, #tpu.memory_space<vmem>>
      %dma_wait3A_828 = tpu.memref_slice %arg7[%add3A_817] : memref<25600xi32, #tpu.memory_space<vmem>> -> memref<104xi32, #tpu.memory_space<vmem>>
      %dma_wait3A_829 = arith.constant 0 : i32
      %dma_wait3A_830 = arith.constant 0 : i32
      %dma_wait3A_831 = tpu.memref_slice %arg3[%dma_wait3A_829, %dma_wait3A_830] : memref<1000000x32xf32, #tpu.memory_space<hbm>> -> memref<1000000x32xf32, #tpu.memory_space<hbm>>
      tpu.wait_indirect_dma semaphore(%arg11 : memref<!tpu.dma_semaphore, #tpu.memory_space<semaphore_mem>>) src(%dma_wait3A_831 : memref<1000000x32xf32, #tpu.memory_space<hbm>>) dst(%dma_wait3A_827 : memref<104x32xf32, #tpu.memory_space<vmem>>)
      %dma_wait3A_832 = arith.constant 1 : i32
      %dma_wait3A_833 = arith.constant 0 : i32
      %dma_wait3A_834 = arith.constant 0 : i32
      %dma_wait3A_835 = tpu.memref_slice %arg8[%dma_wait3A_832, %dma_wait3A_833, %dma_wait3A_834] : memref<4x200x32xf32, #tpu.memory_space<vmem>> -> memref<1x200x32xf32, #tpu.memory_space<vmem>>
      %dma_wait3A_836 = tpu.memref_squeeze %dma_wait3A_835 : memref<1x200x32xf32, #tpu.memory_space<vmem>> -> memref<200x32xf32, #tpu.memory_space<vmem>>
      %dma_wait3A_837 = arith.constant 104 : i32
      %dma_wait3A_838 = arith.constant 0 : i32
      %dma_wait3A_839 = tpu.memref_slice %dma_wait3A_836[%dma_wait3A_837, %dma_wait3A_838] : memref<200x32xf32, #tpu.memory_space<vmem>> -> memref<96x32xf32, #tpu.memory_space<vmem>>
      %dma_wait3A_840 = tpu.memref_slice %arg7[%add3A_819] : memref<25600xi32, #tpu.memory_space<vmem>> -> memref<96xi32, #tpu.memory_space<vmem>>
      %dma_wait3A_841 = arith.constant 0 : i32
      %dma_wait3A_842 = arith.constant 0 : i32
      %dma_wait3A_843 = tpu.memref_slice %arg3[%dma_wait3A_841, %dma_wait3A_842] : memref<1000000x32xf32, #tpu.memory_space<hbm>> -> memref<1000000x32xf32, #tpu.memory_space<hbm>>
      tpu.wait_indirect_dma semaphore(%arg11 : memref<!tpu.dma_semaphore, #tpu.memory_space<semaphore_mem>>) src(%dma_wait3A_843 : memref<1000000x32xf32, #tpu.memory_space<hbm>>) dst(%dma_wait3A_839 : memref<96x32xf32, #tpu.memory_space<vmem>>)
      %scan3A_844 = arith.constant 0 : i32
      %scan3A_845 = arith.constant 25 : i32
      %scan3A_846 = arith.addi %scan3A_844, %scan3A_845 : i32
      %scan3A_847 = arith.constant 1 : i32
      scf.for %scan3A_1121 = %scan3A_844 to %scan3A_846 step %scan3A_847  : i32 {
        %mul3A_1122 = arith.constant 8 : i32
        %mul3A_1123 = arith.muli %scan3A_1121, %mul3A_1122 : i32
        %add3A_1124 = arith.constant 0 : i32
        %add3A_1125 = arith.addi %add3A_1124, %mul3A_1123 : i32
        %add3A_1126 = arith.constant 0 : i32
        %add3A_1127 = arith.addi %add3A_1125, %add3A_1126 : i32
        %get3A = arith.index_cast %add3A_1127 : i32 to index
        %get3A_1128 = arith.constant 0 : index
        %get3A_1129 = tpu.vector_load %arg6[%get3A, %get3A_1128] {strides = array<i32>} : memref<200x32xf32, #tpu.memory_space<vmem>>, vector<1x16xf32>,
        %get3A_1130 = vector.shape_cast %get3A_1129 : vector<1x16xf32> to vector<1x16xf32>
        %swap3A = arith.constant 1 : i32
        %swap3A_1131 = arith.constant 0 : i32
        %swap3A_1132 = arith.constant 0 : i32
        %swap3A_1133 = tpu.memref_slice %arg8[%swap3A, %swap3A_1131, %swap3A_1132] : memref<4x200x32xf32, #tpu.memory_space<vmem>> -> memref<1x200x32xf32, #tpu.memory_space<vmem>>
        %swap3A_1134 = tpu.memref_squeeze %swap3A_1133 : memref<1x200x32xf32, #tpu.memory_space<vmem>> -> memref<200x32xf32, #tpu.memory_space<vmem>>
        %swap3A_1135 = arith.index_cast %add3A_1127 : i32 to index
        %swap3A_1136 = arith.constant 0 : index
        %swap3A_1137 = tpu.vector_load %swap3A_1134[%swap3A_1135, %swap3A_1136] {strides = array<i32>} : memref<200x32xf32, #tpu.memory_space<vmem>>, vector<1x16xf32>,
        %swap3A_1138 = vector.shape_cast %swap3A_1137 : vector<1x16xf32> to vector<1x16xf32>
        %swap3A_1139 = vector.shape_cast %get3A_1130 : vector<1x16xf32> to vector<1x16xf32>
        tpu.vector_store %swap3A_1134[%swap3A_1135, %swap3A_1136], %swap3A_1139 {add = true, strides = array<i32>} : memref<200x32xf32, #tpu.memory_space<vmem>>, vector<1x16xf32>,
        %add3A_1140 = arith.constant 0 : i32
        %add3A_1141 = arith.addi %add3A_1125, %add3A_1140 : i32
        %get3A_1142 = arith.index_cast %add3A_1141 : i32 to index
        %get3A_1143 = arith.constant 16 : index
        %get3A_1144 = tpu.vector_load %arg6[%get3A_1142, %get3A_1143] {strides = array<i32>} : memref<200x32xf32, #tpu.memory_space<vmem>>, vector<1x16xf32>,
        %get3A_1145 = vector.shape_cast %get3A_1144 : vector<1x16xf32> to vector<1x16xf32>
        %swap3A_1146 = arith.constant 1 : i32
        %swap3A_1147 = arith.constant 0 : i32
        %swap3A_1148 = arith.constant 0 : i32
        %swap3A_1149 = tpu.memref_slice %arg8[%swap3A_1146, %swap3A_1147, %swap3A_1148] : memref<4x200x32xf32, #tpu.memory_space<vmem>> -> memref<1x200x32xf32, #tpu.memory_space<vmem>>
        %swap3A_1150 = tpu.memref_squeeze %swap3A_1149 : memref<1x200x32xf32, #tpu.memory_space<vmem>> -> memref<200x32xf32, #tpu.memory_space<vmem>>
        %swap3A_1151 = arith.index_cast %add3A_1141 : i32 to index
        %swap3A_1152 = arith.constant 16 : index
        %swap3A_1153 = tpu.vector_load %swap3A_1150[%swap3A_1151, %swap3A_1152] {strides = array<i32>} : memref<200x32xf32, #tpu.memory_space<vmem>>, vector<1x16xf32>,
        %swap3A_1154 = vector.shape_cast %swap3A_1153 : vector<1x16xf32> to vector<1x16xf32>
        %swap3A_1155 = vector.shape_cast %get3A_1145 : vector<1x16xf32> to vector<1x16xf32>
        tpu.vector_store %swap3A_1150[%swap3A_1151, %swap3A_1152], %swap3A_1155 {add = true, strides = array<i32>} : memref<200x32xf32, #tpu.memory_space<vmem>>, vector<1x16xf32>,
        %add3A_1156 = arith.constant 1 : i32
        %add3A_1157 = arith.addi %add3A_1125, %add3A_1156 : i32
        %get3A_1158 = arith.index_cast %add3A_1157 : i32 to index
        %get3A_1159 = arith.constant 0 : index
        %get3A_1160 = tpu.vector_load %arg6[%get3A_1158, %get3A_1159] {strides = array<i32>} : memref<200x32xf32, #tpu.memory_space<vmem>>, vector<1x16xf32>,
        %get3A_1161 = vector.shape_cast %get3A_1160 : vector<1x16xf32> to vector<1x16xf32>
        %swap3A_1162 = arith.constant 1 : i32
        %swap3A_1163 = arith.constant 0 : i32
        %swap3A_1164 = arith.constant 0 : i32
        %swap3A_1165 = tpu.memref_slice %arg8[%swap3A_1162, %swap3A_1163, %swap3A_1164] : memref<4x200x32xf32, #tpu.memory_space<vmem>> -> memref<1x200x32xf32, #tpu.memory_space<vmem>>
        %swap3A_1166 = tpu.memref_squeeze %swap3A_1165 : memref<1x200x32xf32, #tpu.memory_space<vmem>> -> memref<200x32xf32, #tpu.memory_space<vmem>>
        %swap3A_1167 = arith.index_cast %add3A_1157 : i32 to index
        %swap3A_1168 = arith.constant 0 : index
        %swap3A_1169 = tpu.vector_load %swap3A_1166[%swap3A_1167, %swap3A_1168] {strides = array<i32>} : memref<200x32xf32, #tpu.memory_space<vmem>>, vector<1x16xf32>,
        %swap3A_1170 = vector.shape_cast %swap3A_1169 : vector<1x16xf32> to vector<1x16xf32>
        %swap3A_1171 = vector.shape_cast %get3A_1161 : vector<1x16xf32> to vector<1x16xf32>
        tpu.vector_store %swap3A_1166[%swap3A_1167, %swap3A_1168], %swap3A_1171 {add = true, strides = array<i32>} : memref<200x32xf32, #tpu.memory_space<vmem>>, vector<1x16xf32>,
        %add3A_1172 = arith.constant 1 : i32
        %add3A_1173 = arith.addi %add3A_1125, %add3A_1172 : i32
        %get3A_1174 = arith.index_cast %add3A_1173 : i32 to index
        %get3A_1175 = arith.constant 16 : index
        %get3A_1176 = tpu.vector_load %arg6[%get3A_1174, %get3A_1175] {strides = array<i32>} : memref<200x32xf32, #tpu.memory_space<vmem>>, vector<1x16xf32>,
        %get3A_1177 = vector.shape_cast %get3A_1176 : vector<1x16xf32> to vector<1x16xf32>
        %swap3A_1178 = arith.constant 1 : i32
        %swap3A_1179 = arith.constant 0 : i32
        %swap3A_1180 = arith.constant 0 : i32
        %swap3A_1181 = tpu.memref_slice %arg8[%swap3A_1178, %swap3A_1179, %swap3A_1180] : memref<4x200x32xf32, #tpu.memory_space<vmem>> -> memref<1x200x32xf32, #tpu.memory_space<vmem>>
        %swap3A_1182 = tpu.memref_squeeze %swap3A_1181 : memref<1x200x32xf32, #tpu.memory_space<vmem>> -> memref<200x32xf32, #tpu.memory_space<vmem>>
        %swap3A_1183 = arith.index_cast %add3A_1173 : i32 to index
        %swap3A_1184 = arith.constant 16 : index
        %swap3A_1185 = tpu.vector_load %swap3A_1182[%swap3A_1183, %swap3A_1184] {strides = array<i32>} : memref<200x32xf32, #tpu.memory_space<vmem>>, vector<1x16xf32>,
        %swap3A_1186 = vector.shape_cast %swap3A_1185 : vector<1x16xf32> to vector<1x16xf32>
        %swap3A_1187 = vector.shape_cast %get3A_1177 : vector<1x16xf32> to vector<1x16xf32>
        tpu.vector_store %swap3A_1182[%swap3A_1183, %swap3A_1184], %swap3A_1187 {add = true, strides = array<i32>} : memref<200x32xf32, #tpu.memory_space<vmem>>, vector<1x16xf32>,
        %add3A_1188 = arith.constant 2 : i32
        %add3A_1189 = arith.addi %add3A_1125, %add3A_1188 : i32
        %get3A_1190 = arith.index_cast %add3A_1189 : i32 to index
        %get3A_1191 = arith.constant 0 : index
        %get3A_1192 = tpu.vector_load %arg6[%get3A_1190, %get3A_1191] {strides = array<i32>} : memref<200x32xf32, #tpu.memory_space<vmem>>, vector<1x16xf32>,
        %get3A_1193 = vector.shape_cast %get3A_1192 : vector<1x16xf32> to vector<1x16xf32>
        %swap3A_1194 = arith.constant 1 : i32
        %swap3A_1195 = arith.constant 0 : i32
        %swap3A_1196 = arith.constant 0 : i32
        %swap3A_1197 = tpu.memref_slice %arg8[%swap3A_1194, %swap3A_1195, %swap3A_1196] : memref<4x200x32xf32, #tpu.memory_space<vmem>> -> memref<1x200x32xf32, #tpu.memory_space<vmem>>
        %swap3A_1198 = tpu.memref_squeeze %swap3A_1197 : memref<1x200x32xf32, #tpu.memory_space<vmem>> -> memref<200x32xf32, #tpu.memory_space<vmem>>
        %swap3A_1199 = arith.index_cast %add3A_1189 : i32 to index
        %swap3A_1200 = arith.constant 0 : index
        %swap3A_1201 = tpu.vector_load %swap3A_1198[%swap3A_1199, %swap3A_1200] {strides = array<i32>} : memref<200x32xf32, #tpu.memory_space<vmem>>, vector<1x16xf32>,
        %swap3A_1202 = vector.shape_cast %swap3A_1201 : vector<1x16xf32> to vector<1x16xf32>
        %swap3A_1203 = vector.shape_cast %get3A_1193 : vector<1x16xf32> to vector<1x16xf32>
        tpu.vector_store %swap3A_1198[%swap3A_1199, %swap3A_1200], %swap3A_1203 {add = true, strides = array<i32>} : memref<200x32xf32, #tpu.memory_space<vmem>>, vector<1x16xf32>,
        %add3A_1204 = arith.constant 2 : i32
        %add3A_1205 = arith.addi %add3A_1125, %add3A_1204 : i32
        %get3A_1206 = arith.index_cast %add3A_1205 : i32 to index
        %get3A_1207 = arith.constant 16 : index
        %get3A_1208 = tpu.vector_load %arg6[%get3A_1206, %get3A_1207] {strides = array<i32>} : memref<200x32xf32, #tpu.memory_space<vmem>>, vector<1x16xf32>,
        %get3A_1209 = vector.shape_cast %get3A_1208 : vector<1x16xf32> to vector<1x16xf32>
        %swap3A_1210 = arith.constant 1 : i32
        %swap3A_1211 = arith.constant 0 : i32
        %swap3A_1212 = arith.constant 0 : i32
        %swap3A_1213 = tpu.memref_slice %arg8[%swap3A_1210, %swap3A_1211, %swap3A_1212] : memref<4x200x32xf32, #tpu.memory_space<vmem>> -> memref<1x200x32xf32, #tpu.memory_space<vmem>>
        %swap3A_1214 = tpu.memref_squeeze %swap3A_1213 : memref<1x200x32xf32, #tpu.memory_space<vmem>> -> memref<200x32xf32, #tpu.memory_space<vmem>>
        %swap3A_1215 = arith.index_cast %add3A_1205 : i32 to index
        %swap3A_1216 = arith.constant 16 : index
        %swap3A_1217 = tpu.vector_load %swap3A_1214[%swap3A_1215, %swap3A_1216] {strides = array<i32>} : memref<200x32xf32, #tpu.memory_space<vmem>>, vector<1x16xf32>,
        %swap3A_1218 = vector.shape_cast %swap3A_1217 : vector<1x16xf32> to vector<1x16xf32>
        %swap3A_1219 = vector.shape_cast %get3A_1209 : vector<1x16xf32> to vector<1x16xf32>
        tpu.vector_store %swap3A_1214[%swap3A_1215, %swap3A_1216], %swap3A_1219 {add = true, strides = array<i32>} : memref<200x32xf32, #tpu.memory_space<vmem>>, vector<1x16xf32>,
        %add3A_1220 = arith.constant 3 : i32
        %add3A_1221 = arith.addi %add3A_1125, %add3A_1220 : i32
        %get3A_1222 = arith.index_cast %add3A_1221 : i32 to index
        %get3A_1223 = arith.constant 0 : index
        %get3A_1224 = tpu.vector_load %arg6[%get3A_1222, %get3A_1223] {strides = array<i32>} : memref<200x32xf32, #tpu.memory_space<vmem>>, vector<1x16xf32>,
        %get3A_1225 = vector.shape_cast %get3A_1224 : vector<1x16xf32> to vector<1x16xf32>
        %swap3A_1226 = arith.constant 1 : i32
        %swap3A_1227 = arith.constant 0 : i32
        %swap3A_1228 = arith.constant 0 : i32
        %swap3A_1229 = tpu.memref_slice %arg8[%swap3A_1226, %swap3A_1227, %swap3A_1228] : memref<4x200x32xf32, #tpu.memory_space<vmem>> -> memref<1x200x32xf32, #tpu.memory_space<vmem>>
        %swap3A_1230 = tpu.memref_squeeze %swap3A_1229 : memref<1x200x32xf32, #tpu.memory_space<vmem>> -> memref<200x32xf32, #tpu.memory_space<vmem>>
        %swap3A_1231 = arith.index_cast %add3A_1221 : i32 to index
        %swap3A_1232 = arith.constant 0 : index
        %swap3A_1233 = tpu.vector_load %swap3A_1230[%swap3A_1231, %swap3A_1232] {strides = array<i32>} : memref<200x32xf32, #tpu.memory_space<vmem>>, vector<1x16xf32>,
        %swap3A_1234 = vector.shape_cast %swap3A_1233 : vector<1x16xf32> to vector<1x16xf32>
        %swap3A_1235 = vector.shape_cast %get3A_1225 : vector<1x16xf32> to vector<1x16xf32>
        tpu.vector_store %swap3A_1230[%swap3A_1231, %swap3A_1232], %swap3A_1235 {add = true, strides = array<i32>} : memref<200x32xf32, #tpu.memory_space<vmem>>, vector<1x16xf32>,
        %add3A_1236 = arith.constant 3 : i32
        %add3A_1237 = arith.addi %add3A_1125, %add3A_1236 : i32
        %get3A_1238 = arith.index_cast %add3A_1237 : i32 to index
        %get3A_1239 = arith.constant 16 : index
        %get3A_1240 = tpu.vector_load %arg6[%get3A_1238, %get3A_1239] {strides = array<i32>} : memref<200x32xf32, #tpu.memory_space<vmem>>, vector<1x16xf32>,
        %get3A_1241 = vector.shape_cast %get3A_1240 : vector<1x16xf32> to vector<1x16xf32>
        %swap3A_1242 = arith.constant 1 : i32
        %swap3A_1243 = arith.constant 0 : i32
        %swap3A_1244 = arith.constant 0 : i32
        %swap3A_1245 = tpu.memref_slice %arg8[%swap3A_1242, %swap3A_1243, %swap3A_1244] : memref<4x200x32xf32, #tpu.memory_space<vmem>> -> memref<1x200x32xf32, #tpu.memory_space<vmem>>
        %swap3A_1246 = tpu.memref_squeeze %swap3A_1245 : memref<1x200x32xf32, #tpu.memory_space<vmem>> -> memref<200x32xf32, #tpu.memory_space<vmem>>
        %swap3A_1247 = arith.index_cast %add3A_1237 : i32 to index
        %swap3A_1248 = arith.constant 16 : index
        %swap3A_1249 = tpu.vector_load %swap3A_1246[%swap3A_1247, %swap3A_1248] {strides = array<i32>} : memref<200x32xf32, #tpu.memory_space<vmem>>, vector<1x16xf32>,
        %swap3A_1250 = vector.shape_cast %swap3A_1249 : vector<1x16xf32> to vector<1x16xf32>
        %swap3A_1251 = vector.shape_cast %get3A_1241 : vector<1x16xf32> to vector<1x16xf32>
        tpu.vector_store %swap3A_1246[%swap3A_1247, %swap3A_1248], %swap3A_1251 {add = true, strides = array<i32>} : memref<200x32xf32, #tpu.memory_space<vmem>>, vector<1x16xf32>,
        %add3A_1252 = arith.constant 4 : i32
        %add3A_1253 = arith.addi %add3A_1125, %add3A_1252 : i32
        %get3A_1254 = arith.index_cast %add3A_1253 : i32 to index
        %get3A_1255 = arith.constant 0 : index
        %get3A_1256 = tpu.vector_load %arg6[%get3A_1254, %get3A_1255] {strides = array<i32>} : memref<200x32xf32, #tpu.memory_space<vmem>>, vector<1x16xf32>,
        %get3A_1257 = vector.shape_cast %get3A_1256 : vector<1x16xf32> to vector<1x16xf32>
        %swap3A_1258 = arith.constant 1 : i32
        %swap3A_1259 = arith.constant 0 : i32
        %swap3A_1260 = arith.constant 0 : i32
        %swap3A_1261 = tpu.memref_slice %arg8[%swap3A_1258, %swap3A_1259, %swap3A_1260] : memref<4x200x32xf32, #tpu.memory_space<vmem>> -> memref<1x200x32xf32, #tpu.memory_space<vmem>>
        %swap3A_1262 = tpu.memref_squeeze %swap3A_1261 : memref<1x200x32xf32, #tpu.memory_space<vmem>> -> memref<200x32xf32, #tpu.memory_space<vmem>>
        %swap3A_1263 = arith.index_cast %add3A_1253 : i32 to index
        %swap3A_1264 = arith.constant 0 : index
        %swap3A_1265 = tpu.vector_load %swap3A_1262[%swap3A_1263, %swap3A_1264] {strides = array<i32>} : memref<200x32xf32, #tpu.memory_space<vmem>>, vector<1x16xf32>,
        %swap3A_1266 = vector.shape_cast %swap3A_1265 : vector<1x16xf32> to vector<1x16xf32>
        %swap3A_1267 = vector.shape_cast %get3A_1257 : vector<1x16xf32> to vector<1x16xf32>
        tpu.vector_store %swap3A_1262[%swap3A_1263, %swap3A_1264], %swap3A_1267 {add = true, strides = array<i32>} : memref<200x32xf32, #tpu.memory_space<vmem>>, vector<1x16xf32>,
        %add3A_1268 = arith.constant 4 : i32
        %add3A_1269 = arith.addi %add3A_1125, %add3A_1268 : i32
        %get3A_1270 = arith.index_cast %add3A_1269 : i32 to index
        %get3A_1271 = arith.constant 16 : index
        %get3A_1272 = tpu.vector_load %arg6[%get3A_1270, %get3A_1271] {strides = array<i32>} : memref<200x32xf32, #tpu.memory_space<vmem>>, vector<1x16xf32>,
        %get3A_1273 = vector.shape_cast %get3A_1272 : vector<1x16xf32> to vector<1x16xf32>
        %swap3A_1274 = arith.constant 1 : i32
        %swap3A_1275 = arith.constant 0 : i32
        %swap3A_1276 = arith.constant 0 : i32
        %swap3A_1277 = tpu.memref_slice %arg8[%swap3A_1274, %swap3A_1275, %swap3A_1276] : memref<4x200x32xf32, #tpu.memory_space<vmem>> -> memref<1x200x32xf32, #tpu.memory_space<vmem>>
        %swap3A_1278 = tpu.memref_squeeze %swap3A_1277 : memref<1x200x32xf32, #tpu.memory_space<vmem>> -> memref<200x32xf32, #tpu.memory_space<vmem>>
        %swap3A_1279 = arith.index_cast %add3A_1269 : i32 to index
        %swap3A_1280 = arith.constant 16 : index
        %swap3A_1281 = tpu.vector_load %swap3A_1278[%swap3A_1279, %swap3A_1280] {strides = array<i32>} : memref<200x32xf32, #tpu.memory_space<vmem>>, vector<1x16xf32>,
        %swap3A_1282 = vector.shape_cast %swap3A_1281 : vector<1x16xf32> to vector<1x16xf32>
        %swap3A_1283 = vector.shape_cast %get3A_1273 : vector<1x16xf32> to vector<1x16xf32>
        tpu.vector_store %swap3A_1278[%swap3A_1279, %swap3A_1280], %swap3A_1283 {add = true, strides = array<i32>} : memref<200x32xf32, #tpu.memory_space<vmem>>, vector<1x16xf32>,
        %add3A_1284 = arith.constant 5 : i32
        %add3A_1285 = arith.addi %add3A_1125, %add3A_1284 : i32
        %get3A_1286 = arith.index_cast %add3A_1285 : i32 to index
        %get3A_1287 = arith.constant 0 : index
        %get3A_1288 = tpu.vector_load %arg6[%get3A_1286, %get3A_1287] {strides = array<i32>} : memref<200x32xf32, #tpu.memory_space<vmem>>, vector<1x16xf32>,
        %get3A_1289 = vector.shape_cast %get3A_1288 : vector<1x16xf32> to vector<1x16xf32>
        %swap3A_1290 = arith.constant 1 : i32
        %swap3A_1291 = arith.constant 0 : i32
        %swap3A_1292 = arith.constant 0 : i32
        %swap3A_1293 = tpu.memref_slice %arg8[%swap3A_1290, %swap3A_1291, %swap3A_1292] : memref<4x200x32xf32, #tpu.memory_space<vmem>> -> memref<1x200x32xf32, #tpu.memory_space<vmem>>
        %swap3A_1294 = tpu.memref_squeeze %swap3A_1293 : memref<1x200x32xf32, #tpu.memory_space<vmem>> -> memref<200x32xf32, #tpu.memory_space<vmem>>
        %swap3A_1295 = arith.index_cast %add3A_1285 : i32 to index
        %swap3A_1296 = arith.constant 0 : index
        %swap3A_1297 = tpu.vector_load %swap3A_1294[%swap3A_1295, %swap3A_1296] {strides = array<i32>} : memref<200x32xf32, #tpu.memory_space<vmem>>, vector<1x16xf32>,
        %swap3A_1298 = vector.shape_cast %swap3A_1297 : vector<1x16xf32> to vector<1x16xf32>
        %swap3A_1299 = vector.shape_cast %get3A_1289 : vector<1x16xf32> to vector<1x16xf32>
        tpu.vector_store %swap3A_1294[%swap3A_1295, %swap3A_1296], %swap3A_1299 {add = true, strides = array<i32>} : memref<200x32xf32, #tpu.memory_space<vmem>>, vector<1x16xf32>,
        %add3A_1300 = arith.constant 5 : i32
        %add3A_1301 = arith.addi %add3A_1125, %add3A_1300 : i32
        %get3A_1302 = arith.index_cast %add3A_1301 : i32 to index
        %get3A_1303 = arith.constant 16 : index
        %get3A_1304 = tpu.vector_load %arg6[%get3A_1302, %get3A_1303] {strides = array<i32>} : memref<200x32xf32, #tpu.memory_space<vmem>>, vector<1x16xf32>,
        %get3A_1305 = vector.shape_cast %get3A_1304 : vector<1x16xf32> to vector<1x16xf32>
        %swap3A_1306 = arith.constant 1 : i32
        %swap3A_1307 = arith.constant 0 : i32
        %swap3A_1308 = arith.constant 0 : i32
        %swap3A_1309 = tpu.memref_slice %arg8[%swap3A_1306, %swap3A_1307, %swap3A_1308] : memref<4x200x32xf32, #tpu.memory_space<vmem>> -> memref<1x200x32xf32, #tpu.memory_space<vmem>>
        %swap3A_1310 = tpu.memref_squeeze %swap3A_1309 : memref<1x200x32xf32, #tpu.memory_space<vmem>> -> memref<200x32xf32, #tpu.memory_space<vmem>>
        %swap3A_1311 = arith.index_cast %add3A_1301 : i32 to index
        %swap3A_1312 = arith.constant 16 : index
        %swap3A_1313 = tpu.vector_load %swap3A_1310[%swap3A_1311, %swap3A_1312] {strides = array<i32>} : memref<200x32xf32, #tpu.memory_space<vmem>>, vector<1x16xf32>,
        %swap3A_1314 = vector.shape_cast %swap3A_1313 : vector<1x16xf32> to vector<1x16xf32>
        %swap3A_1315 = vector.shape_cast %get3A_1305 : vector<1x16xf32> to vector<1x16xf32>
        tpu.vector_store %swap3A_1310[%swap3A_1311, %swap3A_1312], %swap3A_1315 {add = true, strides = array<i32>} : memref<200x32xf32, #tpu.memory_space<vmem>>, vector<1x16xf32>,
        %add3A_1316 = arith.constant 6 : i32
        %add3A_1317 = arith.addi %add3A_1125, %add3A_1316 : i32
        %get3A_1318 = arith.index_cast %add3A_1317 : i32 to index
        %get3A_1319 = arith.constant 0 : index
        %get3A_1320 = tpu.vector_load %arg6[%get3A_1318, %get3A_1319] {strides = array<i32>} : memref<200x32xf32, #tpu.memory_space<vmem>>, vector<1x16xf32>,
        %get3A_1321 = vector.shape_cast %get3A_1320 : vector<1x16xf32> to vector<1x16xf32>
        %swap3A_1322 = arith.constant 1 : i32
        %swap3A_1323 = arith.constant 0 : i32
        %swap3A_1324 = arith.constant 0 : i32
        %swap3A_1325 = tpu.memref_slice %arg8[%swap3A_1322, %swap3A_1323, %swap3A_1324] : memref<4x200x32xf32, #tpu.memory_space<vmem>> -> memref<1x200x32xf32, #tpu.memory_space<vmem>>
        %swap3A_1326 = tpu.memref_squeeze %swap3A_1325 : memref<1x200x32xf32, #tpu.memory_space<vmem>> -> memref<200x32xf32, #tpu.memory_space<vmem>>
        %swap3A_1327 = arith.index_cast %add3A_1317 : i32 to index
        %swap3A_1328 = arith.constant 0 : index
        %swap3A_1329 = tpu.vector_load %swap3A_1326[%swap3A_1327, %swap3A_1328] {strides = array<i32>} : memref<200x32xf32, #tpu.memory_space<vmem>>, vector<1x16xf32>,
        %swap3A_1330 = vector.shape_cast %swap3A_1329 : vector<1x16xf32> to vector<1x16xf32>
        %swap3A_1331 = vector.shape_cast %get3A_1321 : vector<1x16xf32> to vector<1x16xf32>
        tpu.vector_store %swap3A_1326[%swap3A_1327, %swap3A_1328], %swap3A_1331 {add = true, strides = array<i32>} : memref<200x32xf32, #tpu.memory_space<vmem>>, vector<1x16xf32>,
        %add3A_1332 = arith.constant 6 : i32
        %add3A_1333 = arith.addi %add3A_1125, %add3A_1332 : i32
        %get3A_1334 = arith.index_cast %add3A_1333 : i32 to index
        %get3A_1335 = arith.constant 16 : index
        %get3A_1336 = tpu.vector_load %arg6[%get3A_1334, %get3A_1335] {strides = array<i32>} : memref<200x32xf32, #tpu.memory_space<vmem>>, vector<1x16xf32>,
        %get3A_1337 = vector.shape_cast %get3A_1336 : vector<1x16xf32> to vector<1x16xf32>
        %swap3A_1338 = arith.constant 1 : i32
        %swap3A_1339 = arith.constant 0 : i32
        %swap3A_1340 = arith.constant 0 : i32
        %swap3A_1341 = tpu.memref_slice %arg8[%swap3A_1338, %swap3A_1339, %swap3A_1340] : memref<4x200x32xf32, #tpu.memory_space<vmem>> -> memref<1x200x32xf32, #tpu.memory_space<vmem>>
        %swap3A_1342 = tpu.memref_squeeze %swap3A_1341 : memref<1x200x32xf32, #tpu.memory_space<vmem>> -> memref<200x32xf32, #tpu.memory_space<vmem>>
        %swap3A_1343 = arith.index_cast %add3A_1333 : i32 to index
        %swap3A_1344 = arith.constant 16 : index
        %swap3A_1345 = tpu.vector_load %swap3A_1342[%swap3A_1343, %swap3A_1344] {strides = array<i32>} : memref<200x32xf32, #tpu.memory_space<vmem>>, vector<1x16xf32>,
        %swap3A_1346 = vector.shape_cast %swap3A_1345 : vector<1x16xf32> to vector<1x16xf32>
        %swap3A_1347 = vector.shape_cast %get3A_1337 : vector<1x16xf32> to vector<1x16xf32>
        tpu.vector_store %swap3A_1342[%swap3A_1343, %swap3A_1344], %swap3A_1347 {add = true, strides = array<i32>} : memref<200x32xf32, #tpu.memory_space<vmem>>, vector<1x16xf32>,
        %add3A_1348 = arith.constant 7 : i32
        %add3A_1349 = arith.addi %add3A_1125, %add3A_1348 : i32
        %get3A_1350 = arith.index_cast %add3A_1349 : i32 to index
        %get3A_1351 = arith.constant 0 : index
        %get3A_1352 = tpu.vector_load %arg6[%get3A_1350, %get3A_1351] {strides = array<i32>} : memref<200x32xf32, #tpu.memory_space<vmem>>, vector<1x16xf32>,
        %get3A_1353 = vector.shape_cast %get3A_1352 : vector<1x16xf32> to vector<1x16xf32>
        %swap3A_1354 = arith.constant 1 : i32
        %swap3A_1355 = arith.constant 0 : i32
        %swap3A_1356 = arith.constant 0 : i32
        %swap3A_1357 = tpu.memref_slice %arg8[%swap3A_1354, %swap3A_1355, %swap3A_1356] : memref<4x200x32xf32, #tpu.memory_space<vmem>> -> memref<1x200x32xf32, #tpu.memory_space<vmem>>
        %swap3A_1358 = tpu.memref_squeeze %swap3A_1357 : memref<1x200x32xf32, #tpu.memory_space<vmem>> -> memref<200x32xf32, #tpu.memory_space<vmem>>
        %swap3A_1359 = arith.index_cast %add3A_1349 : i32 to index
        %swap3A_1360 = arith.constant 0 : index
        %swap3A_1361 = tpu.vector_load %swap3A_1358[%swap3A_1359, %swap3A_1360] {strides = array<i32>} : memref<200x32xf32, #tpu.memory_space<vmem>>, vector<1x16xf32>,
        %swap3A_1362 = vector.shape_cast %swap3A_1361 : vector<1x16xf32> to vector<1x16xf32>
        %swap3A_1363 = vector.shape_cast %get3A_1353 : vector<1x16xf32> to vector<1x16xf32>
        tpu.vector_store %swap3A_1358[%swap3A_1359, %swap3A_1360], %swap3A_1363 {add = true, strides = array<i32>} : memref<200x32xf32, #tpu.memory_space<vmem>>, vector<1x16xf32>,
        %add3A_1364 = arith.constant 7 : i32
        %add3A_1365 = arith.addi %add3A_1125, %add3A_1364 : i32
        %get3A_1366 = arith.index_cast %add3A_1365 : i32 to index
        %get3A_1367 = arith.constant 16 : index
        %get3A_1368 = tpu.vector_load %arg6[%get3A_1366, %get3A_1367] {strides = array<i32>} : memref<200x32xf32, #tpu.memory_space<vmem>>, vector<1x16xf32>,
        %get3A_1369 = vector.shape_cast %get3A_1368 : vector<1x16xf32> to vector<1x16xf32>
        %swap3A_1370 = arith.constant 1 : i32
        %swap3A_1371 = arith.constant 0 : i32
        %swap3A_1372 = arith.constant 0 : i32
        %swap3A_1373 = tpu.memref_slice %arg8[%swap3A_1370, %swap3A_1371, %swap3A_1372] : memref<4x200x32xf32, #tpu.memory_space<vmem>> -> memref<1x200x32xf32, #tpu.memory_space<vmem>>
        %swap3A_1374 = tpu.memref_squeeze %swap3A_1373 : memref<1x200x32xf32, #tpu.memory_space<vmem>> -> memref<200x32xf32, #tpu.memory_space<vmem>>
        %swap3A_1375 = arith.index_cast %add3A_1365 : i32 to index
        %swap3A_1376 = arith.constant 16 : index
        %swap3A_1377 = tpu.vector_load %swap3A_1374[%swap3A_1375, %swap3A_1376] {strides = array<i32>} : memref<200x32xf32, #tpu.memory_space<vmem>>, vector<1x16xf32>,
        %swap3A_1378 = vector.shape_cast %swap3A_1377 : vector<1x16xf32> to vector<1x16xf32>
        %swap3A_1379 = vector.shape_cast %get3A_1369 : vector<1x16xf32> to vector<1x16xf32>
        tpu.vector_store %swap3A_1374[%swap3A_1375, %swap3A_1376], %swap3A_1379 {add = true, strides = array<i32>} : memref<200x32xf32, #tpu.memory_space<vmem>>, vector<1x16xf32>,
      }
      %scan3A_848 = arith.constant 25 : i32
      %mul3A_849 = arith.constant 200 : i32
      %mul3A_850 = arith.muli %add3A_813, %mul3A_849 : i32
      %add3A_851 = arith.addi %mul3A_2, %mul3A_850 : i32
      %dma_start3A_852 = arith.constant 1 : i32
      %dma_start3A_853 = arith.constant 0 : i32
      %dma_start3A_854 = arith.constant 0 : i32
      %dma_start3A_855 = tpu.memref_slice %arg8[%dma_start3A_852, %dma_start3A_853, %dma_start3A_854] : memref<4x200x32xf32, #tpu.memory_space<vmem>> -> memref<1x200x32xf32, #tpu.memory_space<vmem>>
      %dma_start3A_856 = tpu.memref_squeeze %dma_start3A_855 : memref<1x200x32xf32, #tpu.memory_space<vmem>> -> memref<200x32xf32, #tpu.memory_space<vmem>>
      %dma_start3A_857 = arith.constant 0 : i32
      %dma_start3A_858 = tpu.memref_slice %arg5[%add3A_851, %dma_start3A_857] : memref<819200x128xf32, #tpu.memory_space<hbm>> -> memref<200x32xf32, #tpu.memory_space<hbm>>
      %dma_start3A_859 = arith.constant 0 : i32
      %dma_start3A_860 = tpu.memref_slice %arg5[%add3A_851, %dma_start3A_859] : memref<819200x128xf32, #tpu.memory_space<hbm>> -> memref<200x32xf32, #tpu.memory_space<hbm>>
      %dma_start3A_861 = arith.constant 0 : i32
      %dma_start3A_862 = arith.constant 0 : i32
      %dma_start3A_863 = tpu.memref_slice %arg8[%dma_start3A_852, %dma_start3A_861, %dma_start3A_862] : memref<4x200x32xf32, #tpu.memory_space<vmem>> -> memref<1x200x32xf32, #tpu.memory_space<vmem>>
      %dma_start3A_864 = tpu.memref_squeeze %dma_start3A_863 : memref<1x200x32xf32, #tpu.memory_space<vmem>> -> memref<200x32xf32, #tpu.memory_space<vmem>>
      tpu.enqueue_dma source(%dma_start3A_864 : memref<200x32xf32, #tpu.memory_space<vmem>>) target(%dma_start3A_860 : memref<200x32xf32, #tpu.memory_space<hbm>>) target_semaphore(%arg15 : memref<!tpu.dma_semaphore, #tpu.memory_space<semaphore_mem>>)
      %sub3A_865 = arith.constant 2 : i32
      %sub3A_866 = arith.subi %add3A_813, %sub3A_865 : i32
      %mul3A_867 = arith.constant 200 : i32
      %mul3A_868 = arith.muli %sub3A_866, %mul3A_867 : i32
      %add3A_869 = arith.addi %mul3A_2, %mul3A_868 : i32
      %dma_wait3A_870 = arith.constant 3 : i32
      %dma_wait3A_871 = arith.constant 0 : i32
      %dma_wait3A_872 = arith.constant 0 : i32
      %dma_wait3A_873 = tpu.memref_slice %arg8[%dma_wait3A_870, %dma_wait3A_871, %dma_wait3A_872] : memref<4x200x32xf32, #tpu.memory_space<vmem>> -> memref<1x200x32xf32, #tpu.memory_space<vmem>>
      %dma_wait3A_874 = tpu.memref_squeeze %dma_wait3A_873 : memref<1x200x32xf32, #tpu.memory_space<vmem>> -> memref<200x32xf32, #tpu.memory_space<vmem>>
      %dma_wait3A_875 = arith.constant 0 : i32
      %dma_wait3A_876 = tpu.memref_slice %arg5[%add3A_869, %dma_wait3A_875] : memref<819200x128xf32, #tpu.memory_space<hbm>> -> memref<200x32xf32, #tpu.memory_space<hbm>>
      %dma_wait3A_877 = arith.constant 0 : i32
      %dma_wait3A_878 = tpu.memref_slice %arg5[%add3A_869, %dma_wait3A_877] : memref<819200x128xf32, #tpu.memory_space<hbm>> -> memref<200x32xf32, #tpu.memory_space<hbm>>
      %dma_wait3A_879 = arith.constant 0 : i32
      %dma_wait3A_880 = arith.constant 0 : i32
      %dma_wait3A_881 = tpu.memref_slice %arg8[%dma_wait3A_870, %dma_wait3A_879, %dma_wait3A_880] : memref<4x200x32xf32, #tpu.memory_space<vmem>> -> memref<1x200x32xf32, #tpu.memory_space<vmem>>
      %dma_wait3A_882 = tpu.memref_squeeze %dma_wait3A_881 : memref<1x200x32xf32, #tpu.memory_space<vmem>> -> memref<200x32xf32, #tpu.memory_space<vmem>>
      tpu.wait_dma2 semaphore(%arg17 : memref<!tpu.dma_semaphore, #tpu.memory_space<semaphore_mem>>) src(%dma_wait3A_882 : memref<200x32xf32, #tpu.memory_space<vmem>>) dst(%dma_wait3A_878 : memref<200x32xf32, #tpu.memory_space<hbm>>)
      %add3A_883 = arith.constant 2 : i32
      %add3A_884 = arith.addi %add3A_813, %add3A_883 : i32
      %mul3A_885 = arith.constant 200 : i32
      %mul3A_886 = arith.muli %add3A_884, %mul3A_885 : i32
      %add3A_887 = arith.constant 0 : i32
      %add3A_888 = arith.addi %mul3A_886, %add3A_887 : i32
      %add3A_889 = arith.constant 104 : i32
      %add3A_890 = arith.addi %mul3A_886, %add3A_889 : i32
      %dma_start3A_891 = arith.constant 3 : i32
      %dma_start3A_892 = arith.constant 0 : i32
      %dma_start3A_893 = arith.constant 0 : i32
      %dma_start3A_894 = tpu.memref_slice %arg8[%dma_start3A_891, %dma_start3A_892, %dma_start3A_893] : memref<4x200x32xf32, #tpu.memory_space<vmem>> -> memref<1x200x32xf32, #tpu.memory_space<vmem>>
      %dma_start3A_895 = tpu.memref_squeeze %dma_start3A_894 : memref<1x200x32xf32, #tpu.memory_space<vmem>> -> memref<200x32xf32, #tpu.memory_space<vmem>>
      %dma_start3A_896 = arith.constant 0 : i32
      %dma_start3A_897 = arith.constant 0 : i32
      %dma_start3A_898 = tpu.memref_slice %dma_start3A_895[%dma_start3A_896, %dma_start3A_897] : memref<200x32xf32, #tpu.memory_space<vmem>> -> memref<104x32xf32, #tpu.memory_space<vmem>>
      %dma_start3A_899 = tpu.memref_slice %arg7[%add3A_888] : memref<25600xi32, #tpu.memory_space<vmem>> -> memref<104xi32, #tpu.memory_space<vmem>>
      %dma_start3A_900 = arith.constant 0 : i32
      %dma_start3A_901 = arith.constant 0 : i32
      %dma_start3A_902 = tpu.memref_slice %arg3[%dma_start3A_900, %dma_start3A_901] : memref<1000000x32xf32, #tpu.memory_space<hbm>> -> memref<1000000x32xf32, #tpu.memory_space<hbm>>
      tpu.enqueue_indirect_dma source(%dma_start3A_902 : memref<1000000x32xf32, #tpu.memory_space<hbm>>) target(%dma_start3A_898 : memref<104x32xf32, #tpu.memory_space<vmem>>) offsets(%dma_start3A_899 : memref<104xi32, #tpu.memory_space<vmem>>) semaphore(%arg13 : memref<!tpu.dma_semaphore, #tpu.memory_space<semaphore_mem>>)
      %dma_start3A_903 = arith.constant 3 : i32
      %dma_start3A_904 = arith.constant 0 : i32
      %dma_start3A_905 = arith.constant 0 : i32
      %dma_start3A_906 = tpu.memref_slice %arg8[%dma_start3A_903, %dma_start3A_904, %dma_start3A_905] : memref<4x200x32xf32, #tpu.memory_space<vmem>> -> memref<1x200x32xf32, #tpu.memory_space<vmem>>
      %dma_start3A_907 = tpu.memref_squeeze %dma_start3A_906 : memref<1x200x32xf32, #tpu.memory_space<vmem>> -> memref<200x32xf32, #tpu.memory_space<vmem>>
      %dma_start3A_908 = arith.constant 104 : i32
      %dma_start3A_909 = arith.constant 0 : i32
      %dma_start3A_910 = tpu.memref_slice %dma_start3A_907[%dma_start3A_908, %dma_start3A_909] : memref<200x32xf32, #tpu.memory_space<vmem>> -> memref<96x32xf32, #tpu.memory_space<vmem>>
      %dma_start3A_911 = tpu.memref_slice %arg7[%add3A_890] : memref<25600xi32, #tpu.memory_space<vmem>> -> memref<96xi32, #tpu.memory_space<vmem>>
      %dma_start3A_912 = arith.constant 0 : i32
      %dma_start3A_913 = arith.constant 0 : i32
      %dma_start3A_914 = tpu.memref_slice %arg3[%dma_start3A_912, %dma_start3A_913] : memref<1000000x32xf32, #tpu.memory_space<hbm>> -> memref<1000000x32xf32, #tpu.memory_space<hbm>>
      tpu.enqueue_indirect_dma source(%dma_start3A_914 : memref<1000000x32xf32, #tpu.memory_space<hbm>>) target(%dma_start3A_910 : memref<96x32xf32, #tpu.memory_space<vmem>>) offsets(%dma_start3A_911 : memref<96xi32, #tpu.memory_space<vmem>>) semaphore(%arg13 : memref<!tpu.dma_semaphore, #tpu.memory_space<semaphore_mem>>)
      %add3A_915 = arith.constant 2 : i32
      %add3A_916 = arith.addi %add3A_709, %add3A_915 : i32
      %mul3A_917 = arith.constant 200 : i32
      %mul3A_918 = arith.muli %add3A_916, %mul3A_917 : i32
      %add3A_919 = arith.constant 0 : i32
      %add3A_920 = arith.addi %mul3A_918, %add3A_919 : i32
      %add3A_921 = arith.constant 104 : i32
      %add3A_922 = arith.addi %mul3A_918, %add3A_921 : i32
      %dma_wait3A_923 = arith.constant 2 : i32
      %dma_wait3A_924 = arith.constant 0 : i32
      %dma_wait3A_925 = arith.constant 0 : i32
      %dma_wait3A_926 = tpu.memref_slice %arg8[%dma_wait3A_923, %dma_wait3A_924, %dma_wait3A_925] : memref<4x200x32xf32, #tpu.memory_space<vmem>> -> memref<1x200x32xf32, #tpu.memory_space<vmem>>
      %dma_wait3A_927 = tpu.memref_squeeze %dma_wait3A_926 : memref<1x200x32xf32, #tpu.memory_space<vmem>> -> memref<200x32xf32, #tpu.memory_space<vmem>>
      %dma_wait3A_928 = arith.constant 0 : i32
      %dma_wait3A_929 = arith.constant 0 : i32
      %dma_wait3A_930 = tpu.memref_slice %dma_wait3A_927[%dma_wait3A_928, %dma_wait3A_929] : memref<200x32xf32, #tpu.memory_space<vmem>> -> memref<104x32xf32, #tpu.memory_space<vmem>>
      %dma_wait3A_931 = tpu.memref_slice %arg7[%add3A_920] : memref<25600xi32, #tpu.memory_space<vmem>> -> memref<104xi32, #tpu.memory_space<vmem>>
      %dma_wait3A_932 = arith.constant 0 : i32
      %dma_wait3A_933 = arith.constant 0 : i32
      %dma_wait3A_934 = tpu.memref_slice %arg3[%dma_wait3A_932, %dma_wait3A_933] : memref<1000000x32xf32, #tpu.memory_space<hbm>> -> memref<1000000x32xf32, #tpu.memory_space<hbm>>
      tpu.wait_indirect_dma semaphore(%arg12 : memref<!tpu.dma_semaphore, #tpu.memory_space<semaphore_mem>>) src(%dma_wait3A_934 : memref<1000000x32xf32, #tpu.memory_space<hbm>>) dst(%dma_wait3A_930 : memref<104x32xf32, #tpu.memory_space<vmem>>)
      %dma_wait3A_935 = arith.constant 2 : i32
      %dma_wait3A_936 = arith.constant 0 : i32
      %dma_wait3A_937 = arith.constant 0 : i32
      %dma_wait3A_938 = tpu.memref_slice %arg8[%dma_wait3A_935, %dma_wait3A_936, %dma_wait3A_937] : memref<4x200x32xf32, #tpu.memory_space<vmem>> -> memref<1x200x32xf32, #tpu.memory_space<vmem>>
      %dma_wait3A_939 = tpu.memref_squeeze %dma_wait3A_938 : memref<1x200x32xf32, #tpu.memory_space<vmem>> -> memref<200x32xf32, #tpu.memory_space<vmem>>
      %dma_wait3A_940 = arith.constant 104 : i32
      %dma_wait3A_941 = arith.constant 0 : i32
      %dma_wait3A_942 = tpu.memref_slice %dma_wait3A_939[%dma_wait3A_940, %dma_wait3A_941] : memref<200x32xf32, #tpu.memory_space<vmem>> -> memref<96x32xf32, #tpu.memory_space<vmem>>
      %dma_wait3A_943 = tpu.memref_slice %arg7[%add3A_922] : memref<25600xi32, #tpu.memory_space<vmem>> -> memref<96xi32, #tpu.memory_space<vmem>>
      %dma_wait3A_944 = arith.constant 0 : i32
      %dma_wait3A_945 = arith.constant 0 : i32
      %dma_wait3A_946 = tpu.memref_slice %arg3[%dma_wait3A_944, %dma_wait3A_945] : memref<1000000x32xf32, #tpu.memory_space<hbm>> -> memref<1000000x32xf32, #tpu.memory_space<hbm>>
      tpu.wait_indirect_dma semaphore(%arg12 : memref<!tpu.dma_semaphore, #tpu.memory_space<semaphore_mem>>) src(%dma_wait3A_946 : memref<1000000x32xf32, #tpu.memory_space<hbm>>) dst(%dma_wait3A_942 : memref<96x32xf32, #tpu.memory_space<vmem>>)
      %scan3A_947 = arith.constant 0 : i32
      %scan3A_948 = arith.constant 25 : i32
      %scan3A_949 = arith.addi %scan3A_947, %scan3A_948 : i32
      %scan3A_950 = arith.constant 1 : i32
      scf.for %scan3A_1121 = %scan3A_947 to %scan3A_949 step %scan3A_950  : i32 {
        %mul3A_1122 = arith.constant 8 : i32
        %mul3A_1123 = arith.muli %scan3A_1121, %mul3A_1122 : i32
        %add3A_1124 = arith.constant 0 : i32
        %add3A_1125 = arith.addi %add3A_1124, %mul3A_1123 : i32
        %add3A_1126 = arith.constant 0 : i32
        %add3A_1127 = arith.addi %add3A_1125, %add3A_1126 : i32
        %get3A = arith.index_cast %add3A_1127 : i32 to index
        %get3A_1128 = arith.constant 0 : index
        %get3A_1129 = tpu.vector_load %arg6[%get3A, %get3A_1128] {strides = array<i32>} : memref<200x32xf32, #tpu.memory_space<vmem>>, vector<1x16xf32>,
        %get3A_1130 = vector.shape_cast %get3A_1129 : vector<1x16xf32> to vector<1x16xf32>
        %swap3A = arith.constant 2 : i32
        %swap3A_1131 = arith.constant 0 : i32
        %swap3A_1132 = arith.constant 0 : i32
        %swap3A_1133 = tpu.memref_slice %arg8[%swap3A, %swap3A_1131, %swap3A_1132] : memref<4x200x32xf32, #tpu.memory_space<vmem>> -> memref<1x200x32xf32, #tpu.memory_space<vmem>>
        %swap3A_1134 = tpu.memref_squeeze %swap3A_1133 : memref<1x200x32xf32, #tpu.memory_space<vmem>> -> memref<200x32xf32, #tpu.memory_space<vmem>>
        %swap3A_1135 = arith.index_cast %add3A_1127 : i32 to index
        %swap3A_1136 = arith.constant 0 : index
        %swap3A_1137 = tpu.vector_load %swap3A_1134[%swap3A_1135, %swap3A_1136] {strides = array<i32>} : memref<200x32xf32, #tpu.memory_space<vmem>>, vector<1x16xf32>,
        %swap3A_1138 = vector.shape_cast %swap3A_1137 : vector<1x16xf32> to vector<1x16xf32>
        %swap3A_1139 = vector.shape_cast %get3A_1130 : vector<1x16xf32> to vector<1x16xf32>
        tpu.vector_store %swap3A_1134[%swap3A_1135, %swap3A_1136], %swap3A_1139 {add = true, strides = array<i32>} : memref<200x32xf32, #tpu.memory_space<vmem>>, vector<1x16xf32>,
        %add3A_1140 = arith.constant 0 : i32
        %add3A_1141 = arith.addi %add3A_1125, %add3A_1140 : i32
        %get3A_1142 = arith.index_cast %add3A_1141 : i32 to index
        %get3A_1143 = arith.constant 16 : index
        %get3A_1144 = tpu.vector_load %arg6[%get3A_1142, %get3A_1143] {strides = array<i32>} : memref<200x32xf32, #tpu.memory_space<vmem>>, vector<1x16xf32>,
        %get3A_1145 = vector.shape_cast %get3A_1144 : vector<1x16xf32> to vector<1x16xf32>
        %swap3A_1146 = arith.constant 2 : i32
        %swap3A_1147 = arith.constant 0 : i32
        %swap3A_1148 = arith.constant 0 : i32
        %swap3A_1149 = tpu.memref_slice %arg8[%swap3A_1146, %swap3A_1147, %swap3A_1148] : memref<4x200x32xf32, #tpu.memory_space<vmem>> -> memref<1x200x32xf32, #tpu.memory_space<vmem>>
        %swap3A_1150 = tpu.memref_squeeze %swap3A_1149 : memref<1x200x32xf32, #tpu.memory_space<vmem>> -> memref<200x32xf32, #tpu.memory_space<vmem>>
        %swap3A_1151 = arith.index_cast %add3A_1141 : i32 to index
        %swap3A_1152 = arith.constant 16 : index
        %swap3A_1153 = tpu.vector_load %swap3A_1150[%swap3A_1151, %swap3A_1152] {strides = array<i32>} : memref<200x32xf32, #tpu.memory_space<vmem>>, vector<1x16xf32>,
        %swap3A_1154 = vector.shape_cast %swap3A_1153 : vector<1x16xf32> to vector<1x16xf32>
        %swap3A_1155 = vector.shape_cast %get3A_1145 : vector<1x16xf32> to vector<1x16xf32>
        tpu.vector_store %swap3A_1150[%swap3A_1151, %swap3A_1152], %swap3A_1155 {add = true, strides = array<i32>} : memref<200x32xf32, #tpu.memory_space<vmem>>, vector<1x16xf32>,
        %add3A_1156 = arith.constant 1 : i32
        %add3A_1157 = arith.addi %add3A_1125, %add3A_1156 : i32
        %get3A_1158 = arith.index_cast %add3A_1157 : i32 to index
        %get3A_1159 = arith.constant 0 : index
        %get3A_1160 = tpu.vector_load %arg6[%get3A_1158, %get3A_1159] {strides = array<i32>} : memref<200x32xf32, #tpu.memory_space<vmem>>, vector<1x16xf32>,
        %get3A_1161 = vector.shape_cast %get3A_1160 : vector<1x16xf32> to vector<1x16xf32>
        %swap3A_1162 = arith.constant 2 : i32
        %swap3A_1163 = arith.constant 0 : i32
        %swap3A_1164 = arith.constant 0 : i32
        %swap3A_1165 = tpu.memref_slice %arg8[%swap3A_1162, %swap3A_1163, %swap3A_1164] : memref<4x200x32xf32, #tpu.memory_space<vmem>> -> memref<1x200x32xf32, #tpu.memory_space<vmem>>
        %swap3A_1166 = tpu.memref_squeeze %swap3A_1165 : memref<1x200x32xf32, #tpu.memory_space<vmem>> -> memref<200x32xf32, #tpu.memory_space<vmem>>
        %swap3A_1167 = arith.index_cast %add3A_1157 : i32 to index
        %swap3A_1168 = arith.constant 0 : index
        %swap3A_1169 = tpu.vector_load %swap3A_1166[%swap3A_1167, %swap3A_1168] {strides = array<i32>} : memref<200x32xf32, #tpu.memory_space<vmem>>, vector<1x16xf32>,
        %swap3A_1170 = vector.shape_cast %swap3A_1169 : vector<1x16xf32> to vector<1x16xf32>
        %swap3A_1171 = vector.shape_cast %get3A_1161 : vector<1x16xf32> to vector<1x16xf32>
        tpu.vector_store %swap3A_1166[%swap3A_1167, %swap3A_1168], %swap3A_1171 {add = true, strides = array<i32>} : memref<200x32xf32, #tpu.memory_space<vmem>>, vector<1x16xf32>,
        %add3A_1172 = arith.constant 1 : i32
        %add3A_1173 = arith.addi %add3A_1125, %add3A_1172 : i32
        %get3A_1174 = arith.index_cast %add3A_1173 : i32 to index
        %get3A_1175 = arith.constant 16 : index
        %get3A_1176 = tpu.vector_load %arg6[%get3A_1174, %get3A_1175] {strides = array<i32>} : memref<200x32xf32, #tpu.memory_space<vmem>>, vector<1x16xf32>,
        %get3A_1177 = vector.shape_cast %get3A_1176 : vector<1x16xf32> to vector<1x16xf32>
        %swap3A_1178 = arith.constant 2 : i32
        %swap3A_1179 = arith.constant 0 : i32
        %swap3A_1180 = arith.constant 0 : i32
        %swap3A_1181 = tpu.memref_slice %arg8[%swap3A_1178, %swap3A_1179, %swap3A_1180] : memref<4x200x32xf32, #tpu.memory_space<vmem>> -> memref<1x200x32xf32, #tpu.memory_space<vmem>>
        %swap3A_1182 = tpu.memref_squeeze %swap3A_1181 : memref<1x200x32xf32, #tpu.memory_space<vmem>> -> memref<200x32xf32, #tpu.memory_space<vmem>>
        %swap3A_1183 = arith.index_cast %add3A_1173 : i32 to index
        %swap3A_1184 = arith.constant 16 : index
        %swap3A_1185 = tpu.vector_load %swap3A_1182[%swap3A_1183, %swap3A_1184] {strides = array<i32>} : memref<200x32xf32, #tpu.memory_space<vmem>>, vector<1x16xf32>,
        %swap3A_1186 = vector.shape_cast %swap3A_1185 : vector<1x16xf32> to vector<1x16xf32>
        %swap3A_1187 = vector.shape_cast %get3A_1177 : vector<1x16xf32> to vector<1x16xf32>
        tpu.vector_store %swap3A_1182[%swap3A_1183, %swap3A_1184], %swap3A_1187 {add = true, strides = array<i32>} : memref<200x32xf32, #tpu.memory_space<vmem>>, vector<1x16xf32>,
        %add3A_1188 = arith.constant 2 : i32
        %add3A_1189 = arith.addi %add3A_1125, %add3A_1188 : i32
        %get3A_1190 = arith.index_cast %add3A_1189 : i32 to index
        %get3A_1191 = arith.constant 0 : index
        %get3A_1192 = tpu.vector_load %arg6[%get3A_1190, %get3A_1191] {strides = array<i32>} : memref<200x32xf32, #tpu.memory_space<vmem>>, vector<1x16xf32>,
        %get3A_1193 = vector.shape_cast %get3A_1192 : vector<1x16xf32> to vector<1x16xf32>
        %swap3A_1194 = arith.constant 2 : i32
        %swap3A_1195 = arith.constant 0 : i32
        %swap3A_1196 = arith.constant 0 : i32
        %swap3A_1197 = tpu.memref_slice %arg8[%swap3A_1194, %swap3A_1195, %swap3A_1196] : memref<4x200x32xf32, #tpu.memory_space<vmem>> -> memref<1x200x32xf32, #tpu.memory_space<vmem>>
        %swap3A_1198 = tpu.memref_squeeze %swap3A_1197 : memref<1x200x32xf32, #tpu.memory_space<vmem>> -> memref<200x32xf32, #tpu.memory_space<vmem>>
        %swap3A_1199 = arith.index_cast %add3A_1189 : i32 to index
        %swap3A_1200 = arith.constant 0 : index
        %swap3A_1201 = tpu.vector_load %swap3A_1198[%swap3A_1199, %swap3A_1200] {strides = array<i32>} : memref<200x32xf32, #tpu.memory_space<vmem>>, vector<1x16xf32>,
        %swap3A_1202 = vector.shape_cast %swap3A_1201 : vector<1x16xf32> to vector<1x16xf32>
        %swap3A_1203 = vector.shape_cast %get3A_1193 : vector<1x16xf32> to vector<1x16xf32>
        tpu.vector_store %swap3A_1198[%swap3A_1199, %swap3A_1200], %swap3A_1203 {add = true, strides = array<i32>} : memref<200x32xf32, #tpu.memory_space<vmem>>, vector<1x16xf32>,
        %add3A_1204 = arith.constant 2 : i32
        %add3A_1205 = arith.addi %add3A_1125, %add3A_1204 : i32
        %get3A_1206 = arith.index_cast %add3A_1205 : i32 to index
        %get3A_1207 = arith.constant 16 : index
        %get3A_1208 = tpu.vector_load %arg6[%get3A_1206, %get3A_1207] {strides = array<i32>} : memref<200x32xf32, #tpu.memory_space<vmem>>, vector<1x16xf32>,
        %get3A_1209 = vector.shape_cast %get3A_1208 : vector<1x16xf32> to vector<1x16xf32>
        %swap3A_1210 = arith.constant 2 : i32
        %swap3A_1211 = arith.constant 0 : i32
        %swap3A_1212 = arith.constant 0 : i32
        %swap3A_1213 = tpu.memref_slice %arg8[%swap3A_1210, %swap3A_1211, %swap3A_1212] : memref<4x200x32xf32, #tpu.memory_space<vmem>> -> memref<1x200x32xf32, #tpu.memory_space<vmem>>
        %swap3A_1214 = tpu.memref_squeeze %swap3A_1213 : memref<1x200x32xf32, #tpu.memory_space<vmem>> -> memref<200x32xf32, #tpu.memory_space<vmem>>
        %swap3A_1215 = arith.index_cast %add3A_1205 : i32 to index
        %swap3A_1216 = arith.constant 16 : index
        %swap3A_1217 = tpu.vector_load %swap3A_1214[%swap3A_1215, %swap3A_1216] {strides = array<i32>} : memref<200x32xf32, #tpu.memory_space<vmem>>, vector<1x16xf32>,
        %swap3A_1218 = vector.shape_cast %swap3A_1217 : vector<1x16xf32> to vector<1x16xf32>
        %swap3A_1219 = vector.shape_cast %get3A_1209 : vector<1x16xf32> to vector<1x16xf32>
        tpu.vector_store %swap3A_1214[%swap3A_1215, %swap3A_1216], %swap3A_1219 {add = true, strides = array<i32>} : memref<200x32xf32, #tpu.memory_space<vmem>>, vector<1x16xf32>,
        %add3A_1220 = arith.constant 3 : i32
        %add3A_1221 = arith.addi %add3A_1125, %add3A_1220 : i32
        %get3A_1222 = arith.index_cast %add3A_1221 : i32 to index
        %get3A_1223 = arith.constant 0 : index
        %get3A_1224 = tpu.vector_load %arg6[%get3A_1222, %get3A_1223] {strides = array<i32>} : memref<200x32xf32, #tpu.memory_space<vmem>>, vector<1x16xf32>,
        %get3A_1225 = vector.shape_cast %get3A_1224 : vector<1x16xf32> to vector<1x16xf32>
        %swap3A_1226 = arith.constant 2 : i32
        %swap3A_1227 = arith.constant 0 : i32
        %swap3A_1228 = arith.constant 0 : i32
        %swap3A_1229 = tpu.memref_slice %arg8[%swap3A_1226, %swap3A_1227, %swap3A_1228] : memref<4x200x32xf32, #tpu.memory_space<vmem>> -> memref<1x200x32xf32, #tpu.memory_space<vmem>>
        %swap3A_1230 = tpu.memref_squeeze %swap3A_1229 : memref<1x200x32xf32, #tpu.memory_space<vmem>> -> memref<200x32xf32, #tpu.memory_space<vmem>>
        %swap3A_1231 = arith.index_cast %add3A_1221 : i32 to index
        %swap3A_1232 = arith.constant 0 : index
        %swap3A_1233 = tpu.vector_load %swap3A_1230[%swap3A_1231, %swap3A_1232] {strides = array<i32>} : memref<200x32xf32, #tpu.memory_space<vmem>>, vector<1x16xf32>,
        %swap3A_1234 = vector.shape_cast %swap3A_1233 : vector<1x16xf32> to vector<1x16xf32>
        %swap3A_1235 = vector.shape_cast %get3A_1225 : vector<1x16xf32> to vector<1x16xf32>
        tpu.vector_store %swap3A_1230[%swap3A_1231, %swap3A_1232], %swap3A_1235 {add = true, strides = array<i32>} : memref<200x32xf32, #tpu.memory_space<vmem>>, vector<1x16xf32>,
        %add3A_1236 = arith.constant 3 : i32
        %add3A_1237 = arith.addi %add3A_1125, %add3A_1236 : i32
        %get3A_1238 = arith.index_cast %add3A_1237 : i32 to index
        %get3A_1239 = arith.constant 16 : index
        %get3A_1240 = tpu.vector_load %arg6[%get3A_1238, %get3A_1239] {strides = array<i32>} : memref<200x32xf32, #tpu.memory_space<vmem>>, vector<1x16xf32>,
        %get3A_1241 = vector.shape_cast %get3A_1240 : vector<1x16xf32> to vector<1x16xf32>
        %swap3A_1242 = arith.constant 2 : i32
        %swap3A_1243 = arith.constant 0 : i32
        %swap3A_1244 = arith.constant 0 : i32
        %swap3A_1245 = tpu.memref_slice %arg8[%swap3A_1242, %swap3A_1243, %swap3A_1244] : memref<4x200x32xf32, #tpu.memory_space<vmem>> -> memref<1x200x32xf32, #tpu.memory_space<vmem>>
        %swap3A_1246 = tpu.memref_squeeze %swap3A_1245 : memref<1x200x32xf32, #tpu.memory_space<vmem>> -> memref<200x32xf32, #tpu.memory_space<vmem>>
        %swap3A_1247 = arith.index_cast %add3A_1237 : i32 to index
        %swap3A_1248 = arith.constant 16 : index
        %swap3A_1249 = tpu.vector_load %swap3A_1246[%swap3A_1247, %swap3A_1248] {strides = array<i32>} : memref<200x32xf32, #tpu.memory_space<vmem>>, vector<1x16xf32>,
        %swap3A_1250 = vector.shape_cast %swap3A_1249 : vector<1x16xf32> to vector<1x16xf32>
        %swap3A_1251 = vector.shape_cast %get3A_1241 : vector<1x16xf32> to vector<1x16xf32>
        tpu.vector_store %swap3A_1246[%swap3A_1247, %swap3A_1248], %swap3A_1251 {add = true, strides = array<i32>} : memref<200x32xf32, #tpu.memory_space<vmem>>, vector<1x16xf32>,
        %add3A_1252 = arith.constant 4 : i32
        %add3A_1253 = arith.addi %add3A_1125, %add3A_1252 : i32
        %get3A_1254 = arith.index_cast %add3A_1253 : i32 to index
        %get3A_1255 = arith.constant 0 : index
        %get3A_1256 = tpu.vector_load %arg6[%get3A_1254, %get3A_1255] {strides = array<i32>} : memref<200x32xf32, #tpu.memory_space<vmem>>, vector<1x16xf32>,
        %get3A_1257 = vector.shape_cast %get3A_1256 : vector<1x16xf32> to vector<1x16xf32>
        %swap3A_1258 = arith.constant 2 : i32
        %swap3A_1259 = arith.constant 0 : i32
        %swap3A_1260 = arith.constant 0 : i32
        %swap3A_1261 = tpu.memref_slice %arg8[%swap3A_1258, %swap3A_1259, %swap3A_1260] : memref<4x200x32xf32, #tpu.memory_space<vmem>> -> memref<1x200x32xf32, #tpu.memory_space<vmem>>
        %swap3A_1262 = tpu.memref_squeeze %swap3A_1261 : memref<1x200x32xf32, #tpu.memory_space<vmem>> -> memref<200x32xf32, #tpu.memory_space<vmem>>
        %swap3A_1263 = arith.index_cast %add3A_1253 : i32 to index
        %swap3A_1264 = arith.constant 0 : index
        %swap3A_1265 = tpu.vector_load %swap3A_1262[%swap3A_1263, %swap3A_1264] {strides = array<i32>} : memref<200x32xf32, #tpu.memory_space<vmem>>, vector<1x16xf32>,
        %swap3A_1266 = vector.shape_cast %swap3A_1265 : vector<1x16xf32> to vector<1x16xf32>
        %swap3A_1267 = vector.shape_cast %get3A_1257 : vector<1x16xf32> to vector<1x16xf32>
        tpu.vector_store %swap3A_1262[%swap3A_1263, %swap3A_1264], %swap3A_1267 {add = true, strides = array<i32>} : memref<200x32xf32, #tpu.memory_space<vmem>>, vector<1x16xf32>,
        %add3A_1268 = arith.constant 4 : i32
        %add3A_1269 = arith.addi %add3A_1125, %add3A_1268 : i32
        %get3A_1270 = arith.index_cast %add3A_1269 : i32 to index
        %get3A_1271 = arith.constant 16 : index
        %get3A_1272 = tpu.vector_load %arg6[%get3A_1270, %get3A_1271] {strides = array<i32>} : memref<200x32xf32, #tpu.memory_space<vmem>>, vector<1x16xf32>,
        %get3A_1273 = vector.shape_cast %get3A_1272 : vector<1x16xf32> to vector<1x16xf32>
        %swap3A_1274 = arith.constant 2 : i32
        %swap3A_1275 = arith.constant 0 : i32
        %swap3A_1276 = arith.constant 0 : i32
        %swap3A_1277 = tpu.memref_slice %arg8[%swap3A_1274, %swap3A_1275, %swap3A_1276] : memref<4x200x32xf32, #tpu.memory_space<vmem>> -> memref<1x200x32xf32, #tpu.memory_space<vmem>>
        %swap3A_1278 = tpu.memref_squeeze %swap3A_1277 : memref<1x200x32xf32, #tpu.memory_space<vmem>> -> memref<200x32xf32, #tpu.memory_space<vmem>>
        %swap3A_1279 = arith.index_cast %add3A_1269 : i32 to index
        %swap3A_1280 = arith.constant 16 : index
        %swap3A_1281 = tpu.vector_load %swap3A_1278[%swap3A_1279, %swap3A_1280] {strides = array<i32>} : memref<200x32xf32, #tpu.memory_space<vmem>>, vector<1x16xf32>,
        %swap3A_1282 = vector.shape_cast %swap3A_1281 : vector<1x16xf32> to vector<1x16xf32>
        %swap3A_1283 = vector.shape_cast %get3A_1273 : vector<1x16xf32> to vector<1x16xf32>
        tpu.vector_store %swap3A_1278[%swap3A_1279, %swap3A_1280], %swap3A_1283 {add = true, strides = array<i32>} : memref<200x32xf32, #tpu.memory_space<vmem>>, vector<1x16xf32>,
        %add3A_1284 = arith.constant 5 : i32
        %add3A_1285 = arith.addi %add3A_1125, %add3A_1284 : i32
        %get3A_1286 = arith.index_cast %add3A_1285 : i32 to index
        %get3A_1287 = arith.constant 0 : index
        %get3A_1288 = tpu.vector_load %arg6[%get3A_1286, %get3A_1287] {strides = array<i32>} : memref<200x32xf32, #tpu.memory_space<vmem>>, vector<1x16xf32>,
        %get3A_1289 = vector.shape_cast %get3A_1288 : vector<1x16xf32> to vector<1x16xf32>
        %swap3A_1290 = arith.constant 2 : i32
        %swap3A_1291 = arith.constant 0 : i32
        %swap3A_1292 = arith.constant 0 : i32
        %swap3A_1293 = tpu.memref_slice %arg8[%swap3A_1290, %swap3A_1291, %swap3A_1292] : memref<4x200x32xf32, #tpu.memory_space<vmem>> -> memref<1x200x32xf32, #tpu.memory_space<vmem>>
        %swap3A_1294 = tpu.memref_squeeze %swap3A_1293 : memref<1x200x32xf32, #tpu.memory_space<vmem>> -> memref<200x32xf32, #tpu.memory_space<vmem>>
        %swap3A_1295 = arith.index_cast %add3A_1285 : i32 to index
        %swap3A_1296 = arith.constant 0 : index
        %swap3A_1297 = tpu.vector_load %swap3A_1294[%swap3A_1295, %swap3A_1296] {strides = array<i32>} : memref<200x32xf32, #tpu.memory_space<vmem>>, vector<1x16xf32>,
        %swap3A_1298 = vector.shape_cast %swap3A_1297 : vector<1x16xf32> to vector<1x16xf32>
        %swap3A_1299 = vector.shape_cast %get3A_1289 : vector<1x16xf32> to vector<1x16xf32>
        tpu.vector_store %swap3A_1294[%swap3A_1295, %swap3A_1296], %swap3A_1299 {add = true, strides = array<i32>} : memref<200x32xf32, #tpu.memory_space<vmem>>, vector<1x16xf32>,
        %add3A_1300 = arith.constant 5 : i32
        %add3A_1301 = arith.addi %add3A_1125, %add3A_1300 : i32
        %get3A_1302 = arith.index_cast %add3A_1301 : i32 to index
        %get3A_1303 = arith.constant 16 : index
        %get3A_1304 = tpu.vector_load %arg6[%get3A_1302, %get3A_1303] {strides = array<i32>} : memref<200x32xf32, #tpu.memory_space<vmem>>, vector<1x16xf32>,
        %get3A_1305 = vector.shape_cast %get3A_1304 : vector<1x16xf32> to vector<1x16xf32>
        %swap3A_1306 = arith.constant 2 : i32
        %swap3A_1307 = arith.constant 0 : i32
        %swap3A_1308 = arith.constant 0 : i32
        %swap3A_1309 = tpu.memref_slice %arg8[%swap3A_1306, %swap3A_1307, %swap3A_1308] : memref<4x200x32xf32, #tpu.memory_space<vmem>> -> memref<1x200x32xf32, #tpu.memory_space<vmem>>
        %swap3A_1310 = tpu.memref_squeeze %swap3A_1309 : memref<1x200x32xf32, #tpu.memory_space<vmem>> -> memref<200x32xf32, #tpu.memory_space<vmem>>
        %swap3A_1311 = arith.index_cast %add3A_1301 : i32 to index
        %swap3A_1312 = arith.constant 16 : index
        %swap3A_1313 = tpu.vector_load %swap3A_1310[%swap3A_1311, %swap3A_1312] {strides = array<i32>} : memref<200x32xf32, #tpu.memory_space<vmem>>, vector<1x16xf32>,
        %swap3A_1314 = vector.shape_cast %swap3A_1313 : vector<1x16xf32> to vector<1x16xf32>
        %swap3A_1315 = vector.shape_cast %get3A_1305 : vector<1x16xf32> to vector<1x16xf32>
        tpu.vector_store %swap3A_1310[%swap3A_1311, %swap3A_1312], %swap3A_1315 {add = true, strides = array<i32>} : memref<200x32xf32, #tpu.memory_space<vmem>>, vector<1x16xf32>,
        %add3A_1316 = arith.constant 6 : i32
        %add3A_1317 = arith.addi %add3A_1125, %add3A_1316 : i32
        %get3A_1318 = arith.index_cast %add3A_1317 : i32 to index
        %get3A_1319 = arith.constant 0 : index
        %get3A_1320 = tpu.vector_load %arg6[%get3A_1318, %get3A_1319] {strides = array<i32>} : memref<200x32xf32, #tpu.memory_space<vmem>>, vector<1x16xf32>,
        %get3A_1321 = vector.shape_cast %get3A_1320 : vector<1x16xf32> to vector<1x16xf32>
        %swap3A_1322 = arith.constant 2 : i32
        %swap3A_1323 = arith.constant 0 : i32
        %swap3A_1324 = arith.constant 0 : i32
        %swap3A_1325 = tpu.memref_slice %arg8[%swap3A_1322, %swap3A_1323, %swap3A_1324] : memref<4x200x32xf32, #tpu.memory_space<vmem>> -> memref<1x200x32xf32, #tpu.memory_space<vmem>>
        %swap3A_1326 = tpu.memref_squeeze %swap3A_1325 : memref<1x200x32xf32, #tpu.memory_space<vmem>> -> memref<200x32xf32, #tpu.memory_space<vmem>>
        %swap3A_1327 = arith.index_cast %add3A_1317 : i32 to index
        %swap3A_1328 = arith.constant 0 : index
        %swap3A_1329 = tpu.vector_load %swap3A_1326[%swap3A_1327, %swap3A_1328] {strides = array<i32>} : memref<200x32xf32, #tpu.memory_space<vmem>>, vector<1x16xf32>,
        %swap3A_1330 = vector.shape_cast %swap3A_1329 : vector<1x16xf32> to vector<1x16xf32>
        %swap3A_1331 = vector.shape_cast %get3A_1321 : vector<1x16xf32> to vector<1x16xf32>
        tpu.vector_store %swap3A_1326[%swap3A_1327, %swap3A_1328], %swap3A_1331 {add = true, strides = array<i32>} : memref<200x32xf32, #tpu.memory_space<vmem>>, vector<1x16xf32>,
        %add3A_1332 = arith.constant 6 : i32
        %add3A_1333 = arith.addi %add3A_1125, %add3A_1332 : i32
        %get3A_1334 = arith.index_cast %add3A_1333 : i32 to index
        %get3A_1335 = arith.constant 16 : index
        %get3A_1336 = tpu.vector_load %arg6[%get3A_1334, %get3A_1335] {strides = array<i32>} : memref<200x32xf32, #tpu.memory_space<vmem>>, vector<1x16xf32>,
        %get3A_1337 = vector.shape_cast %get3A_1336 : vector<1x16xf32> to vector<1x16xf32>
        %swap3A_1338 = arith.constant 2 : i32
        %swap3A_1339 = arith.constant 0 : i32
        %swap3A_1340 = arith.constant 0 : i32
        %swap3A_1341 = tpu.memref_slice %arg8[%swap3A_1338, %swap3A_1339, %swap3A_1340] : memref<4x200x32xf32, #tpu.memory_space<vmem>> -> memref<1x200x32xf32, #tpu.memory_space<vmem>>
        %swap3A_1342 = tpu.memref_squeeze %swap3A_1341 : memref<1x200x32xf32, #tpu.memory_space<vmem>> -> memref<200x32xf32, #tpu.memory_space<vmem>>
        %swap3A_1343 = arith.index_cast %add3A_1333 : i32 to index
        %swap3A_1344 = arith.constant 16 : index
        %swap3A_1345 = tpu.vector_load %swap3A_1342[%swap3A_1343, %swap3A_1344] {strides = array<i32>} : memref<200x32xf32, #tpu.memory_space<vmem>>, vector<1x16xf32>,
        %swap3A_1346 = vector.shape_cast %swap3A_1345 : vector<1x16xf32> to vector<1x16xf32>
        %swap3A_1347 = vector.shape_cast %get3A_1337 : vector<1x16xf32> to vector<1x16xf32>
        tpu.vector_store %swap3A_1342[%swap3A_1343, %swap3A_1344], %swap3A_1347 {add = true, strides = array<i32>} : memref<200x32xf32, #tpu.memory_space<vmem>>, vector<1x16xf32>,
        %add3A_1348 = arith.constant 7 : i32
        %add3A_1349 = arith.addi %add3A_1125, %add3A_1348 : i32
        %get3A_1350 = arith.index_cast %add3A_1349 : i32 to index
        %get3A_1351 = arith.constant 0 : index
        %get3A_1352 = tpu.vector_load %arg6[%get3A_1350, %get3A_1351] {strides = array<i32>} : memref<200x32xf32, #tpu.memory_space<vmem>>, vector<1x16xf32>,
        %get3A_1353 = vector.shape_cast %get3A_1352 : vector<1x16xf32> to vector<1x16xf32>
        %swap3A_1354 = arith.constant 2 : i32
        %swap3A_1355 = arith.constant 0 : i32
        %swap3A_1356 = arith.constant 0 : i32
        %swap3A_1357 = tpu.memref_slice %arg8[%swap3A_1354, %swap3A_1355, %swap3A_1356] : memref<4x200x32xf32, #tpu.memory_space<vmem>> -> memref<1x200x32xf32, #tpu.memory_space<vmem>>
        %swap3A_1358 = tpu.memref_squeeze %swap3A_1357 : memref<1x200x32xf32, #tpu.memory_space<vmem>> -> memref<200x32xf32, #tpu.memory_space<vmem>>
        %swap3A_1359 = arith.index_cast %add3A_1349 : i32 to index
        %swap3A_1360 = arith.constant 0 : index
        %swap3A_1361 = tpu.vector_load %swap3A_1358[%swap3A_1359, %swap3A_1360] {strides = array<i32>} : memref<200x32xf32, #tpu.memory_space<vmem>>, vector<1x16xf32>,
        %swap3A_1362 = vector.shape_cast %swap3A_1361 : vector<1x16xf32> to vector<1x16xf32>
        %swap3A_1363 = vector.shape_cast %get3A_1353 : vector<1x16xf32> to vector<1x16xf32>
        tpu.vector_store %swap3A_1358[%swap3A_1359, %swap3A_1360], %swap3A_1363 {add = true, strides = array<i32>} : memref<200x32xf32, #tpu.memory_space<vmem>>, vector<1x16xf32>,
        %add3A_1364 = arith.constant 7 : i32
        %add3A_1365 = arith.addi %add3A_1125, %add3A_1364 : i32
        %get3A_1366 = arith.index_cast %add3A_1365 : i32 to index
        %get3A_1367 = arith.constant 16 : index
        %get3A_1368 = tpu.vector_load %arg6[%get3A_1366, %get3A_1367] {strides = array<i32>} : memref<200x32xf32, #tpu.memory_space<vmem>>, vector<1x16xf32>,
        %get3A_1369 = vector.shape_cast %get3A_1368 : vector<1x16xf32> to vector<1x16xf32>
        %swap3A_1370 = arith.constant 2 : i32
        %swap3A_1371 = arith.constant 0 : i32
        %swap3A_1372 = arith.constant 0 : i32
        %swap3A_1373 = tpu.memref_slice %arg8[%swap3A_1370, %swap3A_1371, %swap3A_1372] : memref<4x200x32xf32, #tpu.memory_space<vmem>> -> memref<1x200x32xf32, #tpu.memory_space<vmem>>
        %swap3A_1374 = tpu.memref_squeeze %swap3A_1373 : memref<1x200x32xf32, #tpu.memory_space<vmem>> -> memref<200x32xf32, #tpu.memory_space<vmem>>
        %swap3A_1375 = arith.index_cast %add3A_1365 : i32 to index
        %swap3A_1376 = arith.constant 16 : index
        %swap3A_1377 = tpu.vector_load %swap3A_1374[%swap3A_1375, %swap3A_1376] {strides = array<i32>} : memref<200x32xf32, #tpu.memory_space<vmem>>, vector<1x16xf32>,
        %swap3A_1378 = vector.shape_cast %swap3A_1377 : vector<1x16xf32> to vector<1x16xf32>
        %swap3A_1379 = vector.shape_cast %get3A_1369 : vector<1x16xf32> to vector<1x16xf32>
        tpu.vector_store %swap3A_1374[%swap3A_1375, %swap3A_1376], %swap3A_1379 {add = true, strides = array<i32>} : memref<200x32xf32, #tpu.memory_space<vmem>>, vector<1x16xf32>,
      }
      %scan3A_951 = arith.constant 25 : i32
      %mul3A_952 = arith.constant 200 : i32
      %mul3A_953 = arith.muli %add3A_916, %mul3A_952 : i32
      %add3A_954 = arith.addi %mul3A_2, %mul3A_953 : i32
      %dma_start3A_955 = arith.constant 2 : i32
      %dma_start3A_956 = arith.constant 0 : i32
      %dma_start3A_957 = arith.constant 0 : i32
      %dma_start3A_958 = tpu.memref_slice %arg8[%dma_start3A_955, %dma_start3A_956, %dma_start3A_957] : memref<4x200x32xf32, #tpu.memory_space<vmem>> -> memref<1x200x32xf32, #tpu.memory_space<vmem>>
      %dma_start3A_959 = tpu.memref_squeeze %dma_start3A_958 : memref<1x200x32xf32, #tpu.memory_space<vmem>> -> memref<200x32xf32, #tpu.memory_space<vmem>>
      %dma_start3A_960 = arith.constant 0 : i32
      %dma_start3A_961 = tpu.memref_slice %arg5[%add3A_954, %dma_start3A_960] : memref<819200x128xf32, #tpu.memory_space<hbm>> -> memref<200x32xf32, #tpu.memory_space<hbm>>
      %dma_start3A_962 = arith.constant 0 : i32
      %dma_start3A_963 = tpu.memref_slice %arg5[%add3A_954, %dma_start3A_962] : memref<819200x128xf32, #tpu.memory_space<hbm>> -> memref<200x32xf32, #tpu.memory_space<hbm>>
      %dma_start3A_964 = arith.constant 0 : i32
      %dma_start3A_965 = arith.constant 0 : i32
      %dma_start3A_966 = tpu.memref_slice %arg8[%dma_start3A_955, %dma_start3A_964, %dma_start3A_965] : memref<4x200x32xf32, #tpu.memory_space<vmem>> -> memref<1x200x32xf32, #tpu.memory_space<vmem>>
      %dma_start3A_967 = tpu.memref_squeeze %dma_start3A_966 : memref<1x200x32xf32, #tpu.memory_space<vmem>> -> memref<200x32xf32, #tpu.memory_space<vmem>>
      tpu.enqueue_dma source(%dma_start3A_967 : memref<200x32xf32, #tpu.memory_space<vmem>>) target(%dma_start3A_963 : memref<200x32xf32, #tpu.memory_space<hbm>>) target_semaphore(%arg16 : memref<!tpu.dma_semaphore, #tpu.memory_space<semaphore_mem>>)
      %sub3A_968 = arith.constant 2 : i32
      %sub3A_969 = arith.subi %add3A_916, %sub3A_968 : i32
      %mul3A_970 = arith.constant 200 : i32
      %mul3A_971 = arith.muli %sub3A_969, %mul3A_970 : i32
      %add3A_972 = arith.addi %mul3A_2, %mul3A_971 : i32
      %dma_wait3A_973 = arith.constant 0 : i32
      %dma_wait3A_974 = arith.constant 0 : i32
      %dma_wait3A_975 = arith.constant 0 : i32
      %dma_wait3A_976 = tpu.memref_slice %arg8[%dma_wait3A_973, %dma_wait3A_974, %dma_wait3A_975] : memref<4x200x32xf32, #tpu.memory_space<vmem>> -> memref<1x200x32xf32, #tpu.memory_space<vmem>>
      %dma_wait3A_977 = tpu.memref_squeeze %dma_wait3A_976 : memref<1x200x32xf32, #tpu.memory_space<vmem>> -> memref<200x32xf32, #tpu.memory_space<vmem>>
      %dma_wait3A_978 = arith.constant 0 : i32
      %dma_wait3A_979 = tpu.memref_slice %arg5[%add3A_972, %dma_wait3A_978] : memref<819200x128xf32, #tpu.memory_space<hbm>> -> memref<200x32xf32, #tpu.memory_space<hbm>>
      %dma_wait3A_980 = arith.constant 0 : i32
      %dma_wait3A_981 = tpu.memref_slice %arg5[%add3A_972, %dma_wait3A_980] : memref<819200x128xf32, #tpu.memory_space<hbm>> -> memref<200x32xf32, #tpu.memory_space<hbm>>
      %dma_wait3A_982 = arith.constant 0 : i32
      %dma_wait3A_983 = arith.constant 0 : i32
      %dma_wait3A_984 = tpu.memref_slice %arg8[%dma_wait3A_973, %dma_wait3A_982, %dma_wait3A_983] : memref<4x200x32xf32, #tpu.memory_space<vmem>> -> memref<1x200x32xf32, #tpu.memory_space<vmem>>
      %dma_wait3A_985 = tpu.memref_squeeze %dma_wait3A_984 : memref<1x200x32xf32, #tpu.memory_space<vmem>> -> memref<200x32xf32, #tpu.memory_space<vmem>>
      tpu.wait_dma2 semaphore(%arg14 : memref<!tpu.dma_semaphore, #tpu.memory_space<semaphore_mem>>) src(%dma_wait3A_985 : memref<200x32xf32, #tpu.memory_space<vmem>>) dst(%dma_wait3A_981 : memref<200x32xf32, #tpu.memory_space<hbm>>)
      %add3A_986 = arith.constant 2 : i32
      %add3A_987 = arith.addi %add3A_916, %add3A_986 : i32
      %mul3A_988 = arith.constant 200 : i32
      %mul3A_989 = arith.muli %add3A_987, %mul3A_988 : i32
      %add3A_990 = arith.constant 0 : i32
      %add3A_991 = arith.addi %mul3A_989, %add3A_990 : i32
      %add3A_992 = arith.constant 104 : i32
      %add3A_993 = arith.addi %mul3A_989, %add3A_992 : i32
      %dma_start3A_994 = arith.constant 0 : i32
      %dma_start3A_995 = arith.constant 0 : i32
      %dma_start3A_996 = arith.constant 0 : i32
      %dma_start3A_997 = tpu.memref_slice %arg8[%dma_start3A_994, %dma_start3A_995, %dma_start3A_996] : memref<4x200x32xf32, #tpu.memory_space<vmem>> -> memref<1x200x32xf32, #tpu.memory_space<vmem>>
      %dma_start3A_998 = tpu.memref_squeeze %dma_start3A_997 : memref<1x200x32xf32, #tpu.memory_space<vmem>> -> memref<200x32xf32, #tpu.memory_space<vmem>>
      %dma_start3A_999 = arith.constant 0 : i32
      %dma_start3A_1000 = arith.constant 0 : i32
      %dma_start3A_1001 = tpu.memref_slice %dma_start3A_998[%dma_start3A_999, %dma_start3A_1000] : memref<200x32xf32, #tpu.memory_space<vmem>> -> memref<104x32xf32, #tpu.memory_space<vmem>>
      %dma_start3A_1002 = tpu.memref_slice %arg7[%add3A_991] : memref<25600xi32, #tpu.memory_space<vmem>> -> memref<104xi32, #tpu.memory_space<vmem>>
      %dma_start3A_1003 = arith.constant 0 : i32
      %dma_start3A_1004 = arith.constant 0 : i32
      %dma_start3A_1005 = tpu.memref_slice %arg3[%dma_start3A_1003, %dma_start3A_1004] : memref<1000000x32xf32, #tpu.memory_space<hbm>> -> memref<1000000x32xf32, #tpu.memory_space<hbm>>
      tpu.enqueue_indirect_dma source(%dma_start3A_1005 : memref<1000000x32xf32, #tpu.memory_space<hbm>>) target(%dma_start3A_1001 : memref<104x32xf32, #tpu.memory_space<vmem>>) offsets(%dma_start3A_1002 : memref<104xi32, #tpu.memory_space<vmem>>) semaphore(%arg10 : memref<!tpu.dma_semaphore, #tpu.memory_space<semaphore_mem>>)
      %dma_start3A_1006 = arith.constant 0 : i32
      %dma_start3A_1007 = arith.constant 0 : i32
      %dma_start3A_1008 = arith.constant 0 : i32
      %dma_start3A_1009 = tpu.memref_slice %arg8[%dma_start3A_1006, %dma_start3A_1007, %dma_start3A_1008] : memref<4x200x32xf32, #tpu.memory_space<vmem>> -> memref<1x200x32xf32, #tpu.memory_space<vmem>>
      %dma_start3A_1010 = tpu.memref_squeeze %dma_start3A_1009 : memref<1x200x32xf32, #tpu.memory_space<vmem>> -> memref<200x32xf32, #tpu.memory_space<vmem>>
      %dma_start3A_1011 = arith.constant 104 : i32
      %dma_start3A_1012 = arith.constant 0 : i32
      %dma_start3A_1013 = tpu.memref_slice %dma_start3A_1010[%dma_start3A_1011, %dma_start3A_1012] : memref<200x32xf32, #tpu.memory_space<vmem>> -> memref<96x32xf32, #tpu.memory_space<vmem>>
      %dma_start3A_1014 = tpu.memref_slice %arg7[%add3A_993] : memref<25600xi32, #tpu.memory_space<vmem>> -> memref<96xi32, #tpu.memory_space<vmem>>
      %dma_start3A_1015 = arith.constant 0 : i32
      %dma_start3A_1016 = arith.constant 0 : i32
      %dma_start3A_1017 = tpu.memref_slice %arg3[%dma_start3A_1015, %dma_start3A_1016] : memref<1000000x32xf32, #tpu.memory_space<hbm>> -> memref<1000000x32xf32, #tpu.memory_space<hbm>>
      tpu.enqueue_indirect_dma source(%dma_start3A_1017 : memref<1000000x32xf32, #tpu.memory_space<hbm>>) target(%dma_start3A_1013 : memref<96x32xf32, #tpu.memory_space<vmem>>) offsets(%dma_start3A_1014 : memref<96xi32, #tpu.memory_space<vmem>>) semaphore(%arg10 : memref<!tpu.dma_semaphore, #tpu.memory_space<semaphore_mem>>)
      %add3A_1018 = arith.constant 3 : i32
      %add3A_1019 = arith.addi %add3A_709, %add3A_1018 : i32
      %mul3A_1020 = arith.constant 200 : i32
      %mul3A_1021 = arith.muli %add3A_1019, %mul3A_1020 : i32
      %add3A_1022 = arith.constant 0 : i32
      %add3A_1023 = arith.addi %mul3A_1021, %add3A_1022 : i32
      %add3A_1024 = arith.constant 104 : i32
      %add3A_1025 = arith.addi %mul3A_1021, %add3A_1024 : i32
      %dma_wait3A_1026 = arith.constant 3 : i32
      %dma_wait3A_1027 = arith.constant 0 : i32
      %dma_wait3A_1028 = arith.constant 0 : i32
      %dma_wait3A_1029 = tpu.memref_slice %arg8[%dma_wait3A_1026, %dma_wait3A_1027, %dma_wait3A_1028] : memref<4x200x32xf32, #tpu.memory_space<vmem>> -> memref<1x200x32xf32, #tpu.memory_space<vmem>>
      %dma_wait3A_1030 = tpu.memref_squeeze %dma_wait3A_1029 : memref<1x200x32xf32, #tpu.memory_space<vmem>> -> memref<200x32xf32, #tpu.memory_space<vmem>>
      %dma_wait3A_1031 = arith.constant 0 : i32
      %dma_wait3A_1032 = arith.constant 0 : i32
      %dma_wait3A_1033 = tpu.memref_slice %dma_wait3A_1030[%dma_wait3A_1031, %dma_wait3A_1032] : memref<200x32xf32, #tpu.memory_space<vmem>> -> memref<104x32xf32, #tpu.memory_space<vmem>>
      %dma_wait3A_1034 = tpu.memref_slice %arg7[%add3A_1023] : memref<25600xi32, #tpu.memory_space<vmem>> -> memref<104xi32, #tpu.memory_space<vmem>>
      %dma_wait3A_1035 = arith.constant 0 : i32
      %dma_wait3A_1036 = arith.constant 0 : i32
      %dma_wait3A_1037 = tpu.memref_slice %arg3[%dma_wait3A_1035, %dma_wait3A_1036] : memref<1000000x32xf32, #tpu.memory_space<hbm>> -> memref<1000000x32xf32, #tpu.memory_space<hbm>>
      tpu.wait_indirect_dma semaphore(%arg13 : memref<!tpu.dma_semaphore, #tpu.memory_space<semaphore_mem>>) src(%dma_wait3A_1037 : memref<1000000x32xf32, #tpu.memory_space<hbm>>) dst(%dma_wait3A_1033 : memref<104x32xf32, #tpu.memory_space<vmem>>)
      %dma_wait3A_1038 = arith.constant 3 : i32
      %dma_wait3A_1039 = arith.constant 0 : i32
      %dma_wait3A_1040 = arith.constant 0 : i32
      %dma_wait3A_1041 = tpu.memref_slice %arg8[%dma_wait3A_1038, %dma_wait3A_1039, %dma_wait3A_1040] : memref<4x200x32xf32, #tpu.memory_space<vmem>> -> memref<1x200x32xf32, #tpu.memory_space<vmem>>
      %dma_wait3A_1042 = tpu.memref_squeeze %dma_wait3A_1041 : memref<1x200x32xf32, #tpu.memory_space<vmem>> -> memref<200x32xf32, #tpu.memory_space<vmem>>
      %dma_wait3A_1043 = arith.constant 104 : i32
      %dma_wait3A_1044 = arith.constant 0 : i32
      %dma_wait3A_1045 = tpu.memref_slice %dma_wait3A_1042[%dma_wait3A_1043, %dma_wait3A_1044] : memref<200x32xf32, #tpu.memory_space<vmem>> -> memref<96x32xf32, #tpu.memory_space<vmem>>
      %dma_wait3A_1046 = tpu.memref_slice %arg7[%add3A_1025] : memref<25600xi32, #tpu.memory_space<vmem>> -> memref<96xi32, #tpu.memory_space<vmem>>
      %dma_wait3A_1047 = arith.constant 0 : i32
      %dma_wait3A_1048 = arith.constant 0 : i32
      %dma_wait3A_1049 = tpu.memref_slice %arg3[%dma_wait3A_1047, %dma_wait3A_1048] : memref<1000000x32xf32, #tpu.memory_space<hbm>> -> memref<1000000x32xf32, #tpu.memory_space<hbm>>
      tpu.wait_indirect_dma semaphore(%arg13 : memref<!tpu.dma_semaphore, #tpu.memory_space<semaphore_mem>>) src(%dma_wait3A_1049 : memref<1000000x32xf32, #tpu.memory_space<hbm>>) dst(%dma_wait3A_1045 : memref<96x32xf32, #tpu.memory_space<vmem>>)
      %scan3A_1050 = arith.constant 0 : i32
      %scan3A_1051 = arith.constant 25 : i32
      %scan3A_1052 = arith.addi %scan3A_1050, %scan3A_1051 : i32
      %scan3A_1053 = arith.constant 1 : i32
      scf.for %scan3A_1121 = %scan3A_1050 to %scan3A_1052 step %scan3A_1053  : i32 {
        %mul3A_1122 = arith.constant 8 : i32
        %mul3A_1123 = arith.muli %scan3A_1121, %mul3A_1122 : i32
        %add3A_1124 = arith.constant 0 : i32
        %add3A_1125 = arith.addi %add3A_1124, %mul3A_1123 : i32
        %add3A_1126 = arith.constant 0 : i32
        %add3A_1127 = arith.addi %add3A_1125, %add3A_1126 : i32
        %get3A = arith.index_cast %add3A_1127 : i32 to index
        %get3A_1128 = arith.constant 0 : index
        %get3A_1129 = tpu.vector_load %arg6[%get3A, %get3A_1128] {strides = array<i32>} : memref<200x32xf32, #tpu.memory_space<vmem>>, vector<1x16xf32>,
        %get3A_1130 = vector.shape_cast %get3A_1129 : vector<1x16xf32> to vector<1x16xf32>
        %swap3A = arith.constant 3 : i32
        %swap3A_1131 = arith.constant 0 : i32
        %swap3A_1132 = arith.constant 0 : i32
        %swap3A_1133 = tpu.memref_slice %arg8[%swap3A, %swap3A_1131, %swap3A_1132] : memref<4x200x32xf32, #tpu.memory_space<vmem>> -> memref<1x200x32xf32, #tpu.memory_space<vmem>>
        %swap3A_1134 = tpu.memref_squeeze %swap3A_1133 : memref<1x200x32xf32, #tpu.memory_space<vmem>> -> memref<200x32xf32, #tpu.memory_space<vmem>>
        %swap3A_1135 = arith.index_cast %add3A_1127 : i32 to index
        %swap3A_1136 = arith.constant 0 : index
        %swap3A_1137 = tpu.vector_load %swap3A_1134[%swap3A_1135, %swap3A_1136] {strides = array<i32>} : memref<200x32xf32, #tpu.memory_space<vmem>>, vector<1x16xf32>,
        %swap3A_1138 = vector.shape_cast %swap3A_1137 : vector<1x16xf32> to vector<1x16xf32>
        %swap3A_1139 = vector.shape_cast %get3A_1130 : vector<1x16xf32> to vector<1x16xf32>
        tpu.vector_store %swap3A_1134[%swap3A_1135, %swap3A_1136], %swap3A_1139 {add = true, strides = array<i32>} : memref<200x32xf32, #tpu.memory_space<vmem>>, vector<1x16xf32>,
        %add3A_1140 = arith.constant 0 : i32
        %add3A_1141 = arith.addi %add3A_1125, %add3A_1140 : i32
        %get3A_1142 = arith.index_cast %add3A_1141 : i32 to index
        %get3A_1143 = arith.constant 16 : index
        %get3A_1144 = tpu.vector_load %arg6[%get3A_1142, %get3A_1143] {strides = array<i32>} : memref<200x32xf32, #tpu.memory_space<vmem>>, vector<1x16xf32>,
        %get3A_1145 = vector.shape_cast %get3A_1144 : vector<1x16xf32> to vector<1x16xf32>
        %swap3A_1146 = arith.constant 3 : i32
        %swap3A_1147 = arith.constant 0 : i32
        %swap3A_1148 = arith.constant 0 : i32
        %swap3A_1149 = tpu.memref_slice %arg8[%swap3A_1146, %swap3A_1147, %swap3A_1148] : memref<4x200x32xf32, #tpu.memory_space<vmem>> -> memref<1x200x32xf32, #tpu.memory_space<vmem>>
        %swap3A_1150 = tpu.memref_squeeze %swap3A_1149 : memref<1x200x32xf32, #tpu.memory_space<vmem>> -> memref<200x32xf32, #tpu.memory_space<vmem>>
        %swap3A_1151 = arith.index_cast %add3A_1141 : i32 to index
        %swap3A_1152 = arith.constant 16 : index
        %swap3A_1153 = tpu.vector_load %swap3A_1150[%swap3A_1151, %swap3A_1152] {strides = array<i32>} : memref<200x32xf32, #tpu.memory_space<vmem>>, vector<1x16xf32>,
        %swap3A_1154 = vector.shape_cast %swap3A_1153 : vector<1x16xf32> to vector<1x16xf32>
        %swap3A_1155 = vector.shape_cast %get3A_1145 : vector<1x16xf32> to vector<1x16xf32>
        tpu.vector_store %swap3A_1150[%swap3A_1151, %swap3A_1152], %swap3A_1155 {add = true, strides = array<i32>} : memref<200x32xf32, #tpu.memory_space<vmem>>, vector<1x16xf32>,
        %add3A_1156 = arith.constant 1 : i32
        %add3A_1157 = arith.addi %add3A_1125, %add3A_1156 : i32
        %get3A_1158 = arith.index_cast %add3A_1157 : i32 to index
        %get3A_1159 = arith.constant 0 : index
        %get3A_1160 = tpu.vector_load %arg6[%get3A_1158, %get3A_1159] {strides = array<i32>} : memref<200x32xf32, #tpu.memory_space<vmem>>, vector<1x16xf32>,
        %get3A_1161 = vector.shape_cast %get3A_1160 : vector<1x16xf32> to vector<1x16xf32>
        %swap3A_1162 = arith.constant 3 : i32
        %swap3A_1163 = arith.constant 0 : i32
        %swap3A_1164 = arith.constant 0 : i32
        %swap3A_1165 = tpu.memref_slice %arg8[%swap3A_1162, %swap3A_1163, %swap3A_1164] : memref<4x200x32xf32, #tpu.memory_space<vmem>> -> memref<1x200x32xf32, #tpu.memory_space<vmem>>
        %swap3A_1166 = tpu.memref_squeeze %swap3A_1165 : memref<1x200x32xf32, #tpu.memory_space<vmem>> -> memref<200x32xf32, #tpu.memory_space<vmem>>
        %swap3A_1167 = arith.index_cast %add3A_1157 : i32 to index
        %swap3A_1168 = arith.constant 0 : index
        %swap3A_1169 = tpu.vector_load %swap3A_1166[%swap3A_1167, %swap3A_1168] {strides = array<i32>} : memref<200x32xf32, #tpu.memory_space<vmem>>, vector<1x16xf32>,
        %swap3A_1170 = vector.shape_cast %swap3A_1169 : vector<1x16xf32> to vector<1x16xf32>
        %swap3A_1171 = vector.shape_cast %get3A_1161 : vector<1x16xf32> to vector<1x16xf32>
        tpu.vector_store %swap3A_1166[%swap3A_1167, %swap3A_1168], %swap3A_1171 {add = true, strides = array<i32>} : memref<200x32xf32, #tpu.memory_space<vmem>>, vector<1x16xf32>,
        %add3A_1172 = arith.constant 1 : i32
        %add3A_1173 = arith.addi %add3A_1125, %add3A_1172 : i32
        %get3A_1174 = arith.index_cast %add3A_1173 : i32 to index
        %get3A_1175 = arith.constant 16 : index
        %get3A_1176 = tpu.vector_load %arg6[%get3A_1174, %get3A_1175] {strides = array<i32>} : memref<200x32xf32, #tpu.memory_space<vmem>>, vector<1x16xf32>,
        %get3A_1177 = vector.shape_cast %get3A_1176 : vector<1x16xf32> to vector<1x16xf32>
        %swap3A_1178 = arith.constant 3 : i32
        %swap3A_1179 = arith.constant 0 : i32
        %swap3A_1180 = arith.constant 0 : i32
        %swap3A_1181 = tpu.memref_slice %arg8[%swap3A_1178, %swap3A_1179, %swap3A_1180] : memref<4x200x32xf32, #tpu.memory_space<vmem>> -> memref<1x200x32xf32, #tpu.memory_space<vmem>>
        %swap3A_1182 = tpu.memref_squeeze %swap3A_1181 : memref<1x200x32xf32, #tpu.memory_space<vmem>> -> memref<200x32xf32, #tpu.memory_space<vmem>>
        %swap3A_1183 = arith.index_cast %add3A_1173 : i32 to index
        %swap3A_1184 = arith.constant 16 : index
        %swap3A_1185 = tpu.vector_load %swap3A_1182[%swap3A_1183, %swap3A_1184] {strides = array<i32>} : memref<200x32xf32, #tpu.memory_space<vmem>>, vector<1x16xf32>,
        %swap3A_1186 = vector.shape_cast %swap3A_1185 : vector<1x16xf32> to vector<1x16xf32>
        %swap3A_1187 = vector.shape_cast %get3A_1177 : vector<1x16xf32> to vector<1x16xf32>
        tpu.vector_store %swap3A_1182[%swap3A_1183, %swap3A_1184], %swap3A_1187 {add = true, strides = array<i32>} : memref<200x32xf32, #tpu.memory_space<vmem>>, vector<1x16xf32>,
        %add3A_1188 = arith.constant 2 : i32
        %add3A_1189 = arith.addi %add3A_1125, %add3A_1188 : i32
        %get3A_1190 = arith.index_cast %add3A_1189 : i32 to index
        %get3A_1191 = arith.constant 0 : index
        %get3A_1192 = tpu.vector_load %arg6[%get3A_1190, %get3A_1191] {strides = array<i32>} : memref<200x32xf32, #tpu.memory_space<vmem>>, vector<1x16xf32>,
        %get3A_1193 = vector.shape_cast %get3A_1192 : vector<1x16xf32> to vector<1x16xf32>
        %swap3A_1194 = arith.constant 3 : i32
        %swap3A_1195 = arith.constant 0 : i32
        %swap3A_1196 = arith.constant 0 : i32
        %swap3A_1197 = tpu.memref_slice %arg8[%swap3A_1194, %swap3A_1195, %swap3A_1196] : memref<4x200x32xf32, #tpu.memory_space<vmem>> -> memref<1x200x32xf32, #tpu.memory_space<vmem>>
        %swap3A_1198 = tpu.memref_squeeze %swap3A_1197 : memref<1x200x32xf32, #tpu.memory_space<vmem>> -> memref<200x32xf32, #tpu.memory_space<vmem>>
        %swap3A_1199 = arith.index_cast %add3A_1189 : i32 to index
        %swap3A_1200 = arith.constant 0 : index
        %swap3A_1201 = tpu.vector_load %swap3A_1198[%swap3A_1199, %swap3A_1200] {strides = array<i32>} : memref<200x32xf32, #tpu.memory_space<vmem>>, vector<1x16xf32>,
        %swap3A_1202 = vector.shape_cast %swap3A_1201 : vector<1x16xf32> to vector<1x16xf32>
        %swap3A_1203 = vector.shape_cast %get3A_1193 : vector<1x16xf32> to vector<1x16xf32>
        tpu.vector_store %swap3A_1198[%swap3A_1199, %swap3A_1200], %swap3A_1203 {add = true, strides = array<i32>} : memref<200x32xf32, #tpu.memory_space<vmem>>, vector<1x16xf32>,
        %add3A_1204 = arith.constant 2 : i32
        %add3A_1205 = arith.addi %add3A_1125, %add3A_1204 : i32
        %get3A_1206 = arith.index_cast %add3A_1205 : i32 to index
        %get3A_1207 = arith.constant 16 : index
        %get3A_1208 = tpu.vector_load %arg6[%get3A_1206, %get3A_1207] {strides = array<i32>} : memref<200x32xf32, #tpu.memory_space<vmem>>, vector<1x16xf32>,
        %get3A_1209 = vector.shape_cast %get3A_1208 : vector<1x16xf32> to vector<1x16xf32>
        %swap3A_1210 = arith.constant 3 : i32
        %swap3A_1211 = arith.constant 0 : i32
        %swap3A_1212 = arith.constant 0 : i32
        %swap3A_1213 = tpu.memref_slice %arg8[%swap3A_1210, %swap3A_1211, %swap3A_1212] : memref<4x200x32xf32, #tpu.memory_space<vmem>> -> memref<1x200x32xf32, #tpu.memory_space<vmem>>
        %swap3A_1214 = tpu.memref_squeeze %swap3A_1213 : memref<1x200x32xf32, #tpu.memory_space<vmem>> -> memref<200x32xf32, #tpu.memory_space<vmem>>
        %swap3A_1215 = arith.index_cast %add3A_1205 : i32 to index
        %swap3A_1216 = arith.constant 16 : index
        %swap3A_1217 = tpu.vector_load %swap3A_1214[%swap3A_1215, %swap3A_1216] {strides = array<i32>} : memref<200x32xf32, #tpu.memory_space<vmem>>, vector<1x16xf32>,
        %swap3A_1218 = vector.shape_cast %swap3A_1217 : vector<1x16xf32> to vector<1x16xf32>
        %swap3A_1219 = vector.shape_cast %get3A_1209 : vector<1x16xf32> to vector<1x16xf32>
        tpu.vector_store %swap3A_1214[%swap3A_1215, %swap3A_1216], %swap3A_1219 {add = true, strides = array<i32>} : memref<200x32xf32, #tpu.memory_space<vmem>>, vector<1x16xf32>,
        %add3A_1220 = arith.constant 3 : i32
        %add3A_1221 = arith.addi %add3A_1125, %add3A_1220 : i32
        %get3A_1222 = arith.index_cast %add3A_1221 : i32 to index
        %get3A_1223 = arith.constant 0 : index
        %get3A_1224 = tpu.vector_load %arg6[%get3A_1222, %get3A_1223] {strides = array<i32>} : memref<200x32xf32, #tpu.memory_space<vmem>>, vector<1x16xf32>,
        %get3A_1225 = vector.shape_cast %get3A_1224 : vector<1x16xf32> to vector<1x16xf32>
        %swap3A_1226 = arith.constant 3 : i32
        %swap3A_1227 = arith.constant 0 : i32
        %swap3A_1228 = arith.constant 0 : i32
        %swap3A_1229 = tpu.memref_slice %arg8[%swap3A_1226, %swap3A_1227, %swap3A_1228] : memref<4x200x32xf32, #tpu.memory_space<vmem>> -> memref<1x200x32xf32, #tpu.memory_space<vmem>>
        %swap3A_1230 = tpu.memref_squeeze %swap3A_1229 : memref<1x200x32xf32, #tpu.memory_space<vmem>> -> memref<200x32xf32, #tpu.memory_space<vmem>>
        %swap3A_1231 = arith.index_cast %add3A_1221 : i32 to index
        %swap3A_1232 = arith.constant 0 : index
        %swap3A_1233 = tpu.vector_load %swap3A_1230[%swap3A_1231, %swap3A_1232] {strides = array<i32>} : memref<200x32xf32, #tpu.memory_space<vmem>>, vector<1x16xf32>,
        %swap3A_1234 = vector.shape_cast %swap3A_1233 : vector<1x16xf32> to vector<1x16xf32>
        %swap3A_1235 = vector.shape_cast %get3A_1225 : vector<1x16xf32> to vector<1x16xf32>
        tpu.vector_store %swap3A_1230[%swap3A_1231, %swap3A_1232], %swap3A_1235 {add = true, strides = array<i32>} : memref<200x32xf32, #tpu.memory_space<vmem>>, vector<1x16xf32>,
        %add3A_1236 = arith.constant 3 : i32
        %add3A_1237 = arith.addi %add3A_1125, %add3A_1236 : i32
        %get3A_1238 = arith.index_cast %add3A_1237 : i32 to index
        %get3A_1239 = arith.constant 16 : index
        %get3A_1240 = tpu.vector_load %arg6[%get3A_1238, %get3A_1239] {strides = array<i32>} : memref<200x32xf32, #tpu.memory_space<vmem>>, vector<1x16xf32>,
        %get3A_1241 = vector.shape_cast %get3A_1240 : vector<1x16xf32> to vector<1x16xf32>
        %swap3A_1242 = arith.constant 3 : i32
        %swap3A_1243 = arith.constant 0 : i32
        %swap3A_1244 = arith.constant 0 : i32
        %swap3A_1245 = tpu.memref_slice %arg8[%swap3A_1242, %swap3A_1243, %swap3A_1244] : memref<4x200x32xf32, #tpu.memory_space<vmem>> -> memref<1x200x32xf32, #tpu.memory_space<vmem>>
        %swap3A_1246 = tpu.memref_squeeze %swap3A_1245 : memref<1x200x32xf32, #tpu.memory_space<vmem>> -> memref<200x32xf32, #tpu.memory_space<vmem>>
        %swap3A_1247 = arith.index_cast %add3A_1237 : i32 to index
        %swap3A_1248 = arith.constant 16 : index
        %swap3A_1249 = tpu.vector_load %swap3A_1246[%swap3A_1247, %swap3A_1248] {strides = array<i32>} : memref<200x32xf32, #tpu.memory_space<vmem>>, vector<1x16xf32>,
        %swap3A_1250 = vector.shape_cast %swap3A_1249 : vector<1x16xf32> to vector<1x16xf32>
        %swap3A_1251 = vector.shape_cast %get3A_1241 : vector<1x16xf32> to vector<1x16xf32>
        tpu.vector_store %swap3A_1246[%swap3A_1247, %swap3A_1248], %swap3A_1251 {add = true, strides = array<i32>} : memref<200x32xf32, #tpu.memory_space<vmem>>, vector<1x16xf32>,
        %add3A_1252 = arith.constant 4 : i32
        %add3A_1253 = arith.addi %add3A_1125, %add3A_1252 : i32
        %get3A_1254 = arith.index_cast %add3A_1253 : i32 to index
        %get3A_1255 = arith.constant 0 : index
        %get3A_1256 = tpu.vector_load %arg6[%get3A_1254, %get3A_1255] {strides = array<i32>} : memref<200x32xf32, #tpu.memory_space<vmem>>, vector<1x16xf32>,
        %get3A_1257 = vector.shape_cast %get3A_1256 : vector<1x16xf32> to vector<1x16xf32>
        %swap3A_1258 = arith.constant 3 : i32
        %swap3A_1259 = arith.constant 0 : i32
        %swap3A_1260 = arith.constant 0 : i32
        %swap3A_1261 = tpu.memref_slice %arg8[%swap3A_1258, %swap3A_1259, %swap3A_1260] : memref<4x200x32xf32, #tpu.memory_space<vmem>> -> memref<1x200x32xf32, #tpu.memory_space<vmem>>
        %swap3A_1262 = tpu.memref_squeeze %swap3A_1261 : memref<1x200x32xf32, #tpu.memory_space<vmem>> -> memref<200x32xf32, #tpu.memory_space<vmem>>
        %swap3A_1263 = arith.index_cast %add3A_1253 : i32 to index
        %swap3A_1264 = arith.constant 0 : index
        %swap3A_1265 = tpu.vector_load %swap3A_1262[%swap3A_1263, %swap3A_1264] {strides = array<i32>} : memref<200x32xf32, #tpu.memory_space<vmem>>, vector<1x16xf32>,
        %swap3A_1266 = vector.shape_cast %swap3A_1265 : vector<1x16xf32> to vector<1x16xf32>
        %swap3A_1267 = vector.shape_cast %get3A_1257 : vector<1x16xf32> to vector<1x16xf32>
        tpu.vector_store %swap3A_1262[%swap3A_1263, %swap3A_1264], %swap3A_1267 {add = true, strides = array<i32>} : memref<200x32xf32, #tpu.memory_space<vmem>>, vector<1x16xf32>,
        %add3A_1268 = arith.constant 4 : i32
        %add3A_1269 = arith.addi %add3A_1125, %add3A_1268 : i32
        %get3A_1270 = arith.index_cast %add3A_1269 : i32 to index
        %get3A_1271 = arith.constant 16 : index
        %get3A_1272 = tpu.vector_load %arg6[%get3A_1270, %get3A_1271] {strides = array<i32>} : memref<200x32xf32, #tpu.memory_space<vmem>>, vector<1x16xf32>,
        %get3A_1273 = vector.shape_cast %get3A_1272 : vector<1x16xf32> to vector<1x16xf32>
        %swap3A_1274 = arith.constant 3 : i32
        %swap3A_1275 = arith.constant 0 : i32
        %swap3A_1276 = arith.constant 0 : i32
        %swap3A_1277 = tpu.memref_slice %arg8[%swap3A_1274, %swap3A_1275, %swap3A_1276] : memref<4x200x32xf32, #tpu.memory_space<vmem>> -> memref<1x200x32xf32, #tpu.memory_space<vmem>>
        %swap3A_1278 = tpu.memref_squeeze %swap3A_1277 : memref<1x200x32xf32, #tpu.memory_space<vmem>> -> memref<200x32xf32, #tpu.memory_space<vmem>>
        %swap3A_1279 = arith.index_cast %add3A_1269 : i32 to index
        %swap3A_1280 = arith.constant 16 : index
        %swap3A_1281 = tpu.vector_load %swap3A_1278[%swap3A_1279, %swap3A_1280] {strides = array<i32>} : memref<200x32xf32, #tpu.memory_space<vmem>>, vector<1x16xf32>,
        %swap3A_1282 = vector.shape_cast %swap3A_1281 : vector<1x16xf32> to vector<1x16xf32>
        %swap3A_1283 = vector.shape_cast %get3A_1273 : vector<1x16xf32> to vector<1x16xf32>
        tpu.vector_store %swap3A_1278[%swap3A_1279, %swap3A_1280], %swap3A_1283 {add = true, strides = array<i32>} : memref<200x32xf32, #tpu.memory_space<vmem>>, vector<1x16xf32>,
        %add3A_1284 = arith.constant 5 : i32
        %add3A_1285 = arith.addi %add3A_1125, %add3A_1284 : i32
        %get3A_1286 = arith.index_cast %add3A_1285 : i32 to index
        %get3A_1287 = arith.constant 0 : index
        %get3A_1288 = tpu.vector_load %arg6[%get3A_1286, %get3A_1287] {strides = array<i32>} : memref<200x32xf32, #tpu.memory_space<vmem>>, vector<1x16xf32>,
        %get3A_1289 = vector.shape_cast %get3A_1288 : vector<1x16xf32> to vector<1x16xf32>
        %swap3A_1290 = arith.constant 3 : i32
        %swap3A_1291 = arith.constant 0 : i32
        %swap3A_1292 = arith.constant 0 : i32
        %swap3A_1293 = tpu.memref_slice %arg8[%swap3A_1290, %swap3A_1291, %swap3A_1292] : memref<4x200x32xf32, #tpu.memory_space<vmem>> -> memref<1x200x32xf32, #tpu.memory_space<vmem>>
        %swap3A_1294 = tpu.memref_squeeze %swap3A_1293 : memref<1x200x32xf32, #tpu.memory_space<vmem>> -> memref<200x32xf32, #tpu.memory_space<vmem>>
        %swap3A_1295 = arith.index_cast %add3A_1285 : i32 to index
        %swap3A_1296 = arith.constant 0 : index
        %swap3A_1297 = tpu.vector_load %swap3A_1294[%swap3A_1295, %swap3A_1296] {strides = array<i32>} : memref<200x32xf32, #tpu.memory_space<vmem>>, vector<1x16xf32>,
        %swap3A_1298 = vector.shape_cast %swap3A_1297 : vector<1x16xf32> to vector<1x16xf32>
        %swap3A_1299 = vector.shape_cast %get3A_1289 : vector<1x16xf32> to vector<1x16xf32>
        tpu.vector_store %swap3A_1294[%swap3A_1295, %swap3A_1296], %swap3A_1299 {add = true, strides = array<i32>} : memref<200x32xf32, #tpu.memory_space<vmem>>, vector<1x16xf32>,
        %add3A_1300 = arith.constant 5 : i32
        %add3A_1301 = arith.addi %add3A_1125, %add3A_1300 : i32
        %get3A_1302 = arith.index_cast %add3A_1301 : i32 to index
        %get3A_1303 = arith.constant 16 : index
        %get3A_1304 = tpu.vector_load %arg6[%get3A_1302, %get3A_1303] {strides = array<i32>} : memref<200x32xf32, #tpu.memory_space<vmem>>, vector<1x16xf32>,
        %get3A_1305 = vector.shape_cast %get3A_1304 : vector<1x16xf32> to vector<1x16xf32>
        %swap3A_1306 = arith.constant 3 : i32
        %swap3A_1307 = arith.constant 0 : i32
        %swap3A_1308 = arith.constant 0 : i32
        %swap3A_1309 = tpu.memref_slice %arg8[%swap3A_1306, %swap3A_1307, %swap3A_1308] : memref<4x200x32xf32, #tpu.memory_space<vmem>> -> memref<1x200x32xf32, #tpu.memory_space<vmem>>
        %swap3A_1310 = tpu.memref_squeeze %swap3A_1309 : memref<1x200x32xf32, #tpu.memory_space<vmem>> -> memref<200x32xf32, #tpu.memory_space<vmem>>
        %swap3A_1311 = arith.index_cast %add3A_1301 : i32 to index
        %swap3A_1312 = arith.constant 16 : index
        %swap3A_1313 = tpu.vector_load %swap3A_1310[%swap3A_1311, %swap3A_1312] {strides = array<i32>} : memref<200x32xf32, #tpu.memory_space<vmem>>, vector<1x16xf32>,
        %swap3A_1314 = vector.shape_cast %swap3A_1313 : vector<1x16xf32> to vector<1x16xf32>
        %swap3A_1315 = vector.shape_cast %get3A_1305 : vector<1x16xf32> to vector<1x16xf32>
        tpu.vector_store %swap3A_1310[%swap3A_1311, %swap3A_1312], %swap3A_1315 {add = true, strides = array<i32>} : memref<200x32xf32, #tpu.memory_space<vmem>>, vector<1x16xf32>,
        %add3A_1316 = arith.constant 6 : i32
        %add3A_1317 = arith.addi %add3A_1125, %add3A_1316 : i32
        %get3A_1318 = arith.index_cast %add3A_1317 : i32 to index
        %get3A_1319 = arith.constant 0 : index
        %get3A_1320 = tpu.vector_load %arg6[%get3A_1318, %get3A_1319] {strides = array<i32>} : memref<200x32xf32, #tpu.memory_space<vmem>>, vector<1x16xf32>,
        %get3A_1321 = vector.shape_cast %get3A_1320 : vector<1x16xf32> to vector<1x16xf32>
        %swap3A_1322 = arith.constant 3 : i32
        %swap3A_1323 = arith.constant 0 : i32
        %swap3A_1324 = arith.constant 0 : i32
        %swap3A_1325 = tpu.memref_slice %arg8[%swap3A_1322, %swap3A_1323, %swap3A_1324] : memref<4x200x32xf32, #tpu.memory_space<vmem>> -> memref<1x200x32xf32, #tpu.memory_space<vmem>>
        %swap3A_1326 = tpu.memref_squeeze %swap3A_1325 : memref<1x200x32xf32, #tpu.memory_space<vmem>> -> memref<200x32xf32, #tpu.memory_space<vmem>>
        %swap3A_1327 = arith.index_cast %add3A_1317 : i32 to index
        %swap3A_1328 = arith.constant 0 : index
        %swap3A_1329 = tpu.vector_load %swap3A_1326[%swap3A_1327, %swap3A_1328] {strides = array<i32>} : memref<200x32xf32, #tpu.memory_space<vmem>>, vector<1x16xf32>,
        %swap3A_1330 = vector.shape_cast %swap3A_1329 : vector<1x16xf32> to vector<1x16xf32>
        %swap3A_1331 = vector.shape_cast %get3A_1321 : vector<1x16xf32> to vector<1x16xf32>
        tpu.vector_store %swap3A_1326[%swap3A_1327, %swap3A_1328], %swap3A_1331 {add = true, strides = array<i32>} : memref<200x32xf32, #tpu.memory_space<vmem>>, vector<1x16xf32>,
        %add3A_1332 = arith.constant 6 : i32
        %add3A_1333 = arith.addi %add3A_1125, %add3A_1332 : i32
        %get3A_1334 = arith.index_cast %add3A_1333 : i32 to index
        %get3A_1335 = arith.constant 16 : index
        %get3A_1336 = tpu.vector_load %arg6[%get3A_1334, %get3A_1335] {strides = array<i32>} : memref<200x32xf32, #tpu.memory_space<vmem>>, vector<1x16xf32>,
        %get3A_1337 = vector.shape_cast %get3A_1336 : vector<1x16xf32> to vector<1x16xf32>
        %swap3A_1338 = arith.constant 3 : i32
        %swap3A_1339 = arith.constant 0 : i32
        %swap3A_1340 = arith.constant 0 : i32
        %swap3A_1341 = tpu.memref_slice %arg8[%swap3A_1338, %swap3A_1339, %swap3A_1340] : memref<4x200x32xf32, #tpu.memory_space<vmem>> -> memref<1x200x32xf32, #tpu.memory_space<vmem>>
        %swap3A_1342 = tpu.memref_squeeze %swap3A_1341 : memref<1x200x32xf32, #tpu.memory_space<vmem>> -> memref<200x32xf32, #tpu.memory_space<vmem>>
        %swap3A_1343 = arith.index_cast %add3A_1333 : i32 to index
        %swap3A_1344 = arith.constant 16 : index
        %swap3A_1345 = tpu.vector_load %swap3A_1342[%swap3A_1343, %swap3A_1344] {strides = array<i32>} : memref<200x32xf32, #tpu.memory_space<vmem>>, vector<1x16xf32>,
        %swap3A_1346 = vector.shape_cast %swap3A_1345 : vector<1x16xf32> to vector<1x16xf32>
        %swap3A_1347 = vector.shape_cast %get3A_1337 : vector<1x16xf32> to vector<1x16xf32>
        tpu.vector_store %swap3A_1342[%swap3A_1343, %swap3A_1344], %swap3A_1347 {add = true, strides = array<i32>} : memref<200x32xf32, #tpu.memory_space<vmem>>, vector<1x16xf32>,
        %add3A_1348 = arith.constant 7 : i32
        %add3A_1349 = arith.addi %add3A_1125, %add3A_1348 : i32
        %get3A_1350 = arith.index_cast %add3A_1349 : i32 to index
        %get3A_1351 = arith.constant 0 : index
        %get3A_1352 = tpu.vector_load %arg6[%get3A_1350, %get3A_1351] {strides = array<i32>} : memref<200x32xf32, #tpu.memory_space<vmem>>, vector<1x16xf32>,
        %get3A_1353 = vector.shape_cast %get3A_1352 : vector<1x16xf32> to vector<1x16xf32>
        %swap3A_1354 = arith.constant 3 : i32
        %swap3A_1355 = arith.constant 0 : i32
        %swap3A_1356 = arith.constant 0 : i32
        %swap3A_1357 = tpu.memref_slice %arg8[%swap3A_1354, %swap3A_1355, %swap3A_1356] : memref<4x200x32xf32, #tpu.memory_space<vmem>> -> memref<1x200x32xf32, #tpu.memory_space<vmem>>
        %swap3A_1358 = tpu.memref_squeeze %swap3A_1357 : memref<1x200x32xf32, #tpu.memory_space<vmem>> -> memref<200x32xf32, #tpu.memory_space<vmem>>
        %swap3A_1359 = arith.index_cast %add3A_1349 : i32 to index
        %swap3A_1360 = arith.constant 0 : index
        %swap3A_1361 = tpu.vector_load %swap3A_1358[%swap3A_1359, %swap3A_1360] {strides = array<i32>} : memref<200x32xf32, #tpu.memory_space<vmem>>, vector<1x16xf32>,
        %swap3A_1362 = vector.shape_cast %swap3A_1361 : vector<1x16xf32> to vector<1x16xf32>
        %swap3A_1363 = vector.shape_cast %get3A_1353 : vector<1x16xf32> to vector<1x16xf32>
        tpu.vector_store %swap3A_1358[%swap3A_1359, %swap3A_1360], %swap3A_1363 {add = true, strides = array<i32>} : memref<200x32xf32, #tpu.memory_space<vmem>>, vector<1x16xf32>,
        %add3A_1364 = arith.constant 7 : i32
        %add3A_1365 = arith.addi %add3A_1125, %add3A_1364 : i32
        %get3A_1366 = arith.index_cast %add3A_1365 : i32 to index
        %get3A_1367 = arith.constant 16 : index
        %get3A_1368 = tpu.vector_load %arg6[%get3A_1366, %get3A_1367] {strides = array<i32>} : memref<200x32xf32, #tpu.memory_space<vmem>>, vector<1x16xf32>,
        %get3A_1369 = vector.shape_cast %get3A_1368 : vector<1x16xf32> to vector<1x16xf32>
        %swap3A_1370 = arith.constant 3 : i32
        %swap3A_1371 = arith.constant 0 : i32
        %swap3A_1372 = arith.constant 0 : i32
        %swap3A_1373 = tpu.memref_slice %arg8[%swap3A_1370, %swap3A_1371, %swap3A_1372] : memref<4x200x32xf32, #tpu.memory_space<vmem>> -> memref<1x200x32xf32, #tpu.memory_space<vmem>>
        %swap3A_1374 = tpu.memref_squeeze %swap3A_1373 : memref<1x200x32xf32, #tpu.memory_space<vmem>> -> memref<200x32xf32, #tpu.memory_space<vmem>>
        %swap3A_1375 = arith.index_cast %add3A_1365 : i32 to index
        %swap3A_1376 = arith.constant 16 : index
        %swap3A_1377 = tpu.vector_load %swap3A_1374[%swap3A_1375, %swap3A_1376] {strides = array<i32>} : memref<200x32xf32, #tpu.memory_space<vmem>>, vector<1x16xf32>,
        %swap3A_1378 = vector.shape_cast %swap3A_1377 : vector<1x16xf32> to vector<1x16xf32>
        %swap3A_1379 = vector.shape_cast %get3A_1369 : vector<1x16xf32> to vector<1x16xf32>
        tpu.vector_store %swap3A_1374[%swap3A_1375, %swap3A_1376], %swap3A_1379 {add = true, strides = array<i32>} : memref<200x32xf32, #tpu.memory_space<vmem>>, vector<1x16xf32>,
      }
      %scan3A_1054 = arith.constant 25 : i32
      %mul3A_1055 = arith.constant 200 : i32
      %mul3A_1056 = arith.muli %add3A_1019, %mul3A_1055 : i32
      %add3A_1057 = arith.addi %mul3A_2, %mul3A_1056 : i32
      %dma_start3A_1058 = arith.constant 3 : i32
      %dma_start3A_1059 = arith.constant 0 : i32
      %dma_start3A_1060 = arith.constant 0 : i32
      %dma_start3A_1061 = tpu.memref_slice %arg8[%dma_start3A_1058, %dma_start3A_1059, %dma_start3A_1060] : memref<4x200x32xf32, #tpu.memory_space<vmem>> -> memref<1x200x32xf32, #tpu.memory_space<vmem>>
      %dma_start3A_1062 = tpu.memref_squeeze %dma_start3A_1061 : memref<1x200x32xf32, #tpu.memory_space<vmem>> -> memref<200x32xf32, #tpu.memory_space<vmem>>
      %dma_start3A_1063 = arith.constant 0 : i32
      %dma_start3A_1064 = tpu.memref_slice %arg5[%add3A_1057, %dma_start3A_1063] : memref<819200x128xf32, #tpu.memory_space<hbm>> -> memref<200x32xf32, #tpu.memory_space<hbm>>
      %dma_start3A_1065 = arith.constant 0 : i32
      %dma_start3A_1066 = tpu.memref_slice %arg5[%add3A_1057, %dma_start3A_1065] : memref<819200x128xf32, #tpu.memory_space<hbm>> -> memref<200x32xf32, #tpu.memory_space<hbm>>
      %dma_start3A_1067 = arith.constant 0 : i32
      %dma_start3A_1068 = arith.constant 0 : i32
      %dma_start3A_1069 = tpu.memref_slice %arg8[%dma_start3A_1058, %dma_start3A_1067, %dma_start3A_1068] : memref<4x200x32xf32, #tpu.memory_space<vmem>> -> memref<1x200x32xf32, #tpu.memory_space<vmem>>
      %dma_start3A_1070 = tpu.memref_squeeze %dma_start3A_1069 : memref<1x200x32xf32, #tpu.memory_space<vmem>> -> memref<200x32xf32, #tpu.memory_space<vmem>>
      tpu.enqueue_dma source(%dma_start3A_1070 : memref<200x32xf32, #tpu.memory_space<vmem>>) target(%dma_start3A_1066 : memref<200x32xf32, #tpu.memory_space<hbm>>) target_semaphore(%arg17 : memref<!tpu.dma_semaphore, #tpu.memory_space<semaphore_mem>>)
      %sub3A_1071 = arith.constant 2 : i32
      %sub3A_1072 = arith.subi %add3A_1019, %sub3A_1071 : i32
      %mul3A_1073 = arith.constant 200 : i32
      %mul3A_1074 = arith.muli %sub3A_1072, %mul3A_1073 : i32
      %add3A_1075 = arith.addi %mul3A_2, %mul3A_1074 : i32
      %dma_wait3A_1076 = arith.constant 1 : i32
      %dma_wait3A_1077 = arith.constant 0 : i32
      %dma_wait3A_1078 = arith.constant 0 : i32
      %dma_wait3A_1079 = tpu.memref_slice %arg8[%dma_wait3A_1076, %dma_wait3A_1077, %dma_wait3A_1078] : memref<4x200x32xf32, #tpu.memory_space<vmem>> -> memref<1x200x32xf32, #tpu.memory_space<vmem>>
      %dma_wait3A_1080 = tpu.memref_squeeze %dma_wait3A_1079 : memref<1x200x32xf32, #tpu.memory_space<vmem>> -> memref<200x32xf32, #tpu.memory_space<vmem>>
      %dma_wait3A_1081 = arith.constant 0 : i32
      %dma_wait3A_1082 = tpu.memref_slice %arg5[%add3A_1075, %dma_wait3A_1081] : memref<819200x128xf32, #tpu.memory_space<hbm>> -> memref<200x32xf32, #tpu.memory_space<hbm>>
      %dma_wait3A_1083 = arith.constant 0 : i32
      %dma_wait3A_1084 = tpu.memref_slice %arg5[%add3A_1075, %dma_wait3A_1083] : memref<819200x128xf32, #tpu.memory_space<hbm>> -> memref<200x32xf32, #tpu.memory_space<hbm>>
      %dma_wait3A_1085 = arith.constant 0 : i32
      %dma_wait3A_1086 = arith.constant 0 : i32
      %dma_wait3A_1087 = tpu.memref_slice %arg8[%dma_wait3A_1076, %dma_wait3A_1085, %dma_wait3A_1086] : memref<4x200x32xf32, #tpu.memory_space<vmem>> -> memref<1x200x32xf32, #tpu.memory_space<vmem>>
      %dma_wait3A_1088 = tpu.memref_squeeze %dma_wait3A_1087 : memref<1x200x32xf32, #tpu.memory_space<vmem>> -> memref<200x32xf32, #tpu.memory_space<vmem>>
      tpu.wait_dma2 semaphore(%arg15 : memref<!tpu.dma_semaphore, #tpu.memory_space<semaphore_mem>>) src(%dma_wait3A_1088 : memref<200x32xf32, #tpu.memory_space<vmem>>) dst(%dma_wait3A_1084 : memref<200x32xf32, #tpu.memory_space<hbm>>)
      %add3A_1089 = arith.constant 2 : i32
      %add3A_1090 = arith.addi %add3A_1019, %add3A_1089 : i32
      %mul3A_1091 = arith.constant 200 : i32
      %mul3A_1092 = arith.muli %add3A_1090, %mul3A_1091 : i32
      %add3A_1093 = arith.constant 0 : i32
      %add3A_1094 = arith.addi %mul3A_1092, %add3A_1093 : i32
      %add3A_1095 = arith.constant 104 : i32
      %add3A_1096 = arith.addi %mul3A_1092, %add3A_1095 : i32
      %dma_start3A_1097 = arith.constant 1 : i32
      %dma_start3A_1098 = arith.constant 0 : i32
      %dma_start3A_1099 = arith.constant 0 : i32
      %dma_start3A_1100 = tpu.memref_slice %arg8[%dma_start3A_1097, %dma_start3A_1098, %dma_start3A_1099] : memref<4x200x32xf32, #tpu.memory_space<vmem>> -> memref<1x200x32xf32, #tpu.memory_space<vmem>>
      %dma_start3A_1101 = tpu.memref_squeeze %dma_start3A_1100 : memref<1x200x32xf32, #tpu.memory_space<vmem>> -> memref<200x32xf32, #tpu.memory_space<vmem>>
      %dma_start3A_1102 = arith.constant 0 : i32
      %dma_start3A_1103 = arith.constant 0 : i32
      %dma_start3A_1104 = tpu.memref_slice %dma_start3A_1101[%dma_start3A_1102, %dma_start3A_1103] : memref<200x32xf32, #tpu.memory_space<vmem>> -> memref<104x32xf32, #tpu.memory_space<vmem>>
      %dma_start3A_1105 = tpu.memref_slice %arg7[%add3A_1094] : memref<25600xi32, #tpu.memory_space<vmem>> -> memref<104xi32, #tpu.memory_space<vmem>>
      %dma_start3A_1106 = arith.constant 0 : i32
      %dma_start3A_1107 = arith.constant 0 : i32
      %dma_start3A_1108 = tpu.memref_slice %arg3[%dma_start3A_1106, %dma_start3A_1107] : memref<1000000x32xf32, #tpu.memory_space<hbm>> -> memref<1000000x32xf32, #tpu.memory_space<hbm>>
      tpu.enqueue_indirect_dma source(%dma_start3A_1108 : memref<1000000x32xf32, #tpu.memory_space<hbm>>) target(%dma_start3A_1104 : memref<104x32xf32, #tpu.memory_space<vmem>>) offsets(%dma_start3A_1105 : memref<104xi32, #tpu.memory_space<vmem>>) semaphore(%arg11 : memref<!tpu.dma_semaphore, #tpu.memory_space<semaphore_mem>>)
      %dma_start3A_1109 = arith.constant 1 : i32
      %dma_start3A_1110 = arith.constant 0 : i32
      %dma_start3A_1111 = arith.constant 0 : i32
      %dma_start3A_1112 = tpu.memref_slice %arg8[%dma_start3A_1109, %dma_start3A_1110, %dma_start3A_1111] : memref<4x200x32xf32, #tpu.memory_space<vmem>> -> memref<1x200x32xf32, #tpu.memory_space<vmem>>
      %dma_start3A_1113 = tpu.memref_squeeze %dma_start3A_1112 : memref<1x200x32xf32, #tpu.memory_space<vmem>> -> memref<200x32xf32, #tpu.memory_space<vmem>>
      %dma_start3A_1114 = arith.constant 104 : i32
      %dma_start3A_1115 = arith.constant 0 : i32
      %dma_start3A_1116 = tpu.memref_slice %dma_start3A_1113[%dma_start3A_1114, %dma_start3A_1115] : memref<200x32xf32, #tpu.memory_space<vmem>> -> memref<96x32xf32, #tpu.memory_space<vmem>>
      %dma_start3A_1117 = tpu.memref_slice %arg7[%add3A_1096] : memref<25600xi32, #tpu.memory_space<vmem>> -> memref<96xi32, #tpu.memory_space<vmem>>
      %dma_start3A_1118 = arith.constant 0 : i32
      %dma_start3A_1119 = arith.constant 0 : i32
      %dma_start3A_1120 = tpu.memref_slice %arg3[%dma_start3A_1118, %dma_start3A_1119] : memref<1000000x32xf32, #tpu.memory_space<hbm>> -> memref<1000000x32xf32, #tpu.memory_space<hbm>>
      tpu.enqueue_indirect_dma source(%dma_start3A_1120 : memref<1000000x32xf32, #tpu.memory_space<hbm>>) target(%dma_start3A_1116 : memref<96x32xf32, #tpu.memory_space<vmem>>) offsets(%dma_start3A_1117 : memref<96xi32, #tpu.memory_space<vmem>>) semaphore(%arg11 : memref<!tpu.dma_semaphore, #tpu.memory_space<semaphore_mem>>)
    }
    %scan3A_378 = arith.constant 30 : i32
    %dma_wait3A_379 = arith.constant 0 : i32
    %dma_wait3A_380 = arith.constant 0 : i32
    %dma_wait3A_381 = arith.constant 0 : i32
    %dma_wait3A_382 = tpu.memref_slice %arg8[%dma_wait3A_379, %dma_wait3A_380, %dma_wait3A_381] : memref<4x200x32xf32, #tpu.memory_space<vmem>> -> memref<1x200x32xf32, #tpu.memory_space<vmem>>
    %dma_wait3A_383 = tpu.memref_squeeze %dma_wait3A_382 : memref<1x200x32xf32, #tpu.memory_space<vmem>> -> memref<200x32xf32, #tpu.memory_space<vmem>>
    %dma_wait3A_384 = arith.constant 0 : i32
    %dma_wait3A_385 = arith.constant 0 : i32
    %dma_wait3A_386 = tpu.memref_slice %dma_wait3A_383[%dma_wait3A_384, %dma_wait3A_385] : memref<200x32xf32, #tpu.memory_space<vmem>> -> memref<104x32xf32, #tpu.memory_space<vmem>>
    %dma_wait3A_387 = arith.constant 24800 : i32
    %dma_wait3A_388 = tpu.memref_slice %arg7[%dma_wait3A_387] : memref<25600xi32, #tpu.memory_space<vmem>> -> memref<104xi32, #tpu.memory_space<vmem>>
    %dma_wait3A_389 = arith.constant 0 : i32
    %dma_wait3A_390 = arith.constant 0 : i32
    %dma_wait3A_391 = tpu.memref_slice %arg3[%dma_wait3A_389, %dma_wait3A_390] : memref<1000000x32xf32, #tpu.memory_space<hbm>> -> memref<1000000x32xf32, #tpu.memory_space<hbm>>
    tpu.wait_indirect_dma semaphore(%arg10 : memref<!tpu.dma_semaphore, #tpu.memory_space<semaphore_mem>>) src(%dma_wait3A_391 : memref<1000000x32xf32, #tpu.memory_space<hbm>>) dst(%dma_wait3A_386 : memref<104x32xf32, #tpu.memory_space<vmem>>)
    %dma_wait3A_392 = arith.constant 0 : i32
    %dma_wait3A_393 = arith.constant 0 : i32
    %dma_wait3A_394 = arith.constant 0 : i32
    %dma_wait3A_395 = tpu.memref_slice %arg8[%dma_wait3A_392, %dma_wait3A_393, %dma_wait3A_394] : memref<4x200x32xf32, #tpu.memory_space<vmem>> -> memref<1x200x32xf32, #tpu.memory_space<vmem>>
    %dma_wait3A_396 = tpu.memref_squeeze %dma_wait3A_395 : memref<1x200x32xf32, #tpu.memory_space<vmem>> -> memref<200x32xf32, #tpu.memory_space<vmem>>
    %dma_wait3A_397 = arith.constant 104 : i32
    %dma_wait3A_398 = arith.constant 0 : i32
    %dma_wait3A_399 = tpu.memref_slice %dma_wait3A_396[%dma_wait3A_397, %dma_wait3A_398] : memref<200x32xf32, #tpu.memory_space<vmem>> -> memref<96x32xf32, #tpu.memory_space<vmem>>
    %dma_wait3A_400 = arith.constant 24904 : i32
    %dma_wait3A_401 = tpu.memref_slice %arg7[%dma_wait3A_400] : memref<25600xi32, #tpu.memory_space<vmem>> -> memref<96xi32, #tpu.memory_space<vmem>>
    %dma_wait3A_402 = arith.constant 0 : i32
    %dma_wait3A_403 = arith.constant 0 : i32
    %dma_wait3A_404 = tpu.memref_slice %arg3[%dma_wait3A_402, %dma_wait3A_403] : memref<1000000x32xf32, #tpu.memory_space<hbm>> -> memref<1000000x32xf32, #tpu.memory_space<hbm>>
    tpu.wait_indirect_dma semaphore(%arg10 : memref<!tpu.dma_semaphore, #tpu.memory_space<semaphore_mem>>) src(%dma_wait3A_404 : memref<1000000x32xf32, #tpu.memory_space<hbm>>) dst(%dma_wait3A_399 : memref<96x32xf32, #tpu.memory_space<vmem>>)
    %scan3A_405 = arith.constant 0 : i32
    %scan3A_406 = arith.constant 25 : i32
    %scan3A_407 = arith.addi %scan3A_405, %scan3A_406 : i32
    %scan3A_408 = arith.constant 1 : i32
    scf.for %scan3A_705 = %scan3A_405 to %scan3A_407 step %scan3A_408  : i32 {
      %mul3A_706 = arith.constant 8 : i32
      %mul3A_707 = arith.muli %scan3A_705, %mul3A_706 : i32
      %add3A_708 = arith.constant 0 : i32
      %add3A_709 = arith.addi %add3A_708, %mul3A_707 : i32
      %add3A_710 = arith.constant 0 : i32
      %add3A_711 = arith.addi %add3A_709, %add3A_710 : i32
      %get3A = arith.index_cast %add3A_711 : i32 to index
      %get3A_712 = arith.constant 0 : index
      %get3A_713 = tpu.vector_load %arg6[%get3A, %get3A_712] {strides = array<i32>} : memref<200x32xf32, #tpu.memory_space<vmem>>, vector<1x16xf32>,
      %get3A_714 = vector.shape_cast %get3A_713 : vector<1x16xf32> to vector<1x16xf32>
      %swap3A = arith.constant 0 : i32
      %swap3A_715 = arith.constant 0 : i32
      %swap3A_716 = arith.constant 0 : i32
      %swap3A_717 = tpu.memref_slice %arg8[%swap3A, %swap3A_715, %swap3A_716] : memref<4x200x32xf32, #tpu.memory_space<vmem>> -> memref<1x200x32xf32, #tpu.memory_space<vmem>>
      %swap3A_718 = tpu.memref_squeeze %swap3A_717 : memref<1x200x32xf32, #tpu.memory_space<vmem>> -> memref<200x32xf32, #tpu.memory_space<vmem>>
      %swap3A_719 = arith.index_cast %add3A_711 : i32 to index
      %swap3A_720 = arith.constant 0 : index
      %swap3A_721 = tpu.vector_load %swap3A_718[%swap3A_719, %swap3A_720] {strides = array<i32>} : memref<200x32xf32, #tpu.memory_space<vmem>>, vector<1x16xf32>,
      %swap3A_722 = vector.shape_cast %swap3A_721 : vector<1x16xf32> to vector<1x16xf32>
      %swap3A_723 = vector.shape_cast %get3A_714 : vector<1x16xf32> to vector<1x16xf32>
      tpu.vector_store %swap3A_718[%swap3A_719, %swap3A_720], %swap3A_723 {add = true, strides = array<i32>} : memref<200x32xf32, #tpu.memory_space<vmem>>, vector<1x16xf32>,
      %add3A_724 = arith.constant 0 : i32
      %add3A_725 = arith.addi %add3A_709, %add3A_724 : i32
      %get3A_726 = arith.index_cast %add3A_725 : i32 to index
      %get3A_727 = arith.constant 16 : index
      %get3A_728 = tpu.vector_load %arg6[%get3A_726, %get3A_727] {strides = array<i32>} : memref<200x32xf32, #tpu.memory_space<vmem>>, vector<1x16xf32>,
      %get3A_729 = vector.shape_cast %get3A_728 : vector<1x16xf32> to vector<1x16xf32>
      %swap3A_730 = arith.constant 0 : i32
      %swap3A_731 = arith.constant 0 : i32
      %swap3A_732 = arith.constant 0 : i32
      %swap3A_733 = tpu.memref_slice %arg8[%swap3A_730, %swap3A_731, %swap3A_732] : memref<4x200x32xf32, #tpu.memory_space<vmem>> -> memref<1x200x32xf32, #tpu.memory_space<vmem>>
      %swap3A_734 = tpu.memref_squeeze %swap3A_733 : memref<1x200x32xf32, #tpu.memory_space<vmem>> -> memref<200x32xf32, #tpu.memory_space<vmem>>
      %swap3A_735 = arith.index_cast %add3A_725 : i32 to index
      %swap3A_736 = arith.constant 16 : index
      %swap3A_737 = tpu.vector_load %swap3A_734[%swap3A_735, %swap3A_736] {strides = array<i32>} : memref<200x32xf32, #tpu.memory_space<vmem>>, vector<1x16xf32>,
      %swap3A_738 = vector.shape_cast %swap3A_737 : vector<1x16xf32> to vector<1x16xf32>
      %swap3A_739 = vector.shape_cast %get3A_729 : vector<1x16xf32> to vector<1x16xf32>
      tpu.vector_store %swap3A_734[%swap3A_735, %swap3A_736], %swap3A_739 {add = true, strides = array<i32>} : memref<200x32xf32, #tpu.memory_space<vmem>>, vector<1x16xf32>,
      %add3A_740 = arith.constant 1 : i32
      %add3A_741 = arith.addi %add3A_709, %add3A_740 : i32
      %get3A_742 = arith.index_cast %add3A_741 : i32 to index
      %get3A_743 = arith.constant 0 : index
      %get3A_744 = tpu.vector_load %arg6[%get3A_742, %get3A_743] {strides = array<i32>} : memref<200x32xf32, #tpu.memory_space<vmem>>, vector<1x16xf32>,
      %get3A_745 = vector.shape_cast %get3A_744 : vector<1x16xf32> to vector<1x16xf32>
      %swap3A_746 = arith.constant 0 : i32
      %swap3A_747 = arith.constant 0 : i32
      %swap3A_748 = arith.constant 0 : i32
      %swap3A_749 = tpu.memref_slice %arg8[%swap3A_746, %swap3A_747, %swap3A_748] : memref<4x200x32xf32, #tpu.memory_space<vmem>> -> memref<1x200x32xf32, #tpu.memory_space<vmem>>
      %swap3A_750 = tpu.memref_squeeze %swap3A_749 : memref<1x200x32xf32, #tpu.memory_space<vmem>> -> memref<200x32xf32, #tpu.memory_space<vmem>>
      %swap3A_751 = arith.index_cast %add3A_741 : i32 to index
      %swap3A_752 = arith.constant 0 : index
      %swap3A_753 = tpu.vector_load %swap3A_750[%swap3A_751, %swap3A_752] {strides = array<i32>} : memref<200x32xf32, #tpu.memory_space<vmem>>, vector<1x16xf32>,
      %swap3A_754 = vector.shape_cast %swap3A_753 : vector<1x16xf32> to vector<1x16xf32>
      %swap3A_755 = vector.shape_cast %get3A_745 : vector<1x16xf32> to vector<1x16xf32>
      tpu.vector_store %swap3A_750[%swap3A_751, %swap3A_752], %swap3A_755 {add = true, strides = array<i32>} : memref<200x32xf32, #tpu.memory_space<vmem>>, vector<1x16xf32>,
      %add3A_756 = arith.constant 1 : i32
      %add3A_757 = arith.addi %add3A_709, %add3A_756 : i32
      %get3A_758 = arith.index_cast %add3A_757 : i32 to index
      %get3A_759 = arith.constant 16 : index
      %get3A_760 = tpu.vector_load %arg6[%get3A_758, %get3A_759] {strides = array<i32>} : memref<200x32xf32, #tpu.memory_space<vmem>>, vector<1x16xf32>,
      %get3A_761 = vector.shape_cast %get3A_760 : vector<1x16xf32> to vector<1x16xf32>
      %swap3A_762 = arith.constant 0 : i32
      %swap3A_763 = arith.constant 0 : i32
      %swap3A_764 = arith.constant 0 : i32
      %swap3A_765 = tpu.memref_slice %arg8[%swap3A_762, %swap3A_763, %swap3A_764] : memref<4x200x32xf32, #tpu.memory_space<vmem>> -> memref<1x200x32xf32, #tpu.memory_space<vmem>>
      %swap3A_766 = tpu.memref_squeeze %swap3A_765 : memref<1x200x32xf32, #tpu.memory_space<vmem>> -> memref<200x32xf32, #tpu.memory_space<vmem>>
      %swap3A_767 = arith.index_cast %add3A_757 : i32 to index
      %swap3A_768 = arith.constant 16 : index
      %swap3A_769 = tpu.vector_load %swap3A_766[%swap3A_767, %swap3A_768] {strides = array<i32>} : memref<200x32xf32, #tpu.memory_space<vmem>>, vector<1x16xf32>,
      %swap3A_770 = vector.shape_cast %swap3A_769 : vector<1x16xf32> to vector<1x16xf32>
      %swap3A_771 = vector.shape_cast %get3A_761 : vector<1x16xf32> to vector<1x16xf32>
      tpu.vector_store %swap3A_766[%swap3A_767, %swap3A_768], %swap3A_771 {add = true, strides = array<i32>} : memref<200x32xf32, #tpu.memory_space<vmem>>, vector<1x16xf32>,
      %add3A_772 = arith.constant 2 : i32
      %add3A_773 = arith.addi %add3A_709, %add3A_772 : i32
      %get3A_774 = arith.index_cast %add3A_773 : i32 to index
      %get3A_775 = arith.constant 0 : index
      %get3A_776 = tpu.vector_load %arg6[%get3A_774, %get3A_775] {strides = array<i32>} : memref<200x32xf32, #tpu.memory_space<vmem>>, vector<1x16xf32>,
      %get3A_777 = vector.shape_cast %get3A_776 : vector<1x16xf32> to vector<1x16xf32>
      %swap3A_778 = arith.constant 0 : i32
      %swap3A_779 = arith.constant 0 : i32
      %swap3A_780 = arith.constant 0 : i32
      %swap3A_781 = tpu.memref_slice %arg8[%swap3A_778, %swap3A_779, %swap3A_780] : memref<4x200x32xf32, #tpu.memory_space<vmem>> -> memref<1x200x32xf32, #tpu.memory_space<vmem>>
      %swap3A_782 = tpu.memref_squeeze %swap3A_781 : memref<1x200x32xf32, #tpu.memory_space<vmem>> -> memref<200x32xf32, #tpu.memory_space<vmem>>
      %swap3A_783 = arith.index_cast %add3A_773 : i32 to index
      %swap3A_784 = arith.constant 0 : index
      %swap3A_785 = tpu.vector_load %swap3A_782[%swap3A_783, %swap3A_784] {strides = array<i32>} : memref<200x32xf32, #tpu.memory_space<vmem>>, vector<1x16xf32>,
      %swap3A_786 = vector.shape_cast %swap3A_785 : vector<1x16xf32> to vector<1x16xf32>
      %swap3A_787 = vector.shape_cast %get3A_777 : vector<1x16xf32> to vector<1x16xf32>
      tpu.vector_store %swap3A_782[%swap3A_783, %swap3A_784], %swap3A_787 {add = true, strides = array<i32>} : memref<200x32xf32, #tpu.memory_space<vmem>>, vector<1x16xf32>,
      %add3A_788 = arith.constant 2 : i32
      %add3A_789 = arith.addi %add3A_709, %add3A_788 : i32
      %get3A_790 = arith.index_cast %add3A_789 : i32 to index
      %get3A_791 = arith.constant 16 : index
      %get3A_792 = tpu.vector_load %arg6[%get3A_790, %get3A_791] {strides = array<i32>} : memref<200x32xf32, #tpu.memory_space<vmem>>, vector<1x16xf32>,
      %get3A_793 = vector.shape_cast %get3A_792 : vector<1x16xf32> to vector<1x16xf32>
      %swap3A_794 = arith.constant 0 : i32
      %swap3A_795 = arith.constant 0 : i32
      %swap3A_796 = arith.constant 0 : i32
      %swap3A_797 = tpu.memref_slice %arg8[%swap3A_794, %swap3A_795, %swap3A_796] : memref<4x200x32xf32, #tpu.memory_space<vmem>> -> memref<1x200x32xf32, #tpu.memory_space<vmem>>
      %swap3A_798 = tpu.memref_squeeze %swap3A_797 : memref<1x200x32xf32, #tpu.memory_space<vmem>> -> memref<200x32xf32, #tpu.memory_space<vmem>>
      %swap3A_799 = arith.index_cast %add3A_789 : i32 to index
      %swap3A_800 = arith.constant 16 : index
      %swap3A_801 = tpu.vector_load %swap3A_798[%swap3A_799, %swap3A_800] {strides = array<i32>} : memref<200x32xf32, #tpu.memory_space<vmem>>, vector<1x16xf32>,
      %swap3A_802 = vector.shape_cast %swap3A_801 : vector<1x16xf32> to vector<1x16xf32>
      %swap3A_803 = vector.shape_cast %get3A_793 : vector<1x16xf32> to vector<1x16xf32>
      tpu.vector_store %swap3A_798[%swap3A_799, %swap3A_800], %swap3A_803 {add = true, strides = array<i32>} : memref<200x32xf32, #tpu.memory_space<vmem>>, vector<1x16xf32>,
      %add3A_804 = arith.constant 3 : i32
      %add3A_805 = arith.addi %add3A_709, %add3A_804 : i32
      %get3A_806 = arith.index_cast %add3A_805 : i32 to index
      %get3A_807 = arith.constant 0 : index
      %get3A_808 = tpu.vector_load %arg6[%get3A_806, %get3A_807] {strides = array<i32>} : memref<200x32xf32, #tpu.memory_space<vmem>>, vector<1x16xf32>,
      %get3A_809 = vector.shape_cast %get3A_808 : vector<1x16xf32> to vector<1x16xf32>
      %swap3A_810 = arith.constant 0 : i32
      %swap3A_811 = arith.constant 0 : i32
      %swap3A_812 = arith.constant 0 : i32
      %swap3A_813 = tpu.memref_slice %arg8[%swap3A_810, %swap3A_811, %swap3A_812] : memref<4x200x32xf32, #tpu.memory_space<vmem>> -> memref<1x200x32xf32, #tpu.memory_space<vmem>>
      %swap3A_814 = tpu.memref_squeeze %swap3A_813 : memref<1x200x32xf32, #tpu.memory_space<vmem>> -> memref<200x32xf32, #tpu.memory_space<vmem>>
      %swap3A_815 = arith.index_cast %add3A_805 : i32 to index
      %swap3A_816 = arith.constant 0 : index
      %swap3A_817 = tpu.vector_load %swap3A_814[%swap3A_815, %swap3A_816] {strides = array<i32>} : memref<200x32xf32, #tpu.memory_space<vmem>>, vector<1x16xf32>,
      %swap3A_818 = vector.shape_cast %swap3A_817 : vector<1x16xf32> to vector<1x16xf32>
      %swap3A_819 = vector.shape_cast %get3A_809 : vector<1x16xf32> to vector<1x16xf32>
      tpu.vector_store %swap3A_814[%swap3A_815, %swap3A_816], %swap3A_819 {add = true, strides = array<i32>} : memref<200x32xf32, #tpu.memory_space<vmem>>, vector<1x16xf32>,
      %add3A_820 = arith.constant 3 : i32
      %add3A_821 = arith.addi %add3A_709, %add3A_820 : i32
      %get3A_822 = arith.index_cast %add3A_821 : i32 to index
      %get3A_823 = arith.constant 16 : index
      %get3A_824 = tpu.vector_load %arg6[%get3A_822, %get3A_823] {strides = array<i32>} : memref<200x32xf32, #tpu.memory_space<vmem>>, vector<1x16xf32>,
      %get3A_825 = vector.shape_cast %get3A_824 : vector<1x16xf32> to vector<1x16xf32>
      %swap3A_826 = arith.constant 0 : i32
      %swap3A_827 = arith.constant 0 : i32
      %swap3A_828 = arith.constant 0 : i32
      %swap3A_829 = tpu.memref_slice %arg8[%swap3A_826, %swap3A_827, %swap3A_828] : memref<4x200x32xf32, #tpu.memory_space<vmem>> -> memref<1x200x32xf32, #tpu.memory_space<vmem>>
      %swap3A_830 = tpu.memref_squeeze %swap3A_829 : memref<1x200x32xf32, #tpu.memory_space<vmem>> -> memref<200x32xf32, #tpu.memory_space<vmem>>
      %swap3A_831 = arith.index_cast %add3A_821 : i32 to index
      %swap3A_832 = arith.constant 16 : index
      %swap3A_833 = tpu.vector_load %swap3A_830[%swap3A_831, %swap3A_832] {strides = array<i32>} : memref<200x32xf32, #tpu.memory_space<vmem>>, vector<1x16xf32>,
      %swap3A_834 = vector.shape_cast %swap3A_833 : vector<1x16xf32> to vector<1x16xf32>
      %swap3A_835 = vector.shape_cast %get3A_825 : vector<1x16xf32> to vector<1x16xf32>
      tpu.vector_store %swap3A_830[%swap3A_831, %swap3A_832], %swap3A_835 {add = true, strides = array<i32>} : memref<200x32xf32, #tpu.memory_space<vmem>>, vector<1x16xf32>,
      %add3A_836 = arith.constant 4 : i32
      %add3A_837 = arith.addi %add3A_709, %add3A_836 : i32
      %get3A_838 = arith.index_cast %add3A_837 : i32 to index
      %get3A_839 = arith.constant 0 : index
      %get3A_840 = tpu.vector_load %arg6[%get3A_838, %get3A_839] {strides = array<i32>} : memref<200x32xf32, #tpu.memory_space<vmem>>, vector<1x16xf32>,
      %get3A_841 = vector.shape_cast %get3A_840 : vector<1x16xf32> to vector<1x16xf32>
      %swap3A_842 = arith.constant 0 : i32
      %swap3A_843 = arith.constant 0 : i32
      %swap3A_844 = arith.constant 0 : i32
      %swap3A_845 = tpu.memref_slice %arg8[%swap3A_842, %swap3A_843, %swap3A_844] : memref<4x200x32xf32, #tpu.memory_space<vmem>> -> memref<1x200x32xf32, #tpu.memory_space<vmem>>
      %swap3A_846 = tpu.memref_squeeze %swap3A_845 : memref<1x200x32xf32, #tpu.memory_space<vmem>> -> memref<200x32xf32, #tpu.memory_space<vmem>>
      %swap3A_847 = arith.index_cast %add3A_837 : i32 to index
      %swap3A_848 = arith.constant 0 : index
      %swap3A_849 = tpu.vector_load %swap3A_846[%swap3A_847, %swap3A_848] {strides = array<i32>} : memref<200x32xf32, #tpu.memory_space<vmem>>, vector<1x16xf32>,
      %swap3A_850 = vector.shape_cast %swap3A_849 : vector<1x16xf32> to vector<1x16xf32>
      %swap3A_851 = vector.shape_cast %get3A_841 : vector<1x16xf32> to vector<1x16xf32>
      tpu.vector_store %swap3A_846[%swap3A_847, %swap3A_848], %swap3A_851 {add = true, strides = array<i32>} : memref<200x32xf32, #tpu.memory_space<vmem>>, vector<1x16xf32>,
      %add3A_852 = arith.constant 4 : i32
      %add3A_853 = arith.addi %add3A_709, %add3A_852 : i32
      %get3A_854 = arith.index_cast %add3A_853 : i32 to index
      %get3A_855 = arith.constant 16 : index
      %get3A_856 = tpu.vector_load %arg6[%get3A_854, %get3A_855] {strides = array<i32>} : memref<200x32xf32, #tpu.memory_space<vmem>>, vector<1x16xf32>,
      %get3A_857 = vector.shape_cast %get3A_856 : vector<1x16xf32> to vector<1x16xf32>
      %swap3A_858 = arith.constant 0 : i32
      %swap3A_859 = arith.constant 0 : i32
      %swap3A_860 = arith.constant 0 : i32
      %swap3A_861 = tpu.memref_slice %arg8[%swap3A_858, %swap3A_859, %swap3A_860] : memref<4x200x32xf32, #tpu.memory_space<vmem>> -> memref<1x200x32xf32, #tpu.memory_space<vmem>>
      %swap3A_862 = tpu.memref_squeeze %swap3A_861 : memref<1x200x32xf32, #tpu.memory_space<vmem>> -> memref<200x32xf32, #tpu.memory_space<vmem>>
      %swap3A_863 = arith.index_cast %add3A_853 : i32 to index
      %swap3A_864 = arith.constant 16 : index
      %swap3A_865 = tpu.vector_load %swap3A_862[%swap3A_863, %swap3A_864] {strides = array<i32>} : memref<200x32xf32, #tpu.memory_space<vmem>>, vector<1x16xf32>,
      %swap3A_866 = vector.shape_cast %swap3A_865 : vector<1x16xf32> to vector<1x16xf32>
      %swap3A_867 = vector.shape_cast %get3A_857 : vector<1x16xf32> to vector<1x16xf32>
      tpu.vector_store %swap3A_862[%swap3A_863, %swap3A_864], %swap3A_867 {add = true, strides = array<i32>} : memref<200x32xf32, #tpu.memory_space<vmem>>, vector<1x16xf32>,
      %add3A_868 = arith.constant 5 : i32
      %add3A_869 = arith.addi %add3A_709, %add3A_868 : i32
      %get3A_870 = arith.index_cast %add3A_869 : i32 to index
      %get3A_871 = arith.constant 0 : index
      %get3A_872 = tpu.vector_load %arg6[%get3A_870, %get3A_871] {strides = array<i32>} : memref<200x32xf32, #tpu.memory_space<vmem>>, vector<1x16xf32>,
      %get3A_873 = vector.shape_cast %get3A_872 : vector<1x16xf32> to vector<1x16xf32>
      %swap3A_874 = arith.constant 0 : i32
      %swap3A_875 = arith.constant 0 : i32
      %swap3A_876 = arith.constant 0 : i32
      %swap3A_877 = tpu.memref_slice %arg8[%swap3A_874, %swap3A_875, %swap3A_876] : memref<4x200x32xf32, #tpu.memory_space<vmem>> -> memref<1x200x32xf32, #tpu.memory_space<vmem>>
      %swap3A_878 = tpu.memref_squeeze %swap3A_877 : memref<1x200x32xf32, #tpu.memory_space<vmem>> -> memref<200x32xf32, #tpu.memory_space<vmem>>
      %swap3A_879 = arith.index_cast %add3A_869 : i32 to index
      %swap3A_880 = arith.constant 0 : index
      %swap3A_881 = tpu.vector_load %swap3A_878[%swap3A_879, %swap3A_880] {strides = array<i32>} : memref<200x32xf32, #tpu.memory_space<vmem>>, vector<1x16xf32>,
      %swap3A_882 = vector.shape_cast %swap3A_881 : vector<1x16xf32> to vector<1x16xf32>
      %swap3A_883 = vector.shape_cast %get3A_873 : vector<1x16xf32> to vector<1x16xf32>
      tpu.vector_store %swap3A_878[%swap3A_879, %swap3A_880], %swap3A_883 {add = true, strides = array<i32>} : memref<200x32xf32, #tpu.memory_space<vmem>>, vector<1x16xf32>,
      %add3A_884 = arith.constant 5 : i32
      %add3A_885 = arith.addi %add3A_709, %add3A_884 : i32
      %get3A_886 = arith.index_cast %add3A_885 : i32 to index
      %get3A_887 = arith.constant 16 : index
      %get3A_888 = tpu.vector_load %arg6[%get3A_886, %get3A_887] {strides = array<i32>} : memref<200x32xf32, #tpu.memory_space<vmem>>, vector<1x16xf32>,
      %get3A_889 = vector.shape_cast %get3A_888 : vector<1x16xf32> to vector<1x16xf32>
      %swap3A_890 = arith.constant 0 : i32
      %swap3A_891 = arith.constant 0 : i32
      %swap3A_892 = arith.constant 0 : i32
      %swap3A_893 = tpu.memref_slice %arg8[%swap3A_890, %swap3A_891, %swap3A_892] : memref<4x200x32xf32, #tpu.memory_space<vmem>> -> memref<1x200x32xf32, #tpu.memory_space<vmem>>
      %swap3A_894 = tpu.memref_squeeze %swap3A_893 : memref<1x200x32xf32, #tpu.memory_space<vmem>> -> memref<200x32xf32, #tpu.memory_space<vmem>>
      %swap3A_895 = arith.index_cast %add3A_885 : i32 to index
      %swap3A_896 = arith.constant 16 : index
      %swap3A_897 = tpu.vector_load %swap3A_894[%swap3A_895, %swap3A_896] {strides = array<i32>} : memref<200x32xf32, #tpu.memory_space<vmem>>, vector<1x16xf32>,
      %swap3A_898 = vector.shape_cast %swap3A_897 : vector<1x16xf32> to vector<1x16xf32>
      %swap3A_899 = vector.shape_cast %get3A_889 : vector<1x16xf32> to vector<1x16xf32>
      tpu.vector_store %swap3A_894[%swap3A_895, %swap3A_896], %swap3A_899 {add = true, strides = array<i32>} : memref<200x32xf32, #tpu.memory_space<vmem>>, vector<1x16xf32>,
      %add3A_900 = arith.constant 6 : i32
      %add3A_901 = arith.addi %add3A_709, %add3A_900 : i32
      %get3A_902 = arith.index_cast %add3A_901 : i32 to index
      %get3A_903 = arith.constant 0 : index
      %get3A_904 = tpu.vector_load %arg6[%get3A_902, %get3A_903] {strides = array<i32>} : memref<200x32xf32, #tpu.memory_space<vmem>>, vector<1x16xf32>,
      %get3A_905 = vector.shape_cast %get3A_904 : vector<1x16xf32> to vector<1x16xf32>
      %swap3A_906 = arith.constant 0 : i32
      %swap3A_907 = arith.constant 0 : i32
      %swap3A_908 = arith.constant 0 : i32
      %swap3A_909 = tpu.memref_slice %arg8[%swap3A_906, %swap3A_907, %swap3A_908] : memref<4x200x32xf32, #tpu.memory_space<vmem>> -> memref<1x200x32xf32, #tpu.memory_space<vmem>>
      %swap3A_910 = tpu.memref_squeeze %swap3A_909 : memref<1x200x32xf32, #tpu.memory_space<vmem>> -> memref<200x32xf32, #tpu.memory_space<vmem>>
      %swap3A_911 = arith.index_cast %add3A_901 : i32 to index
      %swap3A_912 = arith.constant 0 : index
      %swap3A_913 = tpu.vector_load %swap3A_910[%swap3A_911, %swap3A_912] {strides = array<i32>} : memref<200x32xf32, #tpu.memory_space<vmem>>, vector<1x16xf32>,
      %swap3A_914 = vector.shape_cast %swap3A_913 : vector<1x16xf32> to vector<1x16xf32>
      %swap3A_915 = vector.shape_cast %get3A_905 : vector<1x16xf32> to vector<1x16xf32>
      tpu.vector_store %swap3A_910[%swap3A_911, %swap3A_912], %swap3A_915 {add = true, strides = array<i32>} : memref<200x32xf32, #tpu.memory_space<vmem>>, vector<1x16xf32>,
      %add3A_916 = arith.constant 6 : i32
      %add3A_917 = arith.addi %add3A_709, %add3A_916 : i32
      %get3A_918 = arith.index_cast %add3A_917 : i32 to index
      %get3A_919 = arith.constant 16 : index
      %get3A_920 = tpu.vector_load %arg6[%get3A_918, %get3A_919] {strides = array<i32>} : memref<200x32xf32, #tpu.memory_space<vmem>>, vector<1x16xf32>,
      %get3A_921 = vector.shape_cast %get3A_920 : vector<1x16xf32> to vector<1x16xf32>
      %swap3A_922 = arith.constant 0 : i32
      %swap3A_923 = arith.constant 0 : i32
      %swap3A_924 = arith.constant 0 : i32
      %swap3A_925 = tpu.memref_slice %arg8[%swap3A_922, %swap3A_923, %swap3A_924] : memref<4x200x32xf32, #tpu.memory_space<vmem>> -> memref<1x200x32xf32, #tpu.memory_space<vmem>>
      %swap3A_926 = tpu.memref_squeeze %swap3A_925 : memref<1x200x32xf32, #tpu.memory_space<vmem>> -> memref<200x32xf32, #tpu.memory_space<vmem>>
      %swap3A_927 = arith.index_cast %add3A_917 : i32 to index
      %swap3A_928 = arith.constant 16 : index
      %swap3A_929 = tpu.vector_load %swap3A_926[%swap3A_927, %swap3A_928] {strides = array<i32>} : memref<200x32xf32, #tpu.memory_space<vmem>>, vector<1x16xf32>,
      %swap3A_930 = vector.shape_cast %swap3A_929 : vector<1x16xf32> to vector<1x16xf32>
      %swap3A_931 = vector.shape_cast %get3A_921 : vector<1x16xf32> to vector<1x16xf32>
      tpu.vector_store %swap3A_926[%swap3A_927, %swap3A_928], %swap3A_931 {add = true, strides = array<i32>} : memref<200x32xf32, #tpu.memory_space<vmem>>, vector<1x16xf32>,
      %add3A_932 = arith.constant 7 : i32
      %add3A_933 = arith.addi %add3A_709, %add3A_932 : i32
      %get3A_934 = arith.index_cast %add3A_933 : i32 to index
      %get3A_935 = arith.constant 0 : index
      %get3A_936 = tpu.vector_load %arg6[%get3A_934, %get3A_935] {strides = array<i32>} : memref<200x32xf32, #tpu.memory_space<vmem>>, vector<1x16xf32>,
      %get3A_937 = vector.shape_cast %get3A_936 : vector<1x16xf32> to vector<1x16xf32>
      %swap3A_938 = arith.constant 0 : i32
      %swap3A_939 = arith.constant 0 : i32
      %swap3A_940 = arith.constant 0 : i32
      %swap3A_941 = tpu.memref_slice %arg8[%swap3A_938, %swap3A_939, %swap3A_940] : memref<4x200x32xf32, #tpu.memory_space<vmem>> -> memref<1x200x32xf32, #tpu.memory_space<vmem>>
      %swap3A_942 = tpu.memref_squeeze %swap3A_941 : memref<1x200x32xf32, #tpu.memory_space<vmem>> -> memref<200x32xf32, #tpu.memory_space<vmem>>
      %swap3A_943 = arith.index_cast %add3A_933 : i32 to index
      %swap3A_944 = arith.constant 0 : index
      %swap3A_945 = tpu.vector_load %swap3A_942[%swap3A_943, %swap3A_944] {strides = array<i32>} : memref<200x32xf32, #tpu.memory_space<vmem>>, vector<1x16xf32>,
      %swap3A_946 = vector.shape_cast %swap3A_945 : vector<1x16xf32> to vector<1x16xf32>
      %swap3A_947 = vector.shape_cast %get3A_937 : vector<1x16xf32> to vector<1x16xf32>
      tpu.vector_store %swap3A_942[%swap3A_943, %swap3A_944], %swap3A_947 {add = true, strides = array<i32>} : memref<200x32xf32, #tpu.memory_space<vmem>>, vector<1x16xf32>,
      %add3A_948 = arith.constant 7 : i32
      %add3A_949 = arith.addi %add3A_709, %add3A_948 : i32
      %get3A_950 = arith.index_cast %add3A_949 : i32 to index
      %get3A_951 = arith.constant 16 : index
      %get3A_952 = tpu.vector_load %arg6[%get3A_950, %get3A_951] {strides = array<i32>} : memref<200x32xf32, #tpu.memory_space<vmem>>, vector<1x16xf32>,
      %get3A_953 = vector.shape_cast %get3A_952 : vector<1x16xf32> to vector<1x16xf32>
      %swap3A_954 = arith.constant 0 : i32
      %swap3A_955 = arith.constant 0 : i32
      %swap3A_956 = arith.constant 0 : i32
      %swap3A_957 = tpu.memref_slice %arg8[%swap3A_954, %swap3A_955, %swap3A_956] : memref<4x200x32xf32, #tpu.memory_space<vmem>> -> memref<1x200x32xf32, #tpu.memory_space<vmem>>
      %swap3A_958 = tpu.memref_squeeze %swap3A_957 : memref<1x200x32xf32, #tpu.memory_space<vmem>> -> memref<200x32xf32, #tpu.memory_space<vmem>>
      %swap3A_959 = arith.index_cast %add3A_949 : i32 to index
      %swap3A_960 = arith.constant 16 : index
      %swap3A_961 = tpu.vector_load %swap3A_958[%swap3A_959, %swap3A_960] {strides = array<i32>} : memref<200x32xf32, #tpu.memory_space<vmem>>, vector<1x16xf32>,
      %swap3A_962 = vector.shape_cast %swap3A_961 : vector<1x16xf32> to vector<1x16xf32>
      %swap3A_963 = vector.shape_cast %get3A_953 : vector<1x16xf32> to vector<1x16xf32>
      tpu.vector_store %swap3A_958[%swap3A_959, %swap3A_960], %swap3A_963 {add = true, strides = array<i32>} : memref<200x32xf32, #tpu.memory_space<vmem>>, vector<1x16xf32>,
    }
    %scan3A_409 = arith.constant 25 : i32
    %add3A_410 = arith.constant 24800 : i32
    %add3A_411 = arith.addi %mul3A_2, %add3A_410 : i32
    %dma_start3A_412 = arith.constant 0 : i32
    %dma_start3A_413 = arith.constant 0 : i32
    %dma_start3A_414 = arith.constant 0 : i32
    %dma_start3A_415 = tpu.memref_slice %arg8[%dma_start3A_412, %dma_start3A_413, %dma_start3A_414] : memref<4x200x32xf32, #tpu.memory_space<vmem>> -> memref<1x200x32xf32, #tpu.memory_space<vmem>>
    %dma_start3A_416 = tpu.memref_squeeze %dma_start3A_415 : memref<1x200x32xf32, #tpu.memory_space<vmem>> -> memref<200x32xf32, #tpu.memory_space<vmem>>
    %dma_start3A_417 = arith.constant 0 : i32
    %dma_start3A_418 = tpu.memref_slice %arg5[%add3A_411, %dma_start3A_417] : memref<819200x128xf32, #tpu.memory_space<hbm>> -> memref<200x32xf32, #tpu.memory_space<hbm>>
    %dma_start3A_419 = arith.constant 0 : i32
    %dma_start3A_420 = tpu.memref_slice %arg5[%add3A_411, %dma_start3A_419] : memref<819200x128xf32, #tpu.memory_space<hbm>> -> memref<200x32xf32, #tpu.memory_space<hbm>>
    %dma_start3A_421 = arith.constant 0 : i32
    %dma_start3A_422 = arith.constant 0 : i32
    %dma_start3A_423 = tpu.memref_slice %arg8[%dma_start3A_412, %dma_start3A_421, %dma_start3A_422] : memref<4x200x32xf32, #tpu.memory_space<vmem>> -> memref<1x200x32xf32, #tpu.memory_space<vmem>>
    %dma_start3A_424 = tpu.memref_squeeze %dma_start3A_423 : memref<1x200x32xf32, #tpu.memory_space<vmem>> -> memref<200x32xf32, #tpu.memory_space<vmem>>
    tpu.enqueue_dma source(%dma_start3A_424 : memref<200x32xf32, #tpu.memory_space<vmem>>) target(%dma_start3A_420 : memref<200x32xf32, #tpu.memory_space<hbm>>) target_semaphore(%arg14 : memref<!tpu.dma_semaphore, #tpu.memory_space<semaphore_mem>>)
    %add3A_425 = arith.constant 24400 : i32
    %add3A_426 = arith.addi %mul3A_2, %add3A_425 : i32
    %dma_wait3A_427 = arith.constant 2 : i32
    %dma_wait3A_428 = arith.constant 0 : i32
    %dma_wait3A_429 = arith.constant 0 : i32
    %dma_wait3A_430 = tpu.memref_slice %arg8[%dma_wait3A_427, %dma_wait3A_428, %dma_wait3A_429] : memref<4x200x32xf32, #tpu.memory_space<vmem>> -> memref<1x200x32xf32, #tpu.memory_space<vmem>>
    %dma_wait3A_431 = tpu.memref_squeeze %dma_wait3A_430 : memref<1x200x32xf32, #tpu.memory_space<vmem>> -> memref<200x32xf32, #tpu.memory_space<vmem>>
    %dma_wait3A_432 = arith.constant 0 : i32
    %dma_wait3A_433 = tpu.memref_slice %arg5[%add3A_426, %dma_wait3A_432] : memref<819200x128xf32, #tpu.memory_space<hbm>> -> memref<200x32xf32, #tpu.memory_space<hbm>>
    %dma_wait3A_434 = arith.constant 0 : i32
    %dma_wait3A_435 = tpu.memref_slice %arg5[%add3A_426, %dma_wait3A_434] : memref<819200x128xf32, #tpu.memory_space<hbm>> -> memref<200x32xf32, #tpu.memory_space<hbm>>
    %dma_wait3A_436 = arith.constant 0 : i32
    %dma_wait3A_437 = arith.constant 0 : i32
    %dma_wait3A_438 = tpu.memref_slice %arg8[%dma_wait3A_427, %dma_wait3A_436, %dma_wait3A_437] : memref<4x200x32xf32, #tpu.memory_space<vmem>> -> memref<1x200x32xf32, #tpu.memory_space<vmem>>
    %dma_wait3A_439 = tpu.memref_squeeze %dma_wait3A_438 : memref<1x200x32xf32, #tpu.memory_space<vmem>> -> memref<200x32xf32, #tpu.memory_space<vmem>>
    tpu.wait_dma2 semaphore(%arg16 : memref<!tpu.dma_semaphore, #tpu.memory_space<semaphore_mem>>) src(%dma_wait3A_439 : memref<200x32xf32, #tpu.memory_space<vmem>>) dst(%dma_wait3A_435 : memref<200x32xf32, #tpu.memory_space<hbm>>)
    %dma_start3A_440 = arith.constant 2 : i32
    %dma_start3A_441 = arith.constant 0 : i32
    %dma_start3A_442 = arith.constant 0 : i32
    %dma_start3A_443 = tpu.memref_slice %arg8[%dma_start3A_440, %dma_start3A_441, %dma_start3A_442] : memref<4x200x32xf32, #tpu.memory_space<vmem>> -> memref<1x200x32xf32, #tpu.memory_space<vmem>>
    %dma_start3A_444 = tpu.memref_squeeze %dma_start3A_443 : memref<1x200x32xf32, #tpu.memory_space<vmem>> -> memref<200x32xf32, #tpu.memory_space<vmem>>
    %dma_start3A_445 = arith.constant 0 : i32
    %dma_start3A_446 = arith.constant 0 : i32
    %dma_start3A_447 = tpu.memref_slice %dma_start3A_444[%dma_start3A_445, %dma_start3A_446] : memref<200x32xf32, #tpu.memory_space<vmem>> -> memref<104x32xf32, #tpu.memory_space<vmem>>
    %dma_start3A_448 = arith.constant 25200 : i32
    %dma_start3A_449 = tpu.memref_slice %arg7[%dma_start3A_448] : memref<25600xi32, #tpu.memory_space<vmem>> -> memref<104xi32, #tpu.memory_space<vmem>>
    %dma_start3A_450 = arith.constant 0 : i32
    %dma_start3A_451 = arith.constant 0 : i32
    %dma_start3A_452 = tpu.memref_slice %arg3[%dma_start3A_450, %dma_start3A_451] : memref<1000000x32xf32, #tpu.memory_space<hbm>> -> memref<1000000x32xf32, #tpu.memory_space<hbm>>
    tpu.enqueue_indirect_dma source(%dma_start3A_452 : memref<1000000x32xf32, #tpu.memory_space<hbm>>) target(%dma_start3A_447 : memref<104x32xf32, #tpu.memory_space<vmem>>) offsets(%dma_start3A_449 : memref<104xi32, #tpu.memory_space<vmem>>) semaphore(%arg12 : memref<!tpu.dma_semaphore, #tpu.memory_space<semaphore_mem>>)
    %dma_start3A_453 = arith.constant 2 : i32
    %dma_start3A_454 = arith.constant 0 : i32
    %dma_start3A_455 = arith.constant 0 : i32
    %dma_start3A_456 = tpu.memref_slice %arg8[%dma_start3A_453, %dma_start3A_454, %dma_start3A_455] : memref<4x200x32xf32, #tpu.memory_space<vmem>> -> memref<1x200x32xf32, #tpu.memory_space<vmem>>
    %dma_start3A_457 = tpu.memref_squeeze %dma_start3A_456 : memref<1x200x32xf32, #tpu.memory_space<vmem>> -> memref<200x32xf32, #tpu.memory_space<vmem>>
    %dma_start3A_458 = arith.constant 104 : i32
    %dma_start3A_459 = arith.constant 0 : i32
    %dma_start3A_460 = tpu.memref_slice %dma_start3A_457[%dma_start3A_458, %dma_start3A_459] : memref<200x32xf32, #tpu.memory_space<vmem>> -> memref<96x32xf32, #tpu.memory_space<vmem>>
    %dma_start3A_461 = arith.constant 25304 : i32
    %dma_start3A_462 = tpu.memref_slice %arg7[%dma_start3A_461] : memref<25600xi32, #tpu.memory_space<vmem>> -> memref<96xi32, #tpu.memory_space<vmem>>
    %dma_start3A_463 = arith.constant 0 : i32
    %dma_start3A_464 = arith.constant 0 : i32
    %dma_start3A_465 = tpu.memref_slice %arg3[%dma_start3A_463, %dma_start3A_464] : memref<1000000x32xf32, #tpu.memory_space<hbm>> -> memref<1000000x32xf32, #tpu.memory_space<hbm>>
    tpu.enqueue_indirect_dma source(%dma_start3A_465 : memref<1000000x32xf32, #tpu.memory_space<hbm>>) target(%dma_start3A_460 : memref<96x32xf32, #tpu.memory_space<vmem>>) offsets(%dma_start3A_462 : memref<96xi32, #tpu.memory_space<vmem>>) semaphore(%arg12 : memref<!tpu.dma_semaphore, #tpu.memory_space<semaphore_mem>>)
    %dma_wait3A_466 = arith.constant 1 : i32
    %dma_wait3A_467 = arith.constant 0 : i32
    %dma_wait3A_468 = arith.constant 0 : i32
    %dma_wait3A_469 = tpu.memref_slice %arg8[%dma_wait3A_466, %dma_wait3A_467, %dma_wait3A_468] : memref<4x200x32xf32, #tpu.memory_space<vmem>> -> memref<1x200x32xf32, #tpu.memory_space<vmem>>
    %dma_wait3A_470 = tpu.memref_squeeze %dma_wait3A_469 : memref<1x200x32xf32, #tpu.memory_space<vmem>> -> memref<200x32xf32, #tpu.memory_space<vmem>>
    %dma_wait3A_471 = arith.constant 0 : i32
    %dma_wait3A_472 = arith.constant 0 : i32
    %dma_wait3A_473 = tpu.memref_slice %dma_wait3A_470[%dma_wait3A_471, %dma_wait3A_472] : memref<200x32xf32, #tpu.memory_space<vmem>> -> memref<104x32xf32, #tpu.memory_space<vmem>>
    %dma_wait3A_474 = arith.constant 25000 : i32
    %dma_wait3A_475 = tpu.memref_slice %arg7[%dma_wait3A_474] : memref<25600xi32, #tpu.memory_space<vmem>> -> memref<104xi32, #tpu.memory_space<vmem>>
    %dma_wait3A_476 = arith.constant 0 : i32
    %dma_wait3A_477 = arith.constant 0 : i32
    %dma_wait3A_478 = tpu.memref_slice %arg3[%dma_wait3A_476, %dma_wait3A_477] : memref<1000000x32xf32, #tpu.memory_space<hbm>> -> memref<1000000x32xf32, #tpu.memory_space<hbm>>
    tpu.wait_indirect_dma semaphore(%arg11 : memref<!tpu.dma_semaphore, #tpu.memory_space<semaphore_mem>>) src(%dma_wait3A_478 : memref<1000000x32xf32, #tpu.memory_space<hbm>>) dst(%dma_wait3A_473 : memref<104x32xf32, #tpu.memory_space<vmem>>)
    %dma_wait3A_479 = arith.constant 1 : i32
    %dma_wait3A_480 = arith.constant 0 : i32
    %dma_wait3A_481 = arith.constant 0 : i32
    %dma_wait3A_482 = tpu.memref_slice %arg8[%dma_wait3A_479, %dma_wait3A_480, %dma_wait3A_481] : memref<4x200x32xf32, #tpu.memory_space<vmem>> -> memref<1x200x32xf32, #tpu.memory_space<vmem>>
    %dma_wait3A_483 = tpu.memref_squeeze %dma_wait3A_482 : memref<1x200x32xf32, #tpu.memory_space<vmem>> -> memref<200x32xf32, #tpu.memory_space<vmem>>
    %dma_wait3A_484 = arith.constant 104 : i32
    %dma_wait3A_485 = arith.constant 0 : i32
    %dma_wait3A_486 = tpu.memref_slice %dma_wait3A_483[%dma_wait3A_484, %dma_wait3A_485] : memref<200x32xf32, #tpu.memory_space<vmem>> -> memref<96x32xf32, #tpu.memory_space<vmem>>
    %dma_wait3A_487 = arith.constant 25104 : i32
    %dma_wait3A_488 = tpu.memref_slice %arg7[%dma_wait3A_487] : memref<25600xi32, #tpu.memory_space<vmem>> -> memref<96xi32, #tpu.memory_space<vmem>>
    %dma_wait3A_489 = arith.constant 0 : i32
    %dma_wait3A_490 = arith.constant 0 : i32
    %dma_wait3A_491 = tpu.memref_slice %arg3[%dma_wait3A_489, %dma_wait3A_490] : memref<1000000x32xf32, #tpu.memory_space<hbm>> -> memref<1000000x32xf32, #tpu.memory_space<hbm>>
    tpu.wait_indirect_dma semaphore(%arg11 : memref<!tpu.dma_semaphore, #tpu.memory_space<semaphore_mem>>) src(%dma_wait3A_491 : memref<1000000x32xf32, #tpu.memory_space<hbm>>) dst(%dma_wait3A_486 : memref<96x32xf32, #tpu.memory_space<vmem>>)
    %scan3A_492 = arith.constant 0 : i32
    %scan3A_493 = arith.constant 25 : i32
    %scan3A_494 = arith.addi %scan3A_492, %scan3A_493 : i32
    %scan3A_495 = arith.constant 1 : i32
    scf.for %scan3A_705 = %scan3A_492 to %scan3A_494 step %scan3A_495  : i32 {
      %mul3A_706 = arith.constant 8 : i32
      %mul3A_707 = arith.muli %scan3A_705, %mul3A_706 : i32
      %add3A_708 = arith.constant 0 : i32
      %add3A_709 = arith.addi %add3A_708, %mul3A_707 : i32
      %add3A_710 = arith.constant 0 : i32
      %add3A_711 = arith.addi %add3A_709, %add3A_710 : i32
      %get3A = arith.index_cast %add3A_711 : i32 to index
      %get3A_712 = arith.constant 0 : index
      %get3A_713 = tpu.vector_load %arg6[%get3A, %get3A_712] {strides = array<i32>} : memref<200x32xf32, #tpu.memory_space<vmem>>, vector<1x16xf32>,
      %get3A_714 = vector.shape_cast %get3A_713 : vector<1x16xf32> to vector<1x16xf32>
      %swap3A = arith.constant 1 : i32
      %swap3A_715 = arith.constant 0 : i32
      %swap3A_716 = arith.constant 0 : i32
      %swap3A_717 = tpu.memref_slice %arg8[%swap3A, %swap3A_715, %swap3A_716] : memref<4x200x32xf32, #tpu.memory_space<vmem>> -> memref<1x200x32xf32, #tpu.memory_space<vmem>>
      %swap3A_718 = tpu.memref_squeeze %swap3A_717 : memref<1x200x32xf32, #tpu.memory_space<vmem>> -> memref<200x32xf32, #tpu.memory_space<vmem>>
      %swap3A_719 = arith.index_cast %add3A_711 : i32 to index
      %swap3A_720 = arith.constant 0 : index
      %swap3A_721 = tpu.vector_load %swap3A_718[%swap3A_719, %swap3A_720] {strides = array<i32>} : memref<200x32xf32, #tpu.memory_space<vmem>>, vector<1x16xf32>,
      %swap3A_722 = vector.shape_cast %swap3A_721 : vector<1x16xf32> to vector<1x16xf32>
      %swap3A_723 = vector.shape_cast %get3A_714 : vector<1x16xf32> to vector<1x16xf32>
      tpu.vector_store %swap3A_718[%swap3A_719, %swap3A_720], %swap3A_723 {add = true, strides = array<i32>} : memref<200x32xf32, #tpu.memory_space<vmem>>, vector<1x16xf32>,
      %add3A_724 = arith.constant 0 : i32
      %add3A_725 = arith.addi %add3A_709, %add3A_724 : i32
      %get3A_726 = arith.index_cast %add3A_725 : i32 to index
      %get3A_727 = arith.constant 16 : index
      %get3A_728 = tpu.vector_load %arg6[%get3A_726, %get3A_727] {strides = array<i32>} : memref<200x32xf32, #tpu.memory_space<vmem>>, vector<1x16xf32>,
      %get3A_729 = vector.shape_cast %get3A_728 : vector<1x16xf32> to vector<1x16xf32>
      %swap3A_730 = arith.constant 1 : i32
      %swap3A_731 = arith.constant 0 : i32
      %swap3A_732 = arith.constant 0 : i32
      %swap3A_733 = tpu.memref_slice %arg8[%swap3A_730, %swap3A_731, %swap3A_732] : memref<4x200x32xf32, #tpu.memory_space<vmem>> -> memref<1x200x32xf32, #tpu.memory_space<vmem>>
      %swap3A_734 = tpu.memref_squeeze %swap3A_733 : memref<1x200x32xf32, #tpu.memory_space<vmem>> -> memref<200x32xf32, #tpu.memory_space<vmem>>
      %swap3A_735 = arith.index_cast %add3A_725 : i32 to index
      %swap3A_736 = arith.constant 16 : index
      %swap3A_737 = tpu.vector_load %swap3A_734[%swap3A_735, %swap3A_736] {strides = array<i32>} : memref<200x32xf32, #tpu.memory_space<vmem>>, vector<1x16xf32>,
      %swap3A_738 = vector.shape_cast %swap3A_737 : vector<1x16xf32> to vector<1x16xf32>
      %swap3A_739 = vector.shape_cast %get3A_729 : vector<1x16xf32> to vector<1x16xf32>
      tpu.vector_store %swap3A_734[%swap3A_735, %swap3A_736], %swap3A_739 {add = true, strides = array<i32>} : memref<200x32xf32, #tpu.memory_space<vmem>>, vector<1x16xf32>,
      %add3A_740 = arith.constant 1 : i32
      %add3A_741 = arith.addi %add3A_709, %add3A_740 : i32
      %get3A_742 = arith.index_cast %add3A_741 : i32 to index
      %get3A_743 = arith.constant 0 : index
      %get3A_744 = tpu.vector_load %arg6[%get3A_742, %get3A_743] {strides = array<i32>} : memref<200x32xf32, #tpu.memory_space<vmem>>, vector<1x16xf32>,
      %get3A_745 = vector.shape_cast %get3A_744 : vector<1x16xf32> to vector<1x16xf32>
      %swap3A_746 = arith.constant 1 : i32
      %swap3A_747 = arith.constant 0 : i32
      %swap3A_748 = arith.constant 0 : i32
      %swap3A_749 = tpu.memref_slice %arg8[%swap3A_746, %swap3A_747, %swap3A_748] : memref<4x200x32xf32, #tpu.memory_space<vmem>> -> memref<1x200x32xf32, #tpu.memory_space<vmem>>
      %swap3A_750 = tpu.memref_squeeze %swap3A_749 : memref<1x200x32xf32, #tpu.memory_space<vmem>> -> memref<200x32xf32, #tpu.memory_space<vmem>>
      %swap3A_751 = arith.index_cast %add3A_741 : i32 to index
      %swap3A_752 = arith.constant 0 : index
      %swap3A_753 = tpu.vector_load %swap3A_750[%swap3A_751, %swap3A_752] {strides = array<i32>} : memref<200x32xf32, #tpu.memory_space<vmem>>, vector<1x16xf32>,
      %swap3A_754 = vector.shape_cast %swap3A_753 : vector<1x16xf32> to vector<1x16xf32>
      %swap3A_755 = vector.shape_cast %get3A_745 : vector<1x16xf32> to vector<1x16xf32>
      tpu.vector_store %swap3A_750[%swap3A_751, %swap3A_752], %swap3A_755 {add = true, strides = array<i32>} : memref<200x32xf32, #tpu.memory_space<vmem>>, vector<1x16xf32>,
      %add3A_756 = arith.constant 1 : i32
      %add3A_757 = arith.addi %add3A_709, %add3A_756 : i32
      %get3A_758 = arith.index_cast %add3A_757 : i32 to index
      %get3A_759 = arith.constant 16 : index
      %get3A_760 = tpu.vector_load %arg6[%get3A_758, %get3A_759] {strides = array<i32>} : memref<200x32xf32, #tpu.memory_space<vmem>>, vector<1x16xf32>,
      %get3A_761 = vector.shape_cast %get3A_760 : vector<1x16xf32> to vector<1x16xf32>
      %swap3A_762 = arith.constant 1 : i32
      %swap3A_763 = arith.constant 0 : i32
      %swap3A_764 = arith.constant 0 : i32
      %swap3A_765 = tpu.memref_slice %arg8[%swap3A_762, %swap3A_763, %swap3A_764] : memref<4x200x32xf32, #tpu.memory_space<vmem>> -> memref<1x200x32xf32, #tpu.memory_space<vmem>>
      %swap3A_766 = tpu.memref_squeeze %swap3A_765 : memref<1x200x32xf32, #tpu.memory_space<vmem>> -> memref<200x32xf32, #tpu.memory_space<vmem>>
      %swap3A_767 = arith.index_cast %add3A_757 : i32 to index
      %swap3A_768 = arith.constant 16 : index
      %swap3A_769 = tpu.vector_load %swap3A_766[%swap3A_767, %swap3A_768] {strides = array<i32>} : memref<200x32xf32, #tpu.memory_space<vmem>>, vector<1x16xf32>,
      %swap3A_770 = vector.shape_cast %swap3A_769 : vector<1x16xf32> to vector<1x16xf32>
      %swap3A_771 = vector.shape_cast %get3A_761 : vector<1x16xf32> to vector<1x16xf32>
      tpu.vector_store %swap3A_766[%swap3A_767, %swap3A_768], %swap3A_771 {add = true, strides = array<i32>} : memref<200x32xf32, #tpu.memory_space<vmem>>, vector<1x16xf32>,
      %add3A_772 = arith.constant 2 : i32
      %add3A_773 = arith.addi %add3A_709, %add3A_772 : i32
      %get3A_774 = arith.index_cast %add3A_773 : i32 to index
      %get3A_775 = arith.constant 0 : index
      %get3A_776 = tpu.vector_load %arg6[%get3A_774, %get3A_775] {strides = array<i32>} : memref<200x32xf32, #tpu.memory_space<vmem>>, vector<1x16xf32>,
      %get3A_777 = vector.shape_cast %get3A_776 : vector<1x16xf32> to vector<1x16xf32>
      %swap3A_778 = arith.constant 1 : i32
      %swap3A_779 = arith.constant 0 : i32
      %swap3A_780 = arith.constant 0 : i32
      %swap3A_781 = tpu.memref_slice %arg8[%swap3A_778, %swap3A_779, %swap3A_780] : memref<4x200x32xf32, #tpu.memory_space<vmem>> -> memref<1x200x32xf32, #tpu.memory_space<vmem>>
      %swap3A_782 = tpu.memref_squeeze %swap3A_781 : memref<1x200x32xf32, #tpu.memory_space<vmem>> -> memref<200x32xf32, #tpu.memory_space<vmem>>
      %swap3A_783 = arith.index_cast %add3A_773 : i32 to index
      %swap3A_784 = arith.constant 0 : index
      %swap3A_785 = tpu.vector_load %swap3A_782[%swap3A_783, %swap3A_784] {strides = array<i32>} : memref<200x32xf32, #tpu.memory_space<vmem>>, vector<1x16xf32>,
      %swap3A_786 = vector.shape_cast %swap3A_785 : vector<1x16xf32> to vector<1x16xf32>
      %swap3A_787 = vector.shape_cast %get3A_777 : vector<1x16xf32> to vector<1x16xf32>
      tpu.vector_store %swap3A_782[%swap3A_783, %swap3A_784], %swap3A_787 {add = true, strides = array<i32>} : memref<200x32xf32, #tpu.memory_space<vmem>>, vector<1x16xf32>,
      %add3A_788 = arith.constant 2 : i32
      %add3A_789 = arith.addi %add3A_709, %add3A_788 : i32
      %get3A_790 = arith.index_cast %add3A_789 : i32 to index
      %get3A_791 = arith.constant 16 : index
      %get3A_792 = tpu.vector_load %arg6[%get3A_790, %get3A_791] {strides = array<i32>} : memref<200x32xf32, #tpu.memory_space<vmem>>, vector<1x16xf32>,
      %get3A_793 = vector.shape_cast %get3A_792 : vector<1x16xf32> to vector<1x16xf32>
      %swap3A_794 = arith.constant 1 : i32
      %swap3A_795 = arith.constant 0 : i32
      %swap3A_796 = arith.constant 0 : i32
      %swap3A_797 = tpu.memref_slice %arg8[%swap3A_794, %swap3A_795, %swap3A_796] : memref<4x200x32xf32, #tpu.memory_space<vmem>> -> memref<1x200x32xf32, #tpu.memory_space<vmem>>
      %swap3A_798 = tpu.memref_squeeze %swap3A_797 : memref<1x200x32xf32, #tpu.memory_space<vmem>> -> memref<200x32xf32, #tpu.memory_space<vmem>>
      %swap3A_799 = arith.index_cast %add3A_789 : i32 to index
      %swap3A_800 = arith.constant 16 : index
      %swap3A_801 = tpu.vector_load %swap3A_798[%swap3A_799, %swap3A_800] {strides = array<i32>} : memref<200x32xf32, #tpu.memory_space<vmem>>, vector<1x16xf32>,
      %swap3A_802 = vector.shape_cast %swap3A_801 : vector<1x16xf32> to vector<1x16xf32>
      %swap3A_803 = vector.shape_cast %get3A_793 : vector<1x16xf32> to vector<1x16xf32>
      tpu.vector_store %swap3A_798[%swap3A_799, %swap3A_800], %swap3A_803 {add = true, strides = array<i32>} : memref<200x32xf32, #tpu.memory_space<vmem>>, vector<1x16xf32>,
      %add3A_804 = arith.constant 3 : i32
      %add3A_805 = arith.addi %add3A_709, %add3A_804 : i32
      %get3A_806 = arith.index_cast %add3A_805 : i32 to index
      %get3A_807 = arith.constant 0 : index
      %get3A_808 = tpu.vector_load %arg6[%get3A_806, %get3A_807] {strides = array<i32>} : memref<200x32xf32, #tpu.memory_space<vmem>>, vector<1x16xf32>,
      %get3A_809 = vector.shape_cast %get3A_808 : vector<1x16xf32> to vector<1x16xf32>
      %swap3A_810 = arith.constant 1 : i32
      %swap3A_811 = arith.constant 0 : i32
      %swap3A_812 = arith.constant 0 : i32
      %swap3A_813 = tpu.memref_slice %arg8[%swap3A_810, %swap3A_811, %swap3A_812] : memref<4x200x32xf32, #tpu.memory_space<vmem>> -> memref<1x200x32xf32, #tpu.memory_space<vmem>>
      %swap3A_814 = tpu.memref_squeeze %swap3A_813 : memref<1x200x32xf32, #tpu.memory_space<vmem>> -> memref<200x32xf32, #tpu.memory_space<vmem>>
      %swap3A_815 = arith.index_cast %add3A_805 : i32 to index
      %swap3A_816 = arith.constant 0 : index
      %swap3A_817 = tpu.vector_load %swap3A_814[%swap3A_815, %swap3A_816] {strides = array<i32>} : memref<200x32xf32, #tpu.memory_space<vmem>>, vector<1x16xf32>,
      %swap3A_818 = vector.shape_cast %swap3A_817 : vector<1x16xf32> to vector<1x16xf32>
      %swap3A_819 = vector.shape_cast %get3A_809 : vector<1x16xf32> to vector<1x16xf32>
      tpu.vector_store %swap3A_814[%swap3A_815, %swap3A_816], %swap3A_819 {add = true, strides = array<i32>} : memref<200x32xf32, #tpu.memory_space<vmem>>, vector<1x16xf32>,
      %add3A_820 = arith.constant 3 : i32
      %add3A_821 = arith.addi %add3A_709, %add3A_820 : i32
      %get3A_822 = arith.index_cast %add3A_821 : i32 to index
      %get3A_823 = arith.constant 16 : index
      %get3A_824 = tpu.vector_load %arg6[%get3A_822, %get3A_823] {strides = array<i32>} : memref<200x32xf32, #tpu.memory_space<vmem>>, vector<1x16xf32>,
      %get3A_825 = vector.shape_cast %get3A_824 : vector<1x16xf32> to vector<1x16xf32>
      %swap3A_826 = arith.constant 1 : i32
      %swap3A_827 = arith.constant 0 : i32
      %swap3A_828 = arith.constant 0 : i32
      %swap3A_829 = tpu.memref_slice %arg8[%swap3A_826, %swap3A_827, %swap3A_828] : memref<4x200x32xf32, #tpu.memory_space<vmem>> -> memref<1x200x32xf32, #tpu.memory_space<vmem>>
      %swap3A_830 = tpu.memref_squeeze %swap3A_829 : memref<1x200x32xf32, #tpu.memory_space<vmem>> -> memref<200x32xf32, #tpu.memory_space<vmem>>
      %swap3A_831 = arith.index_cast %add3A_821 : i32 to index
      %swap3A_832 = arith.constant 16 : index
      %swap3A_833 = tpu.vector_load %swap3A_830[%swap3A_831, %swap3A_832] {strides = array<i32>} : memref<200x32xf32, #tpu.memory_space<vmem>>, vector<1x16xf32>,
      %swap3A_834 = vector.shape_cast %swap3A_833 : vector<1x16xf32> to vector<1x16xf32>
      %swap3A_835 = vector.shape_cast %get3A_825 : vector<1x16xf32> to vector<1x16xf32>
      tpu.vector_store %swap3A_830[%swap3A_831, %swap3A_832], %swap3A_835 {add = true, strides = array<i32>} : memref<200x32xf32, #tpu.memory_space<vmem>>, vector<1x16xf32>,
      %add3A_836 = arith.constant 4 : i32
      %add3A_837 = arith.addi %add3A_709, %add3A_836 : i32
      %get3A_838 = arith.index_cast %add3A_837 : i32 to index
      %get3A_839 = arith.constant 0 : index
      %get3A_840 = tpu.vector_load %arg6[%get3A_838, %get3A_839] {strides = array<i32>} : memref<200x32xf32, #tpu.memory_space<vmem>>, vector<1x16xf32>,
      %get3A_841 = vector.shape_cast %get3A_840 : vector<1x16xf32> to vector<1x16xf32>
      %swap3A_842 = arith.constant 1 : i32
      %swap3A_843 = arith.constant 0 : i32
      %swap3A_844 = arith.constant 0 : i32
      %swap3A_845 = tpu.memref_slice %arg8[%swap3A_842, %swap3A_843, %swap3A_844] : memref<4x200x32xf32, #tpu.memory_space<vmem>> -> memref<1x200x32xf32, #tpu.memory_space<vmem>>
      %swap3A_846 = tpu.memref_squeeze %swap3A_845 : memref<1x200x32xf32, #tpu.memory_space<vmem>> -> memref<200x32xf32, #tpu.memory_space<vmem>>
      %swap3A_847 = arith.index_cast %add3A_837 : i32 to index
      %swap3A_848 = arith.constant 0 : index
      %swap3A_849 = tpu.vector_load %swap3A_846[%swap3A_847, %swap3A_848] {strides = array<i32>} : memref<200x32xf32, #tpu.memory_space<vmem>>, vector<1x16xf32>,
      %swap3A_850 = vector.shape_cast %swap3A_849 : vector<1x16xf32> to vector<1x16xf32>
      %swap3A_851 = vector.shape_cast %get3A_841 : vector<1x16xf32> to vector<1x16xf32>
      tpu.vector_store %swap3A_846[%swap3A_847, %swap3A_848], %swap3A_851 {add = true, strides = array<i32>} : memref<200x32xf32, #tpu.memory_space<vmem>>, vector<1x16xf32>,
      %add3A_852 = arith.constant 4 : i32
      %add3A_853 = arith.addi %add3A_709, %add3A_852 : i32
      %get3A_854 = arith.index_cast %add3A_853 : i32 to index
      %get3A_855 = arith.constant 16 : index
      %get3A_856 = tpu.vector_load %arg6[%get3A_854, %get3A_855] {strides = array<i32>} : memref<200x32xf32, #tpu.memory_space<vmem>>, vector<1x16xf32>,
      %get3A_857 = vector.shape_cast %get3A_856 : vector<1x16xf32> to vector<1x16xf32>
      %swap3A_858 = arith.constant 1 : i32
      %swap3A_859 = arith.constant 0 : i32
      %swap3A_860 = arith.constant 0 : i32
      %swap3A_861 = tpu.memref_slice %arg8[%swap3A_858, %swap3A_859, %swap3A_860] : memref<4x200x32xf32, #tpu.memory_space<vmem>> -> memref<1x200x32xf32, #tpu.memory_space<vmem>>
      %swap3A_862 = tpu.memref_squeeze %swap3A_861 : memref<1x200x32xf32, #tpu.memory_space<vmem>> -> memref<200x32xf32, #tpu.memory_space<vmem>>
      %swap3A_863 = arith.index_cast %add3A_853 : i32 to index
      %swap3A_864 = arith.constant 16 : index
      %swap3A_865 = tpu.vector_load %swap3A_862[%swap3A_863, %swap3A_864] {strides = array<i32>} : memref<200x32xf32, #tpu.memory_space<vmem>>, vector<1x16xf32>,
      %swap3A_866 = vector.shape_cast %swap3A_865 : vector<1x16xf32> to vector<1x16xf32>
      %swap3A_867 = vector.shape_cast %get3A_857 : vector<1x16xf32> to vector<1x16xf32>
      tpu.vector_store %swap3A_862[%swap3A_863, %swap3A_864], %swap3A_867 {add = true, strides = array<i32>} : memref<200x32xf32, #tpu.memory_space<vmem>>, vector<1x16xf32>,
      %add3A_868 = arith.constant 5 : i32
      %add3A_869 = arith.addi %add3A_709, %add3A_868 : i32
      %get3A_870 = arith.index_cast %add3A_869 : i32 to index
      %get3A_871 = arith.constant 0 : index
      %get3A_872 = tpu.vector_load %arg6[%get3A_870, %get3A_871] {strides = array<i32>} : memref<200x32xf32, #tpu.memory_space<vmem>>, vector<1x16xf32>,
      %get3A_873 = vector.shape_cast %get3A_872 : vector<1x16xf32> to vector<1x16xf32>
      %swap3A_874 = arith.constant 1 : i32
      %swap3A_875 = arith.constant 0 : i32
      %swap3A_876 = arith.constant 0 : i32
      %swap3A_877 = tpu.memref_slice %arg8[%swap3A_874, %swap3A_875, %swap3A_876] : memref<4x200x32xf32, #tpu.memory_space<vmem>> -> memref<1x200x32xf32, #tpu.memory_space<vmem>>
      %swap3A_878 = tpu.memref_squeeze %swap3A_877 : memref<1x200x32xf32, #tpu.memory_space<vmem>> -> memref<200x32xf32, #tpu.memory_space<vmem>>
      %swap3A_879 = arith.index_cast %add3A_869 : i32 to index
      %swap3A_880 = arith.constant 0 : index
      %swap3A_881 = tpu.vector_load %swap3A_878[%swap3A_879, %swap3A_880] {strides = array<i32>} : memref<200x32xf32, #tpu.memory_space<vmem>>, vector<1x16xf32>,
      %swap3A_882 = vector.shape_cast %swap3A_881 : vector<1x16xf32> to vector<1x16xf32>
      %swap3A_883 = vector.shape_cast %get3A_873 : vector<1x16xf32> to vector<1x16xf32>
      tpu.vector_store %swap3A_878[%swap3A_879, %swap3A_880], %swap3A_883 {add = true, strides = array<i32>} : memref<200x32xf32, #tpu.memory_space<vmem>>, vector<1x16xf32>,
      %add3A_884 = arith.constant 5 : i32
      %add3A_885 = arith.addi %add3A_709, %add3A_884 : i32
      %get3A_886 = arith.index_cast %add3A_885 : i32 to index
      %get3A_887 = arith.constant 16 : index
      %get3A_888 = tpu.vector_load %arg6[%get3A_886, %get3A_887] {strides = array<i32>} : memref<200x32xf32, #tpu.memory_space<vmem>>, vector<1x16xf32>,
      %get3A_889 = vector.shape_cast %get3A_888 : vector<1x16xf32> to vector<1x16xf32>
      %swap3A_890 = arith.constant 1 : i32
      %swap3A_891 = arith.constant 0 : i32
      %swap3A_892 = arith.constant 0 : i32
      %swap3A_893 = tpu.memref_slice %arg8[%swap3A_890, %swap3A_891, %swap3A_892] : memref<4x200x32xf32, #tpu.memory_space<vmem>> -> memref<1x200x32xf32, #tpu.memory_space<vmem>>
      %swap3A_894 = tpu.memref_squeeze %swap3A_893 : memref<1x200x32xf32, #tpu.memory_space<vmem>> -> memref<200x32xf32, #tpu.memory_space<vmem>>
      %swap3A_895 = arith.index_cast %add3A_885 : i32 to index
      %swap3A_896 = arith.constant 16 : index
      %swap3A_897 = tpu.vector_load %swap3A_894[%swap3A_895, %swap3A_896] {strides = array<i32>} : memref<200x32xf32, #tpu.memory_space<vmem>>, vector<1x16xf32>,
      %swap3A_898 = vector.shape_cast %swap3A_897 : vector<1x16xf32> to vector<1x16xf32>
      %swap3A_899 = vector.shape_cast %get3A_889 : vector<1x16xf32> to vector<1x16xf32>
      tpu.vector_store %swap3A_894[%swap3A_895, %swap3A_896], %swap3A_899 {add = true, strides = array<i32>} : memref<200x32xf32, #tpu.memory_space<vmem>>, vector<1x16xf32>,
      %add3A_900 = arith.constant 6 : i32
      %add3A_901 = arith.addi %add3A_709, %add3A_900 : i32
      %get3A_902 = arith.index_cast %add3A_901 : i32 to index
      %get3A_903 = arith.constant 0 : index
      %get3A_904 = tpu.vector_load %arg6[%get3A_902, %get3A_903] {strides = array<i32>} : memref<200x32xf32, #tpu.memory_space<vmem>>, vector<1x16xf32>,
      %get3A_905 = vector.shape_cast %get3A_904 : vector<1x16xf32> to vector<1x16xf32>
      %swap3A_906 = arith.constant 1 : i32
      %swap3A_907 = arith.constant 0 : i32
      %swap3A_908 = arith.constant 0 : i32
      %swap3A_909 = tpu.memref_slice %arg8[%swap3A_906, %swap3A_907, %swap3A_908] : memref<4x200x32xf32, #tpu.memory_space<vmem>> -> memref<1x200x32xf32, #tpu.memory_space<vmem>>
      %swap3A_910 = tpu.memref_squeeze %swap3A_909 : memref<1x200x32xf32, #tpu.memory_space<vmem>> -> memref<200x32xf32, #tpu.memory_space<vmem>>
      %swap3A_911 = arith.index_cast %add3A_901 : i32 to index
      %swap3A_912 = arith.constant 0 : index
      %swap3A_913 = tpu.vector_load %swap3A_910[%swap3A_911, %swap3A_912] {strides = array<i32>} : memref<200x32xf32, #tpu.memory_space<vmem>>, vector<1x16xf32>,
      %swap3A_914 = vector.shape_cast %swap3A_913 : vector<1x16xf32> to vector<1x16xf32>
      %swap3A_915 = vector.shape_cast %get3A_905 : vector<1x16xf32> to vector<1x16xf32>
      tpu.vector_store %swap3A_910[%swap3A_911, %swap3A_912], %swap3A_915 {add = true, strides = array<i32>} : memref<200x32xf32, #tpu.memory_space<vmem>>, vector<1x16xf32>,
      %add3A_916 = arith.constant 6 : i32
      %add3A_917 = arith.addi %add3A_709, %add3A_916 : i32
      %get3A_918 = arith.index_cast %add3A_917 : i32 to index
      %get3A_919 = arith.constant 16 : index
      %get3A_920 = tpu.vector_load %arg6[%get3A_918, %get3A_919] {strides = array<i32>} : memref<200x32xf32, #tpu.memory_space<vmem>>, vector<1x16xf32>,
      %get3A_921 = vector.shape_cast %get3A_920 : vector<1x16xf32> to vector<1x16xf32>
      %swap3A_922 = arith.constant 1 : i32
      %swap3A_923 = arith.constant 0 : i32
      %swap3A_924 = arith.constant 0 : i32
      %swap3A_925 = tpu.memref_slice %arg8[%swap3A_922, %swap3A_923, %swap3A_924] : memref<4x200x32xf32, #tpu.memory_space<vmem>> -> memref<1x200x32xf32, #tpu.memory_space<vmem>>
      %swap3A_926 = tpu.memref_squeeze %swap3A_925 : memref<1x200x32xf32, #tpu.memory_space<vmem>> -> memref<200x32xf32, #tpu.memory_space<vmem>>
      %swap3A_927 = arith.index_cast %add3A_917 : i32 to index
      %swap3A_928 = arith.constant 16 : index
      %swap3A_929 = tpu.vector_load %swap3A_926[%swap3A_927, %swap3A_928] {strides = array<i32>} : memref<200x32xf32, #tpu.memory_space<vmem>>, vector<1x16xf32>,
      %swap3A_930 = vector.shape_cast %swap3A_929 : vector<1x16xf32> to vector<1x16xf32>
      %swap3A_931 = vector.shape_cast %get3A_921 : vector<1x16xf32> to vector<1x16xf32>
      tpu.vector_store %swap3A_926[%swap3A_927, %swap3A_928], %swap3A_931 {add = true, strides = array<i32>} : memref<200x32xf32, #tpu.memory_space<vmem>>, vector<1x16xf32>,
      %add3A_932 = arith.constant 7 : i32
      %add3A_933 = arith.addi %add3A_709, %add3A_932 : i32
      %get3A_934 = arith.index_cast %add3A_933 : i32 to index
      %get3A_935 = arith.constant 0 : index
      %get3A_936 = tpu.vector_load %arg6[%get3A_934, %get3A_935] {strides = array<i32>} : memref<200x32xf32, #tpu.memory_space<vmem>>, vector<1x16xf32>,
      %get3A_937 = vector.shape_cast %get3A_936 : vector<1x16xf32> to vector<1x16xf32>
      %swap3A_938 = arith.constant 1 : i32
      %swap3A_939 = arith.constant 0 : i32
      %swap3A_940 = arith.constant 0 : i32
      %swap3A_941 = tpu.memref_slice %arg8[%swap3A_938, %swap3A_939, %swap3A_940] : memref<4x200x32xf32, #tpu.memory_space<vmem>> -> memref<1x200x32xf32, #tpu.memory_space<vmem>>
      %swap3A_942 = tpu.memref_squeeze %swap3A_941 : memref<1x200x32xf32, #tpu.memory_space<vmem>> -> memref<200x32xf32, #tpu.memory_space<vmem>>
      %swap3A_943 = arith.index_cast %add3A_933 : i32 to index
      %swap3A_944 = arith.constant 0 : index
      %swap3A_945 = tpu.vector_load %swap3A_942[%swap3A_943, %swap3A_944] {strides = array<i32>} : memref<200x32xf32, #tpu.memory_space<vmem>>, vector<1x16xf32>,
      %swap3A_946 = vector.shape_cast %swap3A_945 : vector<1x16xf32> to vector<1x16xf32>
      %swap3A_947 = vector.shape_cast %get3A_937 : vector<1x16xf32> to vector<1x16xf32>
      tpu.vector_store %swap3A_942[%swap3A_943, %swap3A_944], %swap3A_947 {add = true, strides = array<i32>} : memref<200x32xf32, #tpu.memory_space<vmem>>, vector<1x16xf32>,
      %add3A_948 = arith.constant 7 : i32
      %add3A_949 = arith.addi %add3A_709, %add3A_948 : i32
      %get3A_950 = arith.index_cast %add3A_949 : i32 to index
      %get3A_951 = arith.constant 16 : index
      %get3A_952 = tpu.vector_load %arg6[%get3A_950, %get3A_951] {strides = array<i32>} : memref<200x32xf32, #tpu.memory_space<vmem>>, vector<1x16xf32>,
      %get3A_953 = vector.shape_cast %get3A_952 : vector<1x16xf32> to vector<1x16xf32>
      %swap3A_954 = arith.constant 1 : i32
      %swap3A_955 = arith.constant 0 : i32
      %swap3A_956 = arith.constant 0 : i32
      %swap3A_957 = tpu.memref_slice %arg8[%swap3A_954, %swap3A_955, %swap3A_956] : memref<4x200x32xf32, #tpu.memory_space<vmem>> -> memref<1x200x32xf32, #tpu.memory_space<vmem>>
      %swap3A_958 = tpu.memref_squeeze %swap3A_957 : memref<1x200x32xf32, #tpu.memory_space<vmem>> -> memref<200x32xf32, #tpu.memory_space<vmem>>
      %swap3A_959 = arith.index_cast %add3A_949 : i32 to index
      %swap3A_960 = arith.constant 16 : index
      %swap3A_961 = tpu.vector_load %swap3A_958[%swap3A_959, %swap3A_960] {strides = array<i32>} : memref<200x32xf32, #tpu.memory_space<vmem>>, vector<1x16xf32>,
      %swap3A_962 = vector.shape_cast %swap3A_961 : vector<1x16xf32> to vector<1x16xf32>
      %swap3A_963 = vector.shape_cast %get3A_953 : vector<1x16xf32> to vector<1x16xf32>
      tpu.vector_store %swap3A_958[%swap3A_959, %swap3A_960], %swap3A_963 {add = true, strides = array<i32>} : memref<200x32xf32, #tpu.memory_space<vmem>>, vector<1x16xf32>,
    }
    %scan3A_496 = arith.constant 25 : i32
    %add3A_497 = arith.constant 25000 : i32
    %add3A_498 = arith.addi %mul3A_2, %add3A_497 : i32
    %dma_start3A_499 = arith.constant 1 : i32
    %dma_start3A_500 = arith.constant 0 : i32
    %dma_start3A_501 = arith.constant 0 : i32
    %dma_start3A_502 = tpu.memref_slice %arg8[%dma_start3A_499, %dma_start3A_500, %dma_start3A_501] : memref<4x200x32xf32, #tpu.memory_space<vmem>> -> memref<1x200x32xf32, #tpu.memory_space<vmem>>
    %dma_start3A_503 = tpu.memref_squeeze %dma_start3A_502 : memref<1x200x32xf32, #tpu.memory_space<vmem>> -> memref<200x32xf32, #tpu.memory_space<vmem>>
    %dma_start3A_504 = arith.constant 0 : i32
    %dma_start3A_505 = tpu.memref_slice %arg5[%add3A_498, %dma_start3A_504] : memref<819200x128xf32, #tpu.memory_space<hbm>> -> memref<200x32xf32, #tpu.memory_space<hbm>>
    %dma_start3A_506 = arith.constant 0 : i32
    %dma_start3A_507 = tpu.memref_slice %arg5[%add3A_498, %dma_start3A_506] : memref<819200x128xf32, #tpu.memory_space<hbm>> -> memref<200x32xf32, #tpu.memory_space<hbm>>
    %dma_start3A_508 = arith.constant 0 : i32
    %dma_start3A_509 = arith.constant 0 : i32
    %dma_start3A_510 = tpu.memref_slice %arg8[%dma_start3A_499, %dma_start3A_508, %dma_start3A_509] : memref<4x200x32xf32, #tpu.memory_space<vmem>> -> memref<1x200x32xf32, #tpu.memory_space<vmem>>
    %dma_start3A_511 = tpu.memref_squeeze %dma_start3A_510 : memref<1x200x32xf32, #tpu.memory_space<vmem>> -> memref<200x32xf32, #tpu.memory_space<vmem>>
    tpu.enqueue_dma source(%dma_start3A_511 : memref<200x32xf32, #tpu.memory_space<vmem>>) target(%dma_start3A_507 : memref<200x32xf32, #tpu.memory_space<hbm>>) target_semaphore(%arg15 : memref<!tpu.dma_semaphore, #tpu.memory_space<semaphore_mem>>)
    %add3A_512 = arith.constant 24600 : i32
    %add3A_513 = arith.addi %mul3A_2, %add3A_512 : i32
    %dma_wait3A_514 = arith.constant 3 : i32
    %dma_wait3A_515 = arith.constant 0 : i32
    %dma_wait3A_516 = arith.constant 0 : i32
    %dma_wait3A_517 = tpu.memref_slice %arg8[%dma_wait3A_514, %dma_wait3A_515, %dma_wait3A_516] : memref<4x200x32xf32, #tpu.memory_space<vmem>> -> memref<1x200x32xf32, #tpu.memory_space<vmem>>
    %dma_wait3A_518 = tpu.memref_squeeze %dma_wait3A_517 : memref<1x200x32xf32, #tpu.memory_space<vmem>> -> memref<200x32xf32, #tpu.memory_space<vmem>>
    %dma_wait3A_519 = arith.constant 0 : i32
    %dma_wait3A_520 = tpu.memref_slice %arg5[%add3A_513, %dma_wait3A_519] : memref<819200x128xf32, #tpu.memory_space<hbm>> -> memref<200x32xf32, #tpu.memory_space<hbm>>
    %dma_wait3A_521 = arith.constant 0 : i32
    %dma_wait3A_522 = tpu.memref_slice %arg5[%add3A_513, %dma_wait3A_521] : memref<819200x128xf32, #tpu.memory_space<hbm>> -> memref<200x32xf32, #tpu.memory_space<hbm>>
    %dma_wait3A_523 = arith.constant 0 : i32
    %dma_wait3A_524 = arith.constant 0 : i32
    %dma_wait3A_525 = tpu.memref_slice %arg8[%dma_wait3A_514, %dma_wait3A_523, %dma_wait3A_524] : memref<4x200x32xf32, #tpu.memory_space<vmem>> -> memref<1x200x32xf32, #tpu.memory_space<vmem>>
    %dma_wait3A_526 = tpu.memref_squeeze %dma_wait3A_525 : memref<1x200x32xf32, #tpu.memory_space<vmem>> -> memref<200x32xf32, #tpu.memory_space<vmem>>
    tpu.wait_dma2 semaphore(%arg17 : memref<!tpu.dma_semaphore, #tpu.memory_space<semaphore_mem>>) src(%dma_wait3A_526 : memref<200x32xf32, #tpu.memory_space<vmem>>) dst(%dma_wait3A_522 : memref<200x32xf32, #tpu.memory_space<hbm>>)
    %dma_start3A_527 = arith.constant 3 : i32
    %dma_start3A_528 = arith.constant 0 : i32
    %dma_start3A_529 = arith.constant 0 : i32
    %dma_start3A_530 = tpu.memref_slice %arg8[%dma_start3A_527, %dma_start3A_528, %dma_start3A_529] : memref<4x200x32xf32, #tpu.memory_space<vmem>> -> memref<1x200x32xf32, #tpu.memory_space<vmem>>
    %dma_start3A_531 = tpu.memref_squeeze %dma_start3A_530 : memref<1x200x32xf32, #tpu.memory_space<vmem>> -> memref<200x32xf32, #tpu.memory_space<vmem>>
    %dma_start3A_532 = arith.constant 0 : i32
    %dma_start3A_533 = arith.constant 0 : i32
    %dma_start3A_534 = tpu.memref_slice %dma_start3A_531[%dma_start3A_532, %dma_start3A_533] : memref<200x32xf32, #tpu.memory_space<vmem>> -> memref<104x32xf32, #tpu.memory_space<vmem>>
    %dma_start3A_535 = arith.constant 25400 : i32
    %dma_start3A_536 = tpu.memref_slice %arg7[%dma_start3A_535] : memref<25600xi32, #tpu.memory_space<vmem>> -> memref<104xi32, #tpu.memory_space<vmem>>
    %dma_start3A_537 = arith.constant 0 : i32
    %dma_start3A_538 = arith.constant 0 : i32
    %dma_start3A_539 = tpu.memref_slice %arg3[%dma_start3A_537, %dma_start3A_538] : memref<1000000x32xf32, #tpu.memory_space<hbm>> -> memref<1000000x32xf32, #tpu.memory_space<hbm>>
    tpu.enqueue_indirect_dma source(%dma_start3A_539 : memref<1000000x32xf32, #tpu.memory_space<hbm>>) target(%dma_start3A_534 : memref<104x32xf32, #tpu.memory_space<vmem>>) offsets(%dma_start3A_536 : memref<104xi32, #tpu.memory_space<vmem>>) semaphore(%arg13 : memref<!tpu.dma_semaphore, #tpu.memory_space<semaphore_mem>>)
    %dma_start3A_540 = arith.constant 3 : i32
    %dma_start3A_541 = arith.constant 0 : i32
    %dma_start3A_542 = arith.constant 0 : i32
    %dma_start3A_543 = tpu.memref_slice %arg8[%dma_start3A_540, %dma_start3A_541, %dma_start3A_542] : memref<4x200x32xf32, #tpu.memory_space<vmem>> -> memref<1x200x32xf32, #tpu.memory_space<vmem>>
    %dma_start3A_544 = tpu.memref_squeeze %dma_start3A_543 : memref<1x200x32xf32, #tpu.memory_space<vmem>> -> memref<200x32xf32, #tpu.memory_space<vmem>>
    %dma_start3A_545 = arith.constant 104 : i32
    %dma_start3A_546 = arith.constant 0 : i32
    %dma_start3A_547 = tpu.memref_slice %dma_start3A_544[%dma_start3A_545, %dma_start3A_546] : memref<200x32xf32, #tpu.memory_space<vmem>> -> memref<96x32xf32, #tpu.memory_space<vmem>>
    %dma_start3A_548 = arith.constant 25504 : i32
    %dma_start3A_549 = tpu.memref_slice %arg7[%dma_start3A_548] : memref<25600xi32, #tpu.memory_space<vmem>> -> memref<96xi32, #tpu.memory_space<vmem>>
    %dma_start3A_550 = arith.constant 0 : i32
    %dma_start3A_551 = arith.constant 0 : i32
    %dma_start3A_552 = tpu.memref_slice %arg3[%dma_start3A_550, %dma_start3A_551] : memref<1000000x32xf32, #tpu.memory_space<hbm>> -> memref<1000000x32xf32, #tpu.memory_space<hbm>>
    tpu.enqueue_indirect_dma source(%dma_start3A_552 : memref<1000000x32xf32, #tpu.memory_space<hbm>>) target(%dma_start3A_547 : memref<96x32xf32, #tpu.memory_space<vmem>>) offsets(%dma_start3A_549 : memref<96xi32, #tpu.memory_space<vmem>>) semaphore(%arg13 : memref<!tpu.dma_semaphore, #tpu.memory_space<semaphore_mem>>)
    %dma_wait3A_553 = arith.constant 2 : i32
    %dma_wait3A_554 = arith.constant 0 : i32
    %dma_wait3A_555 = arith.constant 0 : i32
    %dma_wait3A_556 = tpu.memref_slice %arg8[%dma_wait3A_553, %dma_wait3A_554, %dma_wait3A_555] : memref<4x200x32xf32, #tpu.memory_space<vmem>> -> memref<1x200x32xf32, #tpu.memory_space<vmem>>
    %dma_wait3A_557 = tpu.memref_squeeze %dma_wait3A_556 : memref<1x200x32xf32, #tpu.memory_space<vmem>> -> memref<200x32xf32, #tpu.memory_space<vmem>>
    %dma_wait3A_558 = arith.constant 0 : i32
    %dma_wait3A_559 = arith.constant 0 : i32
    %dma_wait3A_560 = tpu.memref_slice %dma_wait3A_557[%dma_wait3A_558, %dma_wait3A_559] : memref<200x32xf32, #tpu.memory_space<vmem>> -> memref<104x32xf32, #tpu.memory_space<vmem>>
    %dma_wait3A_561 = arith.constant 25200 : i32
    %dma_wait3A_562 = tpu.memref_slice %arg7[%dma_wait3A_561] : memref<25600xi32, #tpu.memory_space<vmem>> -> memref<104xi32, #tpu.memory_space<vmem>>
    %dma_wait3A_563 = arith.constant 0 : i32
    %dma_wait3A_564 = arith.constant 0 : i32
    %dma_wait3A_565 = tpu.memref_slice %arg3[%dma_wait3A_563, %dma_wait3A_564] : memref<1000000x32xf32, #tpu.memory_space<hbm>> -> memref<1000000x32xf32, #tpu.memory_space<hbm>>
    tpu.wait_indirect_dma semaphore(%arg12 : memref<!tpu.dma_semaphore, #tpu.memory_space<semaphore_mem>>) src(%dma_wait3A_565 : memref<1000000x32xf32, #tpu.memory_space<hbm>>) dst(%dma_wait3A_560 : memref<104x32xf32, #tpu.memory_space<vmem>>)
    %dma_wait3A_566 = arith.constant 2 : i32
    %dma_wait3A_567 = arith.constant 0 : i32
    %dma_wait3A_568 = arith.constant 0 : i32
    %dma_wait3A_569 = tpu.memref_slice %arg8[%dma_wait3A_566, %dma_wait3A_567, %dma_wait3A_568] : memref<4x200x32xf32, #tpu.memory_space<vmem>> -> memref<1x200x32xf32, #tpu.memory_space<vmem>>
    %dma_wait3A_570 = tpu.memref_squeeze %dma_wait3A_569 : memref<1x200x32xf32, #tpu.memory_space<vmem>> -> memref<200x32xf32, #tpu.memory_space<vmem>>
    %dma_wait3A_571 = arith.constant 104 : i32
    %dma_wait3A_572 = arith.constant 0 : i32
    %dma_wait3A_573 = tpu.memref_slice %dma_wait3A_570[%dma_wait3A_571, %dma_wait3A_572] : memref<200x32xf32, #tpu.memory_space<vmem>> -> memref<96x32xf32, #tpu.memory_space<vmem>>
    %dma_wait3A_574 = arith.constant 25304 : i32
    %dma_wait3A_575 = tpu.memref_slice %arg7[%dma_wait3A_574] : memref<25600xi32, #tpu.memory_space<vmem>> -> memref<96xi32, #tpu.memory_space<vmem>>
    %dma_wait3A_576 = arith.constant 0 : i32
    %dma_wait3A_577 = arith.constant 0 : i32
    %dma_wait3A_578 = tpu.memref_slice %arg3[%dma_wait3A_576, %dma_wait3A_577] : memref<1000000x32xf32, #tpu.memory_space<hbm>> -> memref<1000000x32xf32, #tpu.memory_space<hbm>>
    tpu.wait_indirect_dma semaphore(%arg12 : memref<!tpu.dma_semaphore, #tpu.memory_space<semaphore_mem>>) src(%dma_wait3A_578 : memref<1000000x32xf32, #tpu.memory_space<hbm>>) dst(%dma_wait3A_573 : memref<96x32xf32, #tpu.memory_space<vmem>>)
    %scan3A_579 = arith.constant 0 : i32
    %scan3A_580 = arith.constant 25 : i32
    %scan3A_581 = arith.addi %scan3A_579, %scan3A_580 : i32
    %scan3A_582 = arith.constant 1 : i32
    scf.for %scan3A_705 = %scan3A_579 to %scan3A_581 step %scan3A_582  : i32 {
      %mul3A_706 = arith.constant 8 : i32
      %mul3A_707 = arith.muli %scan3A_705, %mul3A_706 : i32
      %add3A_708 = arith.constant 0 : i32
      %add3A_709 = arith.addi %add3A_708, %mul3A_707 : i32
      %add3A_710 = arith.constant 0 : i32
      %add3A_711 = arith.addi %add3A_709, %add3A_710 : i32
      %get3A = arith.index_cast %add3A_711 : i32 to index
      %get3A_712 = arith.constant 0 : index
      %get3A_713 = tpu.vector_load %arg6[%get3A, %get3A_712] {strides = array<i32>} : memref<200x32xf32, #tpu.memory_space<vmem>>, vector<1x16xf32>,
      %get3A_714 = vector.shape_cast %get3A_713 : vector<1x16xf32> to vector<1x16xf32>
      %swap3A = arith.constant 2 : i32
      %swap3A_715 = arith.constant 0 : i32
      %swap3A_716 = arith.constant 0 : i32
      %swap3A_717 = tpu.memref_slice %arg8[%swap3A, %swap3A_715, %swap3A_716] : memref<4x200x32xf32, #tpu.memory_space<vmem>> -> memref<1x200x32xf32, #tpu.memory_space<vmem>>
      %swap3A_718 = tpu.memref_squeeze %swap3A_717 : memref<1x200x32xf32, #tpu.memory_space<vmem>> -> memref<200x32xf32, #tpu.memory_space<vmem>>
      %swap3A_719 = arith.index_cast %add3A_711 : i32 to index
      %swap3A_720 = arith.constant 0 : index
      %swap3A_721 = tpu.vector_load %swap3A_718[%swap3A_719, %swap3A_720] {strides = array<i32>} : memref<200x32xf32, #tpu.memory_space<vmem>>, vector<1x16xf32>,
      %swap3A_722 = vector.shape_cast %swap3A_721 : vector<1x16xf32> to vector<1x16xf32>
      %swap3A_723 = vector.shape_cast %get3A_714 : vector<1x16xf32> to vector<1x16xf32>
      tpu.vector_store %swap3A_718[%swap3A_719, %swap3A_720], %swap3A_723 {add = true, strides = array<i32>} : memref<200x32xf32, #tpu.memory_space<vmem>>, vector<1x16xf32>,
      %add3A_724 = arith.constant 0 : i32
      %add3A_725 = arith.addi %add3A_709, %add3A_724 : i32
      %get3A_726 = arith.index_cast %add3A_725 : i32 to index
      %get3A_727 = arith.constant 16 : index
      %get3A_728 = tpu.vector_load %arg6[%get3A_726, %get3A_727] {strides = array<i32>} : memref<200x32xf32, #tpu.memory_space<vmem>>, vector<1x16xf32>,
      %get3A_729 = vector.shape_cast %get3A_728 : vector<1x16xf32> to vector<1x16xf32>
      %swap3A_730 = arith.constant 2 : i32
      %swap3A_731 = arith.constant 0 : i32
      %swap3A_732 = arith.constant 0 : i32
      %swap3A_733 = tpu.memref_slice %arg8[%swap3A_730, %swap3A_731, %swap3A_732] : memref<4x200x32xf32, #tpu.memory_space<vmem>> -> memref<1x200x32xf32, #tpu.memory_space<vmem>>
      %swap3A_734 = tpu.memref_squeeze %swap3A_733 : memref<1x200x32xf32, #tpu.memory_space<vmem>> -> memref<200x32xf32, #tpu.memory_space<vmem>>
      %swap3A_735 = arith.index_cast %add3A_725 : i32 to index
      %swap3A_736 = arith.constant 16 : index
      %swap3A_737 = tpu.vector_load %swap3A_734[%swap3A_735, %swap3A_736] {strides = array<i32>} : memref<200x32xf32, #tpu.memory_space<vmem>>, vector<1x16xf32>,
      %swap3A_738 = vector.shape_cast %swap3A_737 : vector<1x16xf32> to vector<1x16xf32>
      %swap3A_739 = vector.shape_cast %get3A_729 : vector<1x16xf32> to vector<1x16xf32>
      tpu.vector_store %swap3A_734[%swap3A_735, %swap3A_736], %swap3A_739 {add = true, strides = array<i32>} : memref<200x32xf32, #tpu.memory_space<vmem>>, vector<1x16xf32>,
      %add3A_740 = arith.constant 1 : i32
      %add3A_741 = arith.addi %add3A_709, %add3A_740 : i32
      %get3A_742 = arith.index_cast %add3A_741 : i32 to index
      %get3A_743 = arith.constant 0 : index
      %get3A_744 = tpu.vector_load %arg6[%get3A_742, %get3A_743] {strides = array<i32>} : memref<200x32xf32, #tpu.memory_space<vmem>>, vector<1x16xf32>,
      %get3A_745 = vector.shape_cast %get3A_744 : vector<1x16xf32> to vector<1x16xf32>
      %swap3A_746 = arith.constant 2 : i32
      %swap3A_747 = arith.constant 0 : i32
      %swap3A_748 = arith.constant 0 : i32
      %swap3A_749 = tpu.memref_slice %arg8[%swap3A_746, %swap3A_747, %swap3A_748] : memref<4x200x32xf32, #tpu.memory_space<vmem>> -> memref<1x200x32xf32, #tpu.memory_space<vmem>>
      %swap3A_750 = tpu.memref_squeeze %swap3A_749 : memref<1x200x32xf32, #tpu.memory_space<vmem>> -> memref<200x32xf32, #tpu.memory_space<vmem>>
      %swap3A_751 = arith.index_cast %add3A_741 : i32 to index
      %swap3A_752 = arith.constant 0 : index
      %swap3A_753 = tpu.vector_load %swap3A_750[%swap3A_751, %swap3A_752] {strides = array<i32>} : memref<200x32xf32, #tpu.memory_space<vmem>>, vector<1x16xf32>,
      %swap3A_754 = vector.shape_cast %swap3A_753 : vector<1x16xf32> to vector<1x16xf32>
      %swap3A_755 = vector.shape_cast %get3A_745 : vector<1x16xf32> to vector<1x16xf32>
      tpu.vector_store %swap3A_750[%swap3A_751, %swap3A_752], %swap3A_755 {add = true, strides = array<i32>} : memref<200x32xf32, #tpu.memory_space<vmem>>, vector<1x16xf32>,
      %add3A_756 = arith.constant 1 : i32
      %add3A_757 = arith.addi %add3A_709, %add3A_756 : i32
      %get3A_758 = arith.index_cast %add3A_757 : i32 to index
      %get3A_759 = arith.constant 16 : index
      %get3A_760 = tpu.vector_load %arg6[%get3A_758, %get3A_759] {strides = array<i32>} : memref<200x32xf32, #tpu.memory_space<vmem>>, vector<1x16xf32>,
      %get3A_761 = vector.shape_cast %get3A_760 : vector<1x16xf32> to vector<1x16xf32>
      %swap3A_762 = arith.constant 2 : i32
      %swap3A_763 = arith.constant 0 : i32
      %swap3A_764 = arith.constant 0 : i32
      %swap3A_765 = tpu.memref_slice %arg8[%swap3A_762, %swap3A_763, %swap3A_764] : memref<4x200x32xf32, #tpu.memory_space<vmem>> -> memref<1x200x32xf32, #tpu.memory_space<vmem>>
      %swap3A_766 = tpu.memref_squeeze %swap3A_765 : memref<1x200x32xf32, #tpu.memory_space<vmem>> -> memref<200x32xf32, #tpu.memory_space<vmem>>
      %swap3A_767 = arith.index_cast %add3A_757 : i32 to index
      %swap3A_768 = arith.constant 16 : index
      %swap3A_769 = tpu.vector_load %swap3A_766[%swap3A_767, %swap3A_768] {strides = array<i32>} : memref<200x32xf32, #tpu.memory_space<vmem>>, vector<1x16xf32>,
      %swap3A_770 = vector.shape_cast %swap3A_769 : vector<1x16xf32> to vector<1x16xf32>
      %swap3A_771 = vector.shape_cast %get3A_761 : vector<1x16xf32> to vector<1x16xf32>
      tpu.vector_store %swap3A_766[%swap3A_767, %swap3A_768], %swap3A_771 {add = true, strides = array<i32>} : memref<200x32xf32, #tpu.memory_space<vmem>>, vector<1x16xf32>,
      %add3A_772 = arith.constant 2 : i32
      %add3A_773 = arith.addi %add3A_709, %add3A_772 : i32
      %get3A_774 = arith.index_cast %add3A_773 : i32 to index
      %get3A_775 = arith.constant 0 : index
      %get3A_776 = tpu.vector_load %arg6[%get3A_774, %get3A_775] {strides = array<i32>} : memref<200x32xf32, #tpu.memory_space<vmem>>, vector<1x16xf32>,
      %get3A_777 = vector.shape_cast %get3A_776 : vector<1x16xf32> to vector<1x16xf32>
      %swap3A_778 = arith.constant 2 : i32
      %swap3A_779 = arith.constant 0 : i32
      %swap3A_780 = arith.constant 0 : i32
      %swap3A_781 = tpu.memref_slice %arg8[%swap3A_778, %swap3A_779, %swap3A_780] : memref<4x200x32xf32, #tpu.memory_space<vmem>> -> memref<1x200x32xf32, #tpu.memory_space<vmem>>
      %swap3A_782 = tpu.memref_squeeze %swap3A_781 : memref<1x200x32xf32, #tpu.memory_space<vmem>> -> memref<200x32xf32, #tpu.memory_space<vmem>>
      %swap3A_783 = arith.index_cast %add3A_773 : i32 to index
      %swap3A_784 = arith.constant 0 : index
      %swap3A_785 = tpu.vector_load %swap3A_782[%swap3A_783, %swap3A_784] {strides = array<i32>} : memref<200x32xf32, #tpu.memory_space<vmem>>, vector<1x16xf32>,
      %swap3A_786 = vector.shape_cast %swap3A_785 : vector<1x16xf32> to vector<1x16xf32>
      %swap3A_787 = vector.shape_cast %get3A_777 : vector<1x16xf32> to vector<1x16xf32>
      tpu.vector_store %swap3A_782[%swap3A_783, %swap3A_784], %swap3A_787 {add = true, strides = array<i32>} : memref<200x32xf32, #tpu.memory_space<vmem>>, vector<1x16xf32>,
      %add3A_788 = arith.constant 2 : i32
      %add3A_789 = arith.addi %add3A_709, %add3A_788 : i32
      %get3A_790 = arith.index_cast %add3A_789 : i32 to index
      %get3A_791 = arith.constant 16 : index
      %get3A_792 = tpu.vector_load %arg6[%get3A_790, %get3A_791] {strides = array<i32>} : memref<200x32xf32, #tpu.memory_space<vmem>>, vector<1x16xf32>,
      %get3A_793 = vector.shape_cast %get3A_792 : vector<1x16xf32> to vector<1x16xf32>
      %swap3A_794 = arith.constant 2 : i32
      %swap3A_795 = arith.constant 0 : i32
      %swap3A_796 = arith.constant 0 : i32
      %swap3A_797 = tpu.memref_slice %arg8[%swap3A_794, %swap3A_795, %swap3A_796] : memref<4x200x32xf32, #tpu.memory_space<vmem>> -> memref<1x200x32xf32, #tpu.memory_space<vmem>>
      %swap3A_798 = tpu.memref_squeeze %swap3A_797 : memref<1x200x32xf32, #tpu.memory_space<vmem>> -> memref<200x32xf32, #tpu.memory_space<vmem>>
      %swap3A_799 = arith.index_cast %add3A_789 : i32 to index
      %swap3A_800 = arith.constant 16 : index
      %swap3A_801 = tpu.vector_load %swap3A_798[%swap3A_799, %swap3A_800] {strides = array<i32>} : memref<200x32xf32, #tpu.memory_space<vmem>>, vector<1x16xf32>,
      %swap3A_802 = vector.shape_cast %swap3A_801 : vector<1x16xf32> to vector<1x16xf32>
      %swap3A_803 = vector.shape_cast %get3A_793 : vector<1x16xf32> to vector<1x16xf32>
      tpu.vector_store %swap3A_798[%swap3A_799, %swap3A_800], %swap3A_803 {add = true, strides = array<i32>} : memref<200x32xf32, #tpu.memory_space<vmem>>, vector<1x16xf32>,
      %add3A_804 = arith.constant 3 : i32
      %add3A_805 = arith.addi %add3A_709, %add3A_804 : i32
      %get3A_806 = arith.index_cast %add3A_805 : i32 to index
      %get3A_807 = arith.constant 0 : index
      %get3A_808 = tpu.vector_load %arg6[%get3A_806, %get3A_807] {strides = array<i32>} : memref<200x32xf32, #tpu.memory_space<vmem>>, vector<1x16xf32>,
      %get3A_809 = vector.shape_cast %get3A_808 : vector<1x16xf32> to vector<1x16xf32>
      %swap3A_810 = arith.constant 2 : i32
      %swap3A_811 = arith.constant 0 : i32
      %swap3A_812 = arith.constant 0 : i32
      %swap3A_813 = tpu.memref_slice %arg8[%swap3A_810, %swap3A_811, %swap3A_812] : memref<4x200x32xf32, #tpu.memory_space<vmem>> -> memref<1x200x32xf32, #tpu.memory_space<vmem>>
      %swap3A_814 = tpu.memref_squeeze %swap3A_813 : memref<1x200x32xf32, #tpu.memory_space<vmem>> -> memref<200x32xf32, #tpu.memory_space<vmem>>
      %swap3A_815 = arith.index_cast %add3A_805 : i32 to index
      %swap3A_816 = arith.constant 0 : index
      %swap3A_817 = tpu.vector_load %swap3A_814[%swap3A_815, %swap3A_816] {strides = array<i32>} : memref<200x32xf32, #tpu.memory_space<vmem>>, vector<1x16xf32>,
      %swap3A_818 = vector.shape_cast %swap3A_817 : vector<1x16xf32> to vector<1x16xf32>
      %swap3A_819 = vector.shape_cast %get3A_809 : vector<1x16xf32> to vector<1x16xf32>
      tpu.vector_store %swap3A_814[%swap3A_815, %swap3A_816], %swap3A_819 {add = true, strides = array<i32>} : memref<200x32xf32, #tpu.memory_space<vmem>>, vector<1x16xf32>,
      %add3A_820 = arith.constant 3 : i32
      %add3A_821 = arith.addi %add3A_709, %add3A_820 : i32
      %get3A_822 = arith.index_cast %add3A_821 : i32 to index
      %get3A_823 = arith.constant 16 : index
      %get3A_824 = tpu.vector_load %arg6[%get3A_822, %get3A_823] {strides = array<i32>} : memref<200x32xf32, #tpu.memory_space<vmem>>, vector<1x16xf32>,
      %get3A_825 = vector.shape_cast %get3A_824 : vector<1x16xf32> to vector<1x16xf32>
      %swap3A_826 = arith.constant 2 : i32
      %swap3A_827 = arith.constant 0 : i32
      %swap3A_828 = arith.constant 0 : i32
      %swap3A_829 = tpu.memref_slice %arg8[%swap3A_826, %swap3A_827, %swap3A_828] : memref<4x200x32xf32, #tpu.memory_space<vmem>> -> memref<1x200x32xf32, #tpu.memory_space<vmem>>
      %swap3A_830 = tpu.memref_squeeze %swap3A_829 : memref<1x200x32xf32, #tpu.memory_space<vmem>> -> memref<200x32xf32, #tpu.memory_space<vmem>>
      %swap3A_831 = arith.index_cast %add3A_821 : i32 to index
      %swap3A_832 = arith.constant 16 : index
      %swap3A_833 = tpu.vector_load %swap3A_830[%swap3A_831, %swap3A_832] {strides = array<i32>} : memref<200x32xf32, #tpu.memory_space<vmem>>, vector<1x16xf32>,
      %swap3A_834 = vector.shape_cast %swap3A_833 : vector<1x16xf32> to vector<1x16xf32>
      %swap3A_835 = vector.shape_cast %get3A_825 : vector<1x16xf32> to vector<1x16xf32>
      tpu.vector_store %swap3A_830[%swap3A_831, %swap3A_832], %swap3A_835 {add = true, strides = array<i32>} : memref<200x32xf32, #tpu.memory_space<vmem>>, vector<1x16xf32>,
      %add3A_836 = arith.constant 4 : i32
      %add3A_837 = arith.addi %add3A_709, %add3A_836 : i32
      %get3A_838 = arith.index_cast %add3A_837 : i32 to index
      %get3A_839 = arith.constant 0 : index
      %get3A_840 = tpu.vector_load %arg6[%get3A_838, %get3A_839] {strides = array<i32>} : memref<200x32xf32, #tpu.memory_space<vmem>>, vector<1x16xf32>,
      %get3A_841 = vector.shape_cast %get3A_840 : vector<1x16xf32> to vector<1x16xf32>
      %swap3A_842 = arith.constant 2 : i32
      %swap3A_843 = arith.constant 0 : i32
      %swap3A_844 = arith.constant 0 : i32
      %swap3A_845 = tpu.memref_slice %arg8[%swap3A_842, %swap3A_843, %swap3A_844] : memref<4x200x32xf32, #tpu.memory_space<vmem>> -> memref<1x200x32xf32, #tpu.memory_space<vmem>>
      %swap3A_846 = tpu.memref_squeeze %swap3A_845 : memref<1x200x32xf32, #tpu.memory_space<vmem>> -> memref<200x32xf32, #tpu.memory_space<vmem>>
      %swap3A_847 = arith.index_cast %add3A_837 : i32 to index
      %swap3A_848 = arith.constant 0 : index
      %swap3A_849 = tpu.vector_load %swap3A_846[%swap3A_847, %swap3A_848] {strides = array<i32>} : memref<200x32xf32, #tpu.memory_space<vmem>>, vector<1x16xf32>,
      %swap3A_850 = vector.shape_cast %swap3A_849 : vector<1x16xf32> to vector<1x16xf32>
      %swap3A_851 = vector.shape_cast %get3A_841 : vector<1x16xf32> to vector<1x16xf32>
      tpu.vector_store %swap3A_846[%swap3A_847, %swap3A_848], %swap3A_851 {add = true, strides = array<i32>} : memref<200x32xf32, #tpu.memory_space<vmem>>, vector<1x16xf32>,
      %add3A_852 = arith.constant 4 : i32
      %add3A_853 = arith.addi %add3A_709, %add3A_852 : i32
      %get3A_854 = arith.index_cast %add3A_853 : i32 to index
      %get3A_855 = arith.constant 16 : index
      %get3A_856 = tpu.vector_load %arg6[%get3A_854, %get3A_855] {strides = array<i32>} : memref<200x32xf32, #tpu.memory_space<vmem>>, vector<1x16xf32>,
      %get3A_857 = vector.shape_cast %get3A_856 : vector<1x16xf32> to vector<1x16xf32>
      %swap3A_858 = arith.constant 2 : i32
      %swap3A_859 = arith.constant 0 : i32
      %swap3A_860 = arith.constant 0 : i32
      %swap3A_861 = tpu.memref_slice %arg8[%swap3A_858, %swap3A_859, %swap3A_860] : memref<4x200x32xf32, #tpu.memory_space<vmem>> -> memref<1x200x32xf32, #tpu.memory_space<vmem>>
      %swap3A_862 = tpu.memref_squeeze %swap3A_861 : memref<1x200x32xf32, #tpu.memory_space<vmem>> -> memref<200x32xf32, #tpu.memory_space<vmem>>
      %swap3A_863 = arith.index_cast %add3A_853 : i32 to index
      %swap3A_864 = arith.constant 16 : index
      %swap3A_865 = tpu.vector_load %swap3A_862[%swap3A_863, %swap3A_864] {strides = array<i32>} : memref<200x32xf32, #tpu.memory_space<vmem>>, vector<1x16xf32>,
      %swap3A_866 = vector.shape_cast %swap3A_865 : vector<1x16xf32> to vector<1x16xf32>
      %swap3A_867 = vector.shape_cast %get3A_857 : vector<1x16xf32> to vector<1x16xf32>
      tpu.vector_store %swap3A_862[%swap3A_863, %swap3A_864], %swap3A_867 {add = true, strides = array<i32>} : memref<200x32xf32, #tpu.memory_space<vmem>>, vector<1x16xf32>,
      %add3A_868 = arith.constant 5 : i32
      %add3A_869 = arith.addi %add3A_709, %add3A_868 : i32
      %get3A_870 = arith.index_cast %add3A_869 : i32 to index
      %get3A_871 = arith.constant 0 : index
      %get3A_872 = tpu.vector_load %arg6[%get3A_870, %get3A_871] {strides = array<i32>} : memref<200x32xf32, #tpu.memory_space<vmem>>, vector<1x16xf32>,
      %get3A_873 = vector.shape_cast %get3A_872 : vector<1x16xf32> to vector<1x16xf32>
      %swap3A_874 = arith.constant 2 : i32
      %swap3A_875 = arith.constant 0 : i32
      %swap3A_876 = arith.constant 0 : i32
      %swap3A_877 = tpu.memref_slice %arg8[%swap3A_874, %swap3A_875, %swap3A_876] : memref<4x200x32xf32, #tpu.memory_space<vmem>> -> memref<1x200x32xf32, #tpu.memory_space<vmem>>
      %swap3A_878 = tpu.memref_squeeze %swap3A_877 : memref<1x200x32xf32, #tpu.memory_space<vmem>> -> memref<200x32xf32, #tpu.memory_space<vmem>>
      %swap3A_879 = arith.index_cast %add3A_869 : i32 to index
      %swap3A_880 = arith.constant 0 : index
      %swap3A_881 = tpu.vector_load %swap3A_878[%swap3A_879, %swap3A_880] {strides = array<i32>} : memref<200x32xf32, #tpu.memory_space<vmem>>, vector<1x16xf32>,
      %swap3A_882 = vector.shape_cast %swap3A_881 : vector<1x16xf32> to vector<1x16xf32>
      %swap3A_883 = vector.shape_cast %get3A_873 : vector<1x16xf32> to vector<1x16xf32>
      tpu.vector_store %swap3A_878[%swap3A_879, %swap3A_880], %swap3A_883 {add = true, strides = array<i32>} : memref<200x32xf32, #tpu.memory_space<vmem>>, vector<1x16xf32>,
      %add3A_884 = arith.constant 5 : i32
      %add3A_885 = arith.addi %add3A_709, %add3A_884 : i32
      %get3A_886 = arith.index_cast %add3A_885 : i32 to index
      %get3A_887 = arith.constant 16 : index
      %get3A_888 = tpu.vector_load %arg6[%get3A_886, %get3A_887] {strides = array<i32>} : memref<200x32xf32, #tpu.memory_space<vmem>>, vector<1x16xf32>,
      %get3A_889 = vector.shape_cast %get3A_888 : vector<1x16xf32> to vector<1x16xf32>
      %swap3A_890 = arith.constant 2 : i32
      %swap3A_891 = arith.constant 0 : i32
      %swap3A_892 = arith.constant 0 : i32
      %swap3A_893 = tpu.memref_slice %arg8[%swap3A_890, %swap3A_891, %swap3A_892] : memref<4x200x32xf32, #tpu.memory_space<vmem>> -> memref<1x200x32xf32, #tpu.memory_space<vmem>>
      %swap3A_894 = tpu.memref_squeeze %swap3A_893 : memref<1x200x32xf32, #tpu.memory_space<vmem>> -> memref<200x32xf32, #tpu.memory_space<vmem>>
      %swap3A_895 = arith.index_cast %add3A_885 : i32 to index
      %swap3A_896 = arith.constant 16 : index
      %swap3A_897 = tpu.vector_load %swap3A_894[%swap3A_895, %swap3A_896] {strides = array<i32>} : memref<200x32xf32, #tpu.memory_space<vmem>>, vector<1x16xf32>,
      %swap3A_898 = vector.shape_cast %swap3A_897 : vector<1x16xf32> to vector<1x16xf32>
      %swap3A_899 = vector.shape_cast %get3A_889 : vector<1x16xf32> to vector<1x16xf32>
      tpu.vector_store %swap3A_894[%swap3A_895, %swap3A_896], %swap3A_899 {add = true, strides = array<i32>} : memref<200x32xf32, #tpu.memory_space<vmem>>, vector<1x16xf32>,
      %add3A_900 = arith.constant 6 : i32
      %add3A_901 = arith.addi %add3A_709, %add3A_900 : i32
      %get3A_902 = arith.index_cast %add3A_901 : i32 to index
      %get3A_903 = arith.constant 0 : index
      %get3A_904 = tpu.vector_load %arg6[%get3A_902, %get3A_903] {strides = array<i32>} : memref<200x32xf32, #tpu.memory_space<vmem>>, vector<1x16xf32>,
      %get3A_905 = vector.shape_cast %get3A_904 : vector<1x16xf32> to vector<1x16xf32>
      %swap3A_906 = arith.constant 2 : i32
      %swap3A_907 = arith.constant 0 : i32
      %swap3A_908 = arith.constant 0 : i32
      %swap3A_909 = tpu.memref_slice %arg8[%swap3A_906, %swap3A_907, %swap3A_908] : memref<4x200x32xf32, #tpu.memory_space<vmem>> -> memref<1x200x32xf32, #tpu.memory_space<vmem>>
      %swap3A_910 = tpu.memref_squeeze %swap3A_909 : memref<1x200x32xf32, #tpu.memory_space<vmem>> -> memref<200x32xf32, #tpu.memory_space<vmem>>
      %swap3A_911 = arith.index_cast %add3A_901 : i32 to index
      %swap3A_912 = arith.constant 0 : index
      %swap3A_913 = tpu.vector_load %swap3A_910[%swap3A_911, %swap3A_912] {strides = array<i32>} : memref<200x32xf32, #tpu.memory_space<vmem>>, vector<1x16xf32>,
      %swap3A_914 = vector.shape_cast %swap3A_913 : vector<1x16xf32> to vector<1x16xf32>
      %swap3A_915 = vector.shape_cast %get3A_905 : vector<1x16xf32> to vector<1x16xf32>
      tpu.vector_store %swap3A_910[%swap3A_911, %swap3A_912], %swap3A_915 {add = true, strides = array<i32>} : memref<200x32xf32, #tpu.memory_space<vmem>>, vector<1x16xf32>,
      %add3A_916 = arith.constant 6 : i32
      %add3A_917 = arith.addi %add3A_709, %add3A_916 : i32
      %get3A_918 = arith.index_cast %add3A_917 : i32 to index
      %get3A_919 = arith.constant 16 : index
      %get3A_920 = tpu.vector_load %arg6[%get3A_918, %get3A_919] {strides = array<i32>} : memref<200x32xf32, #tpu.memory_space<vmem>>, vector<1x16xf32>,
      %get3A_921 = vector.shape_cast %get3A_920 : vector<1x16xf32> to vector<1x16xf32>
      %swap3A_922 = arith.constant 2 : i32
      %swap3A_923 = arith.constant 0 : i32
      %swap3A_924 = arith.constant 0 : i32
      %swap3A_925 = tpu.memref_slice %arg8[%swap3A_922, %swap3A_923, %swap3A_924] : memref<4x200x32xf32, #tpu.memory_space<vmem>> -> memref<1x200x32xf32, #tpu.memory_space<vmem>>
      %swap3A_926 = tpu.memref_squeeze %swap3A_925 : memref<1x200x32xf32, #tpu.memory_space<vmem>> -> memref<200x32xf32, #tpu.memory_space<vmem>>
      %swap3A_927 = arith.index_cast %add3A_917 : i32 to index
      %swap3A_928 = arith.constant 16 : index
      %swap3A_929 = tpu.vector_load %swap3A_926[%swap3A_927, %swap3A_928] {strides = array<i32>} : memref<200x32xf32, #tpu.memory_space<vmem>>, vector<1x16xf32>,
      %swap3A_930 = vector.shape_cast %swap3A_929 : vector<1x16xf32> to vector<1x16xf32>
      %swap3A_931 = vector.shape_cast %get3A_921 : vector<1x16xf32> to vector<1x16xf32>
      tpu.vector_store %swap3A_926[%swap3A_927, %swap3A_928], %swap3A_931 {add = true, strides = array<i32>} : memref<200x32xf32, #tpu.memory_space<vmem>>, vector<1x16xf32>,
      %add3A_932 = arith.constant 7 : i32
      %add3A_933 = arith.addi %add3A_709, %add3A_932 : i32
      %get3A_934 = arith.index_cast %add3A_933 : i32 to index
      %get3A_935 = arith.constant 0 : index
      %get3A_936 = tpu.vector_load %arg6[%get3A_934, %get3A_935] {strides = array<i32>} : memref<200x32xf32, #tpu.memory_space<vmem>>, vector<1x16xf32>,
      %get3A_937 = vector.shape_cast %get3A_936 : vector<1x16xf32> to vector<1x16xf32>
      %swap3A_938 = arith.constant 2 : i32
      %swap3A_939 = arith.constant 0 : i32
      %swap3A_940 = arith.constant 0 : i32
      %swap3A_941 = tpu.memref_slice %arg8[%swap3A_938, %swap3A_939, %swap3A_940] : memref<4x200x32xf32, #tpu.memory_space<vmem>> -> memref<1x200x32xf32, #tpu.memory_space<vmem>>
      %swap3A_942 = tpu.memref_squeeze %swap3A_941 : memref<1x200x32xf32, #tpu.memory_space<vmem>> -> memref<200x32xf32, #tpu.memory_space<vmem>>
      %swap3A_943 = arith.index_cast %add3A_933 : i32 to index
      %swap3A_944 = arith.constant 0 : index
      %swap3A_945 = tpu.vector_load %swap3A_942[%swap3A_943, %swap3A_944] {strides = array<i32>} : memref<200x32xf32, #tpu.memory_space<vmem>>, vector<1x16xf32>,
      %swap3A_946 = vector.shape_cast %swap3A_945 : vector<1x16xf32> to vector<1x16xf32>
      %swap3A_947 = vector.shape_cast %get3A_937 : vector<1x16xf32> to vector<1x16xf32>
      tpu.vector_store %swap3A_942[%swap3A_943, %swap3A_944], %swap3A_947 {add = true, strides = array<i32>} : memref<200x32xf32, #tpu.memory_space<vmem>>, vector<1x16xf32>,
      %add3A_948 = arith.constant 7 : i32
      %add3A_949 = arith.addi %add3A_709, %add3A_948 : i32
      %get3A_950 = arith.index_cast %add3A_949 : i32 to index
      %get3A_951 = arith.constant 16 : index
      %get3A_952 = tpu.vector_load %arg6[%get3A_950, %get3A_951] {strides = array<i32>} : memref<200x32xf32, #tpu.memory_space<vmem>>, vector<1x16xf32>,
      %get3A_953 = vector.shape_cast %get3A_952 : vector<1x16xf32> to vector<1x16xf32>
      %swap3A_954 = arith.constant 2 : i32
      %swap3A_955 = arith.constant 0 : i32
      %swap3A_956 = arith.constant 0 : i32
      %swap3A_957 = tpu.memref_slice %arg8[%swap3A_954, %swap3A_955, %swap3A_956] : memref<4x200x32xf32, #tpu.memory_space<vmem>> -> memref<1x200x32xf32, #tpu.memory_space<vmem>>
      %swap3A_958 = tpu.memref_squeeze %swap3A_957 : memref<1x200x32xf32, #tpu.memory_space<vmem>> -> memref<200x32xf32, #tpu.memory_space<vmem>>
      %swap3A_959 = arith.index_cast %add3A_949 : i32 to index
      %swap3A_960 = arith.constant 16 : index
      %swap3A_961 = tpu.vector_load %swap3A_958[%swap3A_959, %swap3A_960] {strides = array<i32>} : memref<200x32xf32, #tpu.memory_space<vmem>>, vector<1x16xf32>,
      %swap3A_962 = vector.shape_cast %swap3A_961 : vector<1x16xf32> to vector<1x16xf32>
      %swap3A_963 = vector.shape_cast %get3A_953 : vector<1x16xf32> to vector<1x16xf32>
      tpu.vector_store %swap3A_958[%swap3A_959, %swap3A_960], %swap3A_963 {add = true, strides = array<i32>} : memref<200x32xf32, #tpu.memory_space<vmem>>, vector<1x16xf32>,
    }
    %scan3A_583 = arith.constant 25 : i32
    %add3A_584 = arith.constant 25200 : i32
    %add3A_585 = arith.addi %mul3A_2, %add3A_584 : i32
    %dma_start3A_586 = arith.constant 2 : i32
    %dma_start3A_587 = arith.constant 0 : i32
    %dma_start3A_588 = arith.constant 0 : i32
    %dma_start3A_589 = tpu.memref_slice %arg8[%dma_start3A_586, %dma_start3A_587, %dma_start3A_588] : memref<4x200x32xf32, #tpu.memory_space<vmem>> -> memref<1x200x32xf32, #tpu.memory_space<vmem>>
    %dma_start3A_590 = tpu.memref_squeeze %dma_start3A_589 : memref<1x200x32xf32, #tpu.memory_space<vmem>> -> memref<200x32xf32, #tpu.memory_space<vmem>>
    %dma_start3A_591 = arith.constant 0 : i32
    %dma_start3A_592 = tpu.memref_slice %arg5[%add3A_585, %dma_start3A_591] : memref<819200x128xf32, #tpu.memory_space<hbm>> -> memref<200x32xf32, #tpu.memory_space<hbm>>
    %dma_start3A_593 = arith.constant 0 : i32
    %dma_start3A_594 = tpu.memref_slice %arg5[%add3A_585, %dma_start3A_593] : memref<819200x128xf32, #tpu.memory_space<hbm>> -> memref<200x32xf32, #tpu.memory_space<hbm>>
    %dma_start3A_595 = arith.constant 0 : i32
    %dma_start3A_596 = arith.constant 0 : i32
    %dma_start3A_597 = tpu.memref_slice %arg8[%dma_start3A_586, %dma_start3A_595, %dma_start3A_596] : memref<4x200x32xf32, #tpu.memory_space<vmem>> -> memref<1x200x32xf32, #tpu.memory_space<vmem>>
    %dma_start3A_598 = tpu.memref_squeeze %dma_start3A_597 : memref<1x200x32xf32, #tpu.memory_space<vmem>> -> memref<200x32xf32, #tpu.memory_space<vmem>>
    tpu.enqueue_dma source(%dma_start3A_598 : memref<200x32xf32, #tpu.memory_space<vmem>>) target(%dma_start3A_594 : memref<200x32xf32, #tpu.memory_space<hbm>>) target_semaphore(%arg16 : memref<!tpu.dma_semaphore, #tpu.memory_space<semaphore_mem>>)
    %dma_wait3A_599 = arith.constant 3 : i32
    %dma_wait3A_600 = arith.constant 0 : i32
    %dma_wait3A_601 = arith.constant 0 : i32
    %dma_wait3A_602 = tpu.memref_slice %arg8[%dma_wait3A_599, %dma_wait3A_600, %dma_wait3A_601] : memref<4x200x32xf32, #tpu.memory_space<vmem>> -> memref<1x200x32xf32, #tpu.memory_space<vmem>>
    %dma_wait3A_603 = tpu.memref_squeeze %dma_wait3A_602 : memref<1x200x32xf32, #tpu.memory_space<vmem>> -> memref<200x32xf32, #tpu.memory_space<vmem>>
    %dma_wait3A_604 = arith.constant 0 : i32
    %dma_wait3A_605 = arith.constant 0 : i32
    %dma_wait3A_606 = tpu.memref_slice %dma_wait3A_603[%dma_wait3A_604, %dma_wait3A_605] : memref<200x32xf32, #tpu.memory_space<vmem>> -> memref<104x32xf32, #tpu.memory_space<vmem>>
    %dma_wait3A_607 = arith.constant 25400 : i32
    %dma_wait3A_608 = tpu.memref_slice %arg7[%dma_wait3A_607] : memref<25600xi32, #tpu.memory_space<vmem>> -> memref<104xi32, #tpu.memory_space<vmem>>
    %dma_wait3A_609 = arith.constant 0 : i32
    %dma_wait3A_610 = arith.constant 0 : i32
    %dma_wait3A_611 = tpu.memref_slice %arg3[%dma_wait3A_609, %dma_wait3A_610] : memref<1000000x32xf32, #tpu.memory_space<hbm>> -> memref<1000000x32xf32, #tpu.memory_space<hbm>>
    tpu.wait_indirect_dma semaphore(%arg13 : memref<!tpu.dma_semaphore, #tpu.memory_space<semaphore_mem>>) src(%dma_wait3A_611 : memref<1000000x32xf32, #tpu.memory_space<hbm>>) dst(%dma_wait3A_606 : memref<104x32xf32, #tpu.memory_space<vmem>>)
    %dma_wait3A_612 = arith.constant 3 : i32
    %dma_wait3A_613 = arith.constant 0 : i32
    %dma_wait3A_614 = arith.constant 0 : i32
    %dma_wait3A_615 = tpu.memref_slice %arg8[%dma_wait3A_612, %dma_wait3A_613, %dma_wait3A_614] : memref<4x200x32xf32, #tpu.memory_space<vmem>> -> memref<1x200x32xf32, #tpu.memory_space<vmem>>
    %dma_wait3A_616 = tpu.memref_squeeze %dma_wait3A_615 : memref<1x200x32xf32, #tpu.memory_space<vmem>> -> memref<200x32xf32, #tpu.memory_space<vmem>>
    %dma_wait3A_617 = arith.constant 104 : i32
    %dma_wait3A_618 = arith.constant 0 : i32
    %dma_wait3A_619 = tpu.memref_slice %dma_wait3A_616[%dma_wait3A_617, %dma_wait3A_618] : memref<200x32xf32, #tpu.memory_space<vmem>> -> memref<96x32xf32, #tpu.memory_space<vmem>>
    %dma_wait3A_620 = arith.constant 25504 : i32
    %dma_wait3A_621 = tpu.memref_slice %arg7[%dma_wait3A_620] : memref<25600xi32, #tpu.memory_space<vmem>> -> memref<96xi32, #tpu.memory_space<vmem>>
    %dma_wait3A_622 = arith.constant 0 : i32
    %dma_wait3A_623 = arith.constant 0 : i32
    %dma_wait3A_624 = tpu.memref_slice %arg3[%dma_wait3A_622, %dma_wait3A_623] : memref<1000000x32xf32, #tpu.memory_space<hbm>> -> memref<1000000x32xf32, #tpu.memory_space<hbm>>
    tpu.wait_indirect_dma semaphore(%arg13 : memref<!tpu.dma_semaphore, #tpu.memory_space<semaphore_mem>>) src(%dma_wait3A_624 : memref<1000000x32xf32, #tpu.memory_space<hbm>>) dst(%dma_wait3A_619 : memref<96x32xf32, #tpu.memory_space<vmem>>)
    %scan3A_625 = arith.constant 0 : i32
    %scan3A_626 = arith.constant 25 : i32
    %scan3A_627 = arith.addi %scan3A_625, %scan3A_626 : i32
    %scan3A_628 = arith.constant 1 : i32
    scf.for %scan3A_705 = %scan3A_625 to %scan3A_627 step %scan3A_628  : i32 {
      %mul3A_706 = arith.constant 8 : i32
      %mul3A_707 = arith.muli %scan3A_705, %mul3A_706 : i32
      %add3A_708 = arith.constant 0 : i32
      %add3A_709 = arith.addi %add3A_708, %mul3A_707 : i32
      %add3A_710 = arith.constant 0 : i32
      %add3A_711 = arith.addi %add3A_709, %add3A_710 : i32
      %get3A = arith.index_cast %add3A_711 : i32 to index
      %get3A_712 = arith.constant 0 : index
      %get3A_713 = tpu.vector_load %arg6[%get3A, %get3A_712] {strides = array<i32>} : memref<200x32xf32, #tpu.memory_space<vmem>>, vector<1x16xf32>,
      %get3A_714 = vector.shape_cast %get3A_713 : vector<1x16xf32> to vector<1x16xf32>
      %swap3A = arith.constant 3 : i32
      %swap3A_715 = arith.constant 0 : i32
      %swap3A_716 = arith.constant 0 : i32
      %swap3A_717 = tpu.memref_slice %arg8[%swap3A, %swap3A_715, %swap3A_716] : memref<4x200x32xf32, #tpu.memory_space<vmem>> -> memref<1x200x32xf32, #tpu.memory_space<vmem>>
      %swap3A_718 = tpu.memref_squeeze %swap3A_717 : memref<1x200x32xf32, #tpu.memory_space<vmem>> -> memref<200x32xf32, #tpu.memory_space<vmem>>
      %swap3A_719 = arith.index_cast %add3A_711 : i32 to index
      %swap3A_720 = arith.constant 0 : index
      %swap3A_721 = tpu.vector_load %swap3A_718[%swap3A_719, %swap3A_720] {strides = array<i32>} : memref<200x32xf32, #tpu.memory_space<vmem>>, vector<1x16xf32>,
      %swap3A_722 = vector.shape_cast %swap3A_721 : vector<1x16xf32> to vector<1x16xf32>
      %swap3A_723 = vector.shape_cast %get3A_714 : vector<1x16xf32> to vector<1x16xf32>
      tpu.vector_store %swap3A_718[%swap3A_719, %swap3A_720], %swap3A_723 {add = true, strides = array<i32>} : memref<200x32xf32, #tpu.memory_space<vmem>>, vector<1x16xf32>,
      %add3A_724 = arith.constant 0 : i32
      %add3A_725 = arith.addi %add3A_709, %add3A_724 : i32
      %get3A_726 = arith.index_cast %add3A_725 : i32 to index
      %get3A_727 = arith.constant 16 : index
      %get3A_728 = tpu.vector_load %arg6[%get3A_726, %get3A_727] {strides = array<i32>} : memref<200x32xf32, #tpu.memory_space<vmem>>, vector<1x16xf32>,
      %get3A_729 = vector.shape_cast %get3A_728 : vector<1x16xf32> to vector<1x16xf32>
      %swap3A_730 = arith.constant 3 : i32
      %swap3A_731 = arith.constant 0 : i32
      %swap3A_732 = arith.constant 0 : i32
      %swap3A_733 = tpu.memref_slice %arg8[%swap3A_730, %swap3A_731, %swap3A_732] : memref<4x200x32xf32, #tpu.memory_space<vmem>> -> memref<1x200x32xf32, #tpu.memory_space<vmem>>
      %swap3A_734 = tpu.memref_squeeze %swap3A_733 : memref<1x200x32xf32, #tpu.memory_space<vmem>> -> memref<200x32xf32, #tpu.memory_space<vmem>>
      %swap3A_735 = arith.index_cast %add3A_725 : i32 to index
      %swap3A_736 = arith.constant 16 : index
      %swap3A_737 = tpu.vector_load %swap3A_734[%swap3A_735, %swap3A_736] {strides = array<i32>} : memref<200x32xf32, #tpu.memory_space<vmem>>, vector<1x16xf32>,
      %swap3A_738 = vector.shape_cast %swap3A_737 : vector<1x16xf32> to vector<1x16xf32>
      %swap3A_739 = vector.shape_cast %get3A_729 : vector<1x16xf32> to vector<1x16xf32>
      tpu.vector_store %swap3A_734[%swap3A_735, %swap3A_736], %swap3A_739 {add = true, strides = array<i32>} : memref<200x32xf32, #tpu.memory_space<vmem>>, vector<1x16xf32>,
      %add3A_740 = arith.constant 1 : i32
      %add3A_741 = arith.addi %add3A_709, %add3A_740 : i32
      %get3A_742 = arith.index_cast %add3A_741 : i32 to index
      %get3A_743 = arith.constant 0 : index
      %get3A_744 = tpu.vector_load %arg6[%get3A_742, %get3A_743] {strides = array<i32>} : memref<200x32xf32, #tpu.memory_space<vmem>>, vector<1x16xf32>,
      %get3A_745 = vector.shape_cast %get3A_744 : vector<1x16xf32> to vector<1x16xf32>
      %swap3A_746 = arith.constant 3 : i32
      %swap3A_747 = arith.constant 0 : i32
      %swap3A_748 = arith.constant 0 : i32
      %swap3A_749 = tpu.memref_slice %arg8[%swap3A_746, %swap3A_747, %swap3A_748] : memref<4x200x32xf32, #tpu.memory_space<vmem>> -> memref<1x200x32xf32, #tpu.memory_space<vmem>>
      %swap3A_750 = tpu.memref_squeeze %swap3A_749 : memref<1x200x32xf32, #tpu.memory_space<vmem>> -> memref<200x32xf32, #tpu.memory_space<vmem>>
      %swap3A_751 = arith.index_cast %add3A_741 : i32 to index
      %swap3A_752 = arith.constant 0 : index
      %swap3A_753 = tpu.vector_load %swap3A_750[%swap3A_751, %swap3A_752] {strides = array<i32>} : memref<200x32xf32, #tpu.memory_space<vmem>>, vector<1x16xf32>,
      %swap3A_754 = vector.shape_cast %swap3A_753 : vector<1x16xf32> to vector<1x16xf32>
      %swap3A_755 = vector.shape_cast %get3A_745 : vector<1x16xf32> to vector<1x16xf32>
      tpu.vector_store %swap3A_750[%swap3A_751, %swap3A_752], %swap3A_755 {add = true, strides = array<i32>} : memref<200x32xf32, #tpu.memory_space<vmem>>, vector<1x16xf32>,
      %add3A_756 = arith.constant 1 : i32
      %add3A_757 = arith.addi %add3A_709, %add3A_756 : i32
      %get3A_758 = arith.index_cast %add3A_757 : i32 to index
      %get3A_759 = arith.constant 16 : index
      %get3A_760 = tpu.vector_load %arg6[%get3A_758, %get3A_759] {strides = array<i32>} : memref<200x32xf32, #tpu.memory_space<vmem>>, vector<1x16xf32>,
      %get3A_761 = vector.shape_cast %get3A_760 : vector<1x16xf32> to vector<1x16xf32>
      %swap3A_762 = arith.constant 3 : i32
      %swap3A_763 = arith.constant 0 : i32
      %swap3A_764 = arith.constant 0 : i32
      %swap3A_765 = tpu.memref_slice %arg8[%swap3A_762, %swap3A_763, %swap3A_764] : memref<4x200x32xf32, #tpu.memory_space<vmem>> -> memref<1x200x32xf32, #tpu.memory_space<vmem>>
      %swap3A_766 = tpu.memref_squeeze %swap3A_765 : memref<1x200x32xf32, #tpu.memory_space<vmem>> -> memref<200x32xf32, #tpu.memory_space<vmem>>
      %swap3A_767 = arith.index_cast %add3A_757 : i32 to index
      %swap3A_768 = arith.constant 16 : index
      %swap3A_769 = tpu.vector_load %swap3A_766[%swap3A_767, %swap3A_768] {strides = array<i32>} : memref<200x32xf32, #tpu.memory_space<vmem>>, vector<1x16xf32>,
      %swap3A_770 = vector.shape_cast %swap3A_769 : vector<1x16xf32> to vector<1x16xf32>
      %swap3A_771 = vector.shape_cast %get3A_761 : vector<1x16xf32> to vector<1x16xf32>
      tpu.vector_store %swap3A_766[%swap3A_767, %swap3A_768], %swap3A_771 {add = true, strides = array<i32>} : memref<200x32xf32, #tpu.memory_space<vmem>>, vector<1x16xf32>,
      %add3A_772 = arith.constant 2 : i32
      %add3A_773 = arith.addi %add3A_709, %add3A_772 : i32
      %get3A_774 = arith.index_cast %add3A_773 : i32 to index
      %get3A_775 = arith.constant 0 : index
      %get3A_776 = tpu.vector_load %arg6[%get3A_774, %get3A_775] {strides = array<i32>} : memref<200x32xf32, #tpu.memory_space<vmem>>, vector<1x16xf32>,
      %get3A_777 = vector.shape_cast %get3A_776 : vector<1x16xf32> to vector<1x16xf32>
      %swap3A_778 = arith.constant 3 : i32
      %swap3A_779 = arith.constant 0 : i32
      %swap3A_780 = arith.constant 0 : i32
      %swap3A_781 = tpu.memref_slice %arg8[%swap3A_778, %swap3A_779, %swap3A_780] : memref<4x200x32xf32, #tpu.memory_space<vmem>> -> memref<1x200x32xf32, #tpu.memory_space<vmem>>
      %swap3A_782 = tpu.memref_squeeze %swap3A_781 : memref<1x200x32xf32, #tpu.memory_space<vmem>> -> memref<200x32xf32, #tpu.memory_space<vmem>>
      %swap3A_783 = arith.index_cast %add3A_773 : i32 to index
      %swap3A_784 = arith.constant 0 : index
      %swap3A_785 = tpu.vector_load %swap3A_782[%swap3A_783, %swap3A_784] {strides = array<i32>} : memref<200x32xf32, #tpu.memory_space<vmem>>, vector<1x16xf32>,
      %swap3A_786 = vector.shape_cast %swap3A_785 : vector<1x16xf32> to vector<1x16xf32>
      %swap3A_787 = vector.shape_cast %get3A_777 : vector<1x16xf32> to vector<1x16xf32>
      tpu.vector_store %swap3A_782[%swap3A_783, %swap3A_784], %swap3A_787 {add = true, strides = array<i32>} : memref<200x32xf32, #tpu.memory_space<vmem>>, vector<1x16xf32>,
      %add3A_788 = arith.constant 2 : i32
      %add3A_789 = arith.addi %add3A_709, %add3A_788 : i32
      %get3A_790 = arith.index_cast %add3A_789 : i32 to index
      %get3A_791 = arith.constant 16 : index
      %get3A_792 = tpu.vector_load %arg6[%get3A_790, %get3A_791] {strides = array<i32>} : memref<200x32xf32, #tpu.memory_space<vmem>>, vector<1x16xf32>,
      %get3A_793 = vector.shape_cast %get3A_792 : vector<1x16xf32> to vector<1x16xf32>
      %swap3A_794 = arith.constant 3 : i32
      %swap3A_795 = arith.constant 0 : i32
      %swap3A_796 = arith.constant 0 : i32
      %swap3A_797 = tpu.memref_slice %arg8[%swap3A_794, %swap3A_795, %swap3A_796] : memref<4x200x32xf32, #tpu.memory_space<vmem>> -> memref<1x200x32xf32, #tpu.memory_space<vmem>>
      %swap3A_798 = tpu.memref_squeeze %swap3A_797 : memref<1x200x32xf32, #tpu.memory_space<vmem>> -> memref<200x32xf32, #tpu.memory_space<vmem>>
      %swap3A_799 = arith.index_cast %add3A_789 : i32 to index
      %swap3A_800 = arith.constant 16 : index
      %swap3A_801 = tpu.vector_load %swap3A_798[%swap3A_799, %swap3A_800] {strides = array<i32>} : memref<200x32xf32, #tpu.memory_space<vmem>>, vector<1x16xf32>,
      %swap3A_802 = vector.shape_cast %swap3A_801 : vector<1x16xf32> to vector<1x16xf32>
      %swap3A_803 = vector.shape_cast %get3A_793 : vector<1x16xf32> to vector<1x16xf32>
      tpu.vector_store %swap3A_798[%swap3A_799, %swap3A_800], %swap3A_803 {add = true, strides = array<i32>} : memref<200x32xf32, #tpu.memory_space<vmem>>, vector<1x16xf32>,
      %add3A_804 = arith.constant 3 : i32
      %add3A_805 = arith.addi %add3A_709, %add3A_804 : i32
      %get3A_806 = arith.index_cast %add3A_805 : i32 to index
      %get3A_807 = arith.constant 0 : index
      %get3A_808 = tpu.vector_load %arg6[%get3A_806, %get3A_807] {strides = array<i32>} : memref<200x32xf32, #tpu.memory_space<vmem>>, vector<1x16xf32>,
      %get3A_809 = vector.shape_cast %get3A_808 : vector<1x16xf32> to vector<1x16xf32>
      %swap3A_810 = arith.constant 3 : i32
      %swap3A_811 = arith.constant 0 : i32
      %swap3A_812 = arith.constant 0 : i32
      %swap3A_813 = tpu.memref_slice %arg8[%swap3A_810, %swap3A_811, %swap3A_812] : memref<4x200x32xf32, #tpu.memory_space<vmem>> -> memref<1x200x32xf32, #tpu.memory_space<vmem>>
      %swap3A_814 = tpu.memref_squeeze %swap3A_813 : memref<1x200x32xf32, #tpu.memory_space<vmem>> -> memref<200x32xf32, #tpu.memory_space<vmem>>
      %swap3A_815 = arith.index_cast %add3A_805 : i32 to index
      %swap3A_816 = arith.constant 0 : index
      %swap3A_817 = tpu.vector_load %swap3A_814[%swap3A_815, %swap3A_816] {strides = array<i32>} : memref<200x32xf32, #tpu.memory_space<vmem>>, vector<1x16xf32>,
      %swap3A_818 = vector.shape_cast %swap3A_817 : vector<1x16xf32> to vector<1x16xf32>
      %swap3A_819 = vector.shape_cast %get3A_809 : vector<1x16xf32> to vector<1x16xf32>
      tpu.vector_store %swap3A_814[%swap3A_815, %swap3A_816], %swap3A_819 {add = true, strides = array<i32>} : memref<200x32xf32, #tpu.memory_space<vmem>>, vector<1x16xf32>,
      %add3A_820 = arith.constant 3 : i32
      %add3A_821 = arith.addi %add3A_709, %add3A_820 : i32
      %get3A_822 = arith.index_cast %add3A_821 : i32 to index
      %get3A_823 = arith.constant 16 : index
      %get3A_824 = tpu.vector_load %arg6[%get3A_822, %get3A_823] {strides = array<i32>} : memref<200x32xf32, #tpu.memory_space<vmem>>, vector<1x16xf32>,
      %get3A_825 = vector.shape_cast %get3A_824 : vector<1x16xf32> to vector<1x16xf32>
      %swap3A_826 = arith.constant 3 : i32
      %swap3A_827 = arith.constant 0 : i32
      %swap3A_828 = arith.constant 0 : i32
      %swap3A_829 = tpu.memref_slice %arg8[%swap3A_826, %swap3A_827, %swap3A_828] : memref<4x200x32xf32, #tpu.memory_space<vmem>> -> memref<1x200x32xf32, #tpu.memory_space<vmem>>
      %swap3A_830 = tpu.memref_squeeze %swap3A_829 : memref<1x200x32xf32, #tpu.memory_space<vmem>> -> memref<200x32xf32, #tpu.memory_space<vmem>>
      %swap3A_831 = arith.index_cast %add3A_821 : i32 to index
      %swap3A_832 = arith.constant 16 : index
      %swap3A_833 = tpu.vector_load %swap3A_830[%swap3A_831, %swap3A_832] {strides = array<i32>} : memref<200x32xf32, #tpu.memory_space<vmem>>, vector<1x16xf32>,
      %swap3A_834 = vector.shape_cast %swap3A_833 : vector<1x16xf32> to vector<1x16xf32>
      %swap3A_835 = vector.shape_cast %get3A_825 : vector<1x16xf32> to vector<1x16xf32>
      tpu.vector_store %swap3A_830[%swap3A_831, %swap3A_832], %swap3A_835 {add = true, strides = array<i32>} : memref<200x32xf32, #tpu.memory_space<vmem>>, vector<1x16xf32>,
      %add3A_836 = arith.constant 4 : i32
      %add3A_837 = arith.addi %add3A_709, %add3A_836 : i32
      %get3A_838 = arith.index_cast %add3A_837 : i32 to index
      %get3A_839 = arith.constant 0 : index
      %get3A_840 = tpu.vector_load %arg6[%get3A_838, %get3A_839] {strides = array<i32>} : memref<200x32xf32, #tpu.memory_space<vmem>>, vector<1x16xf32>,
      %get3A_841 = vector.shape_cast %get3A_840 : vector<1x16xf32> to vector<1x16xf32>
      %swap3A_842 = arith.constant 3 : i32
      %swap3A_843 = arith.constant 0 : i32
      %swap3A_844 = arith.constant 0 : i32
      %swap3A_845 = tpu.memref_slice %arg8[%swap3A_842, %swap3A_843, %swap3A_844] : memref<4x200x32xf32, #tpu.memory_space<vmem>> -> memref<1x200x32xf32, #tpu.memory_space<vmem>>
      %swap3A_846 = tpu.memref_squeeze %swap3A_845 : memref<1x200x32xf32, #tpu.memory_space<vmem>> -> memref<200x32xf32, #tpu.memory_space<vmem>>
      %swap3A_847 = arith.index_cast %add3A_837 : i32 to index
      %swap3A_848 = arith.constant 0 : index
      %swap3A_849 = tpu.vector_load %swap3A_846[%swap3A_847, %swap3A_848] {strides = array<i32>} : memref<200x32xf32, #tpu.memory_space<vmem>>, vector<1x16xf32>,
      %swap3A_850 = vector.shape_cast %swap3A_849 : vector<1x16xf32> to vector<1x16xf32>
      %swap3A_851 = vector.shape_cast %get3A_841 : vector<1x16xf32> to vector<1x16xf32>
      tpu.vector_store %swap3A_846[%swap3A_847, %swap3A_848], %swap3A_851 {add = true, strides = array<i32>} : memref<200x32xf32, #tpu.memory_space<vmem>>, vector<1x16xf32>,
      %add3A_852 = arith.constant 4 : i32
      %add3A_853 = arith.addi %add3A_709, %add3A_852 : i32
      %get3A_854 = arith.index_cast %add3A_853 : i32 to index
      %get3A_855 = arith.constant 16 : index
      %get3A_856 = tpu.vector_load %arg6[%get3A_854, %get3A_855] {strides = array<i32>} : memref<200x32xf32, #tpu.memory_space<vmem>>, vector<1x16xf32>,
      %get3A_857 = vector.shape_cast %get3A_856 : vector<1x16xf32> to vector<1x16xf32>
      %swap3A_858 = arith.constant 3 : i32
      %swap3A_859 = arith.constant 0 : i32
      %swap3A_860 = arith.constant 0 : i32
      %swap3A_861 = tpu.memref_slice %arg8[%swap3A_858, %swap3A_859, %swap3A_860] : memref<4x200x32xf32, #tpu.memory_space<vmem>> -> memref<1x200x32xf32, #tpu.memory_space<vmem>>
      %swap3A_862 = tpu.memref_squeeze %swap3A_861 : memref<1x200x32xf32, #tpu.memory_space<vmem>> -> memref<200x32xf32, #tpu.memory_space<vmem>>
      %swap3A_863 = arith.index_cast %add3A_853 : i32 to index
      %swap3A_864 = arith.constant 16 : index
      %swap3A_865 = tpu.vector_load %swap3A_862[%swap3A_863, %swap3A_864] {strides = array<i32>} : memref<200x32xf32, #tpu.memory_space<vmem>>, vector<1x16xf32>,
      %swap3A_866 = vector.shape_cast %swap3A_865 : vector<1x16xf32> to vector<1x16xf32>
      %swap3A_867 = vector.shape_cast %get3A_857 : vector<1x16xf32> to vector<1x16xf32>
      tpu.vector_store %swap3A_862[%swap3A_863, %swap3A_864], %swap3A_867 {add = true, strides = array<i32>} : memref<200x32xf32, #tpu.memory_space<vmem>>, vector<1x16xf32>,
      %add3A_868 = arith.constant 5 : i32
      %add3A_869 = arith.addi %add3A_709, %add3A_868 : i32
      %get3A_870 = arith.index_cast %add3A_869 : i32 to index
      %get3A_871 = arith.constant 0 : index
      %get3A_872 = tpu.vector_load %arg6[%get3A_870, %get3A_871] {strides = array<i32>} : memref<200x32xf32, #tpu.memory_space<vmem>>, vector<1x16xf32>,
      %get3A_873 = vector.shape_cast %get3A_872 : vector<1x16xf32> to vector<1x16xf32>
      %swap3A_874 = arith.constant 3 : i32
      %swap3A_875 = arith.constant 0 : i32
      %swap3A_876 = arith.constant 0 : i32
      %swap3A_877 = tpu.memref_slice %arg8[%swap3A_874, %swap3A_875, %swap3A_876] : memref<4x200x32xf32, #tpu.memory_space<vmem>> -> memref<1x200x32xf32, #tpu.memory_space<vmem>>
      %swap3A_878 = tpu.memref_squeeze %swap3A_877 : memref<1x200x32xf32, #tpu.memory_space<vmem>> -> memref<200x32xf32, #tpu.memory_space<vmem>>
      %swap3A_879 = arith.index_cast %add3A_869 : i32 to index
      %swap3A_880 = arith.constant 0 : index
      %swap3A_881 = tpu.vector_load %swap3A_878[%swap3A_879, %swap3A_880] {strides = array<i32>} : memref<200x32xf32, #tpu.memory_space<vmem>>, vector<1x16xf32>,
      %swap3A_882 = vector.shape_cast %swap3A_881 : vector<1x16xf32> to vector<1x16xf32>
      %swap3A_883 = vector.shape_cast %get3A_873 : vector<1x16xf32> to vector<1x16xf32>
      tpu.vector_store %swap3A_878[%swap3A_879, %swap3A_880], %swap3A_883 {add = true, strides = array<i32>} : memref<200x32xf32, #tpu.memory_space<vmem>>, vector<1x16xf32>,
      %add3A_884 = arith.constant 5 : i32
      %add3A_885 = arith.addi %add3A_709, %add3A_884 : i32
      %get3A_886 = arith.index_cast %add3A_885 : i32 to index
      %get3A_887 = arith.constant 16 : index
      %get3A_888 = tpu.vector_load %arg6[%get3A_886, %get3A_887] {strides = array<i32>} : memref<200x32xf32, #tpu.memory_space<vmem>>, vector<1x16xf32>,
      %get3A_889 = vector.shape_cast %get3A_888 : vector<1x16xf32> to vector<1x16xf32>
      %swap3A_890 = arith.constant 3 : i32
      %swap3A_891 = arith.constant 0 : i32
      %swap3A_892 = arith.constant 0 : i32
      %swap3A_893 = tpu.memref_slice %arg8[%swap3A_890, %swap3A_891, %swap3A_892] : memref<4x200x32xf32, #tpu.memory_space<vmem>> -> memref<1x200x32xf32, #tpu.memory_space<vmem>>
      %swap3A_894 = tpu.memref_squeeze %swap3A_893 : memref<1x200x32xf32, #tpu.memory_space<vmem>> -> memref<200x32xf32, #tpu.memory_space<vmem>>
      %swap3A_895 = arith.index_cast %add3A_885 : i32 to index
      %swap3A_896 = arith.constant 16 : index
      %swap3A_897 = tpu.vector_load %swap3A_894[%swap3A_895, %swap3A_896] {strides = array<i32>} : memref<200x32xf32, #tpu.memory_space<vmem>>, vector<1x16xf32>,
      %swap3A_898 = vector.shape_cast %swap3A_897 : vector<1x16xf32> to vector<1x16xf32>
      %swap3A_899 = vector.shape_cast %get3A_889 : vector<1x16xf32> to vector<1x16xf32>
      tpu.vector_store %swap3A_894[%swap3A_895, %swap3A_896], %swap3A_899 {add = true, strides = array<i32>} : memref<200x32xf32, #tpu.memory_space<vmem>>, vector<1x16xf32>,
      %add3A_900 = arith.constant 6 : i32
      %add3A_901 = arith.addi %add3A_709, %add3A_900 : i32
      %get3A_902 = arith.index_cast %add3A_901 : i32 to index
      %get3A_903 = arith.constant 0 : index
      %get3A_904 = tpu.vector_load %arg6[%get3A_902, %get3A_903] {strides = array<i32>} : memref<200x32xf32, #tpu.memory_space<vmem>>, vector<1x16xf32>,
      %get3A_905 = vector.shape_cast %get3A_904 : vector<1x16xf32> to vector<1x16xf32>
      %swap3A_906 = arith.constant 3 : i32
      %swap3A_907 = arith.constant 0 : i32
      %swap3A_908 = arith.constant 0 : i32
      %swap3A_909 = tpu.memref_slice %arg8[%swap3A_906, %swap3A_907, %swap3A_908] : memref<4x200x32xf32, #tpu.memory_space<vmem>> -> memref<1x200x32xf32, #tpu.memory_space<vmem>>
      %swap3A_910 = tpu.memref_squeeze %swap3A_909 : memref<1x200x32xf32, #tpu.memory_space<vmem>> -> memref<200x32xf32, #tpu.memory_space<vmem>>
      %swap3A_911 = arith.index_cast %add3A_901 : i32 to index
      %swap3A_912 = arith.constant 0 : index
      %swap3A_913 = tpu.vector_load %swap3A_910[%swap3A_911, %swap3A_912] {strides = array<i32>} : memref<200x32xf32, #tpu.memory_space<vmem>>, vector<1x16xf32>,
      %swap3A_914 = vector.shape_cast %swap3A_913 : vector<1x16xf32> to vector<1x16xf32>
      %swap3A_915 = vector.shape_cast %get3A_905 : vector<1x16xf32> to vector<1x16xf32>
      tpu.vector_store %swap3A_910[%swap3A_911, %swap3A_912], %swap3A_915 {add = true, strides = array<i32>} : memref<200x32xf32, #tpu.memory_space<vmem>>, vector<1x16xf32>,
      %add3A_916 = arith.constant 6 : i32
      %add3A_917 = arith.addi %add3A_709, %add3A_916 : i32
      %get3A_918 = arith.index_cast %add3A_917 : i32 to index
      %get3A_919 = arith.constant 16 : index
      %get3A_920 = tpu.vector_load %arg6[%get3A_918, %get3A_919] {strides = array<i32>} : memref<200x32xf32, #tpu.memory_space<vmem>>, vector<1x16xf32>,
      %get3A_921 = vector.shape_cast %get3A_920 : vector<1x16xf32> to vector<1x16xf32>
      %swap3A_922 = arith.constant 3 : i32
      %swap3A_923 = arith.constant 0 : i32
      %swap3A_924 = arith.constant 0 : i32
      %swap3A_925 = tpu.memref_slice %arg8[%swap3A_922, %swap3A_923, %swap3A_924] : memref<4x200x32xf32, #tpu.memory_space<vmem>> -> memref<1x200x32xf32, #tpu.memory_space<vmem>>
      %swap3A_926 = tpu.memref_squeeze %swap3A_925 : memref<1x200x32xf32, #tpu.memory_space<vmem>> -> memref<200x32xf32, #tpu.memory_space<vmem>>
      %swap3A_927 = arith.index_cast %add3A_917 : i32 to index
      %swap3A_928 = arith.constant 16 : index
      %swap3A_929 = tpu.vector_load %swap3A_926[%swap3A_927, %swap3A_928] {strides = array<i32>} : memref<200x32xf32, #tpu.memory_space<vmem>>, vector<1x16xf32>,
      %swap3A_930 = vector.shape_cast %swap3A_929 : vector<1x16xf32> to vector<1x16xf32>
      %swap3A_931 = vector.shape_cast %get3A_921 : vector<1x16xf32> to vector<1x16xf32>
      tpu.vector_store %swap3A_926[%swap3A_927, %swap3A_928], %swap3A_931 {add = true, strides = array<i32>} : memref<200x32xf32, #tpu.memory_space<vmem>>, vector<1x16xf32>,
      %add3A_932 = arith.constant 7 : i32
      %add3A_933 = arith.addi %add3A_709, %add3A_932 : i32
      %get3A_934 = arith.index_cast %add3A_933 : i32 to index
      %get3A_935 = arith.constant 0 : index
      %get3A_936 = tpu.vector_load %arg6[%get3A_934, %get3A_935] {strides = array<i32>} : memref<200x32xf32, #tpu.memory_space<vmem>>, vector<1x16xf32>,
      %get3A_937 = vector.shape_cast %get3A_936 : vector<1x16xf32> to vector<1x16xf32>
      %swap3A_938 = arith.constant 3 : i32
      %swap3A_939 = arith.constant 0 : i32
      %swap3A_940 = arith.constant 0 : i32
      %swap3A_941 = tpu.memref_slice %arg8[%swap3A_938, %swap3A_939, %swap3A_940] : memref<4x200x32xf32, #tpu.memory_space<vmem>> -> memref<1x200x32xf32, #tpu.memory_space<vmem>>
      %swap3A_942 = tpu.memref_squeeze %swap3A_941 : memref<1x200x32xf32, #tpu.memory_space<vmem>> -> memref<200x32xf32, #tpu.memory_space<vmem>>
      %swap3A_943 = arith.index_cast %add3A_933 : i32 to index
      %swap3A_944 = arith.constant 0 : index
      %swap3A_945 = tpu.vector_load %swap3A_942[%swap3A_943, %swap3A_944] {strides = array<i32>} : memref<200x32xf32, #tpu.memory_space<vmem>>, vector<1x16xf32>,
      %swap3A_946 = vector.shape_cast %swap3A_945 : vector<1x16xf32> to vector<1x16xf32>
      %swap3A_947 = vector.shape_cast %get3A_937 : vector<1x16xf32> to vector<1x16xf32>
      tpu.vector_store %swap3A_942[%swap3A_943, %swap3A_944], %swap3A_947 {add = true, strides = array<i32>} : memref<200x32xf32, #tpu.memory_space<vmem>>, vector<1x16xf32>,
      %add3A_948 = arith.constant 7 : i32
      %add3A_949 = arith.addi %add3A_709, %add3A_948 : i32
      %get3A_950 = arith.index_cast %add3A_949 : i32 to index
      %get3A_951 = arith.constant 16 : index
      %get3A_952 = tpu.vector_load %arg6[%get3A_950, %get3A_951] {strides = array<i32>} : memref<200x32xf32, #tpu.memory_space<vmem>>, vector<1x16xf32>,
      %get3A_953 = vector.shape_cast %get3A_952 : vector<1x16xf32> to vector<1x16xf32>
      %swap3A_954 = arith.constant 3 : i32
      %swap3A_955 = arith.constant 0 : i32
      %swap3A_956 = arith.constant 0 : i32
      %swap3A_957 = tpu.memref_slice %arg8[%swap3A_954, %swap3A_955, %swap3A_956] : memref<4x200x32xf32, #tpu.memory_space<vmem>> -> memref<1x200x32xf32, #tpu.memory_space<vmem>>
      %swap3A_958 = tpu.memref_squeeze %swap3A_957 : memref<1x200x32xf32, #tpu.memory_space<vmem>> -> memref<200x32xf32, #tpu.memory_space<vmem>>
      %swap3A_959 = arith.index_cast %add3A_949 : i32 to index
      %swap3A_960 = arith.constant 16 : index
      %swap3A_961 = tpu.vector_load %swap3A_958[%swap3A_959, %swap3A_960] {strides = array<i32>} : memref<200x32xf32, #tpu.memory_space<vmem>>, vector<1x16xf32>,
      %swap3A_962 = vector.shape_cast %swap3A_961 : vector<1x16xf32> to vector<1x16xf32>
      %swap3A_963 = vector.shape_cast %get3A_953 : vector<1x16xf32> to vector<1x16xf32>
      tpu.vector_store %swap3A_958[%swap3A_959, %swap3A_960], %swap3A_963 {add = true, strides = array<i32>} : memref<200x32xf32, #tpu.memory_space<vmem>>, vector<1x16xf32>,
    }
    %scan3A_629 = arith.constant 25 : i32
    %add3A_630 = arith.constant 25400 : i32
    %add3A_631 = arith.addi %mul3A_2, %add3A_630 : i32
    %dma_start3A_632 = arith.constant 3 : i32
    %dma_start3A_633 = arith.constant 0 : i32
    %dma_start3A_634 = arith.constant 0 : i32
    %dma_start3A_635 = tpu.memref_slice %arg8[%dma_start3A_632, %dma_start3A_633, %dma_start3A_634] : memref<4x200x32xf32, #tpu.memory_space<vmem>> -> memref<1x200x32xf32, #tpu.memory_space<vmem>>
    %dma_start3A_636 = tpu.memref_squeeze %dma_start3A_635 : memref<1x200x32xf32, #tpu.memory_space<vmem>> -> memref<200x32xf32, #tpu.memory_space<vmem>>
    %dma_start3A_637 = arith.constant 0 : i32
    %dma_start3A_638 = tpu.memref_slice %arg5[%add3A_631, %dma_start3A_637] : memref<819200x128xf32, #tpu.memory_space<hbm>> -> memref<200x32xf32, #tpu.memory_space<hbm>>
    %dma_start3A_639 = arith.constant 0 : i32
    %dma_start3A_640 = tpu.memref_slice %arg5[%add3A_631, %dma_start3A_639] : memref<819200x128xf32, #tpu.memory_space<hbm>> -> memref<200x32xf32, #tpu.memory_space<hbm>>
    %dma_start3A_641 = arith.constant 0 : i32
    %dma_start3A_642 = arith.constant 0 : i32
    %dma_start3A_643 = tpu.memref_slice %arg8[%dma_start3A_632, %dma_start3A_641, %dma_start3A_642] : memref<4x200x32xf32, #tpu.memory_space<vmem>> -> memref<1x200x32xf32, #tpu.memory_space<vmem>>
    %dma_start3A_644 = tpu.memref_squeeze %dma_start3A_643 : memref<1x200x32xf32, #tpu.memory_space<vmem>> -> memref<200x32xf32, #tpu.memory_space<vmem>>
    tpu.enqueue_dma source(%dma_start3A_644 : memref<200x32xf32, #tpu.memory_space<vmem>>) target(%dma_start3A_640 : memref<200x32xf32, #tpu.memory_space<hbm>>) target_semaphore(%arg17 : memref<!tpu.dma_semaphore, #tpu.memory_space<semaphore_mem>>)
    %add3A_645 = arith.constant 24800 : i32
    %add3A_646 = arith.addi %mul3A_2, %add3A_645 : i32
    %dma_wait3A_647 = arith.constant 0 : i32
    %dma_wait3A_648 = arith.constant 0 : i32
    %dma_wait3A_649 = arith.constant 0 : i32
    %dma_wait3A_650 = tpu.memref_slice %arg8[%dma_wait3A_647, %dma_wait3A_648, %dma_wait3A_649] : memref<4x200x32xf32, #tpu.memory_space<vmem>> -> memref<1x200x32xf32, #tpu.memory_space<vmem>>
    %dma_wait3A_651 = tpu.memref_squeeze %dma_wait3A_650 : memref<1x200x32xf32, #tpu.memory_space<vmem>> -> memref<200x32xf32, #tpu.memory_space<vmem>>
    %dma_wait3A_652 = arith.constant 0 : i32
    %dma_wait3A_653 = tpu.memref_slice %arg5[%add3A_646, %dma_wait3A_652] : memref<819200x128xf32, #tpu.memory_space<hbm>> -> memref<200x32xf32, #tpu.memory_space<hbm>>
    %dma_wait3A_654 = arith.constant 0 : i32
    %dma_wait3A_655 = tpu.memref_slice %arg5[%add3A_646, %dma_wait3A_654] : memref<819200x128xf32, #tpu.memory_space<hbm>> -> memref<200x32xf32, #tpu.memory_space<hbm>>
    %dma_wait3A_656 = arith.constant 0 : i32
    %dma_wait3A_657 = arith.constant 0 : i32
    %dma_wait3A_658 = tpu.memref_slice %arg8[%dma_wait3A_647, %dma_wait3A_656, %dma_wait3A_657] : memref<4x200x32xf32, #tpu.memory_space<vmem>> -> memref<1x200x32xf32, #tpu.memory_space<vmem>>
    %dma_wait3A_659 = tpu.memref_squeeze %dma_wait3A_658 : memref<1x200x32xf32, #tpu.memory_space<vmem>> -> memref<200x32xf32, #tpu.memory_space<vmem>>
    tpu.wait_dma2 semaphore(%arg14 : memref<!tpu.dma_semaphore, #tpu.memory_space<semaphore_mem>>) src(%dma_wait3A_659 : memref<200x32xf32, #tpu.memory_space<vmem>>) dst(%dma_wait3A_655 : memref<200x32xf32, #tpu.memory_space<hbm>>)
    %add3A_660 = arith.constant 25000 : i32
    %add3A_661 = arith.addi %mul3A_2, %add3A_660 : i32
    %dma_wait3A_662 = arith.constant 1 : i32
    %dma_wait3A_663 = arith.constant 0 : i32
    %dma_wait3A_664 = arith.constant 0 : i32
    %dma_wait3A_665 = tpu.memref_slice %arg8[%dma_wait3A_662, %dma_wait3A_663, %dma_wait3A_664] : memref<4x200x32xf32, #tpu.memory_space<vmem>> -> memref<1x200x32xf32, #tpu.memory_space<vmem>>
    %dma_wait3A_666 = tpu.memref_squeeze %dma_wait3A_665 : memref<1x200x32xf32, #tpu.memory_space<vmem>> -> memref<200x32xf32, #tpu.memory_space<vmem>>
    %dma_wait3A_667 = arith.constant 0 : i32
    %dma_wait3A_668 = tpu.memref_slice %arg5[%add3A_661, %dma_wait3A_667] : memref<819200x128xf32, #tpu.memory_space<hbm>> -> memref<200x32xf32, #tpu.memory_space<hbm>>
    %dma_wait3A_669 = arith.constant 0 : i32
    %dma_wait3A_670 = tpu.memref_slice %arg5[%add3A_661, %dma_wait3A_669] : memref<819200x128xf32, #tpu.memory_space<hbm>> -> memref<200x32xf32, #tpu.memory_space<hbm>>
    %dma_wait3A_671 = arith.constant 0 : i32
    %dma_wait3A_672 = arith.constant 0 : i32
    %dma_wait3A_673 = tpu.memref_slice %arg8[%dma_wait3A_662, %dma_wait3A_671, %dma_wait3A_672] : memref<4x200x32xf32, #tpu.memory_space<vmem>> -> memref<1x200x32xf32, #tpu.memory_space<vmem>>
    %dma_wait3A_674 = tpu.memref_squeeze %dma_wait3A_673 : memref<1x200x32xf32, #tpu.memory_space<vmem>> -> memref<200x32xf32, #tpu.memory_space<vmem>>
    tpu.wait_dma2 semaphore(%arg15 : memref<!tpu.dma_semaphore, #tpu.memory_space<semaphore_mem>>) src(%dma_wait3A_674 : memref<200x32xf32, #tpu.memory_space<vmem>>) dst(%dma_wait3A_670 : memref<200x32xf32, #tpu.memory_space<hbm>>)
    %add3A_675 = arith.constant 25200 : i32
    %add3A_676 = arith.addi %mul3A_2, %add3A_675 : i32
    %dma_wait3A_677 = arith.constant 2 : i32
    %dma_wait3A_678 = arith.constant 0 : i32
    %dma_wait3A_679 = arith.constant 0 : i32
    %dma_wait3A_680 = tpu.memref_slice %arg8[%dma_wait3A_677, %dma_wait3A_678, %dma_wait3A_679] : memref<4x200x32xf32, #tpu.memory_space<vmem>> -> memref<1x200x32xf32, #tpu.memory_space<vmem>>
    %dma_wait3A_681 = tpu.memref_squeeze %dma_wait3A_680 : memref<1x200x32xf32, #tpu.memory_space<vmem>> -> memref<200x32xf32, #tpu.memory_space<vmem>>
    %dma_wait3A_682 = arith.constant 0 : i32
    %dma_wait3A_683 = tpu.memref_slice %arg5[%add3A_676, %dma_wait3A_682] : memref<819200x128xf32, #tpu.memory_space<hbm>> -> memref<200x32xf32, #tpu.memory_space<hbm>>
    %dma_wait3A_684 = arith.constant 0 : i32
    %dma_wait3A_685 = tpu.memref_slice %arg5[%add3A_676, %dma_wait3A_684] : memref<819200x128xf32, #tpu.memory_space<hbm>> -> memref<200x32xf32, #tpu.memory_space<hbm>>
    %dma_wait3A_686 = arith.constant 0 : i32
    %dma_wait3A_687 = arith.constant 0 : i32
    %dma_wait3A_688 = tpu.memref_slice %arg8[%dma_wait3A_677, %dma_wait3A_686, %dma_wait3A_687] : memref<4x200x32xf32, #tpu.memory_space<vmem>> -> memref<1x200x32xf32, #tpu.memory_space<vmem>>
    %dma_wait3A_689 = tpu.memref_squeeze %dma_wait3A_688 : memref<1x200x32xf32, #tpu.memory_space<vmem>> -> memref<200x32xf32, #tpu.memory_space<vmem>>
    tpu.wait_dma2 semaphore(%arg16 : memref<!tpu.dma_semaphore, #tpu.memory_space<semaphore_mem>>) src(%dma_wait3A_689 : memref<200x32xf32, #tpu.memory_space<vmem>>) dst(%dma_wait3A_685 : memref<200x32xf32, #tpu.memory_space<hbm>>)
    %add3A_690 = arith.constant 25400 : i32
    %add3A_691 = arith.addi %mul3A_2, %add3A_690 : i32
    %dma_wait3A_692 = arith.constant 3 : i32
    %dma_wait3A_693 = arith.constant 0 : i32
    %dma_wait3A_694 = arith.constant 0 : i32
    %dma_wait3A_695 = tpu.memref_slice %arg8[%dma_wait3A_692, %dma_wait3A_693, %dma_wait3A_694] : memref<4x200x32xf32, #tpu.memory_space<vmem>> -> memref<1x200x32xf32, #tpu.memory_space<vmem>>
    %dma_wait3A_696 = tpu.memref_squeeze %dma_wait3A_695 : memref<1x200x32xf32, #tpu.memory_space<vmem>> -> memref<200x32xf32, #tpu.memory_space<vmem>>
    %dma_wait3A_697 = arith.constant 0 : i32
    %dma_wait3A_698 = tpu.memref_slice %arg5[%add3A_691, %dma_wait3A_697] : memref<819200x128xf32, #tpu.memory_space<hbm>> -> memref<200x32xf32, #tpu.memory_space<hbm>>
    %dma_wait3A_699 = arith.constant 0 : i32
    %dma_wait3A_700 = tpu.memref_slice %arg5[%add3A_691, %dma_wait3A_699] : memref<819200x128xf32, #tpu.memory_space<hbm>> -> memref<200x32xf32, #tpu.memory_space<hbm>>
    %dma_wait3A_701 = arith.constant 0 : i32
    %dma_wait3A_702 = arith.constant 0 : i32
    %dma_wait3A_703 = tpu.memref_slice %arg8[%dma_wait3A_692, %dma_wait3A_701, %dma_wait3A_702] : memref<4x200x32xf32, #tpu.memory_space<vmem>> -> memref<1x200x32xf32, #tpu.memory_space<vmem>>
    %dma_wait3A_704 = tpu.memref_squeeze %dma_wait3A_703 : memref<1x200x32xf32, #tpu.memory_space<vmem>> -> memref<200x32xf32, #tpu.memory_space<vmem>>
    tpu.wait_dma2 semaphore(%arg17 : memref<!tpu.dma_semaphore, #tpu.memory_space<semaphore_mem>>) src(%dma_wait3A_704 : memref<200x32xf32, #tpu.memory_space<vmem>>) dst(%dma_wait3A_700 : memref<200x32xf32, #tpu.memory_space<hbm>>)
    return
  }
}

</mosaic_0001>

<sc_bundles>
// kernel: kernel.3.cloned.1.call-start
scs
__scs_entry_jumppad:
0x0: {  	(pc) =	sbr.rel $0x88, $3  }
0x1: {  	(tag) =	ssettag $0x0;
	lr =	simm.s32 $0x1  }
0x2: {  	[smem:$0x3F9E] =	sst lr;
	_ =	strace $0xD0000000  }
0x3: {  	_ = 	snop  }
0x4: {  	_ = 	snop  }
0x5: {  	_ = 	snop  }
0x6: {  	_ = 	snop  }
0x7: {  	_ = 	snop  }
__scs_overlays_trampoline_lowered:
0x8: {  	[smem:$0x3FAD] =	sst s0  }
0x9: {  	[smem:$0x3FAE] =	sst s1  }
0xa: {  	[smem:$0x3FAF] =	sst s2  }
0xb: {  	[smem:$0x3FB0] =	sst s3  }
0xc: {  	[smem:$0x3FB1] =	sst s4  }
0xd: {  	[smem:$0x3FB2] =	sst s5  }
0xe: {  	[smem:$0x3FB3] =	sst s6  }
0xf: {  	[smem:$0x3FB4] =	sst s7  }
0x10: {  	[smem:$0x3FB5] =	sst s8  }
0x11: {  	[smem:$0x3FB6] =	sst s9;
	s0 =	simm.s32 @!p0 $0x0  }
0x12: {  	s1 =	sld [smem:$0x3F9C];
	s0 =	simm.s32 @p0 $0x1  }
0x13: {  	[smem:$0x3FB7] =	sst s0;
	s0 =	simm.s32 @!p1 $0x0  }
0x14: {  	s2 =	sld [smem:$0x3F9B];
	s0 =	simm.s32 @p1 $0x1  }
0x15: {  	[smem:$0x3FB8] =	sst s0;
	s0 =	simm.s32 @!p2 $0x0  }
0x16: {  	s3 =	sld [smem:$0x3FDB];
	s0 =	simm.s32 @p2 $0x1  }
0x17: {  	s4 =	simm.s32 $0x1BF5;
	[smem:$0x3FBA] =	sst s0  }
0x18: {  	s0 =	sld [smem:$0x3F9D];
	_ =	swait.ge [sflag:s4], $0x0  }
0x19: {  	s7 =	sld [smem:$0x3F9E]  }
0x1a: {  	s8 =	sadd.s32 $0xFFFFE003, lr  }
0x1b: {  	s9 =	sadd.s32 $0xFFFFFEF7, lr;
	s5 =	simm.s32 $0xFFFFFFFF;
	p2 =	slt.u32 s8, $0xFFFFF086  }
0x1c: {  	p1 =	slt.u32 s9, $0xF7A;
	s5 =	simm.s32 @!p2 $0x0  }
0x1d: {  	s5 =	simm.s32 @p1 $0x1;
	p0 =	seq.s32 s7, s2  }
0x1e: {  	s7 =	smul.u32 @!p0 $0xF7A, s2;
	p2 =	seq.s32 @!p0 s5, $0x0  }
0x1f: {  	s9 =	smul.u32 $0xF7A, s1;
	s8 =	simm.s32 @!p0 $0x1BF5;
	p2 =	por !p2, p0  }
0x20: {  	[sflag:s8] =	ssyncset.s32 @!p0 $0xFFFFF086;
	s6 =	sadd.s32 @!p0 s3, s7;
	s7 =	simm.s32 @!p0 $0x108  }
0x21: {  	s3 =	sadd.s32 s3, s9;
	s6 =	sadd.s32 @!p0 $0x88, s6;
	s7 =	simm.s32 @p2 $0x1082  }
0x22: {  	[simem:s7], [sflag:s8] =	dma.local @!p0 [hbm:s6], $0xF7A  }
0x23: {  	s9 =	sor.u32 $0xD0000000, s2;
	s6 =	simm.s32 $0x108;
	_ =	swait.ge @!p0 [sflag:s8], $0x0  }
0x24: {  	s3 =	sadd.s32 $0x88, s3;
	s6 =	simm.s32 @!p1 $0x1082;
	[sflag:s4] =	ssyncset.s32 $0xFFFFF086  }
0x25: {  	[simem:s6], [sflag:s4] =	dma.local [hbm:s3], $0xF7A  }
0x26: {  	[smem:$0x3F9E] =	sst s1;
	(tag) =	ssettag s2;
	_ =	strace s9  }
0x27: {  	s1 =	sld [smem:$0x3FAE]  }
0x28: {  	s2 =	sld [smem:$0x3FAF]  }
0x29: {  	s4 =	sld [smem:$0x3FB1]  }
0x2a: {  	p0 =	seq.s32 s5, $0x0;
	s5 =	sld [smem:$0x3FB2]  }
0x2b: {  	s6 =	sld [smem:$0x3FB3]  }
0x2c: {  	s7 =	sld [smem:$0x3FB4]  }
0x2d: {  	s3 =	simm.s32 $0x108;
	s8 =	sld [smem:$0x3FB5]  }
0x2e: {  	s3 =	simm.s32 @!p0 $0x1082;
	s9 =	sld [smem:$0x3FB6]  }
0x2f: {  	lr =	sadd.s32 s0, s3;
	s0 =	sld [smem:$0x3FAD]  }
0x30: {  	s3 =	sld [smem:$0x3FB0]  }
0x31: {  	[smem:$0x3FB9] =	sst s10  }
0x32: {  	s10 =	sld [smem:$0x3FB7];
	_ =	sdelay $0x3  }
0x33: {  	p0 =	seq.s32 s10, $0x1;
	s10 =	sld [smem:$0x3FB9];
	_ =	sdelay $0x3  }
0x34: {  	[smem:$0x3FB9] =	sst s10  }
0x35: {  	s10 =	sld [smem:$0x3FB8];
	_ =	sdelay $0x3  }
0x36: {  	p1 =	seq.s32 s10, $0x1;
	s10 =	sld [smem:$0x3FB9];
	_ =	sdelay $0x3  }
0x37: {  	[smem:$0x3FB9] =	sst s10  }
0x38: {  	s10 =	sld [smem:$0x3FBA]  }
0x39: {  	_ = 	snop;
	(pc) =	sbr.ind lr, $3  }
0x3a: {  	_ = 	snop  }
0x3b: {  	_ = 	snop  }
0x3c: {  	p2 =	seq.s32 s10, $0x1;
	s10 =	sld [smem:$0x3FB9]  }
0x3d: {  	_ =	shalt  }
0x3e: {  	_ =	shalt  }
0x3f: {  	_ =	shalt  }
0x40: {  	_ =	shalt  }
0x41: {  	_ =	shalt  }
0x42: {  	_ =	shalt  }
0x43: {  	_ =	shalt  }
0x44: {  	_ =	shalt  }
0x45: {  	_ =	shalt  }
0x46: {  	_ =	shalt  }
0x47: {  	_ =	shalt  }
0x48: {  	_ =	shalt  }
0x49: {  	_ =	shalt  }
0x4a: {  	_ =	shalt  }
0x4b: {  	_ =	shalt  }
0x4c: {  	_ =	shalt  }
0x4d: {  	_ =	shalt  }
0x4e: {  	_ =	shalt  }
0x4f: {  	_ =	shalt  }
0x50: {  	_ =	shalt  }
0x51: {  	_ =	shalt  }
0x52: {  	_ =	shalt  }
0x53: {  	_ =	shalt  }
0x54: {  	_ =	shalt  }
0x55: {  	_ =	shalt  }
0x56: {  	_ =	shalt  }
0x57: {  	_ =	shalt  }
0x58: {  	_ =	shalt  }
0x59: {  	_ =	shalt  }
0x5a: {  	_ =	shalt  }
0x5b: {  	_ =	shalt  }
0x5c: {  	_ =	shalt  }
0x5d: {  	_ =	shalt  }
0x5e: {  	_ =	shalt  }
0x5f: {  	_ =	shalt  }
0x60: {  	_ =	shalt  }
0x61: {  	_ =	shalt  }
0x62: {  	_ =	shalt  }
0x63: {  	_ =	shalt  }
0x64: {  	_ =	shalt  }
0x65: {  	_ =	shalt  }
0x66: {  	_ =	shalt  }
0x67: {  	_ =	shalt  }
0x68: {  	_ =	shalt  }
0x69: {  	_ =	shalt  }
0x6a: {  	_ =	shalt  }
0x6b: {  	_ =	shalt  }
0x6c: {  	_ =	shalt  }
0x6d: {  	_ =	shalt  }
0x6e: {  	_ =	shalt  }
0x6f: {  	_ =	shalt  }
0x70: {  	_ =	shalt  }
0x71: {  	_ =	shalt  }
0x72: {  	_ =	shalt  }
0x73: {  	_ =	shalt  }
0x74: {  	_ =	shalt  }
0x75: {  	_ =	shalt  }
0x76: {  	_ =	shalt  }
0x77: {  	_ =	shalt  }
0x78: {  	_ =	shalt  }
0x79: {  	_ =	shalt  }
0x7a: {  	_ =	shalt  }
0x7b: {  	_ =	shalt  }
0x7c: {  	_ =	shalt  }
0x7d: {  	_ =	shalt  }
0x7e: {  	_ =	shalt  }
0x7f: {  	_ =	shalt  }
0x80: {  	_ =	shalt  }
0x81: {  	_ =	shalt  }
0x82: {  	_ =	shalt  }
0x83: {  	_ =	shalt  }
0x84: {  	_ =	shalt  }
0x85: {  	_ =	shalt  }
0x86: {  	_ =	shalt  }
0x87: {  	_ =	shalt  }
.Lfunc_end0:
.L_simem_size_0:
called_computation.1_lowered:
.L_overlay_start_0:
0x88: {  	s2 =	sld [smem:$0x3FD9]  }
0x89: {  	s3 =	sld [smem:$0x3FFE];
	_ =	sdelay $0x1  }
0x8a: {  	s1 =	srdreg.scid  }
0x8b: {  	s0 =	sand.u32 $0x1, s1  }
0x8c: {  	s17 =	sshll.u32 s0, $0xA;
	s2 =	sadd.s32 s3, s2  }
0x8d: {  	s2 =	sadd.s32 s2, s17  }
0x8e: {  	[smem:$0x3FC5] =	sst s2  }
0x8f: {  	_ = 	snop  }
0x90: {  	s2 =	sld [smem:$0x3FD0];
	(tm) =	ssettm $0x1  }
0x91: {  	s18 =	sld [smem:$0x3FFB];
	_ =	sdelay $0x3  }
0x92: {  	_ =	strace s18  }
0x93: {  	s3 =	sld [smem:$0x3FFC];
	_ =	sdelay $0x3  }
0x94: {  	_ =	strace s3  }
0x95: {  	s3 =	sld [smem:$0x3FFD];
	_ =	sdelay $0x3  }
0x96: {  	_ =	strace s3  }
0x97: {  	_ =	strace $0x8FFFFFFF  }
0x98: {  	s19 =	sld [smem:$0x3FDB];
	_ =	sdelay $0x1  }
0x99: {  	s4 =	simm.s32 $_scs_section_size  }
0x9a: {  	s5 =	simm.s32 $_size__tile_overlayer_lowered;
	s6 =	simm.s32 $_tile_overlayer_lowered  }
0x9b: {  	s22 =	simm.s32 $0x1BFF;
	s21 =	sshll.u32 s6, $0x1;
	s3 =	sadd.s32 s4, s19  }
0x9c: {  	s7 =	simm.s32 $0x0;
	s20 =	sshll.u32 s5, $0x1;
	s5 =	sadd.s32 s21, s3  }
0x9d: {  	[timem:s7], [sflag:s22] =	dma.local [hbm:s5], s20  }
0x9e: {  	_ =	swait.ge [sflag:s22], s20  }
0x9f: {  	s4 =	ssub.s32 $0x0, s20;
	[sflag:s22] =	ssyncset.done $0x0  }
0xa0: {  	[sflag:s22] =	ssyncadd.s32 s4;
	_ =	sdelay $0x1  }
0xa1: {  	s23 =	simm.s32 $0x1B8B  }
0xa2: {  	_ =	swait.ge [sflag:s23], $0x1  }
0xa3: {  	[sflag:s23] =	ssyncset.done $0x0  }
0xa4: {  	s25 =	simm.s32 $0x1B8E;
	s24 =	sld [smem:$0x3FFE];
	[sflag:s23] =	ssyncadd.s32 $0xFFFFFFFF  }
0xa5: {  	s26 =	simm.s32 $execute0_lowered;
	[smem:$0x3FD2] =	sst s25  }
0xa6: {  	s5 =	sshll.u32 s26, $0x1;
	_ =	strace $0x80000046;
	[dreg:$0x1] =	wrdreg $0xFFFFFFFF  }
0xa7: {  	s28 =	simm.s32 $_size_execute0_lowered;
	s3 =	sadd.s32 s3, s5;
	[dreg:$0x0] =	wrdreg $0x0  }
0xa8: {  	s5 =	sshll.u32 s28, $0x1;
	[dreg:$0x2] =	wrdreg s3  }
0xa9: {  	[dreg:$0x3] =	wrdreg s5  }
0xaa: {  	[dreg:$0x4] =	wrdreg $0xC0  }
0xab: {  	_ =	task [dreg:s7], $0x5FFFF  }
0xac: {  	[dreg:$0x1] =	wrdreg $0xFFFFFFFF  }
0xad: {  	[dreg:$0x0] =	wrdreg $0x60  }
0xae: {  	[dreg:$0x2] =	wrdreg s2  }
0xaf: {  	[dreg:$0x3] =	wrdreg s24  }
0xb0: {  	[dreg:$0x4] =	wrdreg $0x9  }
0xb1: {  	_ =	task.clear_ibuf [dreg:s7], $0x5FFFF;
	_ =	strace $0x90000046  }
0xb2: {  	s29 =	simm.s32 $0x9;
	_ =	strace $0x80000048  }
0xb3: {  	_ =	swait.ge [sflag:s29], $0x1  }
0xb4: {  	[sflag:s29] =	ssyncadd.s32 $0xFFFFFFFF  }
0xb5: {  	_ =	strace $0x90000048  }
0xb6: {  	_ =	sfence  }
0xb7: {  	s30 =	sld [smem:$0x0];
	_ =	sdelay $0x2  }
0xb8: {  	s31 =	sshll.u32 s1, $0xD;
	s1 =	sshrl.u32 s1, $0x2  }
0xb9: {  	s3 =	sand.u32 $0x4000, s31;
	s1 =	sadd.s32 s1, s30  }
0xba: {  	s0 =	sor.u32 s3, s0;
	s1 =	sshll.u32 s1, $0x11  }
0xbb: {  	s0 =	sor.u32 s1, s0  }
0xbc: {  	s0 =	sadd.s32 $0x8F2B, s0  }
0xbd: {  	[sflag:s0] =	ssyncadd.remote.s32 $0x1  }
0xbe: {  	_ =	sfence.sel $0xFFFF  }
0xbf: {  	[dreg:$0x0] =	wrdreg $0xFFFFFFFF;
	(pc) =	sbr.abs _section_cstart, $3  }
0xc0: {  	[dreg:$0x1] =	wrdreg $0xFFFFFFFF  }
0xc1: {  	_ =	task.clear_ibuf [dreg:s7], $0x2FFFF;
	_ =	strace $0x9FFFFFFF  }
0xc2: {  	(tm) =	ssettm $0x7FFFFFFF  }
0xc3: {  	_ =	shalt  }
tec
execute0_lowered:
.L_overlay_start_1:
0x0: {  	(tag) =	ssettag $0x1  }
0x1: {  	s0 =	rddreg [dreg:$0x0]  }
0x2: {  	s1 =	rddreg [dreg:$0x1];
	s2 =	srdreg.scid  }
0x3: {  	s3 =	stileid.u32;
	s4 =	simm.s32 $0x0;
	s28 =	simm.s32 $0x9600  }
0x4: {  	s30 =	simm.s32 $0xA300;
	s31 =	simm.s32 $0x2;
	s29 =	simm.s32 $0x3  }
0x5: {  	s8 =	simm.s32 $0x6;
	s9 =	simm.s32 $0x5;
	s10 =	simm.s32 $0x7  }
0x6: {  	s11 =	simm.s32 $0x8;
	s14 =	simm.s32 $0x9;
	s15 =	simm.s32 $0x0  }
0x7: {  	s2 =	sand.u32 $0x1, s2;
	s3 =	sshll.u32 s3, $0x1;
	[smem:$0x7FF] =	sst s4  }
0x8: {  	s6 =	sadd.s32 $0xC00, s1;
	s5 =	sor.u32 s2, s3;
	_ =	strace $0x80000047  }
0x9: {  	s3 =	sadd.s32 $0xF43000, s1;
	s2 =	ssub.s32 $0x2, s2;
	s4 =	smul.u32 $0x6400, s5  }
0xa: {  	[dreg:$0x3] =	wrdreg s6;
	s7 =	smul.u32 $0x64000, s5;
	s17 =	sshrl.u32 s2, $0x1  }
0xb: {  	s6 =	sadd.s32 $0x1000, s1;
	s5 =	smul.u32 $0x320000, s5;
	s1 =	ssub.s32 s2, s17  }
0xc: {  	s2 =	simm.s32 $0xC800;
	s18 =	sshrl.u32 s4, $0x3;
	s7 =	sadd.s32 s6, s7  }
0xd: {  	s20 =	sshrl.u32 s5, $0x3;
	s26 =	smax.u32 s1, $0x1;
	[dreg:$0x4] =	wrdreg s7  }
0xe: {  	s12 =	sor.u32 $0x320, s4;
	s0 =	sadd.s32 s0, s18;
	[dreg:$0xd] =	wrdreg s26  }
0xf: {  	s13 =	sor.u32 $0x3E8, s4;
	s19 =	sadd.s32 $0xC80, s7;
	[dreg:$0x5] =	wrdreg s0  }
0x10: {  	s1 =	simm.s32 $0x80;
	s21 =	sadd.s32 $0x1900, s7;
	[dreg:$0x6] =	wrdreg s19  }
0x11: {  	s22 =	sadd.s32 $0x2580, s7;
	[dreg:$0x7] =	wrdreg s21;
	s0 =	sadd.s32 s6, s20  }
0x12: {  	s5 =	simm.s32 $0x4;
	[dreg:$0x8] =	wrdreg s22;
	s23 =	sadd.s32 $0x60E00, s0  }
0x13: {  	s26 =	simm.s32 $0xAF00;
	s24 =	sadd.s32 $0x61A80, s0;
	[dreg:$0x9] =	wrdreg s23  }
0x14: {  	s21 =	simm.s32 $0x68;
	s25 =	sadd.s32 $0x62700, s0;
	[dreg:$0xa] =	wrdreg s24  }
0x15: {  	s22 =	simm.s32 $0x7D00;
	s0 =	sadd.s32 $0x63380, s0;
	[dreg:$0xb] =	wrdreg s25  }
0x16: {  	s20 =	simm.s32 $0xD500;
	[dreg:$0xc] =	wrdreg s0;
	s23 =	simm.s32 $0x60  }
0x17: {  	s25 =	simm.s32 $0x8A00;
	s0 =	simm.s32 $0x20;
	s24 =	simm.s32 $0xBC00  }
.LBB2_1:
0x18: {  	[dreg:$0xe] =	wrdreg s15  }
0x19: {  	s7 =	simm.s32 $0x0;
	s18 =	rddreg [dreg:$0x3];
	s16 =	simm.s32 $0x1  }
0x1a: {  	[tilespmem:s7], [sflag:$0x1] =	stream.linear.gather [hbm4b:s18+s7], $0x1900, $0x38;
	[tilespmem:$0xE100] =	vst v63  }
0x1b: {  	_ =	swait.ge [sflag:s16], $0x1900  }
0x1c: {  	[sflag:s16] =	ssyncset.done $0x0  }
0x1d: {  	s17 =	simm.s32 $0x1900;
	s19 =	rddreg [dreg:$0x5];
	[sflag:s16] =	ssyncadd.s32 $0xFFFFE700  }
0x1e: {  	[tilespmem:s17], [sflag:$0x1] =	stream.linear.gather [hbm4b:s19+s7], $0x6400, $0x38;
	[tilespmem:$0xE100] =	vst v63  }
0x1f: {  	_ =	swait.ge [sflag:s16], $0x6400  }
0x20: {  	[sflag:s16] =	ssyncset.done $0x0  }
0x21: {  	[sflag:s16] =	ssyncadd.s32 $0xFFFF9C00  }
0x22: {  	[tilespmem:s22], [sflag:$0x2] =	stream.indirect.gather [hbm4b:s3+s21], $0x20, s17, s21, $0xb8;
	[tilespmem:$0xE100] =	vst v63  }
0x23: {  	s17 =	simm.s32 $0x1968  }
0x24: {  	[tilespmem:s25], [sflag:$0x2] =	stream.indirect.gather [hbm4b:s3+s23], $0x20, s17, s23, $0xb8;
	[tilespmem:$0xE100] =	vst v63  }
0x25: {  	s18 =	simm.s32 $0x19C8  }
0x26: {  	[tilespmem:s28], [sflag:$0x3] =	stream.indirect.gather [hbm4b:s3+s21], $0x20, s18, s21, $0xb8;
	[tilespmem:$0xE100] =	vst v63  }
0x27: {  	s19 =	simm.s32 $0x1A30  }
0x28: {  	[tilespmem:s30], [sflag:$0x3] =	stream.indirect.gather [hbm4b:s3+s23], $0x20, s19, s23, $0xb8;
	[tilespmem:$0xE100] =	vst v63  }
0x29: {  	_ =	swait.ge [sflag:s31], $0xD00  }
0x2a: {  	[sflag:s31] =	ssyncset.done $0x0  }
0x2b: {  	[sflag:s31] =	ssyncadd.s32 $0xFFFFF300  }
0x2c: {  	_ =	swait.ge [sflag:s31], $0xC00  }
0x2d: {  	[sflag:s31] =	ssyncset.done $0x0  }
0x2e: {  	s7 =	simm.s32 $0x0;
	s16 =	simm.s32 $0x400;
	[sflag:s31] =	ssyncadd.s32 $0xFFFFF400  }
.LBB2_2:
0x2f: {  	p0 =	sne.s32 s16, $0x6000;
	v0 =	vld [tilespmem:s7+$0xF0]  }
0x30: {  	v1 =	vld [tilespmem:s7+$0x0]  }
0x31: {  	v2 =	vld [tilespmem:s7+$0x10]  }
0x32: {  	v3 =	vld [tilespmem:s7+$0x20]  }
0x33: {  	v4 =	vld [tilespmem:s7+$0x30]  }
0x34: {  	[tilespmem:s7+$0x7DF0] =	vst.add.f32.msk $0xffff, v0  }
0x35: {  	v0 =	vld [tilespmem:s7+$0x40]  }
0x36: {  	v5 =	vld [tilespmem:s7+$0x50]  }
0x37: {  	v6 =	vld [tilespmem:s7+$0x60]  }
0x38: {  	v7 =	vld [tilespmem:s7+$0x70]  }
0x39: {  	v8 =	vld [tilespmem:s7+$0x80]  }
0x3a: {  	v9 =	vld [tilespmem:s7+$0x90]  }
0x3b: {  	v10 =	vld [tilespmem:s7+$0xA0]  }
0x3c: {  	v11 =	vld [tilespmem:s7+$0xB0]  }
0x3d: {  	v12 =	vld [tilespmem:s7+$0xC0]  }
0x3e: {  	v13 =	vld [tilespmem:s7+$0xD0]  }
0x3f: {  	v14 =	vld [tilespmem:s7+$0xE0]  }
0x40: {  	[tilespmem:s7+$0x7D00] =	vst.add.f32.msk $0xffff, v1  }
0x41: {  	[tilespmem:s7+$0x7D10] =	vst.add.f32.msk $0xffff, v2  }
0x42: {  	[tilespmem:s7+$0x7D20] =	vst.add.f32.msk $0xffff, v3  }
0x43: {  	[tilespmem:s7+$0x7D30] =	vst.add.f32.msk $0xffff, v4  }
0x44: {  	[tilespmem:s7+$0x7D40] =	vst.add.f32.msk $0xffff, v0  }
0x45: {  	[tilespmem:s7+$0x7D50] =	vst.add.f32.msk $0xffff, v5  }
0x46: {  	[tilespmem:s7+$0x7D60] =	vst.add.f32.msk $0xffff, v6  }
0x47: {  	[tilespmem:s7+$0x7D70] =	vst.add.f32.msk $0xffff, v7  }
0x48: {  	[tilespmem:s7+$0x7D80] =	vst.add.f32.msk $0xffff, v8  }
0x49: {  	[tilespmem:s7+$0x7D90] =	vst.add.f32.msk $0xffff, v9  }
.Ltmp0:
0x4a: {  	[tilespmem:s7+$0x7DA0] =	vst.add.f32.msk $0xffff, v10;
	(pc) =	sbr.rel @p0 .LBB2_2-.Ltmp0, $4  }
0x4b: {  	[tilespmem:s7+$0x7DB0] =	vst.add.f32.msk $0xffff, v11  }
0x4c: {  	[tilespmem:s7+$0x7DC0] =	vst.add.f32.msk $0xffff, v12  }
0x4d: {  	[tilespmem:s7+$0x7DD0] =	vst.add.f32.msk $0xffff, v13  }
0x4e: {  	[tilespmem:s7+$0x7DE0] =	vst.add.f32.msk $0xffff, v14;
	s7 =	sshra.s32 s16, $0x2;
	s16 =	sadd.s32 $0x400, s16  }
0x4f: {  	v0 =	vld [tilespmem:s7+$0xF0]  }
0x50: {  	v1 =	vld [tilespmem:s7+$0x0]  }
0x51: {  	v2 =	vld [tilespmem:s7+$0x10]  }
0x52: {  	v3 =	vld [tilespmem:s7+$0x20]  }
0x53: {  	v4 =	vld [tilespmem:s7+$0x30]  }
0x54: {  	v63 =	vld [tilespmem:s7+$0x40]  }
0x55: {  	v5 =	vld [tilespmem:s7+$0x50]  }
0x56: {  	v6 =	vld [tilespmem:s7+$0x60]  }
0x57: {  	v7 =	vld [tilespmem:s7+$0x70]  }
0x58: {  	v8 =	vld [tilespmem:s7+$0x80]  }
0x59: {  	v9 =	vld [tilespmem:s7+$0x90]  }
0x5a: {  	v10 =	vld [tilespmem:s7+$0xA0]  }
0x5b: {  	v11 =	vld [tilespmem:s7+$0xB0]  }
0x5c: {  	v12 =	vld [tilespmem:s7+$0xC0]  }
0x5d: {  	v13 =	vld [tilespmem:s7+$0xD0]  }
0x5e: {  	v14 =	vld [tilespmem:s7+$0xE0]  }
0x5f: {  	[tilespmem:s7+$0x7DF0] =	vst.add.f32.msk $0xffff, v0  }
0x60: {  	[tilespmem:s7+$0x7D00] =	vst.add.f32.msk $0xffff, v1  }
0x61: {  	[tilespmem:s7+$0x7D10] =	vst.add.f32.msk $0xffff, v2  }
0x62: {  	[tilespmem:s7+$0x7D20] =	vst.add.f32.msk $0xffff, v3  }
0x63: {  	[tilespmem:s7+$0x7D30] =	vst.add.f32.msk $0xffff, v4  }
0x64: {  	[tilespmem:s7+$0x7D40] =	vst.add.f32.msk $0xffff, v63  }
0x65: {  	[tilespmem:s7+$0x7D50] =	vst.add.f32.msk $0xffff, v5  }
0x66: {  	[tilespmem:s7+$0x7D60] =	vst.add.f32.msk $0xffff, v6  }
0x67: {  	[tilespmem:s7+$0x7D70] =	vst.add.f32.msk $0xffff, v7  }
0x68: {  	[tilespmem:s7+$0x7D80] =	vst.add.f32.msk $0xffff, v8  }
0x69: {  	[tilespmem:s7+$0x7D90] =	vst.add.f32.msk $0xffff, v9  }
0x6a: {  	[tilespmem:s7+$0x7DA0] =	vst.add.f32.msk $0xffff, v10  }
0x6b: {  	[tilespmem:s7+$0x7DB0] =	vst.add.f32.msk $0xffff, v11  }
0x6c: {  	[tilespmem:s7+$0x7DC0] =	vst.add.f32.msk $0xffff, v12  }
0x6d: {  	[tilespmem:s7+$0x7DD0] =	vst.add.f32.msk $0xffff, v13  }
0x6e: {  	s17 =	rddreg [dreg:$0x4];
	[tilespmem:s7+$0x7DE0] =	vst.add.f32.msk $0xffff, v14  }
0x6f: {  	[hbm4b:s17+s0] =	stream.strided.scatter [tilespmem:s22], [sflag:$0x6], $0x1900, s1, s0, $0x38;
	[tilespmem:$0xE100] =	vst v63  }
0x70: {  	s18 =	simm.s32 $0x1A90  }
0x71: {  	[tilespmem:s26], [sflag:$0x4] =	stream.indirect.gather [hbm4b:s3+s21], $0x20, s18, s21, $0xb8;
	[tilespmem:$0xE100] =	vst v63  }
0x72: {  	s19 =	simm.s32 $0x1AF8  }
0x73: {  	[tilespmem:s24], [sflag:$0x4] =	stream.indirect.gather [hbm4b:s3+s23], $0x20, s19, s23, $0xb8;
	[tilespmem:$0xE100] =	vst v63  }
0x74: {  	_ =	swait.ge [sflag:s29], $0xD00  }
0x75: {  	[sflag:s29] =	ssyncset.done $0x0  }
0x76: {  	[sflag:s29] =	ssyncadd.s32 $0xFFFFF300  }
0x77: {  	_ =	swait.ge [sflag:s29], $0xC00  }
0x78: {  	[sflag:s29] =	ssyncset.done $0x0  }
0x79: {  	s16 =	simm.s32 $0x400;
	s7 =	simm.s32 $0x0;
	[sflag:s29] =	ssyncadd.s32 $0xFFFFF400  }
.LBB2_4:
0x7a: {  	p0 =	sne.s32 s16, $0x6000;
	v0 =	vld [tilespmem:s7+$0xF0]  }
0x7b: {  	v1 =	vld [tilespmem:s7+$0x0]  }
0x7c: {  	v2 =	vld [tilespmem:s7+$0x10]  }
0x7d: {  	v3 =	vld [tilespmem:s7+$0x20]  }
0x7e: {  	v4 =	vld [tilespmem:s7+$0x30]  }
0x7f: {  	[tilespmem:s7+$0x96F0] =	vst.add.f32.msk $0xffff, v0  }
0x80: {  	v0 =	vld [tilespmem:s7+$0x40]  }
0x81: {  	v5 =	vld [tilespmem:s7+$0x50]  }
0x82: {  	v6 =	vld [tilespmem:s7+$0x60]  }
0x83: {  	v7 =	vld [tilespmem:s7+$0x70]  }
0x84: {  	v8 =	vld [tilespmem:s7+$0x80]  }
0x85: {  	v9 =	vld [tilespmem:s7+$0x90]  }
0x86: {  	v10 =	vld [tilespmem:s7+$0xA0]  }
0x87: {  	v11 =	vld [tilespmem:s7+$0xB0]  }
0x88: {  	v12 =	vld [tilespmem:s7+$0xC0]  }
0x89: {  	v13 =	vld [tilespmem:s7+$0xD0]  }
0x8a: {  	v14 =	vld [tilespmem:s7+$0xE0]  }
0x8b: {  	[tilespmem:s7+$0x9600] =	vst.add.f32.msk $0xffff, v1  }
0x8c: {  	[tilespmem:s7+$0x9610] =	vst.add.f32.msk $0xffff, v2  }
0x8d: {  	[tilespmem:s7+$0x9620] =	vst.add.f32.msk $0xffff, v3  }
0x8e: {  	[tilespmem:s7+$0x9630] =	vst.add.f32.msk $0xffff, v4  }
0x8f: {  	[tilespmem:s7+$0x9640] =	vst.add.f32.msk $0xffff, v0  }
0x90: {  	[tilespmem:s7+$0x9650] =	vst.add.f32.msk $0xffff, v5  }
0x91: {  	[tilespmem:s7+$0x9660] =	vst.add.f32.msk $0xffff, v6  }
0x92: {  	[tilespmem:s7+$0x9670] =	vst.add.f32.msk $0xffff, v7  }
0x93: {  	[tilespmem:s7+$0x9680] =	vst.add.f32.msk $0xffff, v8  }
0x94: {  	[tilespmem:s7+$0x9690] =	vst.add.f32.msk $0xffff, v9  }
.Ltmp1:
0x95: {  	[tilespmem:s7+$0x96A0] =	vst.add.f32.msk $0xffff, v10;
	(pc) =	sbr.rel @p0 .LBB2_4-.Ltmp1, $4  }
0x96: {  	[tilespmem:s7+$0x96B0] =	vst.add.f32.msk $0xffff, v11  }
0x97: {  	[tilespmem:s7+$0x96C0] =	vst.add.f32.msk $0xffff, v12  }
0x98: {  	[tilespmem:s7+$0x96D0] =	vst.add.f32.msk $0xffff, v13  }
0x99: {  	[tilespmem:s7+$0x96E0] =	vst.add.f32.msk $0xffff, v14;
	s7 =	sshra.s32 s16, $0x2;
	s16 =	sadd.s32 $0x400, s16  }
0x9a: {  	v0 =	vld [tilespmem:s7+$0xF0]  }
0x9b: {  	v1 =	vld [tilespmem:s7+$0x0]  }
0x9c: {  	v2 =	vld [tilespmem:s7+$0x10]  }
0x9d: {  	v3 =	vld [tilespmem:s7+$0x20]  }
0x9e: {  	v4 =	vld [tilespmem:s7+$0x30]  }
0x9f: {  	v63 =	vld [tilespmem:s7+$0x40]  }
0xa0: {  	v5 =	vld [tilespmem:s7+$0x50]  }
0xa1: {  	v6 =	vld [tilespmem:s7+$0x60]  }
0xa2: {  	v7 =	vld [tilespmem:s7+$0x70]  }
0xa3: {  	v8 =	vld [tilespmem:s7+$0x80]  }
0xa4: {  	v9 =	vld [tilespmem:s7+$0x90]  }
0xa5: {  	v10 =	vld [tilespmem:s7+$0xA0]  }
0xa6: {  	v11 =	vld [tilespmem:s7+$0xB0]  }
0xa7: {  	v12 =	vld [tilespmem:s7+$0xC0]  }
0xa8: {  	v13 =	vld [tilespmem:s7+$0xD0]  }
0xa9: {  	v14 =	vld [tilespmem:s7+$0xE0]  }
0xaa: {  	[tilespmem:s7+$0x96F0] =	vst.add.f32.msk $0xffff, v0  }
0xab: {  	[tilespmem:s7+$0x9600] =	vst.add.f32.msk $0xffff, v1  }
0xac: {  	[tilespmem:s7+$0x9610] =	vst.add.f32.msk $0xffff, v2  }
0xad: {  	[tilespmem:s7+$0x9620] =	vst.add.f32.msk $0xffff, v3  }
0xae: {  	[tilespmem:s7+$0x9630] =	vst.add.f32.msk $0xffff, v4  }
0xaf: {  	[tilespmem:s7+$0x9640] =	vst.add.f32.msk $0xffff, v63  }
0xb0: {  	[tilespmem:s7+$0x9650] =	vst.add.f32.msk $0xffff, v5  }
0xb1: {  	[tilespmem:s7+$0x9660] =	vst.add.f32.msk $0xffff, v6  }
0xb2: {  	[tilespmem:s7+$0x9670] =	vst.add.f32.msk $0xffff, v7  }
0xb3: {  	[tilespmem:s7+$0x9680] =	vst.add.f32.msk $0xffff, v8  }
0xb4: {  	[tilespmem:s7+$0x9690] =	vst.add.f32.msk $0xffff, v9  }
0xb5: {  	[tilespmem:s7+$0x96A0] =	vst.add.f32.msk $0xffff, v10  }
0xb6: {  	[tilespmem:s7+$0x96B0] =	vst.add.f32.msk $0xffff, v11  }
0xb7: {  	[tilespmem:s7+$0x96C0] =	vst.add.f32.msk $0xffff, v12  }
0xb8: {  	[tilespmem:s7+$0x96D0] =	vst.add.f32.msk $0xffff, v13  }
0xb9: {  	s17 =	rddreg [dreg:$0x6];
	[tilespmem:s7+$0x96E0] =	vst.add.f32.msk $0xffff, v14  }
0xba: {  	[hbm4b:s17+s0] =	stream.strided.scatter [tilespmem:s28], [sflag:$0x7], $0x1900, s1, s0, $0x38;
	[tilespmem:$0xE100] =	vst v63  }
0xbb: {  	s18 =	simm.s32 $0x1B58  }
0xbc: {  	[tilespmem:s2], [sflag:$0x5] =	stream.indirect.gather [hbm4b:s3+s21], $0x20, s18, s21, $0xb8;
	[tilespmem:$0xE100] =	vst v63  }
0xbd: {  	s19 =	simm.s32 $0x1BC0  }
0xbe: {  	[tilespmem:s20], [sflag:$0x5] =	stream.indirect.gather [hbm4b:s3+s23], $0x20, s19, s23, $0xb8;
	[tilespmem:$0xE100] =	vst v63  }
0xbf: {  	_ =	swait.ge [sflag:s5], $0xD00  }
0xc0: {  	[sflag:s5] =	ssyncset.done $0x0  }
0xc1: {  	[sflag:s5] =	ssyncadd.s32 $0xFFFFF300  }
0xc2: {  	_ =	swait.ge [sflag:s5], $0xC00  }
0xc3: {  	[sflag:s5] =	ssyncset.done $0x0  }
0xc4: {  	s16 =	simm.s32 $0x400;
	s7 =	simm.s32 $0x0;
	[sflag:s5] =	ssyncadd.s32 $0xFFFFF400  }
.LBB2_6:
0xc5: {  	p0 =	sne.s32 s16, $0x6000;
	v0 =	vld [tilespmem:s7+$0xF0]  }
0xc6: {  	v1 =	vld [tilespmem:s7+$0x0]  }
0xc7: {  	v2 =	vld [tilespmem:s7+$0x10]  }
0xc8: {  	v3 =	vld [tilespmem:s7+$0x20]  }
0xc9: {  	v4 =	vld [tilespmem:s7+$0x30]  }
0xca: {  	[tilespmem:s7+$0xAFF0] =	vst.add.f32.msk $0xffff, v0  }
0xcb: {  	v0 =	vld [tilespmem:s7+$0x40]  }
0xcc: {  	v5 =	vld [tilespmem:s7+$0x50]  }
0xcd: {  	v6 =	vld [tilespmem:s7+$0x60]  }
0xce: {  	v7 =	vld [tilespmem:s7+$0x70]  }
0xcf: {  	v8 =	vld [tilespmem:s7+$0x80]  }
0xd0: {  	v9 =	vld [tilespmem:s7+$0x90]  }
0xd1: {  	v10 =	vld [tilespmem:s7+$0xA0]  }
0xd2: {  	v11 =	vld [tilespmem:s7+$0xB0]  }
0xd3: {  	v12 =	vld [tilespmem:s7+$0xC0]  }
0xd4: {  	v13 =	vld [tilespmem:s7+$0xD0]  }
0xd5: {  	v14 =	vld [tilespmem:s7+$0xE0]  }
0xd6: {  	[tilespmem:s7+$0xAF00] =	vst.add.f32.msk $0xffff, v1  }
0xd7: {  	[tilespmem:s7+$0xAF10] =	vst.add.f32.msk $0xffff, v2  }
0xd8: {  	[tilespmem:s7+$0xAF20] =	vst.add.f32.msk $0xffff, v3  }
0xd9: {  	[tilespmem:s7+$0xAF30] =	vst.add.f32.msk $0xffff, v4  }
0xda: {  	[tilespmem:s7+$0xAF40] =	vst.add.f32.msk $0xffff, v0  }
0xdb: {  	[tilespmem:s7+$0xAF50] =	vst.add.f32.msk $0xffff, v5  }
0xdc: {  	[tilespmem:s7+$0xAF60] =	vst.add.f32.msk $0xffff, v6  }
0xdd: {  	[tilespmem:s7+$0xAF70] =	vst.add.f32.msk $0xffff, v7  }
0xde: {  	[tilespmem:s7+$0xAF80] =	vst.add.f32.msk $0xffff, v8  }
0xdf: {  	[tilespmem:s7+$0xAF90] =	vst.add.f32.msk $0xffff, v9  }
.Ltmp2:
0xe0: {  	[tilespmem:s7+$0xAFA0] =	vst.add.f32.msk $0xffff, v10;
	(pc) =	sbr.rel @p0 .LBB2_6-.Ltmp2, $4  }
0xe1: {  	[tilespmem:s7+$0xAFB0] =	vst.add.f32.msk $0xffff, v11  }
0xe2: {  	[tilespmem:s7+$0xAFC0] =	vst.add.f32.msk $0xffff, v12  }
0xe3: {  	[tilespmem:s7+$0xAFD0] =	vst.add.f32.msk $0xffff, v13  }
0xe4: {  	[tilespmem:s7+$0xAFE0] =	vst.add.f32.msk $0xffff, v14;
	s7 =	sshra.s32 s16, $0x2;
	s16 =	sadd.s32 $0x400, s16  }
0xe5: {  	v0 =	vld [tilespmem:s7+$0xF0]  }
0xe6: {  	v1 =	vld [tilespmem:s7+$0x0]  }
0xe7: {  	v2 =	vld [tilespmem:s7+$0x10]  }
0xe8: {  	v3 =	vld [tilespmem:s7+$0x20]  }
0xe9: {  	v4 =	vld [tilespmem:s7+$0x30]  }
0xea: {  	v63 =	vld [tilespmem:s7+$0x40]  }
0xeb: {  	v5 =	vld [tilespmem:s7+$0x50]  }
0xec: {  	v6 =	vld [tilespmem:s7+$0x60]  }
0xed: {  	v7 =	vld [tilespmem:s7+$0x70]  }
0xee: {  	v8 =	vld [tilespmem:s7+$0x80]  }
0xef: {  	v9 =	vld [tilespmem:s7+$0x90]  }
0xf0: {  	v10 =	vld [tilespmem:s7+$0xA0]  }
0xf1: {  	v11 =	vld [tilespmem:s7+$0xB0]  }
0xf2: {  	v12 =	vld [tilespmem:s7+$0xC0]  }
0xf3: {  	v13 =	vld [tilespmem:s7+$0xD0]  }
0xf4: {  	v14 =	vld [tilespmem:s7+$0xE0]  }
0xf5: {  	[tilespmem:s7+$0xAFF0] =	vst.add.f32.msk $0xffff, v0  }
0xf6: {  	[tilespmem:s7+$0xAF00] =	vst.add.f32.msk $0xffff, v1  }
0xf7: {  	[tilespmem:s7+$0xAF10] =	vst.add.f32.msk $0xffff, v2  }
0xf8: {  	[tilespmem:s7+$0xAF20] =	vst.add.f32.msk $0xffff, v3  }
0xf9: {  	[tilespmem:s7+$0xAF30] =	vst.add.f32.msk $0xffff, v4  }
0xfa: {  	[tilespmem:s7+$0xAF40] =	vst.add.f32.msk $0xffff, v63  }
0xfb: {  	[tilespmem:s7+$0xAF50] =	vst.add.f32.msk $0xffff, v5  }
0xfc: {  	[tilespmem:s7+$0xAF60] =	vst.add.f32.msk $0xffff, v6  }
0xfd: {  	[tilespmem:s7+$0xAF70] =	vst.add.f32.msk $0xffff, v7  }
0xfe: {  	[tilespmem:s7+$0xAF80] =	vst.add.f32.msk $0xffff, v8  }
0xff: {  	[tilespmem:s7+$0xAF90] =	vst.add.f32.msk $0xffff, v9  }
0x100: {  	[tilespmem:s7+$0xAFA0] =	vst.add.f32.msk $0xffff, v10  }
0x101: {  	[tilespmem:s7+$0xAFB0] =	vst.add.f32.msk $0xffff, v11  }
0x102: {  	[tilespmem:s7+$0xAFC0] =	vst.add.f32.msk $0xffff, v12  }
0x103: {  	[tilespmem:s7+$0xAFD0] =	vst.add.f32.msk $0xffff, v13  }
0x104: {  	s17 =	rddreg [dreg:$0x7];
	[tilespmem:s7+$0xAFE0] =	vst.add.f32.msk $0xffff, v14  }
0x105: {  	[hbm4b:s17+s0] =	stream.strided.scatter [tilespmem:s26], [sflag:$0x8], $0x1900, s1, s0, $0x38;
	[tilespmem:$0xE100] =	vst v63  }
0x106: {  	_ =	swait.ge [sflag:s8], $0x1900  }
0x107: {  	[sflag:s8] =	ssyncset.done $0x0  }
0x108: {  	s18 =	simm.s32 $0x1C20;
	[sflag:s8] =	ssyncadd.s32 $0xFFFFE700  }
0x109: {  	[tilespmem:s22], [sflag:$0x2] =	stream.indirect.gather [hbm4b:s3+s21], $0x20, s18, s21, $0xb8;
	[tilespmem:$0xE100] =	vst v63  }
0x10a: {  	s19 =	simm.s32 $0x1C88  }
0x10b: {  	[tilespmem:s25], [sflag:$0x2] =	stream.indirect.gather [hbm4b:s3+s23], $0x20, s19, s23, $0xb8;
	[tilespmem:$0xE100] =	vst v63  }
0x10c: {  	_ =	swait.ge [sflag:s9], $0xD00  }
0x10d: {  	[sflag:s9] =	ssyncset.done $0x0  }
0x10e: {  	[sflag:s9] =	ssyncadd.s32 $0xFFFFF300  }
0x10f: {  	_ =	swait.ge [sflag:s9], $0xC00  }
0x110: {  	[sflag:s9] =	ssyncset.done $0x0  }
0x111: {  	s16 =	simm.s32 $0x400;
	s7 =	simm.s32 $0x0;
	[sflag:s9] =	ssyncadd.s32 $0xFFFFF400  }
.LBB2_8:
0x112: {  	p0 =	sne.s32 s16, $0x6000;
	v0 =	vld [tilespmem:s7+$0xF0]  }
0x113: {  	v1 =	vld [tilespmem:s7+$0x0]  }
0x114: {  	v2 =	vld [tilespmem:s7+$0x10]  }
0x115: {  	v3 =	vld [tilespmem:s7+$0x20]  }
0x116: {  	v4 =	vld [tilespmem:s7+$0x30]  }
0x117: {  	[tilespmem:s7+$0xC8F0] =	vst.add.f32.msk $0xffff, v0  }
0x118: {  	v0 =	vld [tilespmem:s7+$0x40]  }
0x119: {  	v5 =	vld [tilespmem:s7+$0x50]  }
0x11a: {  	v6 =	vld [tilespmem:s7+$0x60]  }
0x11b: {  	v7 =	vld [tilespmem:s7+$0x70]  }
0x11c: {  	v8 =	vld [tilespmem:s7+$0x80]  }
0x11d: {  	v9 =	vld [tilespmem:s7+$0x90]  }
0x11e: {  	v10 =	vld [tilespmem:s7+$0xA0]  }
0x11f: {  	v11 =	vld [tilespmem:s7+$0xB0]  }
0x120: {  	v12 =	vld [tilespmem:s7+$0xC0]  }
0x121: {  	v13 =	vld [tilespmem:s7+$0xD0]  }
0x122: {  	v14 =	vld [tilespmem:s7+$0xE0]  }
0x123: {  	[tilespmem:s7+$0xC800] =	vst.add.f32.msk $0xffff, v1  }
0x124: {  	[tilespmem:s7+$0xC810] =	vst.add.f32.msk $0xffff, v2  }
0x125: {  	[tilespmem:s7+$0xC820] =	vst.add.f32.msk $0xffff, v3  }
0x126: {  	[tilespmem:s7+$0xC830] =	vst.add.f32.msk $0xffff, v4  }
0x127: {  	[tilespmem:s7+$0xC840] =	vst.add.f32.msk $0xffff, v0  }
0x128: {  	[tilespmem:s7+$0xC850] =	vst.add.f32.msk $0xffff, v5  }
0x129: {  	[tilespmem:s7+$0xC860] =	vst.add.f32.msk $0xffff, v6  }
0x12a: {  	[tilespmem:s7+$0xC870] =	vst.add.f32.msk $0xffff, v7  }
0x12b: {  	[tilespmem:s7+$0xC880] =	vst.add.f32.msk $0xffff, v8  }
0x12c: {  	[tilespmem:s7+$0xC890] =	vst.add.f32.msk $0xffff, v9  }
.Ltmp3:
0x12d: {  	[tilespmem:s7+$0xC8A0] =	vst.add.f32.msk $0xffff, v10;
	(pc) =	sbr.rel @p0 .LBB2_8-.Ltmp3, $4  }
0x12e: {  	[tilespmem:s7+$0xC8B0] =	vst.add.f32.msk $0xffff, v11  }
0x12f: {  	[tilespmem:s7+$0xC8C0] =	vst.add.f32.msk $0xffff, v12  }
0x130: {  	[tilespmem:s7+$0xC8D0] =	vst.add.f32.msk $0xffff, v13  }
0x131: {  	[tilespmem:s7+$0xC8E0] =	vst.add.f32.msk $0xffff, v14;
	s7 =	sshra.s32 s16, $0x2;
	s16 =	sadd.s32 $0x400, s16  }
0x132: {  	v0 =	vld [tilespmem:s7+$0xF0]  }
0x133: {  	v1 =	vld [tilespmem:s7+$0x0]  }
0x134: {  	v2 =	vld [tilespmem:s7+$0x10]  }
0x135: {  	v3 =	vld [tilespmem:s7+$0x20]  }
0x136: {  	v4 =	vld [tilespmem:s7+$0x30]  }
0x137: {  	v63 =	vld [tilespmem:s7+$0x40]  }
0x138: {  	v5 =	vld [tilespmem:s7+$0x50]  }
0x139: {  	v6 =	vld [tilespmem:s7+$0x60]  }
0x13a: {  	v7 =	vld [tilespmem:s7+$0x70]  }
0x13b: {  	v8 =	vld [tilespmem:s7+$0x80]  }
0x13c: {  	v9 =	vld [tilespmem:s7+$0x90]  }
0x13d: {  	v10 =	vld [tilespmem:s7+$0xA0]  }
0x13e: {  	v11 =	vld [tilespmem:s7+$0xB0]  }
0x13f: {  	v12 =	vld [tilespmem:s7+$0xC0]  }
0x140: {  	v13 =	vld [tilespmem:s7+$0xD0]  }
0x141: {  	v14 =	vld [tilespmem:s7+$0xE0]  }
0x142: {  	[tilespmem:s7+$0xC8F0] =	vst.add.f32.msk $0xffff, v0  }
0x143: {  	[tilespmem:s7+$0xC800] =	vst.add.f32.msk $0xffff, v1  }
0x144: {  	[tilespmem:s7+$0xC810] =	vst.add.f32.msk $0xffff, v2  }
0x145: {  	[tilespmem:s7+$0xC820] =	vst.add.f32.msk $0xffff, v3  }
0x146: {  	[tilespmem:s7+$0xC830] =	vst.add.f32.msk $0xffff, v4  }
0x147: {  	[tilespmem:s7+$0xC840] =	vst.add.f32.msk $0xffff, v63  }
0x148: {  	[tilespmem:s7+$0xC850] =	vst.add.f32.msk $0xffff, v5  }
0x149: {  	[tilespmem:s7+$0xC860] =	vst.add.f32.msk $0xffff, v6  }
0x14a: {  	[tilespmem:s7+$0xC870] =	vst.add.f32.msk $0xffff, v7  }
0x14b: {  	[tilespmem:s7+$0xC880] =	vst.add.f32.msk $0xffff, v8  }
0x14c: {  	[tilespmem:s7+$0xC890] =	vst.add.f32.msk $0xffff, v9  }
0x14d: {  	[tilespmem:s7+$0xC8A0] =	vst.add.f32.msk $0xffff, v10  }
0x14e: {  	[tilespmem:s7+$0xC8B0] =	vst.add.f32.msk $0xffff, v11  }
0x14f: {  	[tilespmem:s7+$0xC8C0] =	vst.add.f32.msk $0xffff, v12  }
0x150: {  	[tilespmem:s7+$0xC8D0] =	vst.add.f32.msk $0xffff, v13  }
0x151: {  	s17 =	rddreg [dreg:$0x8];
	[tilespmem:s7+$0xC8E0] =	vst.add.f32.msk $0xffff, v14  }
0x152: {  	[hbm4b:s17+s0] =	stream.strided.scatter [tilespmem:s2], [sflag:$0x9], $0x1900, s1, s0, $0x38;
	[tilespmem:$0xE100] =	vst v63  }
0x153: {  	_ =	swait.ge [sflag:s10], $0x1900  }
0x154: {  	[sflag:s10] =	ssyncset.done $0x0  }
0x155: {  	s18 =	simm.s32 $0x1CE8;
	[sflag:s10] =	ssyncadd.s32 $0xFFFFE700  }
0x156: {  	[tilespmem:s28], [sflag:$0x3] =	stream.indirect.gather [hbm4b:s3+s21], $0x20, s18, s21, $0xb8;
	[tilespmem:$0xE100] =	vst v63  }
0x157: {  	s19 =	simm.s32 $0x1D50;
	s16 =	simm.s32 $0x0  }
0x158: {  	[tilespmem:s30], [sflag:$0x3] =	stream.indirect.gather [hbm4b:s3+s23], $0x20, s19, s23, $0xb8;
	[tilespmem:$0xE100] =	vst v63  }
.LBB2_10:
0x159: {  	_ =	swait.ge [sflag:s31], $0xD00  }
0x15a: {  	[sflag:s31] =	ssyncset.done $0x0  }
0x15b: {  	[sflag:s31] =	ssyncadd.s32 $0xFFFFF300  }
0x15c: {  	_ =	swait.ge [sflag:s31], $0xC00  }
0x15d: {  	[sflag:s31] =	ssyncset.done $0x0  }
0x15e: {  	s7 =	simm.s32 $0x0;
	s17 =	simm.s32 $0x400;
	[sflag:s31] =	ssyncadd.s32 $0xFFFFF400  }
.LBB2_11:
0x15f: {  	p0 =	sne.s32 s17, $0x6000;
	v0 =	vld [tilespmem:s7+$0xF0]  }
0x160: {  	v1 =	vld [tilespmem:s7+$0x0]  }
0x161: {  	v2 =	vld [tilespmem:s7+$0x10]  }
0x162: {  	v3 =	vld [tilespmem:s7+$0x20]  }
0x163: {  	v4 =	vld [tilespmem:s7+$0x30]  }
0x164: {  	[tilespmem:s7+$0x7DF0] =	vst.add.f32.msk $0xffff, v0  }
0x165: {  	v0 =	vld [tilespmem:s7+$0x40]  }
0x166: {  	v5 =	vld [tilespmem:s7+$0x50]  }
0x167: {  	v6 =	vld [tilespmem:s7+$0x60]  }
0x168: {  	v7 =	vld [tilespmem:s7+$0x70]  }
0x169: {  	v8 =	vld [tilespmem:s7+$0x80]  }
0x16a: {  	v9 =	vld [tilespmem:s7+$0x90]  }
0x16b: {  	v10 =	vld [tilespmem:s7+$0xA0]  }
0x16c: {  	v11 =	vld [tilespmem:s7+$0xB0]  }
0x16d: {  	v12 =	vld [tilespmem:s7+$0xC0]  }
0x16e: {  	v13 =	vld [tilespmem:s7+$0xD0]  }
0x16f: {  	v14 =	vld [tilespmem:s7+$0xE0]  }
0x170: {  	[tilespmem:s7+$0x7D00] =	vst.add.f32.msk $0xffff, v1  }
0x171: {  	[tilespmem:s7+$0x7D10] =	vst.add.f32.msk $0xffff, v2  }
0x172: {  	[tilespmem:s7+$0x7D20] =	vst.add.f32.msk $0xffff, v3  }
0x173: {  	[tilespmem:s7+$0x7D30] =	vst.add.f32.msk $0xffff, v4  }
0x174: {  	[tilespmem:s7+$0x7D40] =	vst.add.f32.msk $0xffff, v0  }
0x175: {  	[tilespmem:s7+$0x7D50] =	vst.add.f32.msk $0xffff, v5  }
0x176: {  	[tilespmem:s7+$0x7D60] =	vst.add.f32.msk $0xffff, v6  }
0x177: {  	[tilespmem:s7+$0x7D70] =	vst.add.f32.msk $0xffff, v7  }
0x178: {  	[tilespmem:s7+$0x7D80] =	vst.add.f32.msk $0xffff, v8  }
0x179: {  	[tilespmem:s7+$0x7D90] =	vst.add.f32.msk $0xffff, v9  }
.Ltmp4:
0x17a: {  	[tilespmem:s7+$0x7DA0] =	vst.add.f32.msk $0xffff, v10;
	(pc) =	sbr.rel @p0 .LBB2_11-.Ltmp4, $4  }
0x17b: {  	[tilespmem:s7+$0x7DB0] =	vst.add.f32.msk $0xffff, v11  }
0x17c: {  	[tilespmem:s7+$0x7DC0] =	vst.add.f32.msk $0xffff, v12  }
0x17d: {  	[tilespmem:s7+$0x7DD0] =	vst.add.f32.msk $0xffff, v13  }
0x17e: {  	[tilespmem:s7+$0x7DE0] =	vst.add.f32.msk $0xffff, v14;
	s7 =	sshra.s32 s17, $0x2;
	s17 =	sadd.s32 $0x400, s17  }
0x17f: {  	v0 =	vld [tilespmem:s7+$0xF0]  }
0x180: {  	v1 =	vld [tilespmem:s7+$0x0]  }
0x181: {  	v2 =	vld [tilespmem:s7+$0x10]  }
0x182: {  	v3 =	vld [tilespmem:s7+$0x20]  }
0x183: {  	v4 =	vld [tilespmem:s7+$0x30]  }
0x184: {  	v63 =	vld [tilespmem:s7+$0x40]  }
0x185: {  	v5 =	vld [tilespmem:s7+$0x50]  }
0x186: {  	v6 =	vld [tilespmem:s7+$0x60]  }
0x187: {  	v7 =	vld [tilespmem:s7+$0x70]  }
0x188: {  	v8 =	vld [tilespmem:s7+$0x80]  }
0x189: {  	v9 =	vld [tilespmem:s7+$0x90]  }
0x18a: {  	v10 =	vld [tilespmem:s7+$0xA0]  }
0x18b: {  	v11 =	vld [tilespmem:s7+$0xB0]  }
0x18c: {  	v12 =	vld [tilespmem:s7+$0xC0]  }
0x18d: {  	v13 =	vld [tilespmem:s7+$0xD0]  }
0x18e: {  	v14 =	vld [tilespmem:s7+$0xE0]  }
0x18f: {  	[tilespmem:s7+$0x7DF0] =	vst.add.f32.msk $0xffff, v0  }
0x190: {  	[tilespmem:s7+$0x7D00] =	vst.add.f32.msk $0xffff, v1  }
0x191: {  	[tilespmem:s7+$0x7D10] =	vst.add.f32.msk $0xffff, v2  }
0x192: {  	[tilespmem:s7+$0x7D20] =	vst.add.f32.msk $0xffff, v3  }
0x193: {  	[tilespmem:s7+$0x7D30] =	vst.add.f32.msk $0xffff, v4  }
0x194: {  	[tilespmem:s7+$0x7D40] =	vst.add.f32.msk $0xffff, v63  }
0x195: {  	[tilespmem:s7+$0x7D50] =	vst.add.f32.msk $0xffff, v5  }
0x196: {  	[tilespmem:s7+$0x7D60] =	vst.add.f32.msk $0xffff, v6  }
0x197: {  	[tilespmem:s7+$0x7D70] =	vst.add.f32.msk $0xffff, v7  }
0x198: {  	[tilespmem:s7+$0x7D80] =	vst.add.f32.msk $0xffff, v8  }
0x199: {  	s17 =	smul.u32 $0x320, s16;
	[tilespmem:s7+$0x7D90] =	vst.add.f32.msk $0xffff, v9  }
0x19a: {  	[tilespmem:s7+$0x7DA0] =	vst.add.f32.msk $0xffff, v10  }
0x19b: {  	s15 =	sadd.s32 s17, s12;
	[tilespmem:s7+$0x7DB0] =	vst.add.f32.msk $0xffff, v11  }
0x19c: {  	s15 =	sshll.u32 s15, $0x4;
	[tilespmem:s7+$0x7DC0] =	vst.add.f32.msk $0xffff, v12  }
0x19d: {  	s15 =	sand.u32 $0x1FFFFE00, s15;
	[tilespmem:s7+$0x7DD0] =	vst.add.f32.msk $0xffff, v13  }
0x19e: {  	[tilespmem:s7+$0x7DE0] =	vst.add.f32.msk $0xffff, v14;
	s15 =	sadd.s32 s6, s15  }
0x19f: {  	[hbm4b:s15+s0] =	stream.strided.scatter [tilespmem:s22], [sflag:$0x6], $0x1900, s1, s0, $0x38;
	[tilespmem:$0xE100] =	vst v63  }
0x1a0: {  	_ =	swait.ge [sflag:s11], $0x1900  }
0x1a1: {  	[sflag:s11] =	ssyncset.done $0x0  }
0x1a2: {  	s18 =	sadd.s32 $0x1DB0, s17;
	[sflag:s11] =	ssyncadd.s32 $0xFFFFE700  }
0x1a3: {  	[tilespmem:s26], [sflag:$0x4] =	stream.indirect.gather [hbm4b:s3+s21], $0x20, s18, s21, $0xb8;
	[tilespmem:$0xE100] =	vst v63  }
0x1a4: {  	s19 =	sadd.s32 $0x1E18, s17  }
0x1a5: {  	[tilespmem:s24], [sflag:$0x4] =	stream.indirect.gather [hbm4b:s3+s23], $0x20, s19, s23, $0xb8;
	[tilespmem:$0xE100] =	vst v63  }
0x1a6: {  	_ =	swait.ge [sflag:s29], $0xD00  }
0x1a7: {  	[sflag:s29] =	ssyncset.done $0x0  }
0x1a8: {  	[sflag:s29] =	ssyncadd.s32 $0xFFFFF300  }
0x1a9: {  	_ =	swait.ge [sflag:s29], $0xC00  }
0x1aa: {  	s7 =	simm.s32 $0x0;
	[sflag:s29] =	ssyncset.done $0x0  }
0x1ab: {  	s18 =	sadd.s32 $0x4B0, s17;
	s19 =	simm.s32 $0x400;
	[sflag:s29] =	ssyncadd.s32 $0xFFFFF400  }
.LBB2_13:
0x1ac: {  	p0 =	sne.s32 s19, $0x6000;
	v0 =	vld [tilespmem:s7+$0xF0]  }
0x1ad: {  	v1 =	vld [tilespmem:s7+$0x0]  }
0x1ae: {  	v2 =	vld [tilespmem:s7+$0x10]  }
0x1af: {  	v3 =	vld [tilespmem:s7+$0x20]  }
0x1b0: {  	v4 =	vld [tilespmem:s7+$0x30]  }
0x1b1: {  	[tilespmem:s7+$0x96F0] =	vst.add.f32.msk $0xffff, v0  }
0x1b2: {  	v0 =	vld [tilespmem:s7+$0x40]  }
0x1b3: {  	v5 =	vld [tilespmem:s7+$0x50]  }
0x1b4: {  	v6 =	vld [tilespmem:s7+$0x60]  }
0x1b5: {  	v7 =	vld [tilespmem:s7+$0x70]  }
0x1b6: {  	v8 =	vld [tilespmem:s7+$0x80]  }
0x1b7: {  	v9 =	vld [tilespmem:s7+$0x90]  }
0x1b8: {  	v10 =	vld [tilespmem:s7+$0xA0]  }
0x1b9: {  	v11 =	vld [tilespmem:s7+$0xB0]  }
0x1ba: {  	v12 =	vld [tilespmem:s7+$0xC0]  }
0x1bb: {  	v13 =	vld [tilespmem:s7+$0xD0]  }
0x1bc: {  	v14 =	vld [tilespmem:s7+$0xE0]  }
0x1bd: {  	[tilespmem:s7+$0x9600] =	vst.add.f32.msk $0xffff, v1  }
0x1be: {  	[tilespmem:s7+$0x9610] =	vst.add.f32.msk $0xffff, v2  }
0x1bf: {  	[tilespmem:s7+$0x9620] =	vst.add.f32.msk $0xffff, v3  }
0x1c0: {  	[tilespmem:s7+$0x9630] =	vst.add.f32.msk $0xffff, v4  }
0x1c1: {  	[tilespmem:s7+$0x9640] =	vst.add.f32.msk $0xffff, v0  }
0x1c2: {  	[tilespmem:s7+$0x9650] =	vst.add.f32.msk $0xffff, v5  }
0x1c3: {  	[tilespmem:s7+$0x9660] =	vst.add.f32.msk $0xffff, v6  }
0x1c4: {  	[tilespmem:s7+$0x9670] =	vst.add.f32.msk $0xffff, v7  }
0x1c5: {  	[tilespmem:s7+$0x9680] =	vst.add.f32.msk $0xffff, v8  }
0x1c6: {  	[tilespmem:s7+$0x9690] =	vst.add.f32.msk $0xffff, v9  }
.Ltmp5:
0x1c7: {  	[tilespmem:s7+$0x96A0] =	vst.add.f32.msk $0xffff, v10;
	(pc) =	sbr.rel @p0 .LBB2_13-.Ltmp5, $4  }
0x1c8: {  	[tilespmem:s7+$0x96B0] =	vst.add.f32.msk $0xffff, v11  }
0x1c9: {  	[tilespmem:s7+$0x96C0] =	vst.add.f32.msk $0xffff, v12  }
0x1ca: {  	[tilespmem:s7+$0x96D0] =	vst.add.f32.msk $0xffff, v13  }
0x1cb: {  	[tilespmem:s7+$0x96E0] =	vst.add.f32.msk $0xffff, v14;
	s7 =	sshra.s32 s19, $0x2;
	s19 =	sadd.s32 $0x400, s19  }
0x1cc: {  	v0 =	vld [tilespmem:s7+$0xF0]  }
0x1cd: {  	v1 =	vld [tilespmem:s7+$0x0]  }
0x1ce: {  	v2 =	vld [tilespmem:s7+$0x10]  }
0x1cf: {  	v3 =	vld [tilespmem:s7+$0x20]  }
0x1d0: {  	v4 =	vld [tilespmem:s7+$0x30]  }
0x1d1: {  	v63 =	vld [tilespmem:s7+$0x40]  }
0x1d2: {  	v5 =	vld [tilespmem:s7+$0x50]  }
0x1d3: {  	v6 =	vld [tilespmem:s7+$0x60]  }
0x1d4: {  	v7 =	vld [tilespmem:s7+$0x70]  }
0x1d5: {  	v8 =	vld [tilespmem:s7+$0x80]  }
0x1d6: {  	v9 =	vld [tilespmem:s7+$0x90]  }
0x1d7: {  	v10 =	vld [tilespmem:s7+$0xA0]  }
0x1d8: {  	v11 =	vld [tilespmem:s7+$0xB0]  }
0x1d9: {  	v12 =	vld [tilespmem:s7+$0xC0]  }
0x1da: {  	v13 =	vld [tilespmem:s7+$0xD0]  }
0x1db: {  	v14 =	vld [tilespmem:s7+$0xE0]  }
0x1dc: {  	[tilespmem:s7+$0x96F0] =	vst.add.f32.msk $0xffff, v0  }
0x1dd: {  	[tilespmem:s7+$0x9600] =	vst.add.f32.msk $0xffff, v1  }
0x1de: {  	[tilespmem:s7+$0x9610] =	vst.add.f32.msk $0xffff, v2  }
0x1df: {  	[tilespmem:s7+$0x9620] =	vst.add.f32.msk $0xffff, v3  }
0x1e0: {  	[tilespmem:s7+$0x9630] =	vst.add.f32.msk $0xffff, v4  }
0x1e1: {  	[tilespmem:s7+$0x9640] =	vst.add.f32.msk $0xffff, v63  }
0x1e2: {  	[tilespmem:s7+$0x9650] =	vst.add.f32.msk $0xffff, v5  }
0x1e3: {  	[tilespmem:s7+$0x9660] =	vst.add.f32.msk $0xffff, v6  }
0x1e4: {  	[tilespmem:s7+$0x9670] =	vst.add.f32.msk $0xffff, v7  }
0x1e5: {  	[tilespmem:s7+$0x9680] =	vst.add.f32.msk $0xffff, v8  }
0x1e6: {  	[tilespmem:s7+$0x9690] =	vst.add.f32.msk $0xffff, v9  }
0x1e7: {  	[tilespmem:s7+$0x96A0] =	vst.add.f32.msk $0xffff, v10  }
0x1e8: {  	s15 =	sadd.s32 s17, s13;
	[tilespmem:s7+$0x96B0] =	vst.add.f32.msk $0xffff, v11  }
0x1e9: {  	s15 =	sshll.u32 s15, $0x4;
	[tilespmem:s7+$0x96C0] =	vst.add.f32.msk $0xffff, v12  }
0x1ea: {  	s15 =	sand.u32 $0x1FFFFE80, s15;
	[tilespmem:s7+$0x96D0] =	vst.add.f32.msk $0xffff, v13  }
0x1eb: {  	s19 =	sadd.s32 s6, s15;
	[tilespmem:s7+$0x96E0] =	vst.add.f32.msk $0xffff, v14  }
0x1ec: {  	[hbm4b:s19+s0] =	stream.strided.scatter [tilespmem:s28], [sflag:$0x7], $0x1900, s1, s0, $0x38;
	[tilespmem:$0xE100] =	vst v63  }
0x1ed: {  	_ =	swait.ge [sflag:s14], $0x1900  }
0x1ee: {  	[sflag:s14] =	ssyncset.done $0x0  }
0x1ef: {  	s15 =	sadd.s32 $0x1E78, s17;
	[sflag:s14] =	ssyncadd.s32 $0xFFFFE700  }
0x1f0: {  	[tilespmem:s2], [sflag:$0x5] =	stream.indirect.gather [hbm4b:s3+s21], $0x20, s15, s21, $0xb8;
	[tilespmem:$0xE100] =	vst v63  }
0x1f1: {  	s19 =	sadd.s32 $0x1EE0, s17  }
0x1f2: {  	[tilespmem:s20], [sflag:$0x5] =	stream.indirect.gather [hbm4b:s3+s23], $0x20, s19, s23, $0xb8;
	[tilespmem:$0xE100] =	vst v63  }
0x1f3: {  	_ =	swait.ge [sflag:s5], $0xD00  }
0x1f4: {  	[sflag:s5] =	ssyncset.done $0x0  }
0x1f5: {  	[sflag:s5] =	ssyncadd.s32 $0xFFFFF300  }
0x1f6: {  	_ =	swait.ge [sflag:s5], $0xC00  }
0x1f7: {  	s7 =	sadd.s32 $0x578, s17;
	[sflag:s5] =	ssyncset.done $0x0  }
0x1f8: {  	s15 =	simm.s32 $0x400;
	s19 =	simm.s32 $0x0;
	[sflag:s5] =	ssyncadd.s32 $0xFFFFF400  }
.LBB2_15:
0x1f9: {  	p0 =	sne.s32 s15, $0x6000;
	v0 =	vld [tilespmem:s19+$0xF0]  }
0x1fa: {  	v1 =	vld [tilespmem:s19+$0x0]  }
0x1fb: {  	v2 =	vld [tilespmem:s19+$0x10]  }
0x1fc: {  	v3 =	vld [tilespmem:s19+$0x20]  }
0x1fd: {  	v4 =	vld [tilespmem:s19+$0x30]  }
0x1fe: {  	[tilespmem:s19+$0xAFF0] =	vst.add.f32.msk $0xffff, v0  }
0x1ff: {  	v0 =	vld [tilespmem:s19+$0x40]  }
0x200: {  	v5 =	vld [tilespmem:s19+$0x50]  }
0x201: {  	v6 =	vld [tilespmem:s19+$0x60]  }
0x202: {  	v7 =	vld [tilespmem:s19+$0x70]  }
0x203: {  	v8 =	vld [tilespmem:s19+$0x80]  }
0x204: {  	v9 =	vld [tilespmem:s19+$0x90]  }
0x205: {  	v10 =	vld [tilespmem:s19+$0xA0]  }
0x206: {  	v11 =	vld [tilespmem:s19+$0xB0]  }
0x207: {  	v12 =	vld [tilespmem:s19+$0xC0]  }
0x208: {  	v13 =	vld [tilespmem:s19+$0xD0]  }
0x209: {  	v14 =	vld [tilespmem:s19+$0xE0]  }
0x20a: {  	[tilespmem:s19+$0xAF00] =	vst.add.f32.msk $0xffff, v1  }
0x20b: {  	[tilespmem:s19+$0xAF10] =	vst.add.f32.msk $0xffff, v2  }
0x20c: {  	[tilespmem:s19+$0xAF20] =	vst.add.f32.msk $0xffff, v3  }
0x20d: {  	[tilespmem:s19+$0xAF30] =	vst.add.f32.msk $0xffff, v4  }
0x20e: {  	[tilespmem:s19+$0xAF40] =	vst.add.f32.msk $0xffff, v0  }
0x20f: {  	[tilespmem:s19+$0xAF50] =	vst.add.f32.msk $0xffff, v5  }
0x210: {  	[tilespmem:s19+$0xAF60] =	vst.add.f32.msk $0xffff, v6  }
0x211: {  	[tilespmem:s19+$0xAF70] =	vst.add.f32.msk $0xffff, v7  }
0x212: {  	[tilespmem:s19+$0xAF80] =	vst.add.f32.msk $0xffff, v8  }
0x213: {  	[tilespmem:s19+$0xAF90] =	vst.add.f32.msk $0xffff, v9  }
.Ltmp6:
0x214: {  	[tilespmem:s19+$0xAFA0] =	vst.add.f32.msk $0xffff, v10;
	(pc) =	sbr.rel @p0 .LBB2_15-.Ltmp6, $4  }
0x215: {  	[tilespmem:s19+$0xAFB0] =	vst.add.f32.msk $0xffff, v11  }
0x216: {  	[tilespmem:s19+$0xAFC0] =	vst.add.f32.msk $0xffff, v12  }
0x217: {  	[tilespmem:s19+$0xAFD0] =	vst.add.f32.msk $0xffff, v13  }
0x218: {  	[tilespmem:s19+$0xAFE0] =	vst.add.f32.msk $0xffff, v14;
	s19 =	sshra.s32 s15, $0x2;
	s15 =	sadd.s32 $0x400, s15  }
0x219: {  	v0 =	vld [tilespmem:s19+$0xF0]  }
0x21a: {  	v1 =	vld [tilespmem:s19+$0x0]  }
0x21b: {  	v2 =	vld [tilespmem:s19+$0x10]  }
0x21c: {  	v3 =	vld [tilespmem:s19+$0x20]  }
0x21d: {  	v4 =	vld [tilespmem:s19+$0x30]  }
0x21e: {  	v63 =	vld [tilespmem:s19+$0x40]  }
0x21f: {  	v5 =	vld [tilespmem:s19+$0x50]  }
0x220: {  	v6 =	vld [tilespmem:s19+$0x60]  }
0x221: {  	v7 =	vld [tilespmem:s19+$0x70]  }
0x222: {  	v8 =	vld [tilespmem:s19+$0x80]  }
0x223: {  	v9 =	vld [tilespmem:s19+$0x90]  }
0x224: {  	v10 =	vld [tilespmem:s19+$0xA0]  }
0x225: {  	v11 =	vld [tilespmem:s19+$0xB0]  }
0x226: {  	v12 =	vld [tilespmem:s19+$0xC0]  }
0x227: {  	v13 =	vld [tilespmem:s19+$0xD0]  }
0x228: {  	v14 =	vld [tilespmem:s19+$0xE0]  }
0x229: {  	[tilespmem:s19+$0xAFF0] =	vst.add.f32.msk $0xffff, v0  }
0x22a: {  	[tilespmem:s19+$0xAF00] =	vst.add.f32.msk $0xffff, v1  }
0x22b: {  	[tilespmem:s19+$0xAF10] =	vst.add.f32.msk $0xffff, v2  }
0x22c: {  	[tilespmem:s19+$0xAF20] =	vst.add.f32.msk $0xffff, v3  }
0x22d: {  	[tilespmem:s19+$0xAF30] =	vst.add.f32.msk $0xffff, v4  }
0x22e: {  	[tilespmem:s19+$0xAF40] =	vst.add.f32.msk $0xffff, v63  }
0x22f: {  	[tilespmem:s19+$0xAF50] =	vst.add.f32.msk $0xffff, v5  }
0x230: {  	[tilespmem:s19+$0xAF60] =	vst.add.f32.msk $0xffff, v6  }
0x231: {  	[tilespmem:s19+$0xAF70] =	vst.add.f32.msk $0xffff, v7  }
0x232: {  	[tilespmem:s19+$0xAF80] =	vst.add.f32.msk $0xffff, v8  }
0x233: {  	[tilespmem:s19+$0xAF90] =	vst.add.f32.msk $0xffff, v9  }
0x234: {  	[tilespmem:s19+$0xAFA0] =	vst.add.f32.msk $0xffff, v10  }
0x235: {  	s15 =	sadd.s32 s4, s18;
	[tilespmem:s19+$0xAFB0] =	vst.add.f32.msk $0xffff, v11  }
0x236: {  	s15 =	sshll.u32 s15, $0x4;
	[tilespmem:s19+$0xAFC0] =	vst.add.f32.msk $0xffff, v12  }
0x237: {  	s15 =	sand.u32 $0x1FFFFF00, s15;
	[tilespmem:s19+$0xAFD0] =	vst.add.f32.msk $0xffff, v13  }
0x238: {  	s15 =	sadd.s32 s6, s15;
	[tilespmem:s19+$0xAFE0] =	vst.add.f32.msk $0xffff, v14  }
0x239: {  	[hbm4b:s15+s0] =	stream.strided.scatter [tilespmem:s26], [sflag:$0x8], $0x1900, s1, s0, $0x38;
	[tilespmem:$0xE100] =	vst v63  }
0x23a: {  	_ =	swait.ge [sflag:s8], $0x1900  }
0x23b: {  	[sflag:s8] =	ssyncset.done $0x0  }
0x23c: {  	s18 =	sadd.s32 $0x1F40, s17;
	[sflag:s8] =	ssyncadd.s32 $0xFFFFE700  }
0x23d: {  	[tilespmem:s22], [sflag:$0x2] =	stream.indirect.gather [hbm4b:s3+s21], $0x20, s18, s21, $0xb8;
	[tilespmem:$0xE100] =	vst v63  }
0x23e: {  	s19 =	sadd.s32 $0x1FA8, s17  }
0x23f: {  	[tilespmem:s25], [sflag:$0x2] =	stream.indirect.gather [hbm4b:s3+s23], $0x20, s19, s23, $0xb8;
	[tilespmem:$0xE100] =	vst v63  }
0x240: {  	_ =	swait.ge [sflag:s9], $0xD00  }
0x241: {  	[sflag:s9] =	ssyncset.done $0x0  }
0x242: {  	[sflag:s9] =	ssyncadd.s32 $0xFFFFF300  }
0x243: {  	_ =	swait.ge [sflag:s9], $0xC00  }
0x244: {  	[sflag:s9] =	ssyncset.done $0x0  }
0x245: {  	s15 =	simm.s32 $0x400;
	s18 =	simm.s32 $0x0;
	[sflag:s9] =	ssyncadd.s32 $0xFFFFF400  }
.LBB2_17:
0x246: {  	p0 =	sne.s32 s15, $0x6000;
	v0 =	vld [tilespmem:s18+$0xF0]  }
0x247: {  	v1 =	vld [tilespmem:s18+$0x0]  }
0x248: {  	v2 =	vld [tilespmem:s18+$0x10]  }
0x249: {  	v3 =	vld [tilespmem:s18+$0x20]  }
0x24a: {  	v4 =	vld [tilespmem:s18+$0x30]  }
0x24b: {  	[tilespmem:s18+$0xC8F0] =	vst.add.f32.msk $0xffff, v0  }
0x24c: {  	v0 =	vld [tilespmem:s18+$0x40]  }
0x24d: {  	v5 =	vld [tilespmem:s18+$0x50]  }
0x24e: {  	v6 =	vld [tilespmem:s18+$0x60]  }
0x24f: {  	v7 =	vld [tilespmem:s18+$0x70]  }
0x250: {  	v8 =	vld [tilespmem:s18+$0x80]  }
0x251: {  	v9 =	vld [tilespmem:s18+$0x90]  }
0x252: {  	v10 =	vld [tilespmem:s18+$0xA0]  }
0x253: {  	v11 =	vld [tilespmem:s18+$0xB0]  }
0x254: {  	v12 =	vld [tilespmem:s18+$0xC0]  }
0x255: {  	v13 =	vld [tilespmem:s18+$0xD0]  }
0x256: {  	v14 =	vld [tilespmem:s18+$0xE0]  }
0x257: {  	[tilespmem:s18+$0xC800] =	vst.add.f32.msk $0xffff, v1  }
0x258: {  	[tilespmem:s18+$0xC810] =	vst.add.f32.msk $0xffff, v2  }
0x259: {  	[tilespmem:s18+$0xC820] =	vst.add.f32.msk $0xffff, v3  }
0x25a: {  	[tilespmem:s18+$0xC830] =	vst.add.f32.msk $0xffff, v4  }
0x25b: {  	[tilespmem:s18+$0xC840] =	vst.add.f32.msk $0xffff, v0  }
0x25c: {  	[tilespmem:s18+$0xC850] =	vst.add.f32.msk $0xffff, v5  }
0x25d: {  	[tilespmem:s18+$0xC860] =	vst.add.f32.msk $0xffff, v6  }
0x25e: {  	[tilespmem:s18+$0xC870] =	vst.add.f32.msk $0xffff, v7  }
0x25f: {  	[tilespmem:s18+$0xC880] =	vst.add.f32.msk $0xffff, v8  }
0x260: {  	[tilespmem:s18+$0xC890] =	vst.add.f32.msk $0xffff, v9  }
.Ltmp7:
0x261: {  	[tilespmem:s18+$0xC8A0] =	vst.add.f32.msk $0xffff, v10;
	(pc) =	sbr.rel @p0 .LBB2_17-.Ltmp7, $4  }
0x262: {  	[tilespmem:s18+$0xC8B0] =	vst.add.f32.msk $0xffff, v11  }
0x263: {  	[tilespmem:s18+$0xC8C0] =	vst.add.f32.msk $0xffff, v12  }
0x264: {  	[tilespmem:s18+$0xC8D0] =	vst.add.f32.msk $0xffff, v13  }
0x265: {  	[tilespmem:s18+$0xC8E0] =	vst.add.f32.msk $0xffff, v14;
	s18 =	sshra.s32 s15, $0x2;
	s15 =	sadd.s32 $0x400, s15  }
0x266: {  	v0 =	vld [tilespmem:s18+$0xF0]  }
0x267: {  	v1 =	vld [tilespmem:s18+$0x0]  }
0x268: {  	v2 =	vld [tilespmem:s18+$0x10]  }
0x269: {  	v3 =	vld [tilespmem:s18+$0x20]  }
0x26a: {  	v4 =	vld [tilespmem:s18+$0x30]  }
0x26b: {  	v63 =	vld [tilespmem:s18+$0x40]  }
0x26c: {  	v5 =	vld [tilespmem:s18+$0x50]  }
0x26d: {  	v6 =	vld [tilespmem:s18+$0x60]  }
0x26e: {  	v7 =	vld [tilespmem:s18+$0x70]  }
0x26f: {  	v8 =	vld [tilespmem:s18+$0x80]  }
0x270: {  	v9 =	vld [tilespmem:s18+$0x90]  }
0x271: {  	v10 =	vld [tilespmem:s18+$0xA0]  }
0x272: {  	v11 =	vld [tilespmem:s18+$0xB0]  }
0x273: {  	v12 =	vld [tilespmem:s18+$0xC0]  }
0x274: {  	v13 =	vld [tilespmem:s18+$0xD0]  }
0x275: {  	v14 =	vld [tilespmem:s18+$0xE0]  }
0x276: {  	[tilespmem:s18+$0xC8F0] =	vst.add.f32.msk $0xffff, v0  }
0x277: {  	[tilespmem:s18+$0xC800] =	vst.add.f32.msk $0xffff, v1  }
0x278: {  	[tilespmem:s18+$0xC810] =	vst.add.f32.msk $0xffff, v2  }
0x279: {  	[tilespmem:s18+$0xC820] =	vst.add.f32.msk $0xffff, v3  }
0x27a: {  	[tilespmem:s18+$0xC830] =	vst.add.f32.msk $0xffff, v4  }
0x27b: {  	[tilespmem:s18+$0xC840] =	vst.add.f32.msk $0xffff, v63  }
0x27c: {  	[tilespmem:s18+$0xC850] =	vst.add.f32.msk $0xffff, v5  }
0x27d: {  	[tilespmem:s18+$0xC860] =	vst.add.f32.msk $0xffff, v6  }
0x27e: {  	[tilespmem:s18+$0xC870] =	vst.add.f32.msk $0xffff, v7  }
0x27f: {  	[tilespmem:s18+$0xC880] =	vst.add.f32.msk $0xffff, v8  }
0x280: {  	[tilespmem:s18+$0xC890] =	vst.add.f32.msk $0xffff, v9  }
0x281: {  	[tilespmem:s18+$0xC8A0] =	vst.add.f32.msk $0xffff, v10  }
0x282: {  	s7 =	sadd.s32 s4, s7;
	[tilespmem:s18+$0xC8B0] =	vst.add.f32.msk $0xffff, v11  }
0x283: {  	s7 =	sshll.u32 s7, $0x4;
	[tilespmem:s18+$0xC8C0] =	vst.add.f32.msk $0xffff, v12  }
0x284: {  	s7 =	sand.u32 $0x1FFFFF80, s7;
	[tilespmem:s18+$0xC8D0] =	vst.add.f32.msk $0xffff, v13  }
0x285: {  	s16 =	sadd.s32 $0x1, s16;
	s7 =	sadd.s32 s6, s7;
	[tilespmem:s18+$0xC8E0] =	vst.add.f32.msk $0xffff, v14  }
0x286: {  	[hbm4b:s7+s0] =	stream.strided.scatter [tilespmem:s2], [sflag:$0x9], $0x1900, s1, s0, $0x38;
	[tilespmem:$0xE100] =	vst v63  }
0x287: {  	p0 =	sne.s32 s16, $0x1E;
	_ =	swait.ge [sflag:s10], $0x1900  }
.Ltmp8:
0x288: {  	[sflag:s10] =	ssyncset.done $0x0;
	(pc) =	sbr.rel @p0 .LBB2_10-.Ltmp8, $4  }
0x289: {  	s18 =	sadd.s32 $0x2008, s17;
	[sflag:s10] =	ssyncadd.s32 $0xFFFFE700  }
0x28a: {  	[tilespmem:s28], [sflag:$0x3] =	stream.indirect.gather [hbm4b:s3+s21], $0x20, s18, s21, $0xb8;
	[tilespmem:$0xE100] =	vst v63  }
0x28b: {  	s19 =	sadd.s32 $0x2070, s17  }
0x28c: {  	[tilespmem:s30], [sflag:$0x3] =	stream.indirect.gather [hbm4b:s3+s23], $0x20, s19, s23, $0xb8;
	[tilespmem:$0xE100] =	vst v63  }
0x28d: {  	_ =	swait.ge [sflag:s31], $0xD00  }
0x28e: {  	[sflag:s31] =	ssyncset.done $0x0  }
0x28f: {  	[sflag:s31] =	ssyncadd.s32 $0xFFFFF300  }
0x290: {  	_ =	swait.ge [sflag:s31], $0xC00  }
0x291: {  	[sflag:s31] =	ssyncset.done $0x0  }
0x292: {  	s7 =	simm.s32 $0x0;
	s15 =	simm.s32 $0x400;
	[sflag:s31] =	ssyncadd.s32 $0xFFFFF400  }
.LBB2_20:
0x293: {  	p0 =	sne.s32 s15, $0x6000;
	v0 =	vld [tilespmem:s7+$0xF0]  }
0x294: {  	v1 =	vld [tilespmem:s7+$0x0]  }
0x295: {  	v2 =	vld [tilespmem:s7+$0x10]  }
0x296: {  	v3 =	vld [tilespmem:s7+$0x20]  }
0x297: {  	v4 =	vld [tilespmem:s7+$0x30]  }
0x298: {  	[tilespmem:s7+$0x7DF0] =	vst.add.f32.msk $0xffff, v0  }
0x299: {  	v0 =	vld [tilespmem:s7+$0x40]  }
0x29a: {  	v5 =	vld [tilespmem:s7+$0x50]  }
0x29b: {  	v6 =	vld [tilespmem:s7+$0x60]  }
0x29c: {  	v7 =	vld [tilespmem:s7+$0x70]  }
0x29d: {  	v8 =	vld [tilespmem:s7+$0x80]  }
0x29e: {  	v9 =	vld [tilespmem:s7+$0x90]  }
0x29f: {  	v10 =	vld [tilespmem:s7+$0xA0]  }
0x2a0: {  	v11 =	vld [tilespmem:s7+$0xB0]  }
0x2a1: {  	v12 =	vld [tilespmem:s7+$0xC0]  }
0x2a2: {  	v13 =	vld [tilespmem:s7+$0xD0]  }
0x2a3: {  	v14 =	vld [tilespmem:s7+$0xE0]  }
0x2a4: {  	[tilespmem:s7+$0x7D00] =	vst.add.f32.msk $0xffff, v1  }
0x2a5: {  	[tilespmem:s7+$0x7D10] =	vst.add.f32.msk $0xffff, v2  }
0x2a6: {  	[tilespmem:s7+$0x7D20] =	vst.add.f32.msk $0xffff, v3  }
0x2a7: {  	[tilespmem:s7+$0x7D30] =	vst.add.f32.msk $0xffff, v4  }
0x2a8: {  	[tilespmem:s7+$0x7D40] =	vst.add.f32.msk $0xffff, v0  }
0x2a9: {  	[tilespmem:s7+$0x7D50] =	vst.add.f32.msk $0xffff, v5  }
0x2aa: {  	[tilespmem:s7+$0x7D60] =	vst.add.f32.msk $0xffff, v6  }
0x2ab: {  	[tilespmem:s7+$0x7D70] =	vst.add.f32.msk $0xffff, v7  }
0x2ac: {  	[tilespmem:s7+$0x7D80] =	vst.add.f32.msk $0xffff, v8  }
0x2ad: {  	[tilespmem:s7+$0x7D90] =	vst.add.f32.msk $0xffff, v9  }
.Ltmp9:
0x2ae: {  	[tilespmem:s7+$0x7DA0] =	vst.add.f32.msk $0xffff, v10;
	(pc) =	sbr.rel @p0 .LBB2_20-.Ltmp9, $4  }
0x2af: {  	[tilespmem:s7+$0x7DB0] =	vst.add.f32.msk $0xffff, v11  }
0x2b0: {  	[tilespmem:s7+$0x7DC0] =	vst.add.f32.msk $0xffff, v12  }
0x2b1: {  	[tilespmem:s7+$0x7DD0] =	vst.add.f32.msk $0xffff, v13  }
0x2b2: {  	[tilespmem:s7+$0x7DE0] =	vst.add.f32.msk $0xffff, v14;
	s7 =	sshra.s32 s15, $0x2;
	s15 =	sadd.s32 $0x400, s15  }
0x2b3: {  	v0 =	vld [tilespmem:s7+$0xF0]  }
0x2b4: {  	v1 =	vld [tilespmem:s7+$0x0]  }
0x2b5: {  	v2 =	vld [tilespmem:s7+$0x10]  }
0x2b6: {  	v3 =	vld [tilespmem:s7+$0x20]  }
0x2b7: {  	v4 =	vld [tilespmem:s7+$0x30]  }
0x2b8: {  	v63 =	vld [tilespmem:s7+$0x40]  }
0x2b9: {  	v5 =	vld [tilespmem:s7+$0x50]  }
0x2ba: {  	v6 =	vld [tilespmem:s7+$0x60]  }
0x2bb: {  	v7 =	vld [tilespmem:s7+$0x70]  }
0x2bc: {  	v8 =	vld [tilespmem:s7+$0x80]  }
0x2bd: {  	v9 =	vld [tilespmem:s7+$0x90]  }
0x2be: {  	v10 =	vld [tilespmem:s7+$0xA0]  }
0x2bf: {  	v11 =	vld [tilespmem:s7+$0xB0]  }
0x2c0: {  	v12 =	vld [tilespmem:s7+$0xC0]  }
0x2c1: {  	v13 =	vld [tilespmem:s7+$0xD0]  }
0x2c2: {  	v14 =	vld [tilespmem:s7+$0xE0]  }
0x2c3: {  	[tilespmem:s7+$0x7DF0] =	vst.add.f32.msk $0xffff, v0  }
0x2c4: {  	[tilespmem:s7+$0x7D00] =	vst.add.f32.msk $0xffff, v1  }
0x2c5: {  	[tilespmem:s7+$0x7D10] =	vst.add.f32.msk $0xffff, v2  }
0x2c6: {  	[tilespmem:s7+$0x7D20] =	vst.add.f32.msk $0xffff, v3  }
0x2c7: {  	[tilespmem:s7+$0x7D30] =	vst.add.f32.msk $0xffff, v4  }
0x2c8: {  	[tilespmem:s7+$0x7D40] =	vst.add.f32.msk $0xffff, v63  }
0x2c9: {  	[tilespmem:s7+$0x7D50] =	vst.add.f32.msk $0xffff, v5  }
0x2ca: {  	[tilespmem:s7+$0x7D60] =	vst.add.f32.msk $0xffff, v6  }
0x2cb: {  	[tilespmem:s7+$0x7D70] =	vst.add.f32.msk $0xffff, v7  }
0x2cc: {  	[tilespmem:s7+$0x7D80] =	vst.add.f32.msk $0xffff, v8  }
0x2cd: {  	[tilespmem:s7+$0x7D90] =	vst.add.f32.msk $0xffff, v9  }
0x2ce: {  	[tilespmem:s7+$0x7DA0] =	vst.add.f32.msk $0xffff, v10  }
0x2cf: {  	[tilespmem:s7+$0x7DB0] =	vst.add.f32.msk $0xffff, v11  }
0x2d0: {  	[tilespmem:s7+$0x7DC0] =	vst.add.f32.msk $0xffff, v12  }
0x2d1: {  	[tilespmem:s7+$0x7DD0] =	vst.add.f32.msk $0xffff, v13  }
0x2d2: {  	s17 =	rddreg [dreg:$0x9];
	[tilespmem:s7+$0x7DE0] =	vst.add.f32.msk $0xffff, v14  }
0x2d3: {  	[hbm4b:s17+s0] =	stream.strided.scatter [tilespmem:s22], [sflag:$0x6], $0x1900, s1, s0, $0x38;
	[tilespmem:$0xE100] =	vst v63  }
0x2d4: {  	_ =	swait.ge [sflag:s11], $0x1900  }
0x2d5: {  	[sflag:s11] =	ssyncset.done $0x0  }
0x2d6: {  	s18 =	simm.s32 $0x7B70;
	[sflag:s11] =	ssyncadd.s32 $0xFFFFE700  }
0x2d7: {  	[tilespmem:s26], [sflag:$0x4] =	stream.indirect.gather [hbm4b:s3+s21], $0x20, s18, s21, $0xb8;
	[tilespmem:$0xE100] =	vst v63  }
0x2d8: {  	s19 =	simm.s32 $0x7BD8  }
0x2d9: {  	[tilespmem:s24], [sflag:$0x4] =	stream.indirect.gather [hbm4b:s3+s23], $0x20, s19, s23, $0xb8;
	[tilespmem:$0xE100] =	vst v63  }
0x2da: {  	_ =	swait.ge [sflag:s29], $0xD00  }
0x2db: {  	[sflag:s29] =	ssyncset.done $0x0  }
0x2dc: {  	[sflag:s29] =	ssyncadd.s32 $0xFFFFF300  }
0x2dd: {  	_ =	swait.ge [sflag:s29], $0xC00  }
0x2de: {  	[sflag:s29] =	ssyncset.done $0x0  }
0x2df: {  	s15 =	simm.s32 $0x400;
	s7 =	simm.s32 $0x0;
	[sflag:s29] =	ssyncadd.s32 $0xFFFFF400  }
.LBB2_22:
0x2e0: {  	p0 =	sne.s32 s15, $0x6000;
	v0 =	vld [tilespmem:s7+$0xF0]  }
0x2e1: {  	v1 =	vld [tilespmem:s7+$0x0]  }
0x2e2: {  	v2 =	vld [tilespmem:s7+$0x10]  }
0x2e3: {  	v3 =	vld [tilespmem:s7+$0x20]  }
0x2e4: {  	v4 =	vld [tilespmem:s7+$0x30]  }
0x2e5: {  	[tilespmem:s7+$0x96F0] =	vst.add.f32.msk $0xffff, v0  }
0x2e6: {  	v0 =	vld [tilespmem:s7+$0x40]  }
0x2e7: {  	v5 =	vld [tilespmem:s7+$0x50]  }
0x2e8: {  	v6 =	vld [tilespmem:s7+$0x60]  }
0x2e9: {  	v7 =	vld [tilespmem:s7+$0x70]  }
0x2ea: {  	v8 =	vld [tilespmem:s7+$0x80]  }
0x2eb: {  	v9 =	vld [tilespmem:s7+$0x90]  }
0x2ec: {  	v10 =	vld [tilespmem:s7+$0xA0]  }
0x2ed: {  	v11 =	vld [tilespmem:s7+$0xB0]  }
0x2ee: {  	v12 =	vld [tilespmem:s7+$0xC0]  }
0x2ef: {  	v13 =	vld [tilespmem:s7+$0xD0]  }
0x2f0: {  	v14 =	vld [tilespmem:s7+$0xE0]  }
0x2f1: {  	[tilespmem:s7+$0x9600] =	vst.add.f32.msk $0xffff, v1  }
0x2f2: {  	[tilespmem:s7+$0x9610] =	vst.add.f32.msk $0xffff, v2  }
0x2f3: {  	[tilespmem:s7+$0x9620] =	vst.add.f32.msk $0xffff, v3  }
0x2f4: {  	[tilespmem:s7+$0x9630] =	vst.add.f32.msk $0xffff, v4  }
0x2f5: {  	[tilespmem:s7+$0x9640] =	vst.add.f32.msk $0xffff, v0  }
0x2f6: {  	[tilespmem:s7+$0x9650] =	vst.add.f32.msk $0xffff, v5  }
0x2f7: {  	[tilespmem:s7+$0x9660] =	vst.add.f32.msk $0xffff, v6  }
0x2f8: {  	[tilespmem:s7+$0x9670] =	vst.add.f32.msk $0xffff, v7  }
0x2f9: {  	[tilespmem:s7+$0x9680] =	vst.add.f32.msk $0xffff, v8  }
0x2fa: {  	[tilespmem:s7+$0x9690] =	vst.add.f32.msk $0xffff, v9  }
.Ltmp10:
0x2fb: {  	[tilespmem:s7+$0x96A0] =	vst.add.f32.msk $0xffff, v10;
	(pc) =	sbr.rel @p0 .LBB2_22-.Ltmp10, $4  }
0x2fc: {  	[tilespmem:s7+$0x96B0] =	vst.add.f32.msk $0xffff, v11  }
0x2fd: {  	[tilespmem:s7+$0x96C0] =	vst.add.f32.msk $0xffff, v12  }
0x2fe: {  	[tilespmem:s7+$0x96D0] =	vst.add.f32.msk $0xffff, v13  }
0x2ff: {  	[tilespmem:s7+$0x96E0] =	vst.add.f32.msk $0xffff, v14;
	s7 =	sshra.s32 s15, $0x2;
	s15 =	sadd.s32 $0x400, s15  }
0x300: {  	v0 =	vld [tilespmem:s7+$0xF0]  }
0x301: {  	v1 =	vld [tilespmem:s7+$0x0]  }
0x302: {  	v2 =	vld [tilespmem:s7+$0x10]  }
0x303: {  	v3 =	vld [tilespmem:s7+$0x20]  }
0x304: {  	v4 =	vld [tilespmem:s7+$0x30]  }
0x305: {  	v63 =	vld [tilespmem:s7+$0x40]  }
0x306: {  	v5 =	vld [tilespmem:s7+$0x50]  }
0x307: {  	v6 =	vld [tilespmem:s7+$0x60]  }
0x308: {  	v7 =	vld [tilespmem:s7+$0x70]  }
0x309: {  	v8 =	vld [tilespmem:s7+$0x80]  }
0x30a: {  	v9 =	vld [tilespmem:s7+$0x90]  }
0x30b: {  	v10 =	vld [tilespmem:s7+$0xA0]  }
0x30c: {  	v11 =	vld [tilespmem:s7+$0xB0]  }
0x30d: {  	v12 =	vld [tilespmem:s7+$0xC0]  }
0x30e: {  	v13 =	vld [tilespmem:s7+$0xD0]  }
0x30f: {  	v14 =	vld [tilespmem:s7+$0xE0]  }
0x310: {  	[tilespmem:s7+$0x96F0] =	vst.add.f32.msk $0xffff, v0  }
0x311: {  	[tilespmem:s7+$0x9600] =	vst.add.f32.msk $0xffff, v1  }
0x312: {  	[tilespmem:s7+$0x9610] =	vst.add.f32.msk $0xffff, v2  }
0x313: {  	[tilespmem:s7+$0x9620] =	vst.add.f32.msk $0xffff, v3  }
0x314: {  	[tilespmem:s7+$0x9630] =	vst.add.f32.msk $0xffff, v4  }
0x315: {  	[tilespmem:s7+$0x9640] =	vst.add.f32.msk $0xffff, v63  }
0x316: {  	[tilespmem:s7+$0x9650] =	vst.add.f32.msk $0xffff, v5  }
0x317: {  	[tilespmem:s7+$0x9660] =	vst.add.f32.msk $0xffff, v6  }
0x318: {  	[tilespmem:s7+$0x9670] =	vst.add.f32.msk $0xffff, v7  }
0x319: {  	[tilespmem:s7+$0x9680] =	vst.add.f32.msk $0xffff, v8  }
0x31a: {  	[tilespmem:s7+$0x9690] =	vst.add.f32.msk $0xffff, v9  }
0x31b: {  	[tilespmem:s7+$0x96A0] =	vst.add.f32.msk $0xffff, v10  }
0x31c: {  	[tilespmem:s7+$0x96B0] =	vst.add.f32.msk $0xffff, v11  }
0x31d: {  	[tilespmem:s7+$0x96C0] =	vst.add.f32.msk $0xffff, v12  }
0x31e: {  	[tilespmem:s7+$0x96D0] =	vst.add.f32.msk $0xffff, v13  }
0x31f: {  	s17 =	rddreg [dreg:$0xa];
	[tilespmem:s7+$0x96E0] =	vst.add.f32.msk $0xffff, v14  }
0x320: {  	[hbm4b:s17+s0] =	stream.strided.scatter [tilespmem:s28], [sflag:$0x7], $0x1900, s1, s0, $0x38;
	[tilespmem:$0xE100] =	vst v63  }
0x321: {  	_ =	swait.ge [sflag:s14], $0x1900  }
0x322: {  	[sflag:s14] =	ssyncset.done $0x0  }
0x323: {  	s18 =	simm.s32 $0x7C38;
	[sflag:s14] =	ssyncadd.s32 $0xFFFFE700  }
0x324: {  	[tilespmem:s2], [sflag:$0x5] =	stream.indirect.gather [hbm4b:s3+s21], $0x20, s18, s21, $0xb8;
	[tilespmem:$0xE100] =	vst v63  }
0x325: {  	s19 =	simm.s32 $0x7CA0  }
0x326: {  	[tilespmem:s20], [sflag:$0x5] =	stream.indirect.gather [hbm4b:s3+s23], $0x20, s19, s23, $0xb8;
	[tilespmem:$0xE100] =	vst v63  }
0x327: {  	_ =	swait.ge [sflag:s5], $0xD00  }
0x328: {  	[sflag:s5] =	ssyncset.done $0x0  }
0x329: {  	[sflag:s5] =	ssyncadd.s32 $0xFFFFF300  }
0x32a: {  	_ =	swait.ge [sflag:s5], $0xC00  }
0x32b: {  	[sflag:s5] =	ssyncset.done $0x0  }
0x32c: {  	s15 =	simm.s32 $0x400;
	s7 =	simm.s32 $0x0;
	[sflag:s5] =	ssyncadd.s32 $0xFFFFF400  }
.LBB2_24:
0x32d: {  	p0 =	sne.s32 s15, $0x6000;
	v0 =	vld [tilespmem:s7+$0xF0]  }
0x32e: {  	v1 =	vld [tilespmem:s7+$0x0]  }
0x32f: {  	v2 =	vld [tilespmem:s7+$0x10]  }
0x330: {  	v3 =	vld [tilespmem:s7+$0x20]  }
0x331: {  	v4 =	vld [tilespmem:s7+$0x30]  }
0x332: {  	[tilespmem:s7+$0xAFF0] =	vst.add.f32.msk $0xffff, v0  }
0x333: {  	v0 =	vld [tilespmem:s7+$0x40]  }
0x334: {  	v5 =	vld [tilespmem:s7+$0x50]  }
0x335: {  	v6 =	vld [tilespmem:s7+$0x60]  }
0x336: {  	v7 =	vld [tilespmem:s7+$0x70]  }
0x337: {  	v8 =	vld [tilespmem:s7+$0x80]  }
0x338: {  	v9 =	vld [tilespmem:s7+$0x90]  }
0x339: {  	v10 =	vld [tilespmem:s7+$0xA0]  }
0x33a: {  	v11 =	vld [tilespmem:s7+$0xB0]  }
0x33b: {  	v12 =	vld [tilespmem:s7+$0xC0]  }
0x33c: {  	v13 =	vld [tilespmem:s7+$0xD0]  }
0x33d: {  	v14 =	vld [tilespmem:s7+$0xE0]  }
0x33e: {  	[tilespmem:s7+$0xAF00] =	vst.add.f32.msk $0xffff, v1  }
0x33f: {  	[tilespmem:s7+$0xAF10] =	vst.add.f32.msk $0xffff, v2  }
0x340: {  	[tilespmem:s7+$0xAF20] =	vst.add.f32.msk $0xffff, v3  }
0x341: {  	[tilespmem:s7+$0xAF30] =	vst.add.f32.msk $0xffff, v4  }
0x342: {  	[tilespmem:s7+$0xAF40] =	vst.add.f32.msk $0xffff, v0  }
0x343: {  	[tilespmem:s7+$0xAF50] =	vst.add.f32.msk $0xffff, v5  }
0x344: {  	[tilespmem:s7+$0xAF60] =	vst.add.f32.msk $0xffff, v6  }
0x345: {  	[tilespmem:s7+$0xAF70] =	vst.add.f32.msk $0xffff, v7  }
0x346: {  	[tilespmem:s7+$0xAF80] =	vst.add.f32.msk $0xffff, v8  }
0x347: {  	[tilespmem:s7+$0xAF90] =	vst.add.f32.msk $0xffff, v9  }
.Ltmp11:
0x348: {  	[tilespmem:s7+$0xAFA0] =	vst.add.f32.msk $0xffff, v10;
	(pc) =	sbr.rel @p0 .LBB2_24-.Ltmp11, $4  }
0x349: {  	[tilespmem:s7+$0xAFB0] =	vst.add.f32.msk $0xffff, v11  }
0x34a: {  	[tilespmem:s7+$0xAFC0] =	vst.add.f32.msk $0xffff, v12  }
0x34b: {  	[tilespmem:s7+$0xAFD0] =	vst.add.f32.msk $0xffff, v13  }
0x34c: {  	[tilespmem:s7+$0xAFE0] =	vst.add.f32.msk $0xffff, v14;
	s7 =	sshra.s32 s15, $0x2;
	s15 =	sadd.s32 $0x400, s15  }
0x34d: {  	v0 =	vld [tilespmem:s7+$0xF0]  }
0x34e: {  	v1 =	vld [tilespmem:s7+$0x0]  }
0x34f: {  	v2 =	vld [tilespmem:s7+$0x10]  }
0x350: {  	v3 =	vld [tilespmem:s7+$0x20]  }
0x351: {  	v4 =	vld [tilespmem:s7+$0x30]  }
0x352: {  	v63 =	vld [tilespmem:s7+$0x40]  }
0x353: {  	v5 =	vld [tilespmem:s7+$0x50]  }
0x354: {  	v6 =	vld [tilespmem:s7+$0x60]  }
0x355: {  	v7 =	vld [tilespmem:s7+$0x70]  }
0x356: {  	v8 =	vld [tilespmem:s7+$0x80]  }
0x357: {  	v9 =	vld [tilespmem:s7+$0x90]  }
0x358: {  	v10 =	vld [tilespmem:s7+$0xA0]  }
0x359: {  	v11 =	vld [tilespmem:s7+$0xB0]  }
0x35a: {  	v12 =	vld [tilespmem:s7+$0xC0]  }
0x35b: {  	v13 =	vld [tilespmem:s7+$0xD0]  }
0x35c: {  	v14 =	vld [tilespmem:s7+$0xE0]  }
0x35d: {  	[tilespmem:s7+$0xAFF0] =	vst.add.f32.msk $0xffff, v0  }
0x35e: {  	[tilespmem:s7+$0xAF00] =	vst.add.f32.msk $0xffff, v1  }
0x35f: {  	[tilespmem:s7+$0xAF10] =	vst.add.f32.msk $0xffff, v2  }
0x360: {  	[tilespmem:s7+$0xAF20] =	vst.add.f32.msk $0xffff, v3  }
0x361: {  	[tilespmem:s7+$0xAF30] =	vst.add.f32.msk $0xffff, v4  }
0x362: {  	[tilespmem:s7+$0xAF40] =	vst.add.f32.msk $0xffff, v63  }
0x363: {  	[tilespmem:s7+$0xAF50] =	vst.add.f32.msk $0xffff, v5  }
0x364: {  	[tilespmem:s7+$0xAF60] =	vst.add.f32.msk $0xffff, v6  }
0x365: {  	[tilespmem:s7+$0xAF70] =	vst.add.f32.msk $0xffff, v7  }
0x366: {  	[tilespmem:s7+$0xAF80] =	vst.add.f32.msk $0xffff, v8  }
0x367: {  	[tilespmem:s7+$0xAF90] =	vst.add.f32.msk $0xffff, v9  }
0x368: {  	[tilespmem:s7+$0xAFA0] =	vst.add.f32.msk $0xffff, v10  }
0x369: {  	[tilespmem:s7+$0xAFB0] =	vst.add.f32.msk $0xffff, v11  }
0x36a: {  	[tilespmem:s7+$0xAFC0] =	vst.add.f32.msk $0xffff, v12  }
0x36b: {  	[tilespmem:s7+$0xAFD0] =	vst.add.f32.msk $0xffff, v13  }
0x36c: {  	s19 =	rddreg [dreg:$0xb];
	[tilespmem:s7+$0xAFE0] =	vst.add.f32.msk $0xffff, v14  }
0x36d: {  	[hbm4b:s19+s0] =	stream.strided.scatter [tilespmem:s26], [sflag:$0x8], $0x1900, s1, s0, $0x38;
	[tilespmem:$0xE100] =	vst v63  }
0x36e: {  	_ =	swait.ge [sflag:s9], $0xD00  }
0x36f: {  	[sflag:s9] =	ssyncset.done $0x0  }
0x370: {  	[sflag:s9] =	ssyncadd.s32 $0xFFFFF300  }
0x371: {  	_ =	swait.ge [sflag:s9], $0xC00  }
0x372: {  	[sflag:s9] =	ssyncset.done $0x0  }
0x373: {  	s15 =	simm.s32 $0x400;
	s7 =	simm.s32 $0x0;
	[sflag:s9] =	ssyncadd.s32 $0xFFFFF400  }
.LBB2_26:
0x374: {  	p0 =	sne.s32 s15, $0x6000;
	v0 =	vld [tilespmem:s7+$0xF0]  }
0x375: {  	v1 =	vld [tilespmem:s7+$0x0]  }
0x376: {  	v2 =	vld [tilespmem:s7+$0x10]  }
0x377: {  	v3 =	vld [tilespmem:s7+$0x20]  }
0x378: {  	v4 =	vld [tilespmem:s7+$0x30]  }
0x379: {  	[tilespmem:s7+$0xC8F0] =	vst.add.f32.msk $0xffff, v0  }
0x37a: {  	v0 =	vld [tilespmem:s7+$0x40]  }
0x37b: {  	v5 =	vld [tilespmem:s7+$0x50]  }
0x37c: {  	v6 =	vld [tilespmem:s7+$0x60]  }
0x37d: {  	v7 =	vld [tilespmem:s7+$0x70]  }
0x37e: {  	v8 =	vld [tilespmem:s7+$0x80]  }
0x37f: {  	v9 =	vld [tilespmem:s7+$0x90]  }
0x380: {  	v10 =	vld [tilespmem:s7+$0xA0]  }
0x381: {  	v11 =	vld [tilespmem:s7+$0xB0]  }
0x382: {  	v12 =	vld [tilespmem:s7+$0xC0]  }
0x383: {  	v13 =	vld [tilespmem:s7+$0xD0]  }
0x384: {  	v14 =	vld [tilespmem:s7+$0xE0]  }
0x385: {  	[tilespmem:s7+$0xC800] =	vst.add.f32.msk $0xffff, v1  }
0x386: {  	[tilespmem:s7+$0xC810] =	vst.add.f32.msk $0xffff, v2  }
0x387: {  	[tilespmem:s7+$0xC820] =	vst.add.f32.msk $0xffff, v3  }
0x388: {  	[tilespmem:s7+$0xC830] =	vst.add.f32.msk $0xffff, v4  }
0x389: {  	[tilespmem:s7+$0xC840] =	vst.add.f32.msk $0xffff, v0  }
0x38a: {  	[tilespmem:s7+$0xC850] =	vst.add.f32.msk $0xffff, v5  }
0x38b: {  	[tilespmem:s7+$0xC860] =	vst.add.f32.msk $0xffff, v6  }
0x38c: {  	[tilespmem:s7+$0xC870] =	vst.add.f32.msk $0xffff, v7  }
0x38d: {  	[tilespmem:s7+$0xC880] =	vst.add.f32.msk $0xffff, v8  }
0x38e: {  	[tilespmem:s7+$0xC890] =	vst.add.f32.msk $0xffff, v9  }
.Ltmp12:
0x38f: {  	[tilespmem:s7+$0xC8A0] =	vst.add.f32.msk $0xffff, v10;
	(pc) =	sbr.rel @p0 .LBB2_26-.Ltmp12, $4  }
0x390: {  	[tilespmem:s7+$0xC8B0] =	vst.add.f32.msk $0xffff, v11  }
0x391: {  	[tilespmem:s7+$0xC8C0] =	vst.add.f32.msk $0xffff, v12  }
0x392: {  	[tilespmem:s7+$0xC8D0] =	vst.add.f32.msk $0xffff, v13  }
0x393: {  	[tilespmem:s7+$0xC8E0] =	vst.add.f32.msk $0xffff, v14;
	s7 =	sshra.s32 s15, $0x2;
	s15 =	sadd.s32 $0x400, s15  }
0x394: {  	v0 =	vld [tilespmem:s7+$0xF0]  }
0x395: {  	v1 =	vld [tilespmem:s7+$0x0]  }
0x396: {  	v2 =	vld [tilespmem:s7+$0x10]  }
0x397: {  	v3 =	vld [tilespmem:s7+$0x20]  }
0x398: {  	v4 =	vld [tilespmem:s7+$0x30]  }
0x399: {  	v63 =	vld [tilespmem:s7+$0x40]  }
0x39a: {  	v5 =	vld [tilespmem:s7+$0x50]  }
0x39b: {  	v6 =	vld [tilespmem:s7+$0x60]  }
0x39c: {  	v7 =	vld [tilespmem:s7+$0x70]  }
0x39d: {  	v8 =	vld [tilespmem:s7+$0x80]  }
0x39e: {  	v9 =	vld [tilespmem:s7+$0x90]  }
0x39f: {  	v10 =	vld [tilespmem:s7+$0xA0]  }
0x3a0: {  	v11 =	vld [tilespmem:s7+$0xB0]  }
0x3a1: {  	v12 =	vld [tilespmem:s7+$0xC0]  }
0x3a2: {  	v13 =	vld [tilespmem:s7+$0xD0]  }
0x3a3: {  	v14 =	vld [tilespmem:s7+$0xE0]  }
0x3a4: {  	[tilespmem:s7+$0xC8F0] =	vst.add.f32.msk $0xffff, v0  }
0x3a5: {  	[tilespmem:s7+$0xC800] =	vst.add.f32.msk $0xffff, v1  }
0x3a6: {  	[tilespmem:s7+$0xC810] =	vst.add.f32.msk $0xffff, v2  }
0x3a7: {  	[tilespmem:s7+$0xC820] =	vst.add.f32.msk $0xffff, v3  }
0x3a8: {  	[tilespmem:s7+$0xC830] =	vst.add.f32.msk $0xffff, v4  }
0x3a9: {  	[tilespmem:s7+$0xC840] =	vst.add.f32.msk $0xffff, v63  }
0x3aa: {  	[tilespmem:s7+$0xC850] =	vst.add.f32.msk $0xffff, v5  }
0x3ab: {  	[tilespmem:s7+$0xC860] =	vst.add.f32.msk $0xffff, v6  }
0x3ac: {  	[tilespmem:s7+$0xC870] =	vst.add.f32.msk $0xffff, v7  }
0x3ad: {  	[tilespmem:s7+$0xC880] =	vst.add.f32.msk $0xffff, v8  }
0x3ae: {  	[tilespmem:s7+$0xC890] =	vst.add.f32.msk $0xffff, v9  }
0x3af: {  	[tilespmem:s7+$0xC8A0] =	vst.add.f32.msk $0xffff, v10  }
0x3b0: {  	[tilespmem:s7+$0xC8B0] =	vst.add.f32.msk $0xffff, v11  }
0x3b1: {  	[tilespmem:s7+$0xC8C0] =	vst.add.f32.msk $0xffff, v12  }
0x3b2: {  	[tilespmem:s7+$0xC8D0] =	vst.add.f32.msk $0xffff, v13  }
0x3b3: {  	s18 =	rddreg [dreg:$0xc];
	[tilespmem:s7+$0xC8E0] =	vst.add.f32.msk $0xffff, v14  }
0x3b4: {  	[hbm4b:s18+s0] =	stream.strided.scatter [tilespmem:s2], [sflag:$0x9], $0x1900, s1, s0, $0x38;
	[tilespmem:$0xE100] =	vst v63  }
0x3b5: {  	_ =	swait.ge [sflag:s8], $0x1900  }
0x3b6: {  	[sflag:s8] =	ssyncset.done $0x0  }
0x3b7: {  	[sflag:s8] =	ssyncadd.s32 $0xFFFFE700  }
0x3b8: {  	_ =	swait.ge [sflag:s10], $0x1900  }
0x3b9: {  	[sflag:s10] =	ssyncset.done $0x0  }
0x3ba: {  	[sflag:s10] =	ssyncadd.s32 $0xFFFFE700  }
0x3bb: {  	_ =	swait.ge [sflag:s11], $0x1900  }
0x3bc: {  	[sflag:s11] =	ssyncset.done $0x0  }
0x3bd: {  	[sflag:s11] =	ssyncadd.s32 $0xFFFFE700  }
0x3be: {  	_ =	swait.ge [sflag:s14], $0x1900  }
0x3bf: {  	s15 =	rddreg [dreg:$0xe]  }
0x3c0: {  	s19 =	rddreg [dreg:$0xd];
	s15 =	sadd.s32 $0x1, s15  }
0x3c1: {  	p0 =	sne.s32 s15, s19  }
.Ltmp13:
0x3c2: {  	_ = 	snop;
	(pc) =	sbr.rel @p0 .LBB2_1-.Ltmp13, $3  }
0x3c3: {  	_ =	sdelay $0x1  }
0x3c4: {  	[sflag:s14] =	ssyncset.done $0x0  }
0x3c5: {  	[sflag:s14] =	ssyncadd.s32 $0xFFFFE700  }
0x3c6: {  	_ =	sfence.sel $0x180000  }
0x3c7: {  	[bflag:$0x0] =	sbarrier.arrive $0xFFFF  }
0x3c8: {  	_ =	strace $0x90000047  }
0x3c9: {  	s0 =	stileid.u32;
	[bflag:$0x2] =	sbarrier.arrive $0xFFFF  }
0x3ca: {  	p0 =	sne.s32 s0, $0x0;
	s0 =	rddreg [dreg:$0x2]  }
0x3cb: {  	s0 =	sadd.s32 @!p0 $0x100000, s0  }
0x3cc: {  	[sflag:s0] =	ssyncadd.tile.s32 @!p0 $0x1;
	_ =	shalt  }
.Lfunc_end2:
_tile_overlayer_lowered:
.L_overlay_start_2:
0x3cd: {  	(tag) =	ssettag $0x2  }
0x3ce: {  	s0 =	rddreg [dreg:$0x0];
	s2 =	stileid.u32  }
0x3cf: {  	s1 =	rddreg [dreg:$0x1];
	p0 =	sne.s32 s2, $0x0  }
0x3d0: {  	s3 =	rddreg [dreg:$0x2];
	[bflag:$0x3] =	sbarrier.arrive $0xFFFF;
	s2 =	simm.s32 @!p0 $0x1C0A  }
0x3d1: {  	[timem:s3], [sflag:s2] =	dma.local @!p0 [hbm:s0], s1  }
0x3d2: {  	s0 =	simm.s32 @!p0 $0xA  }
0x3d3: {  	_ =	swait.ge @!p0 [sflag:s0], s1  }
0x3d4: {  	s1 =	ssub.s32 @!p0 $0x0, s1;
	[sflag:s0] =	ssyncset.done @!p0 $0x0  }
0x3d5: {  	[sflag:s0] =	ssyncadd.s32 @!p0 s1  }
0x3d6: {  	[bflag:$0x3] =	sbarrier.arrive $0xFFFF  }
0x3d7: {  	_ =	shalt  }

// kernel: sparse-core-data-format-call.cloned.1.call-start
scs
called_computation_lowered:
.L_overlay_start_0:
0x0: {  	s2 =	sld [smem:$0x3FD9]  }
0x1: {  	s3 =	sld [smem:$0x3FFE];
	_ =	sdelay $0x1  }
0x2: {  	s1 =	srdreg.scid  }
0x3: {  	s0 =	sand.u32 $0x1, s1  }
0x4: {  	s18 =	sshll.u32 s0, $0xA;
	s2 =	sadd.s32 s3, s2  }
0x5: {  	s2 =	sadd.s32 s2, s18  }
0x6: {  	[smem:$0x3FC5] =	sst s2  }
0x7: {  	_ = 	snop  }
0x8: {  	s2 =	sld [smem:$0x3FD0];
	(tm) =	ssettm $0x1  }
0x9: {  	s19 =	sld [smem:$0x3FFB];
	_ =	sdelay $0x3  }
0xa: {  	_ =	strace s19  }
0xb: {  	s3 =	sld [smem:$0x3FFC];
	_ =	sdelay $0x3  }
0xc: {  	_ =	strace s3  }
0xd: {  	s3 =	sld [smem:$0x3FFD];
	_ =	sdelay $0x3  }
0xe: {  	_ =	strace s3  }
0xf: {  	_ =	strace $0x8FFFFFFF  }
0x10: {  	s20 =	sld [smem:$0x3FDB];
	_ =	sdelay $0x1  }
0x11: {  	s4 =	simm.s32 $_scs_section_size  }
0x12: {  	s5 =	simm.s32 $_size__tile_overlayer_lowered;
	s6 =	simm.s32 $_tile_overlayer_lowered  }
0x13: {  	s23 =	simm.s32 $0x1BFF;
	s22 =	sshll.u32 s6, $0x1;
	s3 =	sadd.s32 s4, s20  }
0x14: {  	s7 =	simm.s32 $0x0;
	s21 =	sshll.u32 s5, $0x1;
	s5 =	sadd.s32 s22, s3  }
0x15: {  	[timem:s7], [sflag:s23] =	dma.local [hbm:s5], s21  }
0x16: {  	_ =	swait.ge [sflag:s23], s21  }
0x17: {  	s4 =	ssub.s32 $0x0, s21;
	[sflag:s23] =	ssyncset.done $0x0  }
0x18: {  	[sflag:s23] =	ssyncadd.s32 s4;
	_ =	sdelay $0x1  }
0x19: {  	s24 =	simm.s32 $0x1B8B  }
0x1a: {  	_ =	swait.ge [sflag:s24], $0x1  }
0x1b: {  	[sflag:s24] =	ssyncset.done $0x0  }
0x1c: {  	s26 =	simm.s32 $0x1B8E;
	s25 =	sld [smem:$0x3FFE];
	[sflag:s24] =	ssyncadd.s32 $0xFFFFFFFF  }
0x1d: {  	s27 =	simm.s32 $execute0_lowered;
	[smem:$0x3FD2] =	sst s26  }
0x1e: {  	s5 =	sshll.u32 s27, $0x1;
	_ =	strace $0x80000049;
	[dreg:$0x1] =	wrdreg $0xFFFFFFFF  }
0x1f: {  	s28 =	simm.s32 $_size_execute0_lowered;
	s3 =	sadd.s32 s3, s5;
	[dreg:$0x0] =	wrdreg $0x0  }
0x20: {  	s5 =	sshll.u32 s28, $0x1;
	[dreg:$0x2] =	wrdreg s3  }
0x21: {  	[dreg:$0x3] =	wrdreg s5  }
0x22: {  	[dreg:$0x4] =	wrdreg $0xC0  }
0x23: {  	_ =	task [dreg:s7], $0x5FFFF  }
0x24: {  	[dreg:$0x1] =	wrdreg $0xFFFFFFFF  }
0x25: {  	[dreg:$0x0] =	wrdreg $0x60  }
0x26: {  	[dreg:$0x2] =	wrdreg s25  }
0x27: {  	[dreg:$0x3] =	wrdreg s2  }
0x28: {  	[dreg:$0x4] =	wrdreg $0x9  }
0x29: {  	_ =	task.clear_ibuf [dreg:s7], $0x5FFFF;
	_ =	strace $0x90000049  }
0x2a: {  	s29 =	simm.s32 $0x9;
	_ =	strace $0x8000004B  }
0x2b: {  	_ =	swait.ge [sflag:s29], $0x1  }
0x2c: {  	[sflag:s29] =	ssyncadd.s32 $0xFFFFFFFF  }
0x2d: {  	_ =	strace $0x9000004B  }
0x2e: {  	_ =	sfence  }
0x2f: {  	s30 =	sld [smem:$0x0];
	_ =	sdelay $0x2  }
0x30: {  	s31 =	sshll.u32 s1, $0xD;
	s1 =	sshrl.u32 s1, $0x2  }
0x31: {  	s3 =	sand.u32 $0x4000, s31;
	s1 =	sadd.s32 s1, s30  }
0x32: {  	s0 =	sor.u32 s3, s0;
	s1 =	sshll.u32 s1, $0x11  }
0x33: {  	s0 =	sor.u32 s1, s0  }
0x34: {  	s0 =	sadd.s32 $0x8F2B, s0  }
0x35: {  	[sflag:s0] =	ssyncadd.remote.s32 $0x1  }
0x36: {  	_ =	sfence.sel $0xFFFF  }
0x37: {  	[dreg:$0x0] =	wrdreg $0xFFFFFFFF;
	(pc) =	sbr.abs _section_cstart, $3  }
0x38: {  	[dreg:$0x1] =	wrdreg $0xFFFFFFFF  }
0x39: {  	_ =	task.clear_ibuf [dreg:s7], $0x2FFFF;
	_ =	strace $0x9FFFFFFF  }
0x3a: {  	(tm) =	ssettm $0x7FFFFFFF  }
0x3b: {  	_ =	shalt  }
tec
execute0_lowered:
.L_overlay_start_1:
0x0: {  	(tag) =	ssettag $0x1  }
0x1: {  	s0 =	srdreg.scid  }
0x2: {  	s1 =	sshll.u32 s0, $0x4  }
0x3: {  	s0 =	stileid.u32;
	s1 =	sand.u32 $0x10, s1  }
0x4: {  	s1 =	sor.u32 s0, s1  }
0x5: {  	s6 =	rddreg [dreg:$0x0];
	s4 =	simm.s32 $0x1;
	s2 =	sshll.u32 s1, $0x7  }
0x6: {  	s7 =	simm.s32 $0x2;
	s12 =	simm.s32 $0x0;
	s1 =	ssub.s32 $0x1000, s2  }
0x7: {  	s8 =	simm.s32 $0x8000;
	s13 =	simm.s32 $0x0;
	s3 =	sand.u32 $0xF80, s1  }
0x8: {  	s9 =	simm.s32 $0x0;
	s5 =	sshrl.u32 s1, $0xC;
	p0 =	sne.s32 s3, $0x0  }
.Ltmp0:
0x9: {  	s1 =	rddreg [dreg:$0x2];
	s4 =	simm.s32 @!p0 $0x0;
	(pc) =	sbr.rel .LBB1_1-.Ltmp0, $4  }
0xa: {  	s11 =	simm.s32 $0x0;
	s3 =	rddreg [dreg:$0x1];
	s5 =	sadd.s32 s4, s5  }
0xb: {  	_ =	strace $0x8000004A;
	s4 =	simm.s32 $0x1;
	s5 =	smul.u32 $0xC8, s5  }
0xc: {  	s6 =	sadd.s32 $0x1000, s6;
	s10 =	smov.u32 s2;
	[sflag:s4] =	ssyncpa.u1 $0x0  }
0xd: {  	p0 =	por $0x0, $0x0;
	[sflag:s7] =	ssyncpa.u1 $0x0;
	s7 =	sor.u32 $0x1, s5  }
.LBB1_4:
0xe: {  	s16 =	sshll.u32 s13, $0x3;
	s17 =	sand.u32 $0x78, s13  }
0xf: {  	s30 =	sand.u32 $0x3E00, s13;
	s12 =	sshll.u32 s12, $0xE;
	s16 =	sand.u32 $0xC00, s16  }
0x10: {  	s31 =	sand.u32 $0x7, s13;
	s16 =	sor.u32 s17, s16;
	s17 =	sadd.s32 s3, s30  }
0x11: {  	s13 =	sshll.u32 s31, $0x12;
	s16 =	sshrl.u32 s16, $0x3;
	s12 =	sadd.s32 s12, s17  }
0x12: {  	[tilespmem:s15+$0x0 ss:$0x81] =	vst.msk $0xffff, v0;
	s13 =	sor.u32 $0x400, s13;
	s12 =	sadd.s32 s16, s12  }
0x13: {  	[hbm4b:s12+s13] =	stream.strided.scatter [tilespmem:s14], [sflag:$0x2], $0x1000, s8, s13, $0x20;
	[tilespmem:$0x4040] =	vst v63  }
.LBB1_5:
0x14: {  	s14 =	sadd.s32 $0x1, s9  }
0x15: {  	s12 =	sadd.s32 $0x1000, s10;
	s16 =	smov.u32 s10;
	p2 =	sgt.s32 s14, $0xC7  }
0x16: {  	s16 =	smov.u32 @p2 s12  }
0x17: {  	s14 =	simm.s32 @p2 $0x0;
	p2 =	sgt.s32 s16, $0xFFF  }
0x18: {  	s16 =	smov.u32 @p2 s2;
	p2 =	sne.s32 s11, s7  }
.Ltmp1:
0x19: {  	p1 =	slt.u32 s11, $0x2;
	(pc) =	sbr.rel @!p2 .LBB1_6-.Ltmp1, $4  }
0x1a: {  	s15 =	simm.s32 @!p1 $0x2  }
0x1b: {  	s13 =	smov.u32 s10;
	p0 =	por !p0, !p0;
	_ =	swait.ge @!p1 [sflag:s15], $0x1000  }
0x1c: {  	s12 =	smov.u32 s9;
	[sflag:s15] =	ssyncset.done @!p1 $0x0;
	s9 =	smov.u32 s14  }
0x1d: {  	s11 =	sadd.s32 $0x1, s11;
	[sflag:s15] =	ssyncadd.s32 @!p1 $0xFFFFF000;
	s10 =	smov.u32 s16  }
.LBB1_1:
0x1e: {  	p1 =	sge.u32 s11, s5  }
0x1f: {  	s14 =	sand.u32 @!p1 $0x1FFFFFF, s9  }
0x20: {  	s15 =	smulhi.u32 @!p1 $0x147AE15, s14;
	_ =	sdelay $0x1  }
0x21: {  	s15 =	smul.u32 @!p1 $0xC8, s15  }
0x22: {  	s16 =	sxor.u32 @!p1 $0xFFFFFFFF, s11;
	s17 =	smul.u32 @!p1 $0xC80, s10  }
0x23: {  	s31 =	sadd.s32 $0xFFFFFFFF, s11;
	s16 =	sshll.u32 @!p1 s16, $0xC;
	s14 =	ssub.s32 @!p1 s14, s15  }
0x24: {  	s15 =	sand.u32 @!p1 $0x1000, s16;
	s16 =	sadd.s32 @!p1 s6, s17;
	s14 =	sshll.u32 @!p1 s14, $0x4  }
0x25: {  	s17 =	simm.s32 @!p1 $0x6400;
	s14 =	sadd.s32 @!p1 s14, s16;
	s16 =	simm.s32 @!p1 $0x20  }
0x26: {  	[tilespmem:s15], [sflag:$0x1] =	stream.strided.gather @!p1 [hbm4b:s14+s16], $0x1000, s17, s16, $0x38;
	[tilespmem:$0x4040] =	vst v63  }
0x27: {  	p1 =	sge.u32 s31, s5  }
.Ltmp2:
0x28: {  	_ = 	snop;
	(pc) =	sbr.rel @p1 .LBB1_5-.Ltmp2, $1  }
0x29: {  	_ =	sdelay $0x3  }
0x2a: {  	s14 =	simm.s32 $0x1  }
0x2b: {  	_ =	swait.ge [sflag:s4], $0x1000;
	s14 =	simm.s32 @!p0 $0x0  }
0x2c: {  	[sflag:s4] =	ssyncset.done $0x0;
	s15 =	sshll.u32 s14, $0xC  }
0x2d: {  	[sflag:s4] =	ssyncadd.s32 $0xFFFFF000;
	s18 =	sor.u32 $0x10, s15  }
0x2e: {  	s14 =	smul.u32 $0x4080, s14;
	v1 =	vld [tilespmem:s18+$0x0]  }
0x2f: {  	s30 =	sand.u32 $0x1, s11;
	v0 =	vld [tilespmem:s18+$0xFFFFFFF0]  }
0x30: {  	s15 =	smul.u32 $0x4080, s30;
	s14 =	sshrl.u32 s14, $0x2  }
0x31: {  	s16 =	sor.u32 $0x2000, s14  }
0x32: {  	s31 =	sshrl.u32 s15, $0x2;
	s15 =	sadd.s32 $0x0, s16  }
0x33: {  	s17 =	simm.s32 $0x4;
	s18 =	sadd.s32 $0x20, s18;
	s14 =	sor.u32 $0x2000, s31;
	[tilespmem:s15+$0x810 ss:$0x81] =	vst.msk $0xffff, v1  }
.LBB1_3:
0x34: {  	v1 =	vld [tilespmem:s18+$0x0];
	p1 =	sne.s32 s17, $0x1FC;
	[tilespmem:s15+$0x0 ss:$0x81] =	vst.msk $0xffff, v0;
	s15 =	smov.u32 s17;
	s17 =	sadd.s32 $0x4, s17  }
.Ltmp3:
0x35: {  	v0 =	vld [tilespmem:s18+$0xFFFFFFF0];
	(pc) =	sbr.rel @p1 .LBB1_3-.Ltmp3, $4  }
0x36: {  	_ = 	snop  }
0x37: {  	s15 =	sshra.s32 s15, $0x2  }
0x38: {  	s15 =	sadd.s32 s15, s16  }
0x39: {  	s18 =	sadd.s32 $0x20, s18;
	[tilespmem:s15+$0x810 ss:$0x81] =	vst.msk $0xffff, v1  }
.Ltmp4:
0x3a: {  	_ = 	snop;
	(pc) =	sbr.rel .LBB1_4-.Ltmp4, $1  }
0x3b: {  	_ =	sdelay $0x3  }
.LBB1_6:
0x3c: {  	_ =	sfence.sel $0x180000  }
0x3d: {  	s2 =	simm.s32 $0x1;
	[bflag:$0x0] =	sbarrier.arrive $0xFFFF  }
0x3e: {  	s31 =	simm.s32 $0x2;
	[sflag:s2] =	ssyncpa.u1 $0x1  }
0x3f: {  	[sflag:s31] =	ssyncpa.u1 $0x1  }
0x40: {  	p0 =	sne.s32 s0, $0x0;
	_ =	strace $0x9000004A  }
0x41: {  	s0 =	sadd.s32 @!p0 $0x100000, s1;
	[bflag:$0x2] =	sbarrier.arrive $0xFFFF  }
0x42: {  	[sflag:s0] =	ssyncadd.tile.s32 @!p0 $0x1;
	_ =	shalt  }
.Lfunc_end1:
_tile_overlayer_lowered:
.L_overlay_start_2:
0x43: {  	(tag) =	ssettag $0x2  }
0x44: {  	s0 =	rddreg [dreg:$0x0];
	s2 =	stileid.u32  }
0x45: {  	s1 =	rddreg [dreg:$0x1];
	p0 =	sne.s32 s2, $0x0  }
0x46: {  	s3 =	rddreg [dreg:$0x2];
	[bflag:$0x3] =	sbarrier.arrive $0xFFFF;
	s2 =	simm.s32 @!p0 $0x1C01  }
0x47: {  	[timem:s3], [sflag:s2] =	dma.local @!p0 [hbm:s0], s1  }
0x48: {  	s0 =	simm.s32 @!p0 $0x1  }
0x49: {  	_ =	swait.ge @!p0 [sflag:s0], s1  }
0x4a: {  	s1 =	ssub.s32 @!p0 $0x0, s1;
	[sflag:s0] =	ssyncset.done @!p0 $0x0  }
0x4b: {  	[sflag:s0] =	ssyncadd.s32 @!p0 s1  }
0x4c: {  	[bflag:$0x3] =	sbarrier.arrive $0xFFFF  }
0x4d: {  	_ =	shalt  }

</sc_bundles>
